<compile_context>
chip_gen: v7x
topology: tpu7x:2x2x1
jax: 0.10.2.dev20260603
libtpu: 0.0.44.dev20260713+nightly
codegen_flags: <defaults>
</compile_context>

<pallas_src>
import functools

import jax
import jax.numpy as jnp
import numpy as np
from jax.experimental import pallas as pl
from jax.experimental.pallas import tpu as pltpu

_ROWS = 64
_SUB = 16


def _perm_np():
    p = np.zeros((1024, 1024), np.float32)
    l = np.arange(1024)
    p[l, (l % 8) * 128 + l // 8] = 1.0
    return p


def _bf16(v):
    return v.astype(jnp.bfloat16).astype(jnp.float32)


def _quantize_list(rs):
    a = [jnp.abs(r) for r in rs]
    neg = [r < 0.0 for r in rs]
    negi = [n.astype(jnp.int32) for n in neg]

    m1 = a[0]
    i1 = jnp.zeros_like(negi[0])
    for d in range(1, 8):
        b = a[d] > m1
        m1 = jnp.where(b, a[d], m1)
        i1 = jnp.where(b, d, i1)
    m2 = jnp.full_like(m1, -1.0)
    i2 = jnp.zeros_like(i1)
    for d in range(8):
        ad = jnp.where(i1 == d, -1.0, a[d])
        b = ad > m2
        m2 = jnp.where(b, ad, m2)
        i2 = jnp.where(b, d, i2)
    score1 = m1 + m2

    total = a[0]
    mn = a[0]
    for d in range(1, 8):
        total = total + a[d]
        mn = jnp.minimum(mn, a[d])

    has_tn = (a[0] == mn) & neg[0]
    k_neg = jnp.zeros_like(i1)
    for d in range(8):
        tn = (a[d] == mn) & neg[d]
        k_neg = jnp.where(tn, d, k_neg)
        if d > 0:
            has_tn = has_tn | tn
    k_pos = jnp.zeros_like(i1)
    for d in range(7, -1, -1):
        k_pos = jnp.where(a[d] == mn, d, k_pos)
    imn = jnp.where(has_tn, k_neg, k_pos)

    par = negi[0]
    for d in range(1, 8):
        par = par ^ negi[d]
    parity_odd = par == 1
    score2 = 0.5 * total - jnp.where(parity_odd, mn, 0.0)

    use1 = score1 >= score2

    lo = jnp.minimum(i1, i2)
    hi = jnp.maximum(i1, i2)
    pair = (lo * (15 - lo) >> 1) + (hi - lo - 1)
    s_lo = jnp.zeros_like(i1)
    s_hi = jnp.zeros_like(i1)
    for d in range(8):
        s_lo = jnp.where(lo == d, negi[d], s_lo)
        s_hi = jnp.where(hi == d, negi[d], s_hi)
    index1 = 4 * pair + 2 * s_lo + s_hi

    bits = []
    b = jnp.zeros_like(i1)
    for d in range(8):
        fd = parity_odd & (imn == d)
        bd = jnp.where(fd, 1 - negi[d], negi[d])
        bits.append(bd)
        b = b + (bd << d)
    index2 = 112 + (b >> 1)

    idx = jnp.where(use1, index1, index2)

    y = []
    for d in range(8):
        sgn = jnp.where(neg[d], -1.0, 1.0)
        y_t1 = jnp.where((i1 == d) | (i2 == d), sgn, 0.0)
        y_t2 = jnp.where(bits[d] == 1, -0.5, 0.5)
        y.append(jnp.where(use1, y_t1, y_t2))
    return y, idx


def _body(x_ref, p_ref, pt_ref, q_ref, i1_ref, i2_ref, err_ref, xp_ref, qp_ref):
    xb = x_ref[...]
    xp_ref[...] = jax.lax.dot_general(
        xb, p_ref[...], (((1,), (0,)), ((), ())),
        preferred_element_type=jnp.float32,
        precision=jax.lax.Precision.HIGHEST,
    )

    err_acc = jnp.zeros((1, 1), jnp.float32)
    for s in range(_ROWS // _SUB):
        rows = pl.ds(s * _SUB, _SUB)
        xs = [xp_ref[rows, d * 128:(d + 1) * 128] for d in range(8)]
        y1, idx1 = _quantize_list([_bf16(v) for v in xs])
        r1 = [xs[d] - y1[d] for d in range(8)]
        y2, idx2 = _quantize_list([_bf16(v) for v in r1])
        qd = [y1[d] + y2[d] for d in range(8)]
        qp_ref[rows, :] = jnp.concatenate(qd, axis=1)
        i1_ref[0, rows, :] = idx1
        i2_ref[0, rows, :] = idx2
        e = jnp.zeros_like(err_acc)
        for d in range(8):
            rd = r1[d] - y2[d]
            e = e + jnp.sum(rd * rd).reshape(1, 1)
        err_acc = err_acc + e

    q_ref[...] = jax.lax.dot_general(
        qp_ref[...], pt_ref[...], (((1,), (0,)), ((), ())),
        preferred_element_type=jnp.float32,
    )

    @pl.when(pl.program_id(0) == 0)
    def _init():
        err_ref[...] = err_acc

    @pl.when(pl.program_id(0) != 0)
    def _acc():
        err_ref[...] += err_acc


@functools.partial(jax.jit, static_argnames=("interpret",))
def kernel(x, roots, interpret=False):
    del roots
    orig_shape = x.shape
    n = x.shape[0] * x.shape[1]
    nrows = n * 8 // 1024
    g = nrows // _ROWS

    xr = x.reshape(nrows, 1024)
    perm = jnp.asarray(_perm_np())
    permt = jnp.asarray(_perm_np().T.copy())

    q_r, idx1, idx2, err_sum = pl.pallas_call(
        _body,
        grid=(g,),
        in_specs=[
            pl.BlockSpec((_ROWS, 1024), lambda i: (i, 0)),
            pl.BlockSpec((1024, 1024), lambda i: (0, 0)),
            pl.BlockSpec((1024, 1024), lambda i: (0, 0)),
        ],
        out_specs=(
            pl.BlockSpec((_ROWS, 1024), lambda i: (i, 0)),
            pl.BlockSpec((1, _ROWS, 128), lambda i: (i, 0, 0)),
            pl.BlockSpec((1, _ROWS, 128), lambda i: (i, 0, 0)),
            pl.BlockSpec((1, 1), lambda i: (0, 0)),
        ),
        out_shape=(
            jax.ShapeDtypeStruct((nrows, 1024), jnp.float32),
            jax.ShapeDtypeStruct((g, _ROWS, 128), jnp.int32),
            jax.ShapeDtypeStruct((g, _ROWS, 128), jnp.int32),
            jax.ShapeDtypeStruct((1, 1), jnp.float32),
        ),
        scratch_shapes=[
            pltpu.VMEM((_ROWS, 1024), jnp.float32),
            pltpu.VMEM((_ROWS, 1024), jnp.float32),
        ],
        interpret=interpret,
    )(xr, perm, permt)

    quantized = q_r.reshape(orig_shape)
    i1 = idx1.reshape(orig_shape[:-1])
    i2 = idx2.reshape(orig_shape[:-1])
    err = err_sum[0, 0] / jnp.float32(n * 8)
    return (quantized, i1, i2, err)

# --- scband reference (transcript-rebuilt; emitter-appended) ---
"""Pipeline reference for scband-parallel-e8-quantizer-43224550867170 (READ-ONLY COPY).

The authoritative reference and input builder live on the scoring server;
editing this copy changes nothing except your own understanding.
"""

import jax, jax.numpy as jnp
import numpy as np


def get_e8_roots_np():
    roots = []
    # Type 1: all permutations of (+-1, +-1, 0, ..., 0): 112 roots
    for i in range(8):
        for j in range(i + 1, 8):
            for si in (1.0, -1.0):
                for sj in (1.0, -1.0):
                    v = np.zeros(8, dtype=np.float32)
                    v[i] = si
                    v[j] = sj
                    roots.append(v)
    # Type 2: (+-1/2)^8 with an even number of minus signs: 128 roots
    for bits in range(256):
        signs = np.array([1.0 if ((bits >> k) & 1) == 0 else -1.0 for k in range(8)], dtype=np.float32)
        if int((signs < 0).sum()) % 2 == 0:
            roots.append(signs * 0.5)
    out = np.stack(roots, axis=0).astype(np.float32)
    assert out.shape == (240, 8)
    return out


NUM_LEVELS = 2


def setup_inputs(seed: int = 0) -> dict:
    key = jax.random.key(seed)
    x = jax.random.normal(key, (16384, 64, 8), dtype=jnp.float32)
    roots = jnp.asarray(get_e8_roots_np())
    return {"x": x, "roots": roots}


def reference(x, roots):
    original_shape = x.shape
    x_flat = x.reshape(-1, 8)
    qsum = jnp.zeros_like(x_flat)
    residual = x_flat
    indices_list = []
    for _level in range(NUM_LEVELS):
        res = residual.astype(roots.dtype)
        res2 = jnp.sum(res * res, axis=1, keepdims=True)
        r2 = jnp.sum(roots * roots, axis=1)[None, :]
        d2 = jnp.clip(res2 + r2 - 2.0 * (res @ roots.T), 0.0, None)
        idx = jnp.argmin(d2, axis=-1)
        y = jnp.take(roots, idx, axis=0)
        qsum = qsum + y
        residual = x_flat - qsum
        indices_list.append(idx.reshape(original_shape[:-1]))
    quantized = qsum.reshape(original_shape)
    # straight-through estimator
    quantized_ste = quantized + (x - jax.lax.stop_gradient(x))
    quantization_error = jnp.mean((jax.lax.stop_gradient(x) - jax.lax.stop_gradient(quantized)) ** 2)
    return (quantized_ste, indices_list[0], indices_list[1], quantization_error)

if __name__ == "__main__":
    import jax
    _d = setup_inputs()
    print(jax.jit(kernel)(*tuple(_d.values())))

</pallas_src>

<mosaic_0001>
module attributes {stable_mosaic.version = 14 : i64} {
  func.func @_body(%arg0: i32, %arg1: memref<64x1024xf32, #tpu.memory_space<vmem>>, %arg2: memref<1024x1024xf32, #tpu.memory_space<vmem>>, %arg3: memref<1024x1024xf32, #tpu.memory_space<vmem>>, %arg4: memref<64x1024xf32, #tpu.memory_space<vmem>>, %arg5: memref<1x64x128xi32, #tpu.memory_space<vmem>>, %arg6: memref<1x64x128xi32, #tpu.memory_space<vmem>>, %arg7: memref<1x1xf32, #tpu.memory_space<vmem>>, %arg8: memref<64x1024xf32, #tpu.memory_space<vmem>>, %arg9: memref<64x1024xf32, #tpu.memory_space<vmem>>) attributes {dimension_semantics = [#tpu.dimension_semantics<arbitrary>], iteration_bounds = array<i64: 128>, scalar_prefetch = 0 : i64, scratch_operands = 2 : i64, tpu.core_type = #tpu.core_type<tc>, window_params = [{transform_indices = @transform_0, window_bounds = array<i64: 64, 1024>}, {pipeline_mode = #tpu.pipeline_mode<synchronous>, transform_indices = @transform_1, window_bounds = array<i64: 1024, 1024>}, {pipeline_mode = #tpu.pipeline_mode<synchronous>, transform_indices = @transform_2, window_bounds = array<i64: 1024, 1024>}, {transform_indices = @transform_3, window_bounds = array<i64: 64, 1024>}, {transform_indices = @transform_4, window_bounds = array<i64: 1, 64, 128>}, {transform_indices = @transform_5, window_bounds = array<i64: 1, 64, 128>}, {pipeline_mode = #tpu.pipeline_mode<synchronous>, transform_indices = @transform_6, window_bounds = array<i64: 1, 1>}]} {
    %get3A = arith.constant 0 : index
    %get3A_0 = arith.constant 0 : index
    %get3A_1 = vector.load %arg1[%get3A, %get3A_0] : memref<64x1024xf32, #tpu.memory_space<vmem>>, vector<64x1024xf32>
    %get3A_2 = arith.constant 0 : index
    %get3A_3 = arith.constant 0 : index
    %get3A_4 = vector.load %arg2[%get3A_2, %get3A_3] : memref<1024x1024xf32, #tpu.memory_space<vmem>>, vector<1024x1024xf32>
    %dot_general3A = arith.constant dense<0.000000e+00> : vector<64x1024xf32>
    %dot_general3A_5 = tpu.matmul %get3A_1, %get3A_4, %dot_general3A {dimension_numbers = #tpu.dot_dimension_numbers<[1], [0], [0], [1], [0, 0, 1, 1], [], []>, precision = #tpu.contract_precision<fp32>, transpose_lhs_hint = false} : vector<64x1024xf32>, vector<1024x1024xf32>, vector<64x1024xf32> -> vector<64x1024xf32>
    %swap3A = arith.constant 0 : index
    %swap3A_6 = arith.constant 0 : index
    %swap3A_7 = vector.load %arg8[%swap3A, %swap3A_6] : memref<64x1024xf32, #tpu.memory_space<vmem>>, vector<64x1024xf32>
    tpu.vector_store %arg8[%swap3A, %swap3A_6], %dot_general3A_5 {strides = array<i32>} : memref<64x1024xf32, #tpu.memory_space<vmem>>, vector<64x1024xf32>,
    %broadcast_in_dim3A = arith.constant 0.000000e+00 : f32
    %broadcast_in_dim3A_8 = vector.broadcast %broadcast_in_dim3A : f32 to vector<1x1xf32>
    %get3A_9 = arith.constant 0 : index
    %get3A_10 = arith.constant 0 : index
    %get3A_11 = vector.load %arg8[%get3A_9, %get3A_10] : memref<64x1024xf32, #tpu.memory_space<vmem>>, vector<16x128xf32>
    %get3A_12 = arith.constant 0 : index
    %get3A_13 = arith.constant 128 : index
    %get3A_14 = vector.load %arg8[%get3A_12, %get3A_13] : memref<64x1024xf32, #tpu.memory_space<vmem>>, vector<16x128xf32>
    %get3A_15 = arith.constant 0 : index
    %get3A_16 = arith.constant 256 : index
    %get3A_17 = vector.load %arg8[%get3A_15, %get3A_16] : memref<64x1024xf32, #tpu.memory_space<vmem>>, vector<16x128xf32>
    %get3A_18 = arith.constant 0 : index
    %get3A_19 = arith.constant 384 : index
    %get3A_20 = vector.load %arg8[%get3A_18, %get3A_19] : memref<64x1024xf32, #tpu.memory_space<vmem>>, vector<16x128xf32>
    %get3A_21 = arith.constant 0 : index
    %get3A_22 = arith.constant 512 : index
    %get3A_23 = vector.load %arg8[%get3A_21, %get3A_22] : memref<64x1024xf32, #tpu.memory_space<vmem>>, vector<16x128xf32>
    %get3A_24 = arith.constant 0 : index
    %get3A_25 = arith.constant 640 : index
    %get3A_26 = vector.load %arg8[%get3A_24, %get3A_25] : memref<64x1024xf32, #tpu.memory_space<vmem>>, vector<16x128xf32>
    %get3A_27 = arith.constant 0 : index
    %get3A_28 = arith.constant 768 : index
    %get3A_29 = vector.load %arg8[%get3A_27, %get3A_28] : memref<64x1024xf32, #tpu.memory_space<vmem>>, vector<16x128xf32>
    %get3A_30 = arith.constant 0 : index
    %get3A_31 = arith.constant 896 : index
    %get3A_32 = vector.load %arg8[%get3A_30, %get3A_31] : memref<64x1024xf32, #tpu.memory_space<vmem>>, vector<16x128xf32>
    %convert_element_type3A = arith.truncf %get3A_11 : vector<16x128xf32> to vector<16x128xbf16>
    %convert_element_type3A_33 = arith.extf %convert_element_type3A : vector<16x128xbf16> to vector<16x128xf32>
    %convert_element_type3A_34 = arith.truncf %get3A_14 : vector<16x128xf32> to vector<16x128xbf16>
    %convert_element_type3A_35 = arith.extf %convert_element_type3A_34 : vector<16x128xbf16> to vector<16x128xf32>
    %convert_element_type3A_36 = arith.truncf %get3A_17 : vector<16x128xf32> to vector<16x128xbf16>
    %convert_element_type3A_37 = arith.extf %convert_element_type3A_36 : vector<16x128xbf16> to vector<16x128xf32>
    %convert_element_type3A_38 = arith.truncf %get3A_20 : vector<16x128xf32> to vector<16x128xbf16>
    %convert_element_type3A_39 = arith.extf %convert_element_type3A_38 : vector<16x128xbf16> to vector<16x128xf32>
    %convert_element_type3A_40 = arith.truncf %get3A_23 : vector<16x128xf32> to vector<16x128xbf16>
    %convert_element_type3A_41 = arith.extf %convert_element_type3A_40 : vector<16x128xbf16> to vector<16x128xf32>
    %convert_element_type3A_42 = arith.truncf %get3A_26 : vector<16x128xf32> to vector<16x128xbf16>
    %convert_element_type3A_43 = arith.extf %convert_element_type3A_42 : vector<16x128xbf16> to vector<16x128xf32>
    %convert_element_type3A_44 = arith.truncf %get3A_29 : vector<16x128xf32> to vector<16x128xbf16>
    %convert_element_type3A_45 = arith.extf %convert_element_type3A_44 : vector<16x128xbf16> to vector<16x128xf32>
    %convert_element_type3A_46 = arith.truncf %get3A_32 : vector<16x128xf32> to vector<16x128xbf16>
    %convert_element_type3A_47 = arith.extf %convert_element_type3A_46 : vector<16x128xbf16> to vector<16x128xf32>
    %abs3A = math.absf %convert_element_type3A_33 : vector<16x128xf32>
    %abs3A_48 = math.absf %convert_element_type3A_35 : vector<16x128xf32>
    %abs3A_49 = math.absf %convert_element_type3A_37 : vector<16x128xf32>
    %abs3A_50 = math.absf %convert_element_type3A_39 : vector<16x128xf32>
    %abs3A_51 = math.absf %convert_element_type3A_41 : vector<16x128xf32>
    %abs3A_52 = math.absf %convert_element_type3A_43 : vector<16x128xf32>
    %abs3A_53 = math.absf %convert_element_type3A_45 : vector<16x128xf32>
    %abs3A_54 = math.absf %convert_element_type3A_47 : vector<16x128xf32>
    %lt3A = arith.constant 0.000000e+00 : f32
    %lt3A_55 = vector.broadcast %lt3A : f32 to vector<16x128xf32>
    %lt3A_56 = arith.cmpf olt, %convert_element_type3A_33, %lt3A_55 : vector<16x128xf32>
    %lt3A_57 = arith.constant 0.000000e+00 : f32
    %lt3A_58 = vector.broadcast %lt3A_57 : f32 to vector<16x128xf32>
    %lt3A_59 = arith.cmpf olt, %convert_element_type3A_35, %lt3A_58 : vector<16x128xf32>
    %lt3A_60 = arith.constant 0.000000e+00 : f32
    %lt3A_61 = vector.broadcast %lt3A_60 : f32 to vector<16x128xf32>
    %lt3A_62 = arith.cmpf olt, %convert_element_type3A_37, %lt3A_61 : vector<16x128xf32>
    %lt3A_63 = arith.constant 0.000000e+00 : f32
    %lt3A_64 = vector.broadcast %lt3A_63 : f32 to vector<16x128xf32>
    %lt3A_65 = arith.cmpf olt, %convert_element_type3A_39, %lt3A_64 : vector<16x128xf32>
    %lt3A_66 = arith.constant 0.000000e+00 : f32
    %lt3A_67 = vector.broadcast %lt3A_66 : f32 to vector<16x128xf32>
    %lt3A_68 = arith.cmpf olt, %convert_element_type3A_41, %lt3A_67 : vector<16x128xf32>
    %lt3A_69 = arith.constant 0.000000e+00 : f32
    %lt3A_70 = vector.broadcast %lt3A_69 : f32 to vector<16x128xf32>
    %lt3A_71 = arith.cmpf olt, %convert_element_type3A_43, %lt3A_70 : vector<16x128xf32>
    %lt3A_72 = arith.constant 0.000000e+00 : f32
    %lt3A_73 = vector.broadcast %lt3A_72 : f32 to vector<16x128xf32>
    %lt3A_74 = arith.cmpf olt, %convert_element_type3A_45, %lt3A_73 : vector<16x128xf32>
    %lt3A_75 = arith.constant 0.000000e+00 : f32
    %lt3A_76 = vector.broadcast %lt3A_75 : f32 to vector<16x128xf32>
    %lt3A_77 = arith.cmpf olt, %convert_element_type3A_47, %lt3A_76 : vector<16x128xf32>
    %convert_element_type3A_78 = arith.extui %lt3A_56 : vector<16x128xi1> to vector<16x128xi32>
    %convert_element_type3A_79 = arith.extui %lt3A_59 : vector<16x128xi1> to vector<16x128xi32>
    %convert_element_type3A_80 = arith.extui %lt3A_62 : vector<16x128xi1> to vector<16x128xi32>
    %convert_element_type3A_81 = arith.extui %lt3A_65 : vector<16x128xi1> to vector<16x128xi32>
    %convert_element_type3A_82 = arith.extui %lt3A_68 : vector<16x128xi1> to vector<16x128xi32>
    %convert_element_type3A_83 = arith.extui %lt3A_71 : vector<16x128xi1> to vector<16x128xi32>
    %convert_element_type3A_84 = arith.extui %lt3A_74 : vector<16x128xi1> to vector<16x128xi32>
    %convert_element_type3A_85 = arith.extui %lt3A_77 : vector<16x128xi1> to vector<16x128xi32>
    %broadcast_in_dim3A_86 = arith.constant 0 : i32
    %broadcast_in_dim3A_87 = vector.broadcast %broadcast_in_dim3A_86 : i32 to vector<16x128xi32>
    %gt3A = arith.cmpf ogt, %abs3A_48, %abs3A : vector<16x128xf32>
    %select_n3A = arith.select %gt3A, %abs3A_48, %abs3A : vector<16x128xi1>, vector<16x128xf32>
    %jit3A = arith.constant 1 : i32
    %broadcast_in_dim3A_88 = vector.broadcast %jit3A : i32 to vector<16x128xi32>
    %select_n3A_89 = arith.select %gt3A, %broadcast_in_dim3A_88, %broadcast_in_dim3A_87 : vector<16x128xi1>, vector<16x128xi32>
    %gt3A_90 = arith.cmpf ogt, %abs3A_49, %select_n3A : vector<16x128xf32>
    %select_n3A_91 = arith.select %gt3A_90, %abs3A_49, %select_n3A : vector<16x128xi1>, vector<16x128xf32>
    %jit3A_92 = arith.constant 2 : i32
    %broadcast_in_dim3A_93 = vector.broadcast %jit3A_92 : i32 to vector<16x128xi32>
    %select_n3A_94 = arith.select %gt3A_90, %broadcast_in_dim3A_93, %select_n3A_89 : vector<16x128xi1>, vector<16x128xi32>
    %gt3A_95 = arith.cmpf ogt, %abs3A_50, %select_n3A_91 : vector<16x128xf32>
    %select_n3A_96 = arith.select %gt3A_95, %abs3A_50, %select_n3A_91 : vector<16x128xi1>, vector<16x128xf32>
    %jit3A_97 = arith.constant 3 : i32
    %broadcast_in_dim3A_98 = vector.broadcast %jit3A_97 : i32 to vector<16x128xi32>
    %select_n3A_99 = arith.select %gt3A_95, %broadcast_in_dim3A_98, %select_n3A_94 : vector<16x128xi1>, vector<16x128xi32>
    %gt3A_100 = arith.cmpf ogt, %abs3A_51, %select_n3A_96 : vector<16x128xf32>
    %select_n3A_101 = arith.select %gt3A_100, %abs3A_51, %select_n3A_96 : vector<16x128xi1>, vector<16x128xf32>
    %jit3A_102 = arith.constant 4 : i32
    %broadcast_in_dim3A_103 = vector.broadcast %jit3A_102 : i32 to vector<16x128xi32>
    %select_n3A_104 = arith.select %gt3A_100, %broadcast_in_dim3A_103, %select_n3A_99 : vector<16x128xi1>, vector<16x128xi32>
    %gt3A_105 = arith.cmpf ogt, %abs3A_52, %select_n3A_101 : vector<16x128xf32>
    %select_n3A_106 = arith.select %gt3A_105, %abs3A_52, %select_n3A_101 : vector<16x128xi1>, vector<16x128xf32>
    %jit3A_107 = arith.constant 5 : i32
    %broadcast_in_dim3A_108 = vector.broadcast %jit3A_107 : i32 to vector<16x128xi32>
    %select_n3A_109 = arith.select %gt3A_105, %broadcast_in_dim3A_108, %select_n3A_104 : vector<16x128xi1>, vector<16x128xi32>
    %gt3A_110 = arith.cmpf ogt, %abs3A_53, %select_n3A_106 : vector<16x128xf32>
    %select_n3A_111 = arith.select %gt3A_110, %abs3A_53, %select_n3A_106 : vector<16x128xi1>, vector<16x128xf32>
    %jit3A_112 = arith.constant 6 : i32
    %broadcast_in_dim3A_113 = vector.broadcast %jit3A_112 : i32 to vector<16x128xi32>
    %select_n3A_114 = arith.select %gt3A_110, %broadcast_in_dim3A_113, %select_n3A_109 : vector<16x128xi1>, vector<16x128xi32>
    %gt3A_115 = arith.cmpf ogt, %abs3A_54, %select_n3A_111 : vector<16x128xf32>
    %select_n3A_116 = arith.select %gt3A_115, %abs3A_54, %select_n3A_111 : vector<16x128xi1>, vector<16x128xf32>
    %jit3A_117 = arith.constant 7 : i32
    %broadcast_in_dim3A_118 = vector.broadcast %jit3A_117 : i32 to vector<16x128xi32>
    %select_n3A_119 = arith.select %gt3A_115, %broadcast_in_dim3A_118, %select_n3A_114 : vector<16x128xi1>, vector<16x128xi32>
    %broadcast_in_dim3A_120 = arith.constant -1.000000e+00 : f32
    %broadcast_in_dim3A_121 = vector.broadcast %broadcast_in_dim3A_120 : f32 to vector<16x128xf32>
    %broadcast_in_dim3A_122 = arith.constant 0 : i32
    %broadcast_in_dim3A_123 = vector.broadcast %broadcast_in_dim3A_122 : i32 to vector<16x128xi32>
    %eq3A = arith.constant 0 : i32
    %eq3A_124 = vector.broadcast %eq3A : i32 to vector<16x128xi32>
    %eq3A_125 = arith.cmpi eq, %select_n3A_119, %eq3A_124 : vector<16x128xi32>
    %jit3A_126 = arith.constant -1.000000e+00 : f32
    %broadcast_in_dim3A_127 = vector.broadcast %jit3A_126 : f32 to vector<16x128xf32>
    %select_n3A_128 = arith.select %eq3A_125, %broadcast_in_dim3A_127, %abs3A : vector<16x128xi1>, vector<16x128xf32>
    %gt3A_129 = arith.cmpf ogt, %select_n3A_128, %broadcast_in_dim3A_121 : vector<16x128xf32>
    %select_n3A_130 = arith.select %gt3A_129, %select_n3A_128, %broadcast_in_dim3A_121 : vector<16x128xi1>, vector<16x128xf32>
    %jit3A_131 = arith.constant 0 : i32
    %broadcast_in_dim3A_132 = vector.broadcast %jit3A_131 : i32 to vector<16x128xi32>
    %select_n3A_133 = arith.select %gt3A_129, %broadcast_in_dim3A_132, %broadcast_in_dim3A_123 : vector<16x128xi1>, vector<16x128xi32>
    %eq3A_134 = arith.constant 1 : i32
    %eq3A_135 = vector.broadcast %eq3A_134 : i32 to vector<16x128xi32>
    %eq3A_136 = arith.cmpi eq, %select_n3A_119, %eq3A_135 : vector<16x128xi32>
    %jit3A_137 = arith.constant -1.000000e+00 : f32
    %broadcast_in_dim3A_138 = vector.broadcast %jit3A_137 : f32 to vector<16x128xf32>
    %select_n3A_139 = arith.select %eq3A_136, %broadcast_in_dim3A_138, %abs3A_48 : vector<16x128xi1>, vector<16x128xf32>
    %gt3A_140 = arith.cmpf ogt, %select_n3A_139, %select_n3A_130 : vector<16x128xf32>
    %select_n3A_141 = arith.select %gt3A_140, %select_n3A_139, %select_n3A_130 : vector<16x128xi1>, vector<16x128xf32>
    %jit3A_142 = arith.constant 1 : i32
    %broadcast_in_dim3A_143 = vector.broadcast %jit3A_142 : i32 to vector<16x128xi32>
    %select_n3A_144 = arith.select %gt3A_140, %broadcast_in_dim3A_143, %select_n3A_133 : vector<16x128xi1>, vector<16x128xi32>
    %eq3A_145 = arith.constant 2 : i32
    %eq3A_146 = vector.broadcast %eq3A_145 : i32 to vector<16x128xi32>
    %eq3A_147 = arith.cmpi eq, %select_n3A_119, %eq3A_146 : vector<16x128xi32>
    %jit3A_148 = arith.constant -1.000000e+00 : f32
    %broadcast_in_dim3A_149 = vector.broadcast %jit3A_148 : f32 to vector<16x128xf32>
    %select_n3A_150 = arith.select %eq3A_147, %broadcast_in_dim3A_149, %abs3A_49 : vector<16x128xi1>, vector<16x128xf32>
    %gt3A_151 = arith.cmpf ogt, %select_n3A_150, %select_n3A_141 : vector<16x128xf32>
    %select_n3A_152 = arith.select %gt3A_151, %select_n3A_150, %select_n3A_141 : vector<16x128xi1>, vector<16x128xf32>
    %jit3A_153 = arith.constant 2 : i32
    %broadcast_in_dim3A_154 = vector.broadcast %jit3A_153 : i32 to vector<16x128xi32>
    %select_n3A_155 = arith.select %gt3A_151, %broadcast_in_dim3A_154, %select_n3A_144 : vector<16x128xi1>, vector<16x128xi32>
    %eq3A_156 = arith.constant 3 : i32
    %eq3A_157 = vector.broadcast %eq3A_156 : i32 to vector<16x128xi32>
    %eq3A_158 = arith.cmpi eq, %select_n3A_119, %eq3A_157 : vector<16x128xi32>
    %jit3A_159 = arith.constant -1.000000e+00 : f32
    %broadcast_in_dim3A_160 = vector.broadcast %jit3A_159 : f32 to vector<16x128xf32>
    %select_n3A_161 = arith.select %eq3A_158, %broadcast_in_dim3A_160, %abs3A_50 : vector<16x128xi1>, vector<16x128xf32>
    %gt3A_162 = arith.cmpf ogt, %select_n3A_161, %select_n3A_152 : vector<16x128xf32>
    %select_n3A_163 = arith.select %gt3A_162, %select_n3A_161, %select_n3A_152 : vector<16x128xi1>, vector<16x128xf32>
    %jit3A_164 = arith.constant 3 : i32
    %broadcast_in_dim3A_165 = vector.broadcast %jit3A_164 : i32 to vector<16x128xi32>
    %select_n3A_166 = arith.select %gt3A_162, %broadcast_in_dim3A_165, %select_n3A_155 : vector<16x128xi1>, vector<16x128xi32>
    %eq3A_167 = arith.constant 4 : i32
    %eq3A_168 = vector.broadcast %eq3A_167 : i32 to vector<16x128xi32>
    %eq3A_169 = arith.cmpi eq, %select_n3A_119, %eq3A_168 : vector<16x128xi32>
    %jit3A_170 = arith.constant -1.000000e+00 : f32
    %broadcast_in_dim3A_171 = vector.broadcast %jit3A_170 : f32 to vector<16x128xf32>
    %select_n3A_172 = arith.select %eq3A_169, %broadcast_in_dim3A_171, %abs3A_51 : vector<16x128xi1>, vector<16x128xf32>
    %gt3A_173 = arith.cmpf ogt, %select_n3A_172, %select_n3A_163 : vector<16x128xf32>
    %select_n3A_174 = arith.select %gt3A_173, %select_n3A_172, %select_n3A_163 : vector<16x128xi1>, vector<16x128xf32>
    %jit3A_175 = arith.constant 4 : i32
    %broadcast_in_dim3A_176 = vector.broadcast %jit3A_175 : i32 to vector<16x128xi32>
    %select_n3A_177 = arith.select %gt3A_173, %broadcast_in_dim3A_176, %select_n3A_166 : vector<16x128xi1>, vector<16x128xi32>
    %eq3A_178 = arith.constant 5 : i32
    %eq3A_179 = vector.broadcast %eq3A_178 : i32 to vector<16x128xi32>
    %eq3A_180 = arith.cmpi eq, %select_n3A_119, %eq3A_179 : vector<16x128xi32>
    %jit3A_181 = arith.constant -1.000000e+00 : f32
    %broadcast_in_dim3A_182 = vector.broadcast %jit3A_181 : f32 to vector<16x128xf32>
    %select_n3A_183 = arith.select %eq3A_180, %broadcast_in_dim3A_182, %abs3A_52 : vector<16x128xi1>, vector<16x128xf32>
    %gt3A_184 = arith.cmpf ogt, %select_n3A_183, %select_n3A_174 : vector<16x128xf32>
    %select_n3A_185 = arith.select %gt3A_184, %select_n3A_183, %select_n3A_174 : vector<16x128xi1>, vector<16x128xf32>
    %jit3A_186 = arith.constant 5 : i32
    %broadcast_in_dim3A_187 = vector.broadcast %jit3A_186 : i32 to vector<16x128xi32>
    %select_n3A_188 = arith.select %gt3A_184, %broadcast_in_dim3A_187, %select_n3A_177 : vector<16x128xi1>, vector<16x128xi32>
    %eq3A_189 = arith.constant 6 : i32
    %eq3A_190 = vector.broadcast %eq3A_189 : i32 to vector<16x128xi32>
    %eq3A_191 = arith.cmpi eq, %select_n3A_119, %eq3A_190 : vector<16x128xi32>
    %jit3A_192 = arith.constant -1.000000e+00 : f32
    %broadcast_in_dim3A_193 = vector.broadcast %jit3A_192 : f32 to vector<16x128xf32>
    %select_n3A_194 = arith.select %eq3A_191, %broadcast_in_dim3A_193, %abs3A_53 : vector<16x128xi1>, vector<16x128xf32>
    %gt3A_195 = arith.cmpf ogt, %select_n3A_194, %select_n3A_185 : vector<16x128xf32>
    %select_n3A_196 = arith.select %gt3A_195, %select_n3A_194, %select_n3A_185 : vector<16x128xi1>, vector<16x128xf32>
    %jit3A_197 = arith.constant 6 : i32
    %broadcast_in_dim3A_198 = vector.broadcast %jit3A_197 : i32 to vector<16x128xi32>
    %select_n3A_199 = arith.select %gt3A_195, %broadcast_in_dim3A_198, %select_n3A_188 : vector<16x128xi1>, vector<16x128xi32>
    %eq3A_200 = arith.constant 7 : i32
    %eq3A_201 = vector.broadcast %eq3A_200 : i32 to vector<16x128xi32>
    %eq3A_202 = arith.cmpi eq, %select_n3A_119, %eq3A_201 : vector<16x128xi32>
    %jit3A_203 = arith.constant -1.000000e+00 : f32
    %broadcast_in_dim3A_204 = vector.broadcast %jit3A_203 : f32 to vector<16x128xf32>
    %select_n3A_205 = arith.select %eq3A_202, %broadcast_in_dim3A_204, %abs3A_54 : vector<16x128xi1>, vector<16x128xf32>
    %gt3A_206 = arith.cmpf ogt, %select_n3A_205, %select_n3A_196 : vector<16x128xf32>
    %select_n3A_207 = arith.select %gt3A_206, %select_n3A_205, %select_n3A_196 : vector<16x128xi1>, vector<16x128xf32>
    %jit3A_208 = arith.constant 7 : i32
    %broadcast_in_dim3A_209 = vector.broadcast %jit3A_208 : i32 to vector<16x128xi32>
    %select_n3A_210 = arith.select %gt3A_206, %broadcast_in_dim3A_209, %select_n3A_199 : vector<16x128xi1>, vector<16x128xi32>
    %add3A = arith.addf %select_n3A_116, %select_n3A_207 : vector<16x128xf32>
    %add3A_211 = arith.addf %abs3A, %abs3A_48 : vector<16x128xf32>
    %min3A = arith.minimumf %abs3A, %abs3A_48 : vector<16x128xf32>
    %add3A_212 = arith.addf %add3A_211, %abs3A_49 : vector<16x128xf32>
    %min3A_213 = arith.minimumf %min3A, %abs3A_49 : vector<16x128xf32>
    %add3A_214 = arith.addf %add3A_212, %abs3A_50 : vector<16x128xf32>
    %min3A_215 = arith.minimumf %min3A_213, %abs3A_50 : vector<16x128xf32>
    %add3A_216 = arith.addf %add3A_214, %abs3A_51 : vector<16x128xf32>
    %min3A_217 = arith.minimumf %min3A_215, %abs3A_51 : vector<16x128xf32>
    %add3A_218 = arith.addf %add3A_216, %abs3A_52 : vector<16x128xf32>
    %min3A_219 = arith.minimumf %min3A_217, %abs3A_52 : vector<16x128xf32>
    %add3A_220 = arith.addf %add3A_218, %abs3A_53 : vector<16x128xf32>
    %min3A_221 = arith.minimumf %min3A_219, %abs3A_53 : vector<16x128xf32>
    %add3A_222 = arith.addf %add3A_220, %abs3A_54 : vector<16x128xf32>
    %min3A_223 = arith.minimumf %min3A_221, %abs3A_54 : vector<16x128xf32>
    %eq3A_224 = arith.cmpf oeq, %abs3A, %min3A_223 : vector<16x128xf32>
    %and3A = arith.andi %eq3A_224, %lt3A_56 : vector<16x128xi1>
    %broadcast_in_dim3A_225 = arith.constant 0 : i32
    %broadcast_in_dim3A_226 = vector.broadcast %broadcast_in_dim3A_225 : i32 to vector<16x128xi32>
    %eq3A_227 = arith.cmpf oeq, %abs3A, %min3A_223 : vector<16x128xf32>
    %and3A_228 = arith.andi %eq3A_227, %lt3A_56 : vector<16x128xi1>
    %jit3A_229 = arith.constant 0 : i32
    %broadcast_in_dim3A_230 = vector.broadcast %jit3A_229 : i32 to vector<16x128xi32>
    %select_n3A_231 = arith.select %and3A_228, %broadcast_in_dim3A_230, %broadcast_in_dim3A_226 : vector<16x128xi1>, vector<16x128xi32>
    %eq3A_232 = arith.cmpf oeq, %abs3A_48, %min3A_223 : vector<16x128xf32>
    %and3A_233 = arith.andi %eq3A_232, %lt3A_59 : vector<16x128xi1>
    %jit3A_234 = arith.constant 1 : i32
    %broadcast_in_dim3A_235 = vector.broadcast %jit3A_234 : i32 to vector<16x128xi32>
    %select_n3A_236 = arith.select %and3A_233, %broadcast_in_dim3A_235, %select_n3A_231 : vector<16x128xi1>, vector<16x128xi32>
    %or3A = arith.ori %and3A, %and3A_233 : vector<16x128xi1>
    %eq3A_237 = arith.cmpf oeq, %abs3A_49, %min3A_223 : vector<16x128xf32>
    %and3A_238 = arith.andi %eq3A_237, %lt3A_62 : vector<16x128xi1>
    %jit3A_239 = arith.constant 2 : i32
    %broadcast_in_dim3A_240 = vector.broadcast %jit3A_239 : i32 to vector<16x128xi32>
    %select_n3A_241 = arith.select %and3A_238, %broadcast_in_dim3A_240, %select_n3A_236 : vector<16x128xi1>, vector<16x128xi32>
    %or3A_242 = arith.ori %or3A, %and3A_238 : vector<16x128xi1>
    %eq3A_243 = arith.cmpf oeq, %abs3A_50, %min3A_223 : vector<16x128xf32>
    %and3A_244 = arith.andi %eq3A_243, %lt3A_65 : vector<16x128xi1>
    %jit3A_245 = arith.constant 3 : i32
    %broadcast_in_dim3A_246 = vector.broadcast %jit3A_245 : i32 to vector<16x128xi32>
    %select_n3A_247 = arith.select %and3A_244, %broadcast_in_dim3A_246, %select_n3A_241 : vector<16x128xi1>, vector<16x128xi32>
    %or3A_248 = arith.ori %or3A_242, %and3A_244 : vector<16x128xi1>
    %eq3A_249 = arith.cmpf oeq, %abs3A_51, %min3A_223 : vector<16x128xf32>
    %and3A_250 = arith.andi %eq3A_249, %lt3A_68 : vector<16x128xi1>
    %jit3A_251 = arith.constant 4 : i32
    %broadcast_in_dim3A_252 = vector.broadcast %jit3A_251 : i32 to vector<16x128xi32>
    %select_n3A_253 = arith.select %and3A_250, %broadcast_in_dim3A_252, %select_n3A_247 : vector<16x128xi1>, vector<16x128xi32>
    %or3A_254 = arith.ori %or3A_248, %and3A_250 : vector<16x128xi1>
    %eq3A_255 = arith.cmpf oeq, %abs3A_52, %min3A_223 : vector<16x128xf32>
    %and3A_256 = arith.andi %eq3A_255, %lt3A_71 : vector<16x128xi1>
    %jit3A_257 = arith.constant 5 : i32
    %broadcast_in_dim3A_258 = vector.broadcast %jit3A_257 : i32 to vector<16x128xi32>
    %select_n3A_259 = arith.select %and3A_256, %broadcast_in_dim3A_258, %select_n3A_253 : vector<16x128xi1>, vector<16x128xi32>
    %or3A_260 = arith.ori %or3A_254, %and3A_256 : vector<16x128xi1>
    %eq3A_261 = arith.cmpf oeq, %abs3A_53, %min3A_223 : vector<16x128xf32>
    %and3A_262 = arith.andi %eq3A_261, %lt3A_74 : vector<16x128xi1>
    %jit3A_263 = arith.constant 6 : i32
    %broadcast_in_dim3A_264 = vector.broadcast %jit3A_263 : i32 to vector<16x128xi32>
    %select_n3A_265 = arith.select %and3A_262, %broadcast_in_dim3A_264, %select_n3A_259 : vector<16x128xi1>, vector<16x128xi32>
    %or3A_266 = arith.ori %or3A_260, %and3A_262 : vector<16x128xi1>
    %eq3A_267 = arith.cmpf oeq, %abs3A_54, %min3A_223 : vector<16x128xf32>
    %and3A_268 = arith.andi %eq3A_267, %lt3A_77 : vector<16x128xi1>
    %jit3A_269 = arith.constant 7 : i32
    %broadcast_in_dim3A_270 = vector.broadcast %jit3A_269 : i32 to vector<16x128xi32>
    %select_n3A_271 = arith.select %and3A_268, %broadcast_in_dim3A_270, %select_n3A_265 : vector<16x128xi1>, vector<16x128xi32>
    %or3A_272 = arith.ori %or3A_266, %and3A_268 : vector<16x128xi1>
    %broadcast_in_dim3A_273 = arith.constant 0 : i32
    %broadcast_in_dim3A_274 = vector.broadcast %broadcast_in_dim3A_273 : i32 to vector<16x128xi32>
    %eq3A_275 = arith.cmpf oeq, %abs3A_54, %min3A_223 : vector<16x128xf32>
    %jit3A_276 = arith.constant 7 : i32
    %broadcast_in_dim3A_277 = vector.broadcast %jit3A_276 : i32 to vector<16x128xi32>
    %select_n3A_278 = arith.select %eq3A_275, %broadcast_in_dim3A_277, %broadcast_in_dim3A_274 : vector<16x128xi1>, vector<16x128xi32>
    %eq3A_279 = arith.cmpf oeq, %abs3A_53, %min3A_223 : vector<16x128xf32>
    %jit3A_280 = arith.constant 6 : i32
    %broadcast_in_dim3A_281 = vector.broadcast %jit3A_280 : i32 to vector<16x128xi32>
    %select_n3A_282 = arith.select %eq3A_279, %broadcast_in_dim3A_281, %select_n3A_278 : vector<16x128xi1>, vector<16x128xi32>
    %eq3A_283 = arith.cmpf oeq, %abs3A_52, %min3A_223 : vector<16x128xf32>
    %jit3A_284 = arith.constant 5 : i32
    %broadcast_in_dim3A_285 = vector.broadcast %jit3A_284 : i32 to vector<16x128xi32>
    %select_n3A_286 = arith.select %eq3A_283, %broadcast_in_dim3A_285, %select_n3A_282 : vector<16x128xi1>, vector<16x128xi32>
    %eq3A_287 = arith.cmpf oeq, %abs3A_51, %min3A_223 : vector<16x128xf32>
    %jit3A_288 = arith.constant 4 : i32
    %broadcast_in_dim3A_289 = vector.broadcast %jit3A_288 : i32 to vector<16x128xi32>
    %select_n3A_290 = arith.select %eq3A_287, %broadcast_in_dim3A_289, %select_n3A_286 : vector<16x128xi1>, vector<16x128xi32>
    %eq3A_291 = arith.cmpf oeq, %abs3A_50, %min3A_223 : vector<16x128xf32>
    %jit3A_292 = arith.constant 3 : i32
    %broadcast_in_dim3A_293 = vector.broadcast %jit3A_292 : i32 to vector<16x128xi32>
    %select_n3A_294 = arith.select %eq3A_291, %broadcast_in_dim3A_293, %select_n3A_290 : vector<16x128xi1>, vector<16x128xi32>
    %eq3A_295 = arith.cmpf oeq, %abs3A_49, %min3A_223 : vector<16x128xf32>
    %jit3A_296 = arith.constant 2 : i32
    %broadcast_in_dim3A_297 = vector.broadcast %jit3A_296 : i32 to vector<16x128xi32>
    %select_n3A_298 = arith.select %eq3A_295, %broadcast_in_dim3A_297, %select_n3A_294 : vector<16x128xi1>, vector<16x128xi32>
    %eq3A_299 = arith.cmpf oeq, %abs3A_48, %min3A_223 : vector<16x128xf32>
    %jit3A_300 = arith.constant 1 : i32
    %broadcast_in_dim3A_301 = vector.broadcast %jit3A_300 : i32 to vector<16x128xi32>
    %select_n3A_302 = arith.select %eq3A_299, %broadcast_in_dim3A_301, %select_n3A_298 : vector<16x128xi1>, vector<16x128xi32>
    %eq3A_303 = arith.cmpf oeq, %abs3A, %min3A_223 : vector<16x128xf32>
    %jit3A_304 = arith.constant 0 : i32
    %broadcast_in_dim3A_305 = vector.broadcast %jit3A_304 : i32 to vector<16x128xi32>
    %select_n3A_306 = arith.select %eq3A_303, %broadcast_in_dim3A_305, %select_n3A_302 : vector<16x128xi1>, vector<16x128xi32>
    %select_n3A_307 = arith.select %or3A_272, %select_n3A_271, %select_n3A_306 : vector<16x128xi1>, vector<16x128xi32>
    %xor3A = arith.xori %convert_element_type3A_78, %convert_element_type3A_79 : vector<16x128xi32>
    %xor3A_308 = arith.xori %xor3A, %convert_element_type3A_80 : vector<16x128xi32>
    %xor3A_309 = arith.xori %xor3A_308, %convert_element_type3A_81 : vector<16x128xi32>
    %xor3A_310 = arith.xori %xor3A_309, %convert_element_type3A_82 : vector<16x128xi32>
    %xor3A_311 = arith.xori %xor3A_310, %convert_element_type3A_83 : vector<16x128xi32>
    %xor3A_312 = arith.xori %xor3A_311, %convert_element_type3A_84 : vector<16x128xi32>
    %xor3A_313 = arith.xori %xor3A_312, %convert_element_type3A_85 : vector<16x128xi32>
    %eq3A_314 = arith.constant 1 : i32
    %eq3A_315 = vector.broadcast %eq3A_314 : i32 to vector<16x128xi32>
    %eq3A_316 = arith.cmpi eq, %xor3A_313, %eq3A_315 : vector<16x128xi32>
    %mul3A = arith.constant 5.000000e-01 : f32
    %mul3A_317 = vector.broadcast %mul3A : f32 to vector<16x128xf32>
    %mul3A_318 = arith.mulf %mul3A_317, %add3A_222 : vector<16x128xf32>
    %jit3A_319 = arith.constant 0.000000e+00 : f32
    %broadcast_in_dim3A_320 = vector.broadcast %jit3A_319 : f32 to vector<16x128xf32>
    %select_n3A_321 = arith.select %eq3A_316, %min3A_223, %broadcast_in_dim3A_320 : vector<16x128xi1>, vector<16x128xf32>
    %sub3A = arith.subf %mul3A_318, %select_n3A_321 : vector<16x128xf32>
    %ge3A = arith.cmpf oge, %add3A, %sub3A : vector<16x128xf32>
    %min3A_322 = arith.minsi %select_n3A_119, %select_n3A_210 : vector<16x128xi32>
    %max3A = arith.maxsi %select_n3A_119, %select_n3A_210 : vector<16x128xi32>
    %sub3A_323 = arith.constant 15 : i32
    %sub3A_324 = vector.broadcast %sub3A_323 : i32 to vector<16x128xi32>
    %sub3A_325 = arith.subi %sub3A_324, %min3A_322 : vector<16x128xi32>
    %mul3A_326 = arith.muli %min3A_322, %sub3A_325 : vector<16x128xi32>
    %shift_right_arithmetic3A = arith.constant 1 : i32
    %shift_right_arithmetic3A_327 = vector.broadcast %shift_right_arithmetic3A : i32 to vector<16x128xi32>
    %shift_right_arithmetic3A_328 = arith.shrsi %mul3A_326, %shift_right_arithmetic3A_327 : vector<16x128xi32>
    %sub3A_329 = arith.subi %max3A, %min3A_322 : vector<16x128xi32>
    %sub3A_330 = arith.constant 1 : i32
    %sub3A_331 = vector.broadcast %sub3A_330 : i32 to vector<16x128xi32>
    %sub3A_332 = arith.subi %sub3A_329, %sub3A_331 : vector<16x128xi32>
    %add3A_333 = arith.addi %shift_right_arithmetic3A_328, %sub3A_332 : vector<16x128xi32>
    %broadcast_in_dim3A_334 = arith.constant 0 : i32
    %broadcast_in_dim3A_335 = vector.broadcast %broadcast_in_dim3A_334 : i32 to vector<16x128xi32>
    %broadcast_in_dim3A_336 = arith.constant 0 : i32
    %broadcast_in_dim3A_337 = vector.broadcast %broadcast_in_dim3A_336 : i32 to vector<16x128xi32>
    %eq3A_338 = arith.constant 0 : i32
    %eq3A_339 = vector.broadcast %eq3A_338 : i32 to vector<16x128xi32>
    %eq3A_340 = arith.cmpi eq, %min3A_322, %eq3A_339 : vector<16x128xi32>
    %select_n3A_341 = arith.select %eq3A_340, %convert_element_type3A_78, %broadcast_in_dim3A_335 : vector<16x128xi1>, vector<16x128xi32>
    %eq3A_342 = arith.constant 0 : i32
    %eq3A_343 = vector.broadcast %eq3A_342 : i32 to vector<16x128xi32>
    %eq3A_344 = arith.cmpi eq, %max3A, %eq3A_343 : vector<16x128xi32>
    %select_n3A_345 = arith.select %eq3A_344, %convert_element_type3A_78, %broadcast_in_dim3A_337 : vector<16x128xi1>, vector<16x128xi32>
    %eq3A_346 = arith.constant 1 : i32
    %eq3A_347 = vector.broadcast %eq3A_346 : i32 to vector<16x128xi32>
    %eq3A_348 = arith.cmpi eq, %min3A_322, %eq3A_347 : vector<16x128xi32>
    %select_n3A_349 = arith.select %eq3A_348, %convert_element_type3A_79, %select_n3A_341 : vector<16x128xi1>, vector<16x128xi32>
    %eq3A_350 = arith.constant 1 : i32
    %eq3A_351 = vector.broadcast %eq3A_350 : i32 to vector<16x128xi32>
    %eq3A_352 = arith.cmpi eq, %max3A, %eq3A_351 : vector<16x128xi32>
    %select_n3A_353 = arith.select %eq3A_352, %convert_element_type3A_79, %select_n3A_345 : vector<16x128xi1>, vector<16x128xi32>
    %eq3A_354 = arith.constant 2 : i32
    %eq3A_355 = vector.broadcast %eq3A_354 : i32 to vector<16x128xi32>
    %eq3A_356 = arith.cmpi eq, %min3A_322, %eq3A_355 : vector<16x128xi32>
    %select_n3A_357 = arith.select %eq3A_356, %convert_element_type3A_80, %select_n3A_349 : vector<16x128xi1>, vector<16x128xi32>
    %eq3A_358 = arith.constant 2 : i32
    %eq3A_359 = vector.broadcast %eq3A_358 : i32 to vector<16x128xi32>
    %eq3A_360 = arith.cmpi eq, %max3A, %eq3A_359 : vector<16x128xi32>
    %select_n3A_361 = arith.select %eq3A_360, %convert_element_type3A_80, %select_n3A_353 : vector<16x128xi1>, vector<16x128xi32>
    %eq3A_362 = arith.constant 3 : i32
    %eq3A_363 = vector.broadcast %eq3A_362 : i32 to vector<16x128xi32>
    %eq3A_364 = arith.cmpi eq, %min3A_322, %eq3A_363 : vector<16x128xi32>
    %select_n3A_365 = arith.select %eq3A_364, %convert_element_type3A_81, %select_n3A_357 : vector<16x128xi1>, vector<16x128xi32>
    %eq3A_366 = arith.constant 3 : i32
    %eq3A_367 = vector.broadcast %eq3A_366 : i32 to vector<16x128xi32>
    %eq3A_368 = arith.cmpi eq, %max3A, %eq3A_367 : vector<16x128xi32>
    %select_n3A_369 = arith.select %eq3A_368, %convert_element_type3A_81, %select_n3A_361 : vector<16x128xi1>, vector<16x128xi32>
    %eq3A_370 = arith.constant 4 : i32
    %eq3A_371 = vector.broadcast %eq3A_370 : i32 to vector<16x128xi32>
    %eq3A_372 = arith.cmpi eq, %min3A_322, %eq3A_371 : vector<16x128xi32>
    %select_n3A_373 = arith.select %eq3A_372, %convert_element_type3A_82, %select_n3A_365 : vector<16x128xi1>, vector<16x128xi32>
    %eq3A_374 = arith.constant 4 : i32
    %eq3A_375 = vector.broadcast %eq3A_374 : i32 to vector<16x128xi32>
    %eq3A_376 = arith.cmpi eq, %max3A, %eq3A_375 : vector<16x128xi32>
    %select_n3A_377 = arith.select %eq3A_376, %convert_element_type3A_82, %select_n3A_369 : vector<16x128xi1>, vector<16x128xi32>
    %eq3A_378 = arith.constant 5 : i32
    %eq3A_379 = vector.broadcast %eq3A_378 : i32 to vector<16x128xi32>
    %eq3A_380 = arith.cmpi eq, %min3A_322, %eq3A_379 : vector<16x128xi32>
    %select_n3A_381 = arith.select %eq3A_380, %convert_element_type3A_83, %select_n3A_373 : vector<16x128xi1>, vector<16x128xi32>
    %eq3A_382 = arith.constant 5 : i32
    %eq3A_383 = vector.broadcast %eq3A_382 : i32 to vector<16x128xi32>
    %eq3A_384 = arith.cmpi eq, %max3A, %eq3A_383 : vector<16x128xi32>
    %select_n3A_385 = arith.select %eq3A_384, %convert_element_type3A_83, %select_n3A_377 : vector<16x128xi1>, vector<16x128xi32>
    %eq3A_386 = arith.constant 6 : i32
    %eq3A_387 = vector.broadcast %eq3A_386 : i32 to vector<16x128xi32>
    %eq3A_388 = arith.cmpi eq, %min3A_322, %eq3A_387 : vector<16x128xi32>
    %select_n3A_389 = arith.select %eq3A_388, %convert_element_type3A_84, %select_n3A_381 : vector<16x128xi1>, vector<16x128xi32>
    %eq3A_390 = arith.constant 6 : i32
    %eq3A_391 = vector.broadcast %eq3A_390 : i32 to vector<16x128xi32>
    %eq3A_392 = arith.cmpi eq, %max3A, %eq3A_391 : vector<16x128xi32>
    %select_n3A_393 = arith.select %eq3A_392, %convert_element_type3A_84, %select_n3A_385 : vector<16x128xi1>, vector<16x128xi32>
    %eq3A_394 = arith.constant 7 : i32
    %eq3A_395 = vector.broadcast %eq3A_394 : i32 to vector<16x128xi32>
    %eq3A_396 = arith.cmpi eq, %min3A_322, %eq3A_395 : vector<16x128xi32>
    %select_n3A_397 = arith.select %eq3A_396, %convert_element_type3A_85, %select_n3A_389 : vector<16x128xi1>, vector<16x128xi32>
    %eq3A_398 = arith.constant 7 : i32
    %eq3A_399 = vector.broadcast %eq3A_398 : i32 to vector<16x128xi32>
    %eq3A_400 = arith.cmpi eq, %max3A, %eq3A_399 : vector<16x128xi32>
    %select_n3A_401 = arith.select %eq3A_400, %convert_element_type3A_85, %select_n3A_393 : vector<16x128xi1>, vector<16x128xi32>
    %mul3A_402 = arith.constant 4 : i32
    %mul3A_403 = vector.broadcast %mul3A_402 : i32 to vector<16x128xi32>
    %mul3A_404 = arith.muli %mul3A_403, %add3A_333 : vector<16x128xi32>
    %mul3A_405 = arith.constant 2 : i32
    %mul3A_406 = vector.broadcast %mul3A_405 : i32 to vector<16x128xi32>
    %mul3A_407 = arith.muli %mul3A_406, %select_n3A_397 : vector<16x128xi32>
    %add3A_408 = arith.addi %mul3A_404, %mul3A_407 : vector<16x128xi32>
    %add3A_409 = arith.addi %add3A_408, %select_n3A_401 : vector<16x128xi32>
    %broadcast_in_dim3A_410 = arith.constant 0 : i32
    %broadcast_in_dim3A_411 = vector.broadcast %broadcast_in_dim3A_410 : i32 to vector<16x128xi32>
    %eq3A_412 = arith.constant 0 : i32
    %eq3A_413 = vector.broadcast %eq3A_412 : i32 to vector<16x128xi32>
    %eq3A_414 = arith.cmpi eq, %select_n3A_307, %eq3A_413 : vector<16x128xi32>
    %and3A_415 = arith.andi %eq3A_316, %eq3A_414 : vector<16x128xi1>
    %sub3A_416 = arith.constant 1 : i32
    %sub3A_417 = vector.broadcast %sub3A_416 : i32 to vector<16x128xi32>
    %sub3A_418 = arith.subi %sub3A_417, %convert_element_type3A_78 : vector<16x128xi32>
    %select_n3A_419 = arith.select %and3A_415, %sub3A_418, %convert_element_type3A_78 : vector<16x128xi1>, vector<16x128xi32>
    %shift_left3A = arith.constant 0 : i32
    %shift_left3A_420 = vector.broadcast %shift_left3A : i32 to vector<16x128xi32>
    %shift_left3A_421 = arith.shli %select_n3A_419, %shift_left3A_420 : vector<16x128xi32>
    %add3A_422 = arith.addi %broadcast_in_dim3A_411, %shift_left3A_421 : vector<16x128xi32>
    %eq3A_423 = arith.constant 1 : i32
    %eq3A_424 = vector.broadcast %eq3A_423 : i32 to vector<16x128xi32>
    %eq3A_425 = arith.cmpi eq, %select_n3A_307, %eq3A_424 : vector<16x128xi32>
    %and3A_426 = arith.andi %eq3A_316, %eq3A_425 : vector<16x128xi1>
    %sub3A_427 = arith.constant 1 : i32
    %sub3A_428 = vector.broadcast %sub3A_427 : i32 to vector<16x128xi32>
    %sub3A_429 = arith.subi %sub3A_428, %convert_element_type3A_79 : vector<16x128xi32>
    %select_n3A_430 = arith.select %and3A_426, %sub3A_429, %convert_element_type3A_79 : vector<16x128xi1>, vector<16x128xi32>
    %shift_left3A_431 = arith.constant 1 : i32
    %shift_left3A_432 = vector.broadcast %shift_left3A_431 : i32 to vector<16x128xi32>
    %shift_left3A_433 = arith.shli %select_n3A_430, %shift_left3A_432 : vector<16x128xi32>
    %add3A_434 = arith.addi %add3A_422, %shift_left3A_433 : vector<16x128xi32>
    %eq3A_435 = arith.constant 2 : i32
    %eq3A_436 = vector.broadcast %eq3A_435 : i32 to vector<16x128xi32>
    %eq3A_437 = arith.cmpi eq, %select_n3A_307, %eq3A_436 : vector<16x128xi32>
    %and3A_438 = arith.andi %eq3A_316, %eq3A_437 : vector<16x128xi1>
    %sub3A_439 = arith.constant 1 : i32
    %sub3A_440 = vector.broadcast %sub3A_439 : i32 to vector<16x128xi32>
    %sub3A_441 = arith.subi %sub3A_440, %convert_element_type3A_80 : vector<16x128xi32>
    %select_n3A_442 = arith.select %and3A_438, %sub3A_441, %convert_element_type3A_80 : vector<16x128xi1>, vector<16x128xi32>
    %shift_left3A_443 = arith.constant 2 : i32
    %shift_left3A_444 = vector.broadcast %shift_left3A_443 : i32 to vector<16x128xi32>
    %shift_left3A_445 = arith.shli %select_n3A_442, %shift_left3A_444 : vector<16x128xi32>
    %add3A_446 = arith.addi %add3A_434, %shift_left3A_445 : vector<16x128xi32>
    %eq3A_447 = arith.constant 3 : i32
    %eq3A_448 = vector.broadcast %eq3A_447 : i32 to vector<16x128xi32>
    %eq3A_449 = arith.cmpi eq, %select_n3A_307, %eq3A_448 : vector<16x128xi32>
    %and3A_450 = arith.andi %eq3A_316, %eq3A_449 : vector<16x128xi1>
    %sub3A_451 = arith.constant 1 : i32
    %sub3A_452 = vector.broadcast %sub3A_451 : i32 to vector<16x128xi32>
    %sub3A_453 = arith.subi %sub3A_452, %convert_element_type3A_81 : vector<16x128xi32>
    %select_n3A_454 = arith.select %and3A_450, %sub3A_453, %convert_element_type3A_81 : vector<16x128xi1>, vector<16x128xi32>
    %shift_left3A_455 = arith.constant 3 : i32
    %shift_left3A_456 = vector.broadcast %shift_left3A_455 : i32 to vector<16x128xi32>
    %shift_left3A_457 = arith.shli %select_n3A_454, %shift_left3A_456 : vector<16x128xi32>
    %add3A_458 = arith.addi %add3A_446, %shift_left3A_457 : vector<16x128xi32>
    %eq3A_459 = arith.constant 4 : i32
    %eq3A_460 = vector.broadcast %eq3A_459 : i32 to vector<16x128xi32>
    %eq3A_461 = arith.cmpi eq, %select_n3A_307, %eq3A_460 : vector<16x128xi32>
    %and3A_462 = arith.andi %eq3A_316, %eq3A_461 : vector<16x128xi1>
    %sub3A_463 = arith.constant 1 : i32
    %sub3A_464 = vector.broadcast %sub3A_463 : i32 to vector<16x128xi32>
    %sub3A_465 = arith.subi %sub3A_464, %convert_element_type3A_82 : vector<16x128xi32>
    %select_n3A_466 = arith.select %and3A_462, %sub3A_465, %convert_element_type3A_82 : vector<16x128xi1>, vector<16x128xi32>
    %shift_left3A_467 = arith.constant 4 : i32
    %shift_left3A_468 = vector.broadcast %shift_left3A_467 : i32 to vector<16x128xi32>
    %shift_left3A_469 = arith.shli %select_n3A_466, %shift_left3A_468 : vector<16x128xi32>
    %add3A_470 = arith.addi %add3A_458, %shift_left3A_469 : vector<16x128xi32>
    %eq3A_471 = arith.constant 5 : i32
    %eq3A_472 = vector.broadcast %eq3A_471 : i32 to vector<16x128xi32>
    %eq3A_473 = arith.cmpi eq, %select_n3A_307, %eq3A_472 : vector<16x128xi32>
    %and3A_474 = arith.andi %eq3A_316, %eq3A_473 : vector<16x128xi1>
    %sub3A_475 = arith.constant 1 : i32
    %sub3A_476 = vector.broadcast %sub3A_475 : i32 to vector<16x128xi32>
    %sub3A_477 = arith.subi %sub3A_476, %convert_element_type3A_83 : vector<16x128xi32>
    %select_n3A_478 = arith.select %and3A_474, %sub3A_477, %convert_element_type3A_83 : vector<16x128xi1>, vector<16x128xi32>
    %shift_left3A_479 = arith.constant 5 : i32
    %shift_left3A_480 = vector.broadcast %shift_left3A_479 : i32 to vector<16x128xi32>
    %shift_left3A_481 = arith.shli %select_n3A_478, %shift_left3A_480 : vector<16x128xi32>
    %add3A_482 = arith.addi %add3A_470, %shift_left3A_481 : vector<16x128xi32>
    %eq3A_483 = arith.constant 6 : i32
    %eq3A_484 = vector.broadcast %eq3A_483 : i32 to vector<16x128xi32>
    %eq3A_485 = arith.cmpi eq, %select_n3A_307, %eq3A_484 : vector<16x128xi32>
    %and3A_486 = arith.andi %eq3A_316, %eq3A_485 : vector<16x128xi1>
    %sub3A_487 = arith.constant 1 : i32
    %sub3A_488 = vector.broadcast %sub3A_487 : i32 to vector<16x128xi32>
    %sub3A_489 = arith.subi %sub3A_488, %convert_element_type3A_84 : vector<16x128xi32>
    %select_n3A_490 = arith.select %and3A_486, %sub3A_489, %convert_element_type3A_84 : vector<16x128xi1>, vector<16x128xi32>
    %shift_left3A_491 = arith.constant 6 : i32
    %shift_left3A_492 = vector.broadcast %shift_left3A_491 : i32 to vector<16x128xi32>
    %shift_left3A_493 = arith.shli %select_n3A_490, %shift_left3A_492 : vector<16x128xi32>
    %add3A_494 = arith.addi %add3A_482, %shift_left3A_493 : vector<16x128xi32>
    %eq3A_495 = arith.constant 7 : i32
    %eq3A_496 = vector.broadcast %eq3A_495 : i32 to vector<16x128xi32>
    %eq3A_497 = arith.cmpi eq, %select_n3A_307, %eq3A_496 : vector<16x128xi32>
    %and3A_498 = arith.andi %eq3A_316, %eq3A_497 : vector<16x128xi1>
    %sub3A_499 = arith.constant 1 : i32
    %sub3A_500 = vector.broadcast %sub3A_499 : i32 to vector<16x128xi32>
    %sub3A_501 = arith.subi %sub3A_500, %convert_element_type3A_85 : vector<16x128xi32>
    %select_n3A_502 = arith.select %and3A_498, %sub3A_501, %convert_element_type3A_85 : vector<16x128xi1>, vector<16x128xi32>
    %shift_left3A_503 = arith.constant 7 : i32
    %shift_left3A_504 = vector.broadcast %shift_left3A_503 : i32 to vector<16x128xi32>
    %shift_left3A_505 = arith.shli %select_n3A_502, %shift_left3A_504 : vector<16x128xi32>
    %add3A_506 = arith.addi %add3A_494, %shift_left3A_505 : vector<16x128xi32>
    %shift_right_arithmetic3A_507 = arith.constant 1 : i32
    %shift_right_arithmetic3A_508 = vector.broadcast %shift_right_arithmetic3A_507 : i32 to vector<16x128xi32>
    %shift_right_arithmetic3A_509 = arith.shrsi %add3A_506, %shift_right_arithmetic3A_508 : vector<16x128xi32>
    %add3A_510 = arith.constant 112 : i32
    %add3A_511 = vector.broadcast %add3A_510 : i32 to vector<16x128xi32>
    %add3A_512 = arith.addi %add3A_511, %shift_right_arithmetic3A_509 : vector<16x128xi32>
    %select_n3A_513 = arith.select %ge3A, %add3A_409, %add3A_512 : vector<16x128xi1>, vector<16x128xi32>
    %jit3A_514 = arith.constant -1.000000e+00 : f32
    %jit3A_515 = arith.constant 1.000000e+00 : f32
    %broadcast_in_dim3A_516 = vector.broadcast %jit3A_514 : f32 to vector<16x128xf32>
    %broadcast_in_dim3A_517 = vector.broadcast %jit3A_515 : f32 to vector<16x128xf32>
    %select_n3A_518 = arith.select %lt3A_56, %broadcast_in_dim3A_516, %broadcast_in_dim3A_517 : vector<16x128xi1>, vector<16x128xf32>
    %eq3A_519 = arith.constant 0 : i32
    %eq3A_520 = vector.broadcast %eq3A_519 : i32 to vector<16x128xi32>
    %eq3A_521 = arith.cmpi eq, %select_n3A_119, %eq3A_520 : vector<16x128xi32>
    %eq3A_522 = arith.constant 0 : i32
    %eq3A_523 = vector.broadcast %eq3A_522 : i32 to vector<16x128xi32>
    %eq3A_524 = arith.cmpi eq, %select_n3A_210, %eq3A_523 : vector<16x128xi32>
    %or3A_525 = arith.ori %eq3A_521, %eq3A_524 : vector<16x128xi1>
    %jit3A_526 = arith.constant 0.000000e+00 : f32
    %broadcast_in_dim3A_527 = vector.broadcast %jit3A_526 : f32 to vector<16x128xf32>
    %select_n3A_528 = arith.select %or3A_525, %select_n3A_518, %broadcast_in_dim3A_527 : vector<16x128xi1>, vector<16x128xf32>
    %eq3A_529 = arith.constant 1 : i32
    %eq3A_530 = vector.broadcast %eq3A_529 : i32 to vector<16x128xi32>
    %eq3A_531 = arith.cmpi eq, %select_n3A_419, %eq3A_530 : vector<16x128xi32>
    %jit3A_532 = arith.constant -5.000000e-01 : f32
    %jit3A_533 = arith.constant 5.000000e-01 : f32
    %broadcast_in_dim3A_534 = vector.broadcast %jit3A_532 : f32 to vector<16x128xf32>
    %broadcast_in_dim3A_535 = vector.broadcast %jit3A_533 : f32 to vector<16x128xf32>
    %select_n3A_536 = arith.select %eq3A_531, %broadcast_in_dim3A_534, %broadcast_in_dim3A_535 : vector<16x128xi1>, vector<16x128xf32>
    %select_n3A_537 = arith.select %ge3A, %select_n3A_528, %select_n3A_536 : vector<16x128xi1>, vector<16x128xf32>
    %jit3A_538 = arith.constant -1.000000e+00 : f32
    %jit3A_539 = arith.constant 1.000000e+00 : f32
    %broadcast_in_dim3A_540 = vector.broadcast %jit3A_538 : f32 to vector<16x128xf32>
    %broadcast_in_dim3A_541 = vector.broadcast %jit3A_539 : f32 to vector<16x128xf32>
    %select_n3A_542 = arith.select %lt3A_59, %broadcast_in_dim3A_540, %broadcast_in_dim3A_541 : vector<16x128xi1>, vector<16x128xf32>
    %eq3A_543 = arith.constant 1 : i32
    %eq3A_544 = vector.broadcast %eq3A_543 : i32 to vector<16x128xi32>
    %eq3A_545 = arith.cmpi eq, %select_n3A_119, %eq3A_544 : vector<16x128xi32>
    %eq3A_546 = arith.constant 1 : i32
    %eq3A_547 = vector.broadcast %eq3A_546 : i32 to vector<16x128xi32>
    %eq3A_548 = arith.cmpi eq, %select_n3A_210, %eq3A_547 : vector<16x128xi32>
    %or3A_549 = arith.ori %eq3A_545, %eq3A_548 : vector<16x128xi1>
    %jit3A_550 = arith.constant 0.000000e+00 : f32
    %broadcast_in_dim3A_551 = vector.broadcast %jit3A_550 : f32 to vector<16x128xf32>
    %select_n3A_552 = arith.select %or3A_549, %select_n3A_542, %broadcast_in_dim3A_551 : vector<16x128xi1>, vector<16x128xf32>
    %eq3A_553 = arith.constant 1 : i32
    %eq3A_554 = vector.broadcast %eq3A_553 : i32 to vector<16x128xi32>
    %eq3A_555 = arith.cmpi eq, %select_n3A_430, %eq3A_554 : vector<16x128xi32>
    %jit3A_556 = arith.constant -5.000000e-01 : f32
    %jit3A_557 = arith.constant 5.000000e-01 : f32
    %broadcast_in_dim3A_558 = vector.broadcast %jit3A_556 : f32 to vector<16x128xf32>
    %broadcast_in_dim3A_559 = vector.broadcast %jit3A_557 : f32 to vector<16x128xf32>
    %select_n3A_560 = arith.select %eq3A_555, %broadcast_in_dim3A_558, %broadcast_in_dim3A_559 : vector<16x128xi1>, vector<16x128xf32>
    %select_n3A_561 = arith.select %ge3A, %select_n3A_552, %select_n3A_560 : vector<16x128xi1>, vector<16x128xf32>
    %jit3A_562 = arith.constant -1.000000e+00 : f32
    %jit3A_563 = arith.constant 1.000000e+00 : f32
    %broadcast_in_dim3A_564 = vector.broadcast %jit3A_562 : f32 to vector<16x128xf32>
    %broadcast_in_dim3A_565 = vector.broadcast %jit3A_563 : f32 to vector<16x128xf32>
    %select_n3A_566 = arith.select %lt3A_62, %broadcast_in_dim3A_564, %broadcast_in_dim3A_565 : vector<16x128xi1>, vector<16x128xf32>
    %eq3A_567 = arith.constant 2 : i32
    %eq3A_568 = vector.broadcast %eq3A_567 : i32 to vector<16x128xi32>
    %eq3A_569 = arith.cmpi eq, %select_n3A_119, %eq3A_568 : vector<16x128xi32>
    %eq3A_570 = arith.constant 2 : i32
    %eq3A_571 = vector.broadcast %eq3A_570 : i32 to vector<16x128xi32>
    %eq3A_572 = arith.cmpi eq, %select_n3A_210, %eq3A_571 : vector<16x128xi32>
    %or3A_573 = arith.ori %eq3A_569, %eq3A_572 : vector<16x128xi1>
    %jit3A_574 = arith.constant 0.000000e+00 : f32
    %broadcast_in_dim3A_575 = vector.broadcast %jit3A_574 : f32 to vector<16x128xf32>
    %select_n3A_576 = arith.select %or3A_573, %select_n3A_566, %broadcast_in_dim3A_575 : vector<16x128xi1>, vector<16x128xf32>
    %eq3A_577 = arith.constant 1 : i32
    %eq3A_578 = vector.broadcast %eq3A_577 : i32 to vector<16x128xi32>
    %eq3A_579 = arith.cmpi eq, %select_n3A_442, %eq3A_578 : vector<16x128xi32>
    %jit3A_580 = arith.constant -5.000000e-01 : f32
    %jit3A_581 = arith.constant 5.000000e-01 : f32
    %broadcast_in_dim3A_582 = vector.broadcast %jit3A_580 : f32 to vector<16x128xf32>
    %broadcast_in_dim3A_583 = vector.broadcast %jit3A_581 : f32 to vector<16x128xf32>
    %select_n3A_584 = arith.select %eq3A_579, %broadcast_in_dim3A_582, %broadcast_in_dim3A_583 : vector<16x128xi1>, vector<16x128xf32>
    %select_n3A_585 = arith.select %ge3A, %select_n3A_576, %select_n3A_584 : vector<16x128xi1>, vector<16x128xf32>
    %jit3A_586 = arith.constant -1.000000e+00 : f32
    %jit3A_587 = arith.constant 1.000000e+00 : f32
    %broadcast_in_dim3A_588 = vector.broadcast %jit3A_586 : f32 to vector<16x128xf32>
    %broadcast_in_dim3A_589 = vector.broadcast %jit3A_587 : f32 to vector<16x128xf32>
    %select_n3A_590 = arith.select %lt3A_65, %broadcast_in_dim3A_588, %broadcast_in_dim3A_589 : vector<16x128xi1>, vector<16x128xf32>
    %eq3A_591 = arith.constant 3 : i32
    %eq3A_592 = vector.broadcast %eq3A_591 : i32 to vector<16x128xi32>
    %eq3A_593 = arith.cmpi eq, %select_n3A_119, %eq3A_592 : vector<16x128xi32>
    %eq3A_594 = arith.constant 3 : i32
    %eq3A_595 = vector.broadcast %eq3A_594 : i32 to vector<16x128xi32>
    %eq3A_596 = arith.cmpi eq, %select_n3A_210, %eq3A_595 : vector<16x128xi32>
    %or3A_597 = arith.ori %eq3A_593, %eq3A_596 : vector<16x128xi1>
    %jit3A_598 = arith.constant 0.000000e+00 : f32
    %broadcast_in_dim3A_599 = vector.broadcast %jit3A_598 : f32 to vector<16x128xf32>
    %select_n3A_600 = arith.select %or3A_597, %select_n3A_590, %broadcast_in_dim3A_599 : vector<16x128xi1>, vector<16x128xf32>
    %eq3A_601 = arith.constant 1 : i32
    %eq3A_602 = vector.broadcast %eq3A_601 : i32 to vector<16x128xi32>
    %eq3A_603 = arith.cmpi eq, %select_n3A_454, %eq3A_602 : vector<16x128xi32>
    %jit3A_604 = arith.constant -5.000000e-01 : f32
    %jit3A_605 = arith.constant 5.000000e-01 : f32
    %broadcast_in_dim3A_606 = vector.broadcast %jit3A_604 : f32 to vector<16x128xf32>
    %broadcast_in_dim3A_607 = vector.broadcast %jit3A_605 : f32 to vector<16x128xf32>
    %select_n3A_608 = arith.select %eq3A_603, %broadcast_in_dim3A_606, %broadcast_in_dim3A_607 : vector<16x128xi1>, vector<16x128xf32>
    %select_n3A_609 = arith.select %ge3A, %select_n3A_600, %select_n3A_608 : vector<16x128xi1>, vector<16x128xf32>
    %jit3A_610 = arith.constant -1.000000e+00 : f32
    %jit3A_611 = arith.constant 1.000000e+00 : f32
    %broadcast_in_dim3A_612 = vector.broadcast %jit3A_610 : f32 to vector<16x128xf32>
    %broadcast_in_dim3A_613 = vector.broadcast %jit3A_611 : f32 to vector<16x128xf32>
    %select_n3A_614 = arith.select %lt3A_68, %broadcast_in_dim3A_612, %broadcast_in_dim3A_613 : vector<16x128xi1>, vector<16x128xf32>
    %eq3A_615 = arith.constant 4 : i32
    %eq3A_616 = vector.broadcast %eq3A_615 : i32 to vector<16x128xi32>
    %eq3A_617 = arith.cmpi eq, %select_n3A_119, %eq3A_616 : vector<16x128xi32>
    %eq3A_618 = arith.constant 4 : i32
    %eq3A_619 = vector.broadcast %eq3A_618 : i32 to vector<16x128xi32>
    %eq3A_620 = arith.cmpi eq, %select_n3A_210, %eq3A_619 : vector<16x128xi32>
    %or3A_621 = arith.ori %eq3A_617, %eq3A_620 : vector<16x128xi1>
    %jit3A_622 = arith.constant 0.000000e+00 : f32
    %broadcast_in_dim3A_623 = vector.broadcast %jit3A_622 : f32 to vector<16x128xf32>
    %select_n3A_624 = arith.select %or3A_621, %select_n3A_614, %broadcast_in_dim3A_623 : vector<16x128xi1>, vector<16x128xf32>
    %eq3A_625 = arith.constant 1 : i32
    %eq3A_626 = vector.broadcast %eq3A_625 : i32 to vector<16x128xi32>
    %eq3A_627 = arith.cmpi eq, %select_n3A_466, %eq3A_626 : vector<16x128xi32>
    %jit3A_628 = arith.constant -5.000000e-01 : f32
    %jit3A_629 = arith.constant 5.000000e-01 : f32
    %broadcast_in_dim3A_630 = vector.broadcast %jit3A_628 : f32 to vector<16x128xf32>
    %broadcast_in_dim3A_631 = vector.broadcast %jit3A_629 : f32 to vector<16x128xf32>
    %select_n3A_632 = arith.select %eq3A_627, %broadcast_in_dim3A_630, %broadcast_in_dim3A_631 : vector<16x128xi1>, vector<16x128xf32>
    %select_n3A_633 = arith.select %ge3A, %select_n3A_624, %select_n3A_632 : vector<16x128xi1>, vector<16x128xf32>
    %jit3A_634 = arith.constant -1.000000e+00 : f32
    %jit3A_635 = arith.constant 1.000000e+00 : f32
    %broadcast_in_dim3A_636 = vector.broadcast %jit3A_634 : f32 to vector<16x128xf32>
    %broadcast_in_dim3A_637 = vector.broadcast %jit3A_635 : f32 to vector<16x128xf32>
    %select_n3A_638 = arith.select %lt3A_71, %broadcast_in_dim3A_636, %broadcast_in_dim3A_637 : vector<16x128xi1>, vector<16x128xf32>
    %eq3A_639 = arith.constant 5 : i32
    %eq3A_640 = vector.broadcast %eq3A_639 : i32 to vector<16x128xi32>
    %eq3A_641 = arith.cmpi eq, %select_n3A_119, %eq3A_640 : vector<16x128xi32>
    %eq3A_642 = arith.constant 5 : i32
    %eq3A_643 = vector.broadcast %eq3A_642 : i32 to vector<16x128xi32>
    %eq3A_644 = arith.cmpi eq, %select_n3A_210, %eq3A_643 : vector<16x128xi32>
    %or3A_645 = arith.ori %eq3A_641, %eq3A_644 : vector<16x128xi1>
    %jit3A_646 = arith.constant 0.000000e+00 : f32
    %broadcast_in_dim3A_647 = vector.broadcast %jit3A_646 : f32 to vector<16x128xf32>
    %select_n3A_648 = arith.select %or3A_645, %select_n3A_638, %broadcast_in_dim3A_647 : vector<16x128xi1>, vector<16x128xf32>
    %eq3A_649 = arith.constant 1 : i32
    %eq3A_650 = vector.broadcast %eq3A_649 : i32 to vector<16x128xi32>
    %eq3A_651 = arith.cmpi eq, %select_n3A_478, %eq3A_650 : vector<16x128xi32>
    %jit3A_652 = arith.constant -5.000000e-01 : f32
    %jit3A_653 = arith.constant 5.000000e-01 : f32
    %broadcast_in_dim3A_654 = vector.broadcast %jit3A_652 : f32 to vector<16x128xf32>
    %broadcast_in_dim3A_655 = vector.broadcast %jit3A_653 : f32 to vector<16x128xf32>
    %select_n3A_656 = arith.select %eq3A_651, %broadcast_in_dim3A_654, %broadcast_in_dim3A_655 : vector<16x128xi1>, vector<16x128xf32>
    %select_n3A_657 = arith.select %ge3A, %select_n3A_648, %select_n3A_656 : vector<16x128xi1>, vector<16x128xf32>
    %jit3A_658 = arith.constant -1.000000e+00 : f32
    %jit3A_659 = arith.constant 1.000000e+00 : f32
    %broadcast_in_dim3A_660 = vector.broadcast %jit3A_658 : f32 to vector<16x128xf32>
    %broadcast_in_dim3A_661 = vector.broadcast %jit3A_659 : f32 to vector<16x128xf32>
    %select_n3A_662 = arith.select %lt3A_74, %broadcast_in_dim3A_660, %broadcast_in_dim3A_661 : vector<16x128xi1>, vector<16x128xf32>
    %eq3A_663 = arith.constant 6 : i32
    %eq3A_664 = vector.broadcast %eq3A_663 : i32 to vector<16x128xi32>
    %eq3A_665 = arith.cmpi eq, %select_n3A_119, %eq3A_664 : vector<16x128xi32>
    %eq3A_666 = arith.constant 6 : i32
    %eq3A_667 = vector.broadcast %eq3A_666 : i32 to vector<16x128xi32>
    %eq3A_668 = arith.cmpi eq, %select_n3A_210, %eq3A_667 : vector<16x128xi32>
    %or3A_669 = arith.ori %eq3A_665, %eq3A_668 : vector<16x128xi1>
    %jit3A_670 = arith.constant 0.000000e+00 : f32
    %broadcast_in_dim3A_671 = vector.broadcast %jit3A_670 : f32 to vector<16x128xf32>
    %select_n3A_672 = arith.select %or3A_669, %select_n3A_662, %broadcast_in_dim3A_671 : vector<16x128xi1>, vector<16x128xf32>
    %eq3A_673 = arith.constant 1 : i32
    %eq3A_674 = vector.broadcast %eq3A_673 : i32 to vector<16x128xi32>
    %eq3A_675 = arith.cmpi eq, %select_n3A_490, %eq3A_674 : vector<16x128xi32>
    %jit3A_676 = arith.constant -5.000000e-01 : f32
    %jit3A_677 = arith.constant 5.000000e-01 : f32
    %broadcast_in_dim3A_678 = vector.broadcast %jit3A_676 : f32 to vector<16x128xf32>
    %broadcast_in_dim3A_679 = vector.broadcast %jit3A_677 : f32 to vector<16x128xf32>
    %select_n3A_680 = arith.select %eq3A_675, %broadcast_in_dim3A_678, %broadcast_in_dim3A_679 : vector<16x128xi1>, vector<16x128xf32>
    %select_n3A_681 = arith.select %ge3A, %select_n3A_672, %select_n3A_680 : vector<16x128xi1>, vector<16x128xf32>
    %jit3A_682 = arith.constant -1.000000e+00 : f32
    %jit3A_683 = arith.constant 1.000000e+00 : f32
    %broadcast_in_dim3A_684 = vector.broadcast %jit3A_682 : f32 to vector<16x128xf32>
    %broadcast_in_dim3A_685 = vector.broadcast %jit3A_683 : f32 to vector<16x128xf32>
    %select_n3A_686 = arith.select %lt3A_77, %broadcast_in_dim3A_684, %broadcast_in_dim3A_685 : vector<16x128xi1>, vector<16x128xf32>
    %eq3A_687 = arith.constant 7 : i32
    %eq3A_688 = vector.broadcast %eq3A_687 : i32 to vector<16x128xi32>
    %eq3A_689 = arith.cmpi eq, %select_n3A_119, %eq3A_688 : vector<16x128xi32>
    %eq3A_690 = arith.constant 7 : i32
    %eq3A_691 = vector.broadcast %eq3A_690 : i32 to vector<16x128xi32>
    %eq3A_692 = arith.cmpi eq, %select_n3A_210, %eq3A_691 : vector<16x128xi32>
    %or3A_693 = arith.ori %eq3A_689, %eq3A_692 : vector<16x128xi1>
    %jit3A_694 = arith.constant 0.000000e+00 : f32
    %broadcast_in_dim3A_695 = vector.broadcast %jit3A_694 : f32 to vector<16x128xf32>
    %select_n3A_696 = arith.select %or3A_693, %select_n3A_686, %broadcast_in_dim3A_695 : vector<16x128xi1>, vector<16x128xf32>
    %eq3A_697 = arith.constant 1 : i32
    %eq3A_698 = vector.broadcast %eq3A_697 : i32 to vector<16x128xi32>
    %eq3A_699 = arith.cmpi eq, %select_n3A_502, %eq3A_698 : vector<16x128xi32>
    %jit3A_700 = arith.constant -5.000000e-01 : f32
    %jit3A_701 = arith.constant 5.000000e-01 : f32
    %broadcast_in_dim3A_702 = vector.broadcast %jit3A_700 : f32 to vector<16x128xf32>
    %broadcast_in_dim3A_703 = vector.broadcast %jit3A_701 : f32 to vector<16x128xf32>
    %select_n3A_704 = arith.select %eq3A_699, %broadcast_in_dim3A_702, %broadcast_in_dim3A_703 : vector<16x128xi1>, vector<16x128xf32>
    %select_n3A_705 = arith.select %ge3A, %select_n3A_696, %select_n3A_704 : vector<16x128xi1>, vector<16x128xf32>
    %sub3A_706 = arith.subf %get3A_11, %select_n3A_537 : vector<16x128xf32>
    %sub3A_707 = arith.subf %get3A_14, %select_n3A_561 : vector<16x128xf32>
    %sub3A_708 = arith.subf %get3A_17, %select_n3A_585 : vector<16x128xf32>
    %sub3A_709 = arith.subf %get3A_20, %select_n3A_609 : vector<16x128xf32>
    %sub3A_710 = arith.subf %get3A_23, %select_n3A_633 : vector<16x128xf32>
    %sub3A_711 = arith.subf %get3A_26, %select_n3A_657 : vector<16x128xf32>
    %sub3A_712 = arith.subf %get3A_29, %select_n3A_681 : vector<16x128xf32>
    %sub3A_713 = arith.subf %get3A_32, %select_n3A_705 : vector<16x128xf32>
    %convert_element_type3A_714 = arith.truncf %sub3A_706 : vector<16x128xf32> to vector<16x128xbf16>
    %convert_element_type3A_715 = arith.extf %convert_element_type3A_714 : vector<16x128xbf16> to vector<16x128xf32>
    %convert_element_type3A_716 = arith.truncf %sub3A_707 : vector<16x128xf32> to vector<16x128xbf16>
    %convert_element_type3A_717 = arith.extf %convert_element_type3A_716 : vector<16x128xbf16> to vector<16x128xf32>
    %convert_element_type3A_718 = arith.truncf %sub3A_708 : vector<16x128xf32> to vector<16x128xbf16>
    %convert_element_type3A_719 = arith.extf %convert_element_type3A_718 : vector<16x128xbf16> to vector<16x128xf32>
    %convert_element_type3A_720 = arith.truncf %sub3A_709 : vector<16x128xf32> to vector<16x128xbf16>
    %convert_element_type3A_721 = arith.extf %convert_element_type3A_720 : vector<16x128xbf16> to vector<16x128xf32>
    %convert_element_type3A_722 = arith.truncf %sub3A_710 : vector<16x128xf32> to vector<16x128xbf16>
    %convert_element_type3A_723 = arith.extf %convert_element_type3A_722 : vector<16x128xbf16> to vector<16x128xf32>
    %convert_element_type3A_724 = arith.truncf %sub3A_711 : vector<16x128xf32> to vector<16x128xbf16>
    %convert_element_type3A_725 = arith.extf %convert_element_type3A_724 : vector<16x128xbf16> to vector<16x128xf32>
    %convert_element_type3A_726 = arith.truncf %sub3A_712 : vector<16x128xf32> to vector<16x128xbf16>
    %convert_element_type3A_727 = arith.extf %convert_element_type3A_726 : vector<16x128xbf16> to vector<16x128xf32>
    %convert_element_type3A_728 = arith.truncf %sub3A_713 : vector<16x128xf32> to vector<16x128xbf16>
    %convert_element_type3A_729 = arith.extf %convert_element_type3A_728 : vector<16x128xbf16> to vector<16x128xf32>
    %abs3A_730 = math.absf %convert_element_type3A_715 : vector<16x128xf32>
    %abs3A_731 = math.absf %convert_element_type3A_717 : vector<16x128xf32>
    %abs3A_732 = math.absf %convert_element_type3A_719 : vector<16x128xf32>
    %abs3A_733 = math.absf %convert_element_type3A_721 : vector<16x128xf32>
    %abs3A_734 = math.absf %convert_element_type3A_723 : vector<16x128xf32>
    %abs3A_735 = math.absf %convert_element_type3A_725 : vector<16x128xf32>
    %abs3A_736 = math.absf %convert_element_type3A_727 : vector<16x128xf32>
    %abs3A_737 = math.absf %convert_element_type3A_729 : vector<16x128xf32>
    %lt3A_738 = arith.constant 0.000000e+00 : f32
    %lt3A_739 = vector.broadcast %lt3A_738 : f32 to vector<16x128xf32>
    %lt3A_740 = arith.cmpf olt, %convert_element_type3A_715, %lt3A_739 : vector<16x128xf32>
    %lt3A_741 = arith.constant 0.000000e+00 : f32
    %lt3A_742 = vector.broadcast %lt3A_741 : f32 to vector<16x128xf32>
    %lt3A_743 = arith.cmpf olt, %convert_element_type3A_717, %lt3A_742 : vector<16x128xf32>
    %lt3A_744 = arith.constant 0.000000e+00 : f32
    %lt3A_745 = vector.broadcast %lt3A_744 : f32 to vector<16x128xf32>
    %lt3A_746 = arith.cmpf olt, %convert_element_type3A_719, %lt3A_745 : vector<16x128xf32>
    %lt3A_747 = arith.constant 0.000000e+00 : f32
    %lt3A_748 = vector.broadcast %lt3A_747 : f32 to vector<16x128xf32>
    %lt3A_749 = arith.cmpf olt, %convert_element_type3A_721, %lt3A_748 : vector<16x128xf32>
    %lt3A_750 = arith.constant 0.000000e+00 : f32
    %lt3A_751 = vector.broadcast %lt3A_750 : f32 to vector<16x128xf32>
    %lt3A_752 = arith.cmpf olt, %convert_element_type3A_723, %lt3A_751 : vector<16x128xf32>
    %lt3A_753 = arith.constant 0.000000e+00 : f32
    %lt3A_754 = vector.broadcast %lt3A_753 : f32 to vector<16x128xf32>
    %lt3A_755 = arith.cmpf olt, %convert_element_type3A_725, %lt3A_754 : vector<16x128xf32>
    %lt3A_756 = arith.constant 0.000000e+00 : f32
    %lt3A_757 = vector.broadcast %lt3A_756 : f32 to vector<16x128xf32>
    %lt3A_758 = arith.cmpf olt, %convert_element_type3A_727, %lt3A_757 : vector<16x128xf32>
    %lt3A_759 = arith.constant 0.000000e+00 : f32
    %lt3A_760 = vector.broadcast %lt3A_759 : f32 to vector<16x128xf32>
    %lt3A_761 = arith.cmpf olt, %convert_element_type3A_729, %lt3A_760 : vector<16x128xf32>
    %convert_element_type3A_762 = arith.extui %lt3A_740 : vector<16x128xi1> to vector<16x128xi32>
    %convert_element_type3A_763 = arith.extui %lt3A_743 : vector<16x128xi1> to vector<16x128xi32>
    %convert_element_type3A_764 = arith.extui %lt3A_746 : vector<16x128xi1> to vector<16x128xi32>
    %convert_element_type3A_765 = arith.extui %lt3A_749 : vector<16x128xi1> to vector<16x128xi32>
    %convert_element_type3A_766 = arith.extui %lt3A_752 : vector<16x128xi1> to vector<16x128xi32>
    %convert_element_type3A_767 = arith.extui %lt3A_755 : vector<16x128xi1> to vector<16x128xi32>
    %convert_element_type3A_768 = arith.extui %lt3A_758 : vector<16x128xi1> to vector<16x128xi32>
    %convert_element_type3A_769 = arith.extui %lt3A_761 : vector<16x128xi1> to vector<16x128xi32>
    %broadcast_in_dim3A_770 = arith.constant 0 : i32
    %broadcast_in_dim3A_771 = vector.broadcast %broadcast_in_dim3A_770 : i32 to vector<16x128xi32>
    %gt3A_772 = arith.cmpf ogt, %abs3A_731, %abs3A_730 : vector<16x128xf32>
    %select_n3A_773 = arith.select %gt3A_772, %abs3A_731, %abs3A_730 : vector<16x128xi1>, vector<16x128xf32>
    %jit3A_774 = arith.constant 1 : i32
    %broadcast_in_dim3A_775 = vector.broadcast %jit3A_774 : i32 to vector<16x128xi32>
    %select_n3A_776 = arith.select %gt3A_772, %broadcast_in_dim3A_775, %broadcast_in_dim3A_771 : vector<16x128xi1>, vector<16x128xi32>
    %gt3A_777 = arith.cmpf ogt, %abs3A_732, %select_n3A_773 : vector<16x128xf32>
    %select_n3A_778 = arith.select %gt3A_777, %abs3A_732, %select_n3A_773 : vector<16x128xi1>, vector<16x128xf32>
    %jit3A_779 = arith.constant 2 : i32
    %broadcast_in_dim3A_780 = vector.broadcast %jit3A_779 : i32 to vector<16x128xi32>
    %select_n3A_781 = arith.select %gt3A_777, %broadcast_in_dim3A_780, %select_n3A_776 : vector<16x128xi1>, vector<16x128xi32>
    %gt3A_782 = arith.cmpf ogt, %abs3A_733, %select_n3A_778 : vector<16x128xf32>
    %select_n3A_783 = arith.select %gt3A_782, %abs3A_733, %select_n3A_778 : vector<16x128xi1>, vector<16x128xf32>
    %jit3A_784 = arith.constant 3 : i32
    %broadcast_in_dim3A_785 = vector.broadcast %jit3A_784 : i32 to vector<16x128xi32>
    %select_n3A_786 = arith.select %gt3A_782, %broadcast_in_dim3A_785, %select_n3A_781 : vector<16x128xi1>, vector<16x128xi32>
    %gt3A_787 = arith.cmpf ogt, %abs3A_734, %select_n3A_783 : vector<16x128xf32>
    %select_n3A_788 = arith.select %gt3A_787, %abs3A_734, %select_n3A_783 : vector<16x128xi1>, vector<16x128xf32>
    %jit3A_789 = arith.constant 4 : i32
    %broadcast_in_dim3A_790 = vector.broadcast %jit3A_789 : i32 to vector<16x128xi32>
    %select_n3A_791 = arith.select %gt3A_787, %broadcast_in_dim3A_790, %select_n3A_786 : vector<16x128xi1>, vector<16x128xi32>
    %gt3A_792 = arith.cmpf ogt, %abs3A_735, %select_n3A_788 : vector<16x128xf32>
    %select_n3A_793 = arith.select %gt3A_792, %abs3A_735, %select_n3A_788 : vector<16x128xi1>, vector<16x128xf32>
    %jit3A_794 = arith.constant 5 : i32
    %broadcast_in_dim3A_795 = vector.broadcast %jit3A_794 : i32 to vector<16x128xi32>
    %select_n3A_796 = arith.select %gt3A_792, %broadcast_in_dim3A_795, %select_n3A_791 : vector<16x128xi1>, vector<16x128xi32>
    %gt3A_797 = arith.cmpf ogt, %abs3A_736, %select_n3A_793 : vector<16x128xf32>
    %select_n3A_798 = arith.select %gt3A_797, %abs3A_736, %select_n3A_793 : vector<16x128xi1>, vector<16x128xf32>
    %jit3A_799 = arith.constant 6 : i32
    %broadcast_in_dim3A_800 = vector.broadcast %jit3A_799 : i32 to vector<16x128xi32>
    %select_n3A_801 = arith.select %gt3A_797, %broadcast_in_dim3A_800, %select_n3A_796 : vector<16x128xi1>, vector<16x128xi32>
    %gt3A_802 = arith.cmpf ogt, %abs3A_737, %select_n3A_798 : vector<16x128xf32>
    %select_n3A_803 = arith.select %gt3A_802, %abs3A_737, %select_n3A_798 : vector<16x128xi1>, vector<16x128xf32>
    %jit3A_804 = arith.constant 7 : i32
    %broadcast_in_dim3A_805 = vector.broadcast %jit3A_804 : i32 to vector<16x128xi32>
    %select_n3A_806 = arith.select %gt3A_802, %broadcast_in_dim3A_805, %select_n3A_801 : vector<16x128xi1>, vector<16x128xi32>
    %broadcast_in_dim3A_807 = arith.constant -1.000000e+00 : f32
    %broadcast_in_dim3A_808 = vector.broadcast %broadcast_in_dim3A_807 : f32 to vector<16x128xf32>
    %broadcast_in_dim3A_809 = arith.constant 0 : i32
    %broadcast_in_dim3A_810 = vector.broadcast %broadcast_in_dim3A_809 : i32 to vector<16x128xi32>
    %eq3A_811 = arith.constant 0 : i32
    %eq3A_812 = vector.broadcast %eq3A_811 : i32 to vector<16x128xi32>
    %eq3A_813 = arith.cmpi eq, %select_n3A_806, %eq3A_812 : vector<16x128xi32>
    %jit3A_814 = arith.constant -1.000000e+00 : f32
    %broadcast_in_dim3A_815 = vector.broadcast %jit3A_814 : f32 to vector<16x128xf32>
    %select_n3A_816 = arith.select %eq3A_813, %broadcast_in_dim3A_815, %abs3A_730 : vector<16x128xi1>, vector<16x128xf32>
    %gt3A_817 = arith.cmpf ogt, %select_n3A_816, %broadcast_in_dim3A_808 : vector<16x128xf32>
    %select_n3A_818 = arith.select %gt3A_817, %select_n3A_816, %broadcast_in_dim3A_808 : vector<16x128xi1>, vector<16x128xf32>
    %jit3A_819 = arith.constant 0 : i32
    %broadcast_in_dim3A_820 = vector.broadcast %jit3A_819 : i32 to vector<16x128xi32>
    %select_n3A_821 = arith.select %gt3A_817, %broadcast_in_dim3A_820, %broadcast_in_dim3A_810 : vector<16x128xi1>, vector<16x128xi32>
    %eq3A_822 = arith.constant 1 : i32
    %eq3A_823 = vector.broadcast %eq3A_822 : i32 to vector<16x128xi32>
    %eq3A_824 = arith.cmpi eq, %select_n3A_806, %eq3A_823 : vector<16x128xi32>
    %jit3A_825 = arith.constant -1.000000e+00 : f32
    %broadcast_in_dim3A_826 = vector.broadcast %jit3A_825 : f32 to vector<16x128xf32>
    %select_n3A_827 = arith.select %eq3A_824, %broadcast_in_dim3A_826, %abs3A_731 : vector<16x128xi1>, vector<16x128xf32>
    %gt3A_828 = arith.cmpf ogt, %select_n3A_827, %select_n3A_818 : vector<16x128xf32>
    %select_n3A_829 = arith.select %gt3A_828, %select_n3A_827, %select_n3A_818 : vector<16x128xi1>, vector<16x128xf32>
    %jit3A_830 = arith.constant 1 : i32
    %broadcast_in_dim3A_831 = vector.broadcast %jit3A_830 : i32 to vector<16x128xi32>
    %select_n3A_832 = arith.select %gt3A_828, %broadcast_in_dim3A_831, %select_n3A_821 : vector<16x128xi1>, vector<16x128xi32>
    %eq3A_833 = arith.constant 2 : i32
    %eq3A_834 = vector.broadcast %eq3A_833 : i32 to vector<16x128xi32>
    %eq3A_835 = arith.cmpi eq, %select_n3A_806, %eq3A_834 : vector<16x128xi32>
    %jit3A_836 = arith.constant -1.000000e+00 : f32
    %broadcast_in_dim3A_837 = vector.broadcast %jit3A_836 : f32 to vector<16x128xf32>
    %select_n3A_838 = arith.select %eq3A_835, %broadcast_in_dim3A_837, %abs3A_732 : vector<16x128xi1>, vector<16x128xf32>
    %gt3A_839 = arith.cmpf ogt, %select_n3A_838, %select_n3A_829 : vector<16x128xf32>
    %select_n3A_840 = arith.select %gt3A_839, %select_n3A_838, %select_n3A_829 : vector<16x128xi1>, vector<16x128xf32>
    %jit3A_841 = arith.constant 2 : i32
    %broadcast_in_dim3A_842 = vector.broadcast %jit3A_841 : i32 to vector<16x128xi32>
    %select_n3A_843 = arith.select %gt3A_839, %broadcast_in_dim3A_842, %select_n3A_832 : vector<16x128xi1>, vector<16x128xi32>
    %eq3A_844 = arith.constant 3 : i32
    %eq3A_845 = vector.broadcast %eq3A_844 : i32 to vector<16x128xi32>
    %eq3A_846 = arith.cmpi eq, %select_n3A_806, %eq3A_845 : vector<16x128xi32>
    %jit3A_847 = arith.constant -1.000000e+00 : f32
    %broadcast_in_dim3A_848 = vector.broadcast %jit3A_847 : f32 to vector<16x128xf32>
    %select_n3A_849 = arith.select %eq3A_846, %broadcast_in_dim3A_848, %abs3A_733 : vector<16x128xi1>, vector<16x128xf32>
    %gt3A_850 = arith.cmpf ogt, %select_n3A_849, %select_n3A_840 : vector<16x128xf32>
    %select_n3A_851 = arith.select %gt3A_850, %select_n3A_849, %select_n3A_840 : vector<16x128xi1>, vector<16x128xf32>
    %jit3A_852 = arith.constant 3 : i32
    %broadcast_in_dim3A_853 = vector.broadcast %jit3A_852 : i32 to vector<16x128xi32>
    %select_n3A_854 = arith.select %gt3A_850, %broadcast_in_dim3A_853, %select_n3A_843 : vector<16x128xi1>, vector<16x128xi32>
    %eq3A_855 = arith.constant 4 : i32
    %eq3A_856 = vector.broadcast %eq3A_855 : i32 to vector<16x128xi32>
    %eq3A_857 = arith.cmpi eq, %select_n3A_806, %eq3A_856 : vector<16x128xi32>
    %jit3A_858 = arith.constant -1.000000e+00 : f32
    %broadcast_in_dim3A_859 = vector.broadcast %jit3A_858 : f32 to vector<16x128xf32>
    %select_n3A_860 = arith.select %eq3A_857, %broadcast_in_dim3A_859, %abs3A_734 : vector<16x128xi1>, vector<16x128xf32>
    %gt3A_861 = arith.cmpf ogt, %select_n3A_860, %select_n3A_851 : vector<16x128xf32>
    %select_n3A_862 = arith.select %gt3A_861, %select_n3A_860, %select_n3A_851 : vector<16x128xi1>, vector<16x128xf32>
    %jit3A_863 = arith.constant 4 : i32
    %broadcast_in_dim3A_864 = vector.broadcast %jit3A_863 : i32 to vector<16x128xi32>
    %select_n3A_865 = arith.select %gt3A_861, %broadcast_in_dim3A_864, %select_n3A_854 : vector<16x128xi1>, vector<16x128xi32>
    %eq3A_866 = arith.constant 5 : i32
    %eq3A_867 = vector.broadcast %eq3A_866 : i32 to vector<16x128xi32>
    %eq3A_868 = arith.cmpi eq, %select_n3A_806, %eq3A_867 : vector<16x128xi32>
    %jit3A_869 = arith.constant -1.000000e+00 : f32
    %broadcast_in_dim3A_870 = vector.broadcast %jit3A_869 : f32 to vector<16x128xf32>
    %select_n3A_871 = arith.select %eq3A_868, %broadcast_in_dim3A_870, %abs3A_735 : vector<16x128xi1>, vector<16x128xf32>
    %gt3A_872 = arith.cmpf ogt, %select_n3A_871, %select_n3A_862 : vector<16x128xf32>
    %select_n3A_873 = arith.select %gt3A_872, %select_n3A_871, %select_n3A_862 : vector<16x128xi1>, vector<16x128xf32>
    %jit3A_874 = arith.constant 5 : i32
    %broadcast_in_dim3A_875 = vector.broadcast %jit3A_874 : i32 to vector<16x128xi32>
    %select_n3A_876 = arith.select %gt3A_872, %broadcast_in_dim3A_875, %select_n3A_865 : vector<16x128xi1>, vector<16x128xi32>
    %eq3A_877 = arith.constant 6 : i32
    %eq3A_878 = vector.broadcast %eq3A_877 : i32 to vector<16x128xi32>
    %eq3A_879 = arith.cmpi eq, %select_n3A_806, %eq3A_878 : vector<16x128xi32>
    %jit3A_880 = arith.constant -1.000000e+00 : f32
    %broadcast_in_dim3A_881 = vector.broadcast %jit3A_880 : f32 to vector<16x128xf32>
    %select_n3A_882 = arith.select %eq3A_879, %broadcast_in_dim3A_881, %abs3A_736 : vector<16x128xi1>, vector<16x128xf32>
    %gt3A_883 = arith.cmpf ogt, %select_n3A_882, %select_n3A_873 : vector<16x128xf32>
    %select_n3A_884 = arith.select %gt3A_883, %select_n3A_882, %select_n3A_873 : vector<16x128xi1>, vector<16x128xf32>
    %jit3A_885 = arith.constant 6 : i32
    %broadcast_in_dim3A_886 = vector.broadcast %jit3A_885 : i32 to vector<16x128xi32>
    %select_n3A_887 = arith.select %gt3A_883, %broadcast_in_dim3A_886, %select_n3A_876 : vector<16x128xi1>, vector<16x128xi32>
    %eq3A_888 = arith.constant 7 : i32
    %eq3A_889 = vector.broadcast %eq3A_888 : i32 to vector<16x128xi32>
    %eq3A_890 = arith.cmpi eq, %select_n3A_806, %eq3A_889 : vector<16x128xi32>
    %jit3A_891 = arith.constant -1.000000e+00 : f32
    %broadcast_in_dim3A_892 = vector.broadcast %jit3A_891 : f32 to vector<16x128xf32>
    %select_n3A_893 = arith.select %eq3A_890, %broadcast_in_dim3A_892, %abs3A_737 : vector<16x128xi1>, vector<16x128xf32>
    %gt3A_894 = arith.cmpf ogt, %select_n3A_893, %select_n3A_884 : vector<16x128xf32>
    %select_n3A_895 = arith.select %gt3A_894, %select_n3A_893, %select_n3A_884 : vector<16x128xi1>, vector<16x128xf32>
    %jit3A_896 = arith.constant 7 : i32
    %broadcast_in_dim3A_897 = vector.broadcast %jit3A_896 : i32 to vector<16x128xi32>
    %select_n3A_898 = arith.select %gt3A_894, %broadcast_in_dim3A_897, %select_n3A_887 : vector<16x128xi1>, vector<16x128xi32>
    %add3A_899 = arith.addf %select_n3A_803, %select_n3A_895 : vector<16x128xf32>
    %add3A_900 = arith.addf %abs3A_730, %abs3A_731 : vector<16x128xf32>
    %min3A_901 = arith.minimumf %abs3A_730, %abs3A_731 : vector<16x128xf32>
    %add3A_902 = arith.addf %add3A_900, %abs3A_732 : vector<16x128xf32>
    %min3A_903 = arith.minimumf %min3A_901, %abs3A_732 : vector<16x128xf32>
    %add3A_904 = arith.addf %add3A_902, %abs3A_733 : vector<16x128xf32>
    %min3A_905 = arith.minimumf %min3A_903, %abs3A_733 : vector<16x128xf32>
    %add3A_906 = arith.addf %add3A_904, %abs3A_734 : vector<16x128xf32>
    %min3A_907 = arith.minimumf %min3A_905, %abs3A_734 : vector<16x128xf32>
    %add3A_908 = arith.addf %add3A_906, %abs3A_735 : vector<16x128xf32>
    %min3A_909 = arith.minimumf %min3A_907, %abs3A_735 : vector<16x128xf32>
    %add3A_910 = arith.addf %add3A_908, %abs3A_736 : vector<16x128xf32>
    %min3A_911 = arith.minimumf %min3A_909, %abs3A_736 : vector<16x128xf32>
    %add3A_912 = arith.addf %add3A_910, %abs3A_737 : vector<16x128xf32>
    %min3A_913 = arith.minimumf %min3A_911, %abs3A_737 : vector<16x128xf32>
    %eq3A_914 = arith.cmpf oeq, %abs3A_730, %min3A_913 : vector<16x128xf32>
    %and3A_915 = arith.andi %eq3A_914, %lt3A_740 : vector<16x128xi1>
    %broadcast_in_dim3A_916 = arith.constant 0 : i32
    %broadcast_in_dim3A_917 = vector.broadcast %broadcast_in_dim3A_916 : i32 to vector<16x128xi32>
    %eq3A_918 = arith.cmpf oeq, %abs3A_730, %min3A_913 : vector<16x128xf32>
    %and3A_919 = arith.andi %eq3A_918, %lt3A_740 : vector<16x128xi1>
    %jit3A_920 = arith.constant 0 : i32
    %broadcast_in_dim3A_921 = vector.broadcast %jit3A_920 : i32 to vector<16x128xi32>
    %select_n3A_922 = arith.select %and3A_919, %broadcast_in_dim3A_921, %broadcast_in_dim3A_917 : vector<16x128xi1>, vector<16x128xi32>
    %eq3A_923 = arith.cmpf oeq, %abs3A_731, %min3A_913 : vector<16x128xf32>
    %and3A_924 = arith.andi %eq3A_923, %lt3A_743 : vector<16x128xi1>
    %jit3A_925 = arith.constant 1 : i32
    %broadcast_in_dim3A_926 = vector.broadcast %jit3A_925 : i32 to vector<16x128xi32>
    %select_n3A_927 = arith.select %and3A_924, %broadcast_in_dim3A_926, %select_n3A_922 : vector<16x128xi1>, vector<16x128xi32>
    %or3A_928 = arith.ori %and3A_915, %and3A_924 : vector<16x128xi1>
    %eq3A_929 = arith.cmpf oeq, %abs3A_732, %min3A_913 : vector<16x128xf32>
    %and3A_930 = arith.andi %eq3A_929, %lt3A_746 : vector<16x128xi1>
    %jit3A_931 = arith.constant 2 : i32
    %broadcast_in_dim3A_932 = vector.broadcast %jit3A_931 : i32 to vector<16x128xi32>
    %select_n3A_933 = arith.select %and3A_930, %broadcast_in_dim3A_932, %select_n3A_927 : vector<16x128xi1>, vector<16x128xi32>
    %or3A_934 = arith.ori %or3A_928, %and3A_930 : vector<16x128xi1>
    %eq3A_935 = arith.cmpf oeq, %abs3A_733, %min3A_913 : vector<16x128xf32>
    %and3A_936 = arith.andi %eq3A_935, %lt3A_749 : vector<16x128xi1>
    %jit3A_937 = arith.constant 3 : i32
    %broadcast_in_dim3A_938 = vector.broadcast %jit3A_937 : i32 to vector<16x128xi32>
    %select_n3A_939 = arith.select %and3A_936, %broadcast_in_dim3A_938, %select_n3A_933 : vector<16x128xi1>, vector<16x128xi32>
    %or3A_940 = arith.ori %or3A_934, %and3A_936 : vector<16x128xi1>
    %eq3A_941 = arith.cmpf oeq, %abs3A_734, %min3A_913 : vector<16x128xf32>
    %and3A_942 = arith.andi %eq3A_941, %lt3A_752 : vector<16x128xi1>
    %jit3A_943 = arith.constant 4 : i32
    %broadcast_in_dim3A_944 = vector.broadcast %jit3A_943 : i32 to vector<16x128xi32>
    %select_n3A_945 = arith.select %and3A_942, %broadcast_in_dim3A_944, %select_n3A_939 : vector<16x128xi1>, vector<16x128xi32>
    %or3A_946 = arith.ori %or3A_940, %and3A_942 : vector<16x128xi1>
    %eq3A_947 = arith.cmpf oeq, %abs3A_735, %min3A_913 : vector<16x128xf32>
    %and3A_948 = arith.andi %eq3A_947, %lt3A_755 : vector<16x128xi1>
    %jit3A_949 = arith.constant 5 : i32
    %broadcast_in_dim3A_950 = vector.broadcast %jit3A_949 : i32 to vector<16x128xi32>
    %select_n3A_951 = arith.select %and3A_948, %broadcast_in_dim3A_950, %select_n3A_945 : vector<16x128xi1>, vector<16x128xi32>
    %or3A_952 = arith.ori %or3A_946, %and3A_948 : vector<16x128xi1>
    %eq3A_953 = arith.cmpf oeq, %abs3A_736, %min3A_913 : vector<16x128xf32>
    %and3A_954 = arith.andi %eq3A_953, %lt3A_758 : vector<16x128xi1>
    %jit3A_955 = arith.constant 6 : i32
    %broadcast_in_dim3A_956 = vector.broadcast %jit3A_955 : i32 to vector<16x128xi32>
    %select_n3A_957 = arith.select %and3A_954, %broadcast_in_dim3A_956, %select_n3A_951 : vector<16x128xi1>, vector<16x128xi32>
    %or3A_958 = arith.ori %or3A_952, %and3A_954 : vector<16x128xi1>
    %eq3A_959 = arith.cmpf oeq, %abs3A_737, %min3A_913 : vector<16x128xf32>
    %and3A_960 = arith.andi %eq3A_959, %lt3A_761 : vector<16x128xi1>
    %jit3A_961 = arith.constant 7 : i32
    %broadcast_in_dim3A_962 = vector.broadcast %jit3A_961 : i32 to vector<16x128xi32>
    %select_n3A_963 = arith.select %and3A_960, %broadcast_in_dim3A_962, %select_n3A_957 : vector<16x128xi1>, vector<16x128xi32>
    %or3A_964 = arith.ori %or3A_958, %and3A_960 : vector<16x128xi1>
    %broadcast_in_dim3A_965 = arith.constant 0 : i32
    %broadcast_in_dim3A_966 = vector.broadcast %broadcast_in_dim3A_965 : i32 to vector<16x128xi32>
    %eq3A_967 = arith.cmpf oeq, %abs3A_737, %min3A_913 : vector<16x128xf32>
    %jit3A_968 = arith.constant 7 : i32
    %broadcast_in_dim3A_969 = vector.broadcast %jit3A_968 : i32 to vector<16x128xi32>
    %select_n3A_970 = arith.select %eq3A_967, %broadcast_in_dim3A_969, %broadcast_in_dim3A_966 : vector<16x128xi1>, vector<16x128xi32>
    %eq3A_971 = arith.cmpf oeq, %abs3A_736, %min3A_913 : vector<16x128xf32>
    %jit3A_972 = arith.constant 6 : i32
    %broadcast_in_dim3A_973 = vector.broadcast %jit3A_972 : i32 to vector<16x128xi32>
    %select_n3A_974 = arith.select %eq3A_971, %broadcast_in_dim3A_973, %select_n3A_970 : vector<16x128xi1>, vector<16x128xi32>
    %eq3A_975 = arith.cmpf oeq, %abs3A_735, %min3A_913 : vector<16x128xf32>
    %jit3A_976 = arith.constant 5 : i32
    %broadcast_in_dim3A_977 = vector.broadcast %jit3A_976 : i32 to vector<16x128xi32>
    %select_n3A_978 = arith.select %eq3A_975, %broadcast_in_dim3A_977, %select_n3A_974 : vector<16x128xi1>, vector<16x128xi32>
    %eq3A_979 = arith.cmpf oeq, %abs3A_734, %min3A_913 : vector<16x128xf32>
    %jit3A_980 = arith.constant 4 : i32
    %broadcast_in_dim3A_981 = vector.broadcast %jit3A_980 : i32 to vector<16x128xi32>
    %select_n3A_982 = arith.select %eq3A_979, %broadcast_in_dim3A_981, %select_n3A_978 : vector<16x128xi1>, vector<16x128xi32>
    %eq3A_983 = arith.cmpf oeq, %abs3A_733, %min3A_913 : vector<16x128xf32>
    %jit3A_984 = arith.constant 3 : i32
    %broadcast_in_dim3A_985 = vector.broadcast %jit3A_984 : i32 to vector<16x128xi32>
    %select_n3A_986 = arith.select %eq3A_983, %broadcast_in_dim3A_985, %select_n3A_982 : vector<16x128xi1>, vector<16x128xi32>
    %eq3A_987 = arith.cmpf oeq, %abs3A_732, %min3A_913 : vector<16x128xf32>
    %jit3A_988 = arith.constant 2 : i32
    %broadcast_in_dim3A_989 = vector.broadcast %jit3A_988 : i32 to vector<16x128xi32>
    %select_n3A_990 = arith.select %eq3A_987, %broadcast_in_dim3A_989, %select_n3A_986 : vector<16x128xi1>, vector<16x128xi32>
    %eq3A_991 = arith.cmpf oeq, %abs3A_731, %min3A_913 : vector<16x128xf32>
    %jit3A_992 = arith.constant 1 : i32
    %broadcast_in_dim3A_993 = vector.broadcast %jit3A_992 : i32 to vector<16x128xi32>
    %select_n3A_994 = arith.select %eq3A_991, %broadcast_in_dim3A_993, %select_n3A_990 : vector<16x128xi1>, vector<16x128xi32>
    %eq3A_995 = arith.cmpf oeq, %abs3A_730, %min3A_913 : vector<16x128xf32>
    %jit3A_996 = arith.constant 0 : i32
    %broadcast_in_dim3A_997 = vector.broadcast %jit3A_996 : i32 to vector<16x128xi32>
    %select_n3A_998 = arith.select %eq3A_995, %broadcast_in_dim3A_997, %select_n3A_994 : vector<16x128xi1>, vector<16x128xi32>
    %select_n3A_999 = arith.select %or3A_964, %select_n3A_963, %select_n3A_998 : vector<16x128xi1>, vector<16x128xi32>
    %xor3A_1000 = arith.xori %convert_element_type3A_762, %convert_element_type3A_763 : vector<16x128xi32>
    %xor3A_1001 = arith.xori %xor3A_1000, %convert_element_type3A_764 : vector<16x128xi32>
    %xor3A_1002 = arith.xori %xor3A_1001, %convert_element_type3A_765 : vector<16x128xi32>
    %xor3A_1003 = arith.xori %xor3A_1002, %convert_element_type3A_766 : vector<16x128xi32>
    %xor3A_1004 = arith.xori %xor3A_1003, %convert_element_type3A_767 : vector<16x128xi32>
    %xor3A_1005 = arith.xori %xor3A_1004, %convert_element_type3A_768 : vector<16x128xi32>
    %xor3A_1006 = arith.xori %xor3A_1005, %convert_element_type3A_769 : vector<16x128xi32>
    %eq3A_1007 = arith.constant 1 : i32
    %eq3A_1008 = vector.broadcast %eq3A_1007 : i32 to vector<16x128xi32>
    %eq3A_1009 = arith.cmpi eq, %xor3A_1006, %eq3A_1008 : vector<16x128xi32>
    %mul3A_1010 = arith.constant 5.000000e-01 : f32
    %mul3A_1011 = vector.broadcast %mul3A_1010 : f32 to vector<16x128xf32>
    %mul3A_1012 = arith.mulf %mul3A_1011, %add3A_912 : vector<16x128xf32>
    %jit3A_1013 = arith.constant 0.000000e+00 : f32
    %broadcast_in_dim3A_1014 = vector.broadcast %jit3A_1013 : f32 to vector<16x128xf32>
    %select_n3A_1015 = arith.select %eq3A_1009, %min3A_913, %broadcast_in_dim3A_1014 : vector<16x128xi1>, vector<16x128xf32>
    %sub3A_1016 = arith.subf %mul3A_1012, %select_n3A_1015 : vector<16x128xf32>
    %ge3A_1017 = arith.cmpf oge, %add3A_899, %sub3A_1016 : vector<16x128xf32>
    %min3A_1018 = arith.minsi %select_n3A_806, %select_n3A_898 : vector<16x128xi32>
    %max3A_1019 = arith.maxsi %select_n3A_806, %select_n3A_898 : vector<16x128xi32>
    %sub3A_1020 = arith.constant 15 : i32
    %sub3A_1021 = vector.broadcast %sub3A_1020 : i32 to vector<16x128xi32>
    %sub3A_1022 = arith.subi %sub3A_1021, %min3A_1018 : vector<16x128xi32>
    %mul3A_1023 = arith.muli %min3A_1018, %sub3A_1022 : vector<16x128xi32>
    %shift_right_arithmetic3A_1024 = arith.constant 1 : i32
    %shift_right_arithmetic3A_1025 = vector.broadcast %shift_right_arithmetic3A_1024 : i32 to vector<16x128xi32>
    %shift_right_arithmetic3A_1026 = arith.shrsi %mul3A_1023, %shift_right_arithmetic3A_1025 : vector<16x128xi32>
    %sub3A_1027 = arith.subi %max3A_1019, %min3A_1018 : vector<16x128xi32>
    %sub3A_1028 = arith.constant 1 : i32
    %sub3A_1029 = vector.broadcast %sub3A_1028 : i32 to vector<16x128xi32>
    %sub3A_1030 = arith.subi %sub3A_1027, %sub3A_1029 : vector<16x128xi32>
    %add3A_1031 = arith.addi %shift_right_arithmetic3A_1026, %sub3A_1030 : vector<16x128xi32>
    %broadcast_in_dim3A_1032 = arith.constant 0 : i32
    %broadcast_in_dim3A_1033 = vector.broadcast %broadcast_in_dim3A_1032 : i32 to vector<16x128xi32>
    %broadcast_in_dim3A_1034 = arith.constant 0 : i32
    %broadcast_in_dim3A_1035 = vector.broadcast %broadcast_in_dim3A_1034 : i32 to vector<16x128xi32>
    %eq3A_1036 = arith.constant 0 : i32
    %eq3A_1037 = vector.broadcast %eq3A_1036 : i32 to vector<16x128xi32>
    %eq3A_1038 = arith.cmpi eq, %min3A_1018, %eq3A_1037 : vector<16x128xi32>
    %select_n3A_1039 = arith.select %eq3A_1038, %convert_element_type3A_762, %broadcast_in_dim3A_1033 : vector<16x128xi1>, vector<16x128xi32>
    %eq3A_1040 = arith.constant 0 : i32
    %eq3A_1041 = vector.broadcast %eq3A_1040 : i32 to vector<16x128xi32>
    %eq3A_1042 = arith.cmpi eq, %max3A_1019, %eq3A_1041 : vector<16x128xi32>
    %select_n3A_1043 = arith.select %eq3A_1042, %convert_element_type3A_762, %broadcast_in_dim3A_1035 : vector<16x128xi1>, vector<16x128xi32>
    %eq3A_1044 = arith.constant 1 : i32
    %eq3A_1045 = vector.broadcast %eq3A_1044 : i32 to vector<16x128xi32>
    %eq3A_1046 = arith.cmpi eq, %min3A_1018, %eq3A_1045 : vector<16x128xi32>
    %select_n3A_1047 = arith.select %eq3A_1046, %convert_element_type3A_763, %select_n3A_1039 : vector<16x128xi1>, vector<16x128xi32>
    %eq3A_1048 = arith.constant 1 : i32
    %eq3A_1049 = vector.broadcast %eq3A_1048 : i32 to vector<16x128xi32>
    %eq3A_1050 = arith.cmpi eq, %max3A_1019, %eq3A_1049 : vector<16x128xi32>
    %select_n3A_1051 = arith.select %eq3A_1050, %convert_element_type3A_763, %select_n3A_1043 : vector<16x128xi1>, vector<16x128xi32>
    %eq3A_1052 = arith.constant 2 : i32
    %eq3A_1053 = vector.broadcast %eq3A_1052 : i32 to vector<16x128xi32>
    %eq3A_1054 = arith.cmpi eq, %min3A_1018, %eq3A_1053 : vector<16x128xi32>
    %select_n3A_1055 = arith.select %eq3A_1054, %convert_element_type3A_764, %select_n3A_1047 : vector<16x128xi1>, vector<16x128xi32>
    %eq3A_1056 = arith.constant 2 : i32
    %eq3A_1057 = vector.broadcast %eq3A_1056 : i32 to vector<16x128xi32>
    %eq3A_1058 = arith.cmpi eq, %max3A_1019, %eq3A_1057 : vector<16x128xi32>
    %select_n3A_1059 = arith.select %eq3A_1058, %convert_element_type3A_764, %select_n3A_1051 : vector<16x128xi1>, vector<16x128xi32>
    %eq3A_1060 = arith.constant 3 : i32
    %eq3A_1061 = vector.broadcast %eq3A_1060 : i32 to vector<16x128xi32>
    %eq3A_1062 = arith.cmpi eq, %min3A_1018, %eq3A_1061 : vector<16x128xi32>
    %select_n3A_1063 = arith.select %eq3A_1062, %convert_element_type3A_765, %select_n3A_1055 : vector<16x128xi1>, vector<16x128xi32>
    %eq3A_1064 = arith.constant 3 : i32
    %eq3A_1065 = vector.broadcast %eq3A_1064 : i32 to vector<16x128xi32>
    %eq3A_1066 = arith.cmpi eq, %max3A_1019, %eq3A_1065 : vector<16x128xi32>
    %select_n3A_1067 = arith.select %eq3A_1066, %convert_element_type3A_765, %select_n3A_1059 : vector<16x128xi1>, vector<16x128xi32>
    %eq3A_1068 = arith.constant 4 : i32
    %eq3A_1069 = vector.broadcast %eq3A_1068 : i32 to vector<16x128xi32>
    %eq3A_1070 = arith.cmpi eq, %min3A_1018, %eq3A_1069 : vector<16x128xi32>
    %select_n3A_1071 = arith.select %eq3A_1070, %convert_element_type3A_766, %select_n3A_1063 : vector<16x128xi1>, vector<16x128xi32>
    %eq3A_1072 = arith.constant 4 : i32
    %eq3A_1073 = vector.broadcast %eq3A_1072 : i32 to vector<16x128xi32>
    %eq3A_1074 = arith.cmpi eq, %max3A_1019, %eq3A_1073 : vector<16x128xi32>
    %select_n3A_1075 = arith.select %eq3A_1074, %convert_element_type3A_766, %select_n3A_1067 : vector<16x128xi1>, vector<16x128xi32>
    %eq3A_1076 = arith.constant 5 : i32
    %eq3A_1077 = vector.broadcast %eq3A_1076 : i32 to vector<16x128xi32>
    %eq3A_1078 = arith.cmpi eq, %min3A_1018, %eq3A_1077 : vector<16x128xi32>
    %select_n3A_1079 = arith.select %eq3A_1078, %convert_element_type3A_767, %select_n3A_1071 : vector<16x128xi1>, vector<16x128xi32>
    %eq3A_1080 = arith.constant 5 : i32
    %eq3A_1081 = vector.broadcast %eq3A_1080 : i32 to vector<16x128xi32>
    %eq3A_1082 = arith.cmpi eq, %max3A_1019, %eq3A_1081 : vector<16x128xi32>
    %select_n3A_1083 = arith.select %eq3A_1082, %convert_element_type3A_767, %select_n3A_1075 : vector<16x128xi1>, vector<16x128xi32>
    %eq3A_1084 = arith.constant 6 : i32
    %eq3A_1085 = vector.broadcast %eq3A_1084 : i32 to vector<16x128xi32>
    %eq3A_1086 = arith.cmpi eq, %min3A_1018, %eq3A_1085 : vector<16x128xi32>
    %select_n3A_1087 = arith.select %eq3A_1086, %convert_element_type3A_768, %select_n3A_1079 : vector<16x128xi1>, vector<16x128xi32>
    %eq3A_1088 = arith.constant 6 : i32
    %eq3A_1089 = vector.broadcast %eq3A_1088 : i32 to vector<16x128xi32>
    %eq3A_1090 = arith.cmpi eq, %max3A_1019, %eq3A_1089 : vector<16x128xi32>
    %select_n3A_1091 = arith.select %eq3A_1090, %convert_element_type3A_768, %select_n3A_1083 : vector<16x128xi1>, vector<16x128xi32>
    %eq3A_1092 = arith.constant 7 : i32
    %eq3A_1093 = vector.broadcast %eq3A_1092 : i32 to vector<16x128xi32>
    %eq3A_1094 = arith.cmpi eq, %min3A_1018, %eq3A_1093 : vector<16x128xi32>
    %select_n3A_1095 = arith.select %eq3A_1094, %convert_element_type3A_769, %select_n3A_1087 : vector<16x128xi1>, vector<16x128xi32>
    %eq3A_1096 = arith.constant 7 : i32
    %eq3A_1097 = vector.broadcast %eq3A_1096 : i32 to vector<16x128xi32>
    %eq3A_1098 = arith.cmpi eq, %max3A_1019, %eq3A_1097 : vector<16x128xi32>
    %select_n3A_1099 = arith.select %eq3A_1098, %convert_element_type3A_769, %select_n3A_1091 : vector<16x128xi1>, vector<16x128xi32>
    %mul3A_1100 = arith.constant 4 : i32
    %mul3A_1101 = vector.broadcast %mul3A_1100 : i32 to vector<16x128xi32>
    %mul3A_1102 = arith.muli %mul3A_1101, %add3A_1031 : vector<16x128xi32>
    %mul3A_1103 = arith.constant 2 : i32
    %mul3A_1104 = vector.broadcast %mul3A_1103 : i32 to vector<16x128xi32>
    %mul3A_1105 = arith.muli %mul3A_1104, %select_n3A_1095 : vector<16x128xi32>
    %add3A_1106 = arith.addi %mul3A_1102, %mul3A_1105 : vector<16x128xi32>
    %add3A_1107 = arith.addi %add3A_1106, %select_n3A_1099 : vector<16x128xi32>
    %broadcast_in_dim3A_1108 = arith.constant 0 : i32
    %broadcast_in_dim3A_1109 = vector.broadcast %broadcast_in_dim3A_1108 : i32 to vector<16x128xi32>
    %eq3A_1110 = arith.constant 0 : i32
    %eq3A_1111 = vector.broadcast %eq3A_1110 : i32 to vector<16x128xi32>
    %eq3A_1112 = arith.cmpi eq, %select_n3A_999, %eq3A_1111 : vector<16x128xi32>
    %and3A_1113 = arith.andi %eq3A_1009, %eq3A_1112 : vector<16x128xi1>
    %sub3A_1114 = arith.constant 1 : i32
    %sub3A_1115 = vector.broadcast %sub3A_1114 : i32 to vector<16x128xi32>
    %sub3A_1116 = arith.subi %sub3A_1115, %convert_element_type3A_762 : vector<16x128xi32>
    %select_n3A_1117 = arith.select %and3A_1113, %sub3A_1116, %convert_element_type3A_762 : vector<16x128xi1>, vector<16x128xi32>
    %shift_left3A_1118 = arith.constant 0 : i32
    %shift_left3A_1119 = vector.broadcast %shift_left3A_1118 : i32 to vector<16x128xi32>
    %shift_left3A_1120 = arith.shli %select_n3A_1117, %shift_left3A_1119 : vector<16x128xi32>
    %add3A_1121 = arith.addi %broadcast_in_dim3A_1109, %shift_left3A_1120 : vector<16x128xi32>
    %eq3A_1122 = arith.constant 1 : i32
    %eq3A_1123 = vector.broadcast %eq3A_1122 : i32 to vector<16x128xi32>
    %eq3A_1124 = arith.cmpi eq, %select_n3A_999, %eq3A_1123 : vector<16x128xi32>
    %and3A_1125 = arith.andi %eq3A_1009, %eq3A_1124 : vector<16x128xi1>
    %sub3A_1126 = arith.constant 1 : i32
    %sub3A_1127 = vector.broadcast %sub3A_1126 : i32 to vector<16x128xi32>
    %sub3A_1128 = arith.subi %sub3A_1127, %convert_element_type3A_763 : vector<16x128xi32>
    %select_n3A_1129 = arith.select %and3A_1125, %sub3A_1128, %convert_element_type3A_763 : vector<16x128xi1>, vector<16x128xi32>
    %shift_left3A_1130 = arith.constant 1 : i32
    %shift_left3A_1131 = vector.broadcast %shift_left3A_1130 : i32 to vector<16x128xi32>
    %shift_left3A_1132 = arith.shli %select_n3A_1129, %shift_left3A_1131 : vector<16x128xi32>
    %add3A_1133 = arith.addi %add3A_1121, %shift_left3A_1132 : vector<16x128xi32>
    %eq3A_1134 = arith.constant 2 : i32
    %eq3A_1135 = vector.broadcast %eq3A_1134 : i32 to vector<16x128xi32>
    %eq3A_1136 = arith.cmpi eq, %select_n3A_999, %eq3A_1135 : vector<16x128xi32>
    %and3A_1137 = arith.andi %eq3A_1009, %eq3A_1136 : vector<16x128xi1>
    %sub3A_1138 = arith.constant 1 : i32
    %sub3A_1139 = vector.broadcast %sub3A_1138 : i32 to vector<16x128xi32>
    %sub3A_1140 = arith.subi %sub3A_1139, %convert_element_type3A_764 : vector<16x128xi32>
    %select_n3A_1141 = arith.select %and3A_1137, %sub3A_1140, %convert_element_type3A_764 : vector<16x128xi1>, vector<16x128xi32>
    %shift_left3A_1142 = arith.constant 2 : i32
    %shift_left3A_1143 = vector.broadcast %shift_left3A_1142 : i32 to vector<16x128xi32>
    %shift_left3A_1144 = arith.shli %select_n3A_1141, %shift_left3A_1143 : vector<16x128xi32>
    %add3A_1145 = arith.addi %add3A_1133, %shift_left3A_1144 : vector<16x128xi32>
    %eq3A_1146 = arith.constant 3 : i32
    %eq3A_1147 = vector.broadcast %eq3A_1146 : i32 to vector<16x128xi32>
    %eq3A_1148 = arith.cmpi eq, %select_n3A_999, %eq3A_1147 : vector<16x128xi32>
    %and3A_1149 = arith.andi %eq3A_1009, %eq3A_1148 : vector<16x128xi1>
    %sub3A_1150 = arith.constant 1 : i32
    %sub3A_1151 = vector.broadcast %sub3A_1150 : i32 to vector<16x128xi32>
    %sub3A_1152 = arith.subi %sub3A_1151, %convert_element_type3A_765 : vector<16x128xi32>
    %select_n3A_1153 = arith.select %and3A_1149, %sub3A_1152, %convert_element_type3A_765 : vector<16x128xi1>, vector<16x128xi32>
    %shift_left3A_1154 = arith.constant 3 : i32
    %shift_left3A_1155 = vector.broadcast %shift_left3A_1154 : i32 to vector<16x128xi32>
    %shift_left3A_1156 = arith.shli %select_n3A_1153, %shift_left3A_1155 : vector<16x128xi32>
    %add3A_1157 = arith.addi %add3A_1145, %shift_left3A_1156 : vector<16x128xi32>
    %eq3A_1158 = arith.constant 4 : i32
    %eq3A_1159 = vector.broadcast %eq3A_1158 : i32 to vector<16x128xi32>
    %eq3A_1160 = arith.cmpi eq, %select_n3A_999, %eq3A_1159 : vector<16x128xi32>
    %and3A_1161 = arith.andi %eq3A_1009, %eq3A_1160 : vector<16x128xi1>
    %sub3A_1162 = arith.constant 1 : i32
    %sub3A_1163 = vector.broadcast %sub3A_1162 : i32 to vector<16x128xi32>
    %sub3A_1164 = arith.subi %sub3A_1163, %convert_element_type3A_766 : vector<16x128xi32>
    %select_n3A_1165 = arith.select %and3A_1161, %sub3A_1164, %convert_element_type3A_766 : vector<16x128xi1>, vector<16x128xi32>
    %shift_left3A_1166 = arith.constant 4 : i32
    %shift_left3A_1167 = vector.broadcast %shift_left3A_1166 : i32 to vector<16x128xi32>
    %shift_left3A_1168 = arith.shli %select_n3A_1165, %shift_left3A_1167 : vector<16x128xi32>
    %add3A_1169 = arith.addi %add3A_1157, %shift_left3A_1168 : vector<16x128xi32>
    %eq3A_1170 = arith.constant 5 : i32
    %eq3A_1171 = vector.broadcast %eq3A_1170 : i32 to vector<16x128xi32>
    %eq3A_1172 = arith.cmpi eq, %select_n3A_999, %eq3A_1171 : vector<16x128xi32>
    %and3A_1173 = arith.andi %eq3A_1009, %eq3A_1172 : vector<16x128xi1>
    %sub3A_1174 = arith.constant 1 : i32
    %sub3A_1175 = vector.broadcast %sub3A_1174 : i32 to vector<16x128xi32>
    %sub3A_1176 = arith.subi %sub3A_1175, %convert_element_type3A_767 : vector<16x128xi32>
    %select_n3A_1177 = arith.select %and3A_1173, %sub3A_1176, %convert_element_type3A_767 : vector<16x128xi1>, vector<16x128xi32>
    %shift_left3A_1178 = arith.constant 5 : i32
    %shift_left3A_1179 = vector.broadcast %shift_left3A_1178 : i32 to vector<16x128xi32>
    %shift_left3A_1180 = arith.shli %select_n3A_1177, %shift_left3A_1179 : vector<16x128xi32>
    %add3A_1181 = arith.addi %add3A_1169, %shift_left3A_1180 : vector<16x128xi32>
    %eq3A_1182 = arith.constant 6 : i32
    %eq3A_1183 = vector.broadcast %eq3A_1182 : i32 to vector<16x128xi32>
    %eq3A_1184 = arith.cmpi eq, %select_n3A_999, %eq3A_1183 : vector<16x128xi32>
    %and3A_1185 = arith.andi %eq3A_1009, %eq3A_1184 : vector<16x128xi1>
    %sub3A_1186 = arith.constant 1 : i32
    %sub3A_1187 = vector.broadcast %sub3A_1186 : i32 to vector<16x128xi32>
    %sub3A_1188 = arith.subi %sub3A_1187, %convert_element_type3A_768 : vector<16x128xi32>
    %select_n3A_1189 = arith.select %and3A_1185, %sub3A_1188, %convert_element_type3A_768 : vector<16x128xi1>, vector<16x128xi32>
    %shift_left3A_1190 = arith.constant 6 : i32
    %shift_left3A_1191 = vector.broadcast %shift_left3A_1190 : i32 to vector<16x128xi32>
    %shift_left3A_1192 = arith.shli %select_n3A_1189, %shift_left3A_1191 : vector<16x128xi32>
    %add3A_1193 = arith.addi %add3A_1181, %shift_left3A_1192 : vector<16x128xi32>
    %eq3A_1194 = arith.constant 7 : i32
    %eq3A_1195 = vector.broadcast %eq3A_1194 : i32 to vector<16x128xi32>
    %eq3A_1196 = arith.cmpi eq, %select_n3A_999, %eq3A_1195 : vector<16x128xi32>
    %and3A_1197 = arith.andi %eq3A_1009, %eq3A_1196 : vector<16x128xi1>
    %sub3A_1198 = arith.constant 1 : i32
    %sub3A_1199 = vector.broadcast %sub3A_1198 : i32 to vector<16x128xi32>
    %sub3A_1200 = arith.subi %sub3A_1199, %convert_element_type3A_769 : vector<16x128xi32>
    %select_n3A_1201 = arith.select %and3A_1197, %sub3A_1200, %convert_element_type3A_769 : vector<16x128xi1>, vector<16x128xi32>
    %shift_left3A_1202 = arith.constant 7 : i32
    %shift_left3A_1203 = vector.broadcast %shift_left3A_1202 : i32 to vector<16x128xi32>
    %shift_left3A_1204 = arith.shli %select_n3A_1201, %shift_left3A_1203 : vector<16x128xi32>
    %add3A_1205 = arith.addi %add3A_1193, %shift_left3A_1204 : vector<16x128xi32>
    %shift_right_arithmetic3A_1206 = arith.constant 1 : i32
    %shift_right_arithmetic3A_1207 = vector.broadcast %shift_right_arithmetic3A_1206 : i32 to vector<16x128xi32>
    %shift_right_arithmetic3A_1208 = arith.shrsi %add3A_1205, %shift_right_arithmetic3A_1207 : vector<16x128xi32>
    %add3A_1209 = arith.constant 112 : i32
    %add3A_1210 = vector.broadcast %add3A_1209 : i32 to vector<16x128xi32>
    %add3A_1211 = arith.addi %add3A_1210, %shift_right_arithmetic3A_1208 : vector<16x128xi32>
    %select_n3A_1212 = arith.select %ge3A_1017, %add3A_1107, %add3A_1211 : vector<16x128xi1>, vector<16x128xi32>
    %jit3A_1213 = arith.constant -1.000000e+00 : f32
    %jit3A_1214 = arith.constant 1.000000e+00 : f32
    %broadcast_in_dim3A_1215 = vector.broadcast %jit3A_1213 : f32 to vector<16x128xf32>
    %broadcast_in_dim3A_1216 = vector.broadcast %jit3A_1214 : f32 to vector<16x128xf32>
    %select_n3A_1217 = arith.select %lt3A_740, %broadcast_in_dim3A_1215, %broadcast_in_dim3A_1216 : vector<16x128xi1>, vector<16x128xf32>
    %eq3A_1218 = arith.constant 0 : i32
    %eq3A_1219 = vector.broadcast %eq3A_1218 : i32 to vector<16x128xi32>
    %eq3A_1220 = arith.cmpi eq, %select_n3A_806, %eq3A_1219 : vector<16x128xi32>
    %eq3A_1221 = arith.constant 0 : i32
    %eq3A_1222 = vector.broadcast %eq3A_1221 : i32 to vector<16x128xi32>
    %eq3A_1223 = arith.cmpi eq, %select_n3A_898, %eq3A_1222 : vector<16x128xi32>
    %or3A_1224 = arith.ori %eq3A_1220, %eq3A_1223 : vector<16x128xi1>
    %jit3A_1225 = arith.constant 0.000000e+00 : f32
    %broadcast_in_dim3A_1226 = vector.broadcast %jit3A_1225 : f32 to vector<16x128xf32>
    %select_n3A_1227 = arith.select %or3A_1224, %select_n3A_1217, %broadcast_in_dim3A_1226 : vector<16x128xi1>, vector<16x128xf32>
    %eq3A_1228 = arith.constant 1 : i32
    %eq3A_1229 = vector.broadcast %eq3A_1228 : i32 to vector<16x128xi32>
    %eq3A_1230 = arith.cmpi eq, %select_n3A_1117, %eq3A_1229 : vector<16x128xi32>
    %jit3A_1231 = arith.constant -5.000000e-01 : f32
    %jit3A_1232 = arith.constant 5.000000e-01 : f32
    %broadcast_in_dim3A_1233 = vector.broadcast %jit3A_1231 : f32 to vector<16x128xf32>
    %broadcast_in_dim3A_1234 = vector.broadcast %jit3A_1232 : f32 to vector<16x128xf32>
    %select_n3A_1235 = arith.select %eq3A_1230, %broadcast_in_dim3A_1233, %broadcast_in_dim3A_1234 : vector<16x128xi1>, vector<16x128xf32>
    %select_n3A_1236 = arith.select %ge3A_1017, %select_n3A_1227, %select_n3A_1235 : vector<16x128xi1>, vector<16x128xf32>
    %jit3A_1237 = arith.constant -1.000000e+00 : f32
    %jit3A_1238 = arith.constant 1.000000e+00 : f32
    %broadcast_in_dim3A_1239 = vector.broadcast %jit3A_1237 : f32 to vector<16x128xf32>
    %broadcast_in_dim3A_1240 = vector.broadcast %jit3A_1238 : f32 to vector<16x128xf32>
    %select_n3A_1241 = arith.select %lt3A_743, %broadcast_in_dim3A_1239, %broadcast_in_dim3A_1240 : vector<16x128xi1>, vector<16x128xf32>
    %eq3A_1242 = arith.constant 1 : i32
    %eq3A_1243 = vector.broadcast %eq3A_1242 : i32 to vector<16x128xi32>
    %eq3A_1244 = arith.cmpi eq, %select_n3A_806, %eq3A_1243 : vector<16x128xi32>
    %eq3A_1245 = arith.constant 1 : i32
    %eq3A_1246 = vector.broadcast %eq3A_1245 : i32 to vector<16x128xi32>
    %eq3A_1247 = arith.cmpi eq, %select_n3A_898, %eq3A_1246 : vector<16x128xi32>
    %or3A_1248 = arith.ori %eq3A_1244, %eq3A_1247 : vector<16x128xi1>
    %jit3A_1249 = arith.constant 0.000000e+00 : f32
    %broadcast_in_dim3A_1250 = vector.broadcast %jit3A_1249 : f32 to vector<16x128xf32>
    %select_n3A_1251 = arith.select %or3A_1248, %select_n3A_1241, %broadcast_in_dim3A_1250 : vector<16x128xi1>, vector<16x128xf32>
    %eq3A_1252 = arith.constant 1 : i32
    %eq3A_1253 = vector.broadcast %eq3A_1252 : i32 to vector<16x128xi32>
    %eq3A_1254 = arith.cmpi eq, %select_n3A_1129, %eq3A_1253 : vector<16x128xi32>
    %jit3A_1255 = arith.constant -5.000000e-01 : f32
    %jit3A_1256 = arith.constant 5.000000e-01 : f32
    %broadcast_in_dim3A_1257 = vector.broadcast %jit3A_1255 : f32 to vector<16x128xf32>
    %broadcast_in_dim3A_1258 = vector.broadcast %jit3A_1256 : f32 to vector<16x128xf32>
    %select_n3A_1259 = arith.select %eq3A_1254, %broadcast_in_dim3A_1257, %broadcast_in_dim3A_1258 : vector<16x128xi1>, vector<16x128xf32>
    %select_n3A_1260 = arith.select %ge3A_1017, %select_n3A_1251, %select_n3A_1259 : vector<16x128xi1>, vector<16x128xf32>
    %jit3A_1261 = arith.constant -1.000000e+00 : f32
    %jit3A_1262 = arith.constant 1.000000e+00 : f32
    %broadcast_in_dim3A_1263 = vector.broadcast %jit3A_1261 : f32 to vector<16x128xf32>
    %broadcast_in_dim3A_1264 = vector.broadcast %jit3A_1262 : f32 to vector<16x128xf32>
    %select_n3A_1265 = arith.select %lt3A_746, %broadcast_in_dim3A_1263, %broadcast_in_dim3A_1264 : vector<16x128xi1>, vector<16x128xf32>
    %eq3A_1266 = arith.constant 2 : i32
    %eq3A_1267 = vector.broadcast %eq3A_1266 : i32 to vector<16x128xi32>
    %eq3A_1268 = arith.cmpi eq, %select_n3A_806, %eq3A_1267 : vector<16x128xi32>
    %eq3A_1269 = arith.constant 2 : i32
    %eq3A_1270 = vector.broadcast %eq3A_1269 : i32 to vector<16x128xi32>
    %eq3A_1271 = arith.cmpi eq, %select_n3A_898, %eq3A_1270 : vector<16x128xi32>
    %or3A_1272 = arith.ori %eq3A_1268, %eq3A_1271 : vector<16x128xi1>
    %jit3A_1273 = arith.constant 0.000000e+00 : f32
    %broadcast_in_dim3A_1274 = vector.broadcast %jit3A_1273 : f32 to vector<16x128xf32>
    %select_n3A_1275 = arith.select %or3A_1272, %select_n3A_1265, %broadcast_in_dim3A_1274 : vector<16x128xi1>, vector<16x128xf32>
    %eq3A_1276 = arith.constant 1 : i32
    %eq3A_1277 = vector.broadcast %eq3A_1276 : i32 to vector<16x128xi32>
    %eq3A_1278 = arith.cmpi eq, %select_n3A_1141, %eq3A_1277 : vector<16x128xi32>
    %jit3A_1279 = arith.constant -5.000000e-01 : f32
    %jit3A_1280 = arith.constant 5.000000e-01 : f32
    %broadcast_in_dim3A_1281 = vector.broadcast %jit3A_1279 : f32 to vector<16x128xf32>
    %broadcast_in_dim3A_1282 = vector.broadcast %jit3A_1280 : f32 to vector<16x128xf32>
    %select_n3A_1283 = arith.select %eq3A_1278, %broadcast_in_dim3A_1281, %broadcast_in_dim3A_1282 : vector<16x128xi1>, vector<16x128xf32>
    %select_n3A_1284 = arith.select %ge3A_1017, %select_n3A_1275, %select_n3A_1283 : vector<16x128xi1>, vector<16x128xf32>
    %jit3A_1285 = arith.constant -1.000000e+00 : f32
    %jit3A_1286 = arith.constant 1.000000e+00 : f32
    %broadcast_in_dim3A_1287 = vector.broadcast %jit3A_1285 : f32 to vector<16x128xf32>
    %broadcast_in_dim3A_1288 = vector.broadcast %jit3A_1286 : f32 to vector<16x128xf32>
    %select_n3A_1289 = arith.select %lt3A_749, %broadcast_in_dim3A_1287, %broadcast_in_dim3A_1288 : vector<16x128xi1>, vector<16x128xf32>
    %eq3A_1290 = arith.constant 3 : i32
    %eq3A_1291 = vector.broadcast %eq3A_1290 : i32 to vector<16x128xi32>
    %eq3A_1292 = arith.cmpi eq, %select_n3A_806, %eq3A_1291 : vector<16x128xi32>
    %eq3A_1293 = arith.constant 3 : i32
    %eq3A_1294 = vector.broadcast %eq3A_1293 : i32 to vector<16x128xi32>
    %eq3A_1295 = arith.cmpi eq, %select_n3A_898, %eq3A_1294 : vector<16x128xi32>
    %or3A_1296 = arith.ori %eq3A_1292, %eq3A_1295 : vector<16x128xi1>
    %jit3A_1297 = arith.constant 0.000000e+00 : f32
    %broadcast_in_dim3A_1298 = vector.broadcast %jit3A_1297 : f32 to vector<16x128xf32>
    %select_n3A_1299 = arith.select %or3A_1296, %select_n3A_1289, %broadcast_in_dim3A_1298 : vector<16x128xi1>, vector<16x128xf32>
    %eq3A_1300 = arith.constant 1 : i32
    %eq3A_1301 = vector.broadcast %eq3A_1300 : i32 to vector<16x128xi32>
    %eq3A_1302 = arith.cmpi eq, %select_n3A_1153, %eq3A_1301 : vector<16x128xi32>
    %jit3A_1303 = arith.constant -5.000000e-01 : f32
    %jit3A_1304 = arith.constant 5.000000e-01 : f32
    %broadcast_in_dim3A_1305 = vector.broadcast %jit3A_1303 : f32 to vector<16x128xf32>
    %broadcast_in_dim3A_1306 = vector.broadcast %jit3A_1304 : f32 to vector<16x128xf32>
    %select_n3A_1307 = arith.select %eq3A_1302, %broadcast_in_dim3A_1305, %broadcast_in_dim3A_1306 : vector<16x128xi1>, vector<16x128xf32>
    %select_n3A_1308 = arith.select %ge3A_1017, %select_n3A_1299, %select_n3A_1307 : vector<16x128xi1>, vector<16x128xf32>
    %jit3A_1309 = arith.constant -1.000000e+00 : f32
    %jit3A_1310 = arith.constant 1.000000e+00 : f32
    %broadcast_in_dim3A_1311 = vector.broadcast %jit3A_1309 : f32 to vector<16x128xf32>
    %broadcast_in_dim3A_1312 = vector.broadcast %jit3A_1310 : f32 to vector<16x128xf32>
    %select_n3A_1313 = arith.select %lt3A_752, %broadcast_in_dim3A_1311, %broadcast_in_dim3A_1312 : vector<16x128xi1>, vector<16x128xf32>
    %eq3A_1314 = arith.constant 4 : i32
    %eq3A_1315 = vector.broadcast %eq3A_1314 : i32 to vector<16x128xi32>
    %eq3A_1316 = arith.cmpi eq, %select_n3A_806, %eq3A_1315 : vector<16x128xi32>
    %eq3A_1317 = arith.constant 4 : i32
    %eq3A_1318 = vector.broadcast %eq3A_1317 : i32 to vector<16x128xi32>
    %eq3A_1319 = arith.cmpi eq, %select_n3A_898, %eq3A_1318 : vector<16x128xi32>
    %or3A_1320 = arith.ori %eq3A_1316, %eq3A_1319 : vector<16x128xi1>
    %jit3A_1321 = arith.constant 0.000000e+00 : f32
    %broadcast_in_dim3A_1322 = vector.broadcast %jit3A_1321 : f32 to vector<16x128xf32>
    %select_n3A_1323 = arith.select %or3A_1320, %select_n3A_1313, %broadcast_in_dim3A_1322 : vector<16x128xi1>, vector<16x128xf32>
    %eq3A_1324 = arith.constant 1 : i32
    %eq3A_1325 = vector.broadcast %eq3A_1324 : i32 to vector<16x128xi32>
    %eq3A_1326 = arith.cmpi eq, %select_n3A_1165, %eq3A_1325 : vector<16x128xi32>
    %jit3A_1327 = arith.constant -5.000000e-01 : f32
    %jit3A_1328 = arith.constant 5.000000e-01 : f32
    %broadcast_in_dim3A_1329 = vector.broadcast %jit3A_1327 : f32 to vector<16x128xf32>
    %broadcast_in_dim3A_1330 = vector.broadcast %jit3A_1328 : f32 to vector<16x128xf32>
    %select_n3A_1331 = arith.select %eq3A_1326, %broadcast_in_dim3A_1329, %broadcast_in_dim3A_1330 : vector<16x128xi1>, vector<16x128xf32>
    %select_n3A_1332 = arith.select %ge3A_1017, %select_n3A_1323, %select_n3A_1331 : vector<16x128xi1>, vector<16x128xf32>
    %jit3A_1333 = arith.constant -1.000000e+00 : f32
    %jit3A_1334 = arith.constant 1.000000e+00 : f32
    %broadcast_in_dim3A_1335 = vector.broadcast %jit3A_1333 : f32 to vector<16x128xf32>
    %broadcast_in_dim3A_1336 = vector.broadcast %jit3A_1334 : f32 to vector<16x128xf32>
    %select_n3A_1337 = arith.select %lt3A_755, %broadcast_in_dim3A_1335, %broadcast_in_dim3A_1336 : vector<16x128xi1>, vector<16x128xf32>
    %eq3A_1338 = arith.constant 5 : i32
    %eq3A_1339 = vector.broadcast %eq3A_1338 : i32 to vector<16x128xi32>
    %eq3A_1340 = arith.cmpi eq, %select_n3A_806, %eq3A_1339 : vector<16x128xi32>
    %eq3A_1341 = arith.constant 5 : i32
    %eq3A_1342 = vector.broadcast %eq3A_1341 : i32 to vector<16x128xi32>
    %eq3A_1343 = arith.cmpi eq, %select_n3A_898, %eq3A_1342 : vector<16x128xi32>
    %or3A_1344 = arith.ori %eq3A_1340, %eq3A_1343 : vector<16x128xi1>
    %jit3A_1345 = arith.constant 0.000000e+00 : f32
    %broadcast_in_dim3A_1346 = vector.broadcast %jit3A_1345 : f32 to vector<16x128xf32>
    %select_n3A_1347 = arith.select %or3A_1344, %select_n3A_1337, %broadcast_in_dim3A_1346 : vector<16x128xi1>, vector<16x128xf32>
    %eq3A_1348 = arith.constant 1 : i32
    %eq3A_1349 = vector.broadcast %eq3A_1348 : i32 to vector<16x128xi32>
    %eq3A_1350 = arith.cmpi eq, %select_n3A_1177, %eq3A_1349 : vector<16x128xi32>
    %jit3A_1351 = arith.constant -5.000000e-01 : f32
    %jit3A_1352 = arith.constant 5.000000e-01 : f32
    %broadcast_in_dim3A_1353 = vector.broadcast %jit3A_1351 : f32 to vector<16x128xf32>
    %broadcast_in_dim3A_1354 = vector.broadcast %jit3A_1352 : f32 to vector<16x128xf32>
    %select_n3A_1355 = arith.select %eq3A_1350, %broadcast_in_dim3A_1353, %broadcast_in_dim3A_1354 : vector<16x128xi1>, vector<16x128xf32>
    %select_n3A_1356 = arith.select %ge3A_1017, %select_n3A_1347, %select_n3A_1355 : vector<16x128xi1>, vector<16x128xf32>
    %jit3A_1357 = arith.constant -1.000000e+00 : f32
    %jit3A_1358 = arith.constant 1.000000e+00 : f32
    %broadcast_in_dim3A_1359 = vector.broadcast %jit3A_1357 : f32 to vector<16x128xf32>
    %broadcast_in_dim3A_1360 = vector.broadcast %jit3A_1358 : f32 to vector<16x128xf32>
    %select_n3A_1361 = arith.select %lt3A_758, %broadcast_in_dim3A_1359, %broadcast_in_dim3A_1360 : vector<16x128xi1>, vector<16x128xf32>
    %eq3A_1362 = arith.constant 6 : i32
    %eq3A_1363 = vector.broadcast %eq3A_1362 : i32 to vector<16x128xi32>
    %eq3A_1364 = arith.cmpi eq, %select_n3A_806, %eq3A_1363 : vector<16x128xi32>
    %eq3A_1365 = arith.constant 6 : i32
    %eq3A_1366 = vector.broadcast %eq3A_1365 : i32 to vector<16x128xi32>
    %eq3A_1367 = arith.cmpi eq, %select_n3A_898, %eq3A_1366 : vector<16x128xi32>
    %or3A_1368 = arith.ori %eq3A_1364, %eq3A_1367 : vector<16x128xi1>
    %jit3A_1369 = arith.constant 0.000000e+00 : f32
    %broadcast_in_dim3A_1370 = vector.broadcast %jit3A_1369 : f32 to vector<16x128xf32>
    %select_n3A_1371 = arith.select %or3A_1368, %select_n3A_1361, %broadcast_in_dim3A_1370 : vector<16x128xi1>, vector<16x128xf32>
    %eq3A_1372 = arith.constant 1 : i32
    %eq3A_1373 = vector.broadcast %eq3A_1372 : i32 to vector<16x128xi32>
    %eq3A_1374 = arith.cmpi eq, %select_n3A_1189, %eq3A_1373 : vector<16x128xi32>
    %jit3A_1375 = arith.constant -5.000000e-01 : f32
    %jit3A_1376 = arith.constant 5.000000e-01 : f32
    %broadcast_in_dim3A_1377 = vector.broadcast %jit3A_1375 : f32 to vector<16x128xf32>
    %broadcast_in_dim3A_1378 = vector.broadcast %jit3A_1376 : f32 to vector<16x128xf32>
    %select_n3A_1379 = arith.select %eq3A_1374, %broadcast_in_dim3A_1377, %broadcast_in_dim3A_1378 : vector<16x128xi1>, vector<16x128xf32>
    %select_n3A_1380 = arith.select %ge3A_1017, %select_n3A_1371, %select_n3A_1379 : vector<16x128xi1>, vector<16x128xf32>
    %jit3A_1381 = arith.constant -1.000000e+00 : f32
    %jit3A_1382 = arith.constant 1.000000e+00 : f32
    %broadcast_in_dim3A_1383 = vector.broadcast %jit3A_1381 : f32 to vector<16x128xf32>
    %broadcast_in_dim3A_1384 = vector.broadcast %jit3A_1382 : f32 to vector<16x128xf32>
    %select_n3A_1385 = arith.select %lt3A_761, %broadcast_in_dim3A_1383, %broadcast_in_dim3A_1384 : vector<16x128xi1>, vector<16x128xf32>
    %eq3A_1386 = arith.constant 7 : i32
    %eq3A_1387 = vector.broadcast %eq3A_1386 : i32 to vector<16x128xi32>
    %eq3A_1388 = arith.cmpi eq, %select_n3A_806, %eq3A_1387 : vector<16x128xi32>
    %eq3A_1389 = arith.constant 7 : i32
    %eq3A_1390 = vector.broadcast %eq3A_1389 : i32 to vector<16x128xi32>
    %eq3A_1391 = arith.cmpi eq, %select_n3A_898, %eq3A_1390 : vector<16x128xi32>
    %or3A_1392 = arith.ori %eq3A_1388, %eq3A_1391 : vector<16x128xi1>
    %jit3A_1393 = arith.constant 0.000000e+00 : f32
    %broadcast_in_dim3A_1394 = vector.broadcast %jit3A_1393 : f32 to vector<16x128xf32>
    %select_n3A_1395 = arith.select %or3A_1392, %select_n3A_1385, %broadcast_in_dim3A_1394 : vector<16x128xi1>, vector<16x128xf32>
    %eq3A_1396 = arith.constant 1 : i32
    %eq3A_1397 = vector.broadcast %eq3A_1396 : i32 to vector<16x128xi32>
    %eq3A_1398 = arith.cmpi eq, %select_n3A_1201, %eq3A_1397 : vector<16x128xi32>
    %jit3A_1399 = arith.constant -5.000000e-01 : f32
    %jit3A_1400 = arith.constant 5.000000e-01 : f32
    %broadcast_in_dim3A_1401 = vector.broadcast %jit3A_1399 : f32 to vector<16x128xf32>
    %broadcast_in_dim3A_1402 = vector.broadcast %jit3A_1400 : f32 to vector<16x128xf32>
    %select_n3A_1403 = arith.select %eq3A_1398, %broadcast_in_dim3A_1401, %broadcast_in_dim3A_1402 : vector<16x128xi1>, vector<16x128xf32>
    %select_n3A_1404 = arith.select %ge3A_1017, %select_n3A_1395, %select_n3A_1403 : vector<16x128xi1>, vector<16x128xf32>
    %add3A_1405 = arith.addf %select_n3A_537, %select_n3A_1236 : vector<16x128xf32>
    %add3A_1406 = arith.addf %select_n3A_561, %select_n3A_1260 : vector<16x128xf32>
    %add3A_1407 = arith.addf %select_n3A_585, %select_n3A_1284 : vector<16x128xf32>
    %add3A_1408 = arith.addf %select_n3A_609, %select_n3A_1308 : vector<16x128xf32>
    %add3A_1409 = arith.addf %select_n3A_633, %select_n3A_1332 : vector<16x128xf32>
    %add3A_1410 = arith.addf %select_n3A_657, %select_n3A_1356 : vector<16x128xf32>
    %add3A_1411 = arith.addf %select_n3A_681, %select_n3A_1380 : vector<16x128xf32>
    %add3A_1412 = arith.addf %select_n3A_705, %select_n3A_1404 : vector<16x128xf32>
    %concatenate3A = tpu.concatenate %add3A_1405, %add3A_1406, %add3A_1407, %add3A_1408, %add3A_1409, %add3A_1410, %add3A_1411, %add3A_1412 in 1 : vector<16x128xf32>, vector<16x128xf32>, vector<16x128xf32>, vector<16x128xf32>, vector<16x128xf32>, vector<16x128xf32>, vector<16x128xf32>, vector<16x128xf32> -> vector<16x1024xf32>
    %swap3A_1413 = arith.constant 0 : index
    %swap3A_1414 = arith.constant 0 : index
    %swap3A_1415 = vector.load %arg9[%swap3A_1413, %swap3A_1414] : memref<64x1024xf32, #tpu.memory_space<vmem>>, vector<16x1024xf32>
    tpu.vector_store %arg9[%swap3A_1413, %swap3A_1414], %concatenate3A {strides = array<i32>} : memref<64x1024xf32, #tpu.memory_space<vmem>>, vector<16x1024xf32>,
    %swap3A_1416 = arith.constant 0 : index
    %swap3A_1417 = arith.constant 0 : index
    %swap3A_1418 = arith.constant 0 : index
    %swap3A_1419 = vector.load %arg5[%swap3A_1416, %swap3A_1417, %swap3A_1418] : memref<1x64x128xi32, #tpu.memory_space<vmem>>, vector<1x16x128xi32>
    %swap3A_1420 = vector.shape_cast %swap3A_1419 : vector<1x16x128xi32> to vector<16x128xi32>
    %swap3A_1421 = vector.shape_cast %select_n3A_513 : vector<16x128xi32> to vector<1x16x128xi32>
    tpu.vector_store %arg5[%swap3A_1416, %swap3A_1417, %swap3A_1418], %swap3A_1421 {strides = array<i32>} : memref<1x64x128xi32, #tpu.memory_space<vmem>>, vector<1x16x128xi32>,
    %swap3A_1422 = arith.constant 0 : index
    %swap3A_1423 = arith.constant 0 : index
    %swap3A_1424 = arith.constant 0 : index
    %swap3A_1425 = vector.load %arg6[%swap3A_1422, %swap3A_1423, %swap3A_1424] : memref<1x64x128xi32, #tpu.memory_space<vmem>>, vector<1x16x128xi32>
    %swap3A_1426 = vector.shape_cast %swap3A_1425 : vector<1x16x128xi32> to vector<16x128xi32>
    %swap3A_1427 = vector.shape_cast %select_n3A_1212 : vector<16x128xi32> to vector<1x16x128xi32>
    tpu.vector_store %arg6[%swap3A_1422, %swap3A_1423, %swap3A_1424], %swap3A_1427 {strides = array<i32>} : memref<1x64x128xi32, #tpu.memory_space<vmem>>, vector<1x16x128xi32>,
    %broadcast_in_dim3A_1428 = arith.constant 0.000000e+00 : f32
    %broadcast_in_dim3A_1429 = vector.broadcast %broadcast_in_dim3A_1428 : f32 to vector<1x1xf32>
    %sub3A_1430 = arith.subf %sub3A_706, %select_n3A_1236 : vector<16x128xf32>
    %mul3A_1431 = arith.mulf %sub3A_1430, %sub3A_1430 : vector<16x128xf32>
    %reduce_sum3A = vector.shape_cast %mul3A_1431 : vector<16x128xf32> to vector<1x16x128xf32>
    %reduce_sum3A_1432 = arith.constant dense<0.000000e+00> : vector<1xf32>
    %reduce_sum3A_1433 = vector.multi_reduction <add>, %reduce_sum3A, %reduce_sum3A_1432 [1, 2] : vector<1x16x128xf32> to vector<1xf32>
    %reduce_sum3A_1434 = vector.shape_cast %reduce_sum3A_1433 : vector<1xf32> to vector<1x1x1xf32>
    %reduce_sum3A_1435 = vector.extract %reduce_sum3A_1434[0, 0, 0] : f32 from vector<1x1x1xf32>
    %reshape3A = vector.broadcast %reduce_sum3A_1435 : f32 to vector<1x1xf32>
    %add3A_1436 = arith.addf %broadcast_in_dim3A_1429, %reshape3A : vector<1x1xf32>
    %sub3A_1437 = arith.subf %sub3A_707, %select_n3A_1260 : vector<16x128xf32>
    %mul3A_1438 = arith.mulf %sub3A_1437, %sub3A_1437 : vector<16x128xf32>
    %reduce_sum3A_1439 = vector.shape_cast %mul3A_1438 : vector<16x128xf32> to vector<1x16x128xf32>
    %reduce_sum3A_1440 = arith.constant dense<0.000000e+00> : vector<1xf32>
    %reduce_sum3A_1441 = vector.multi_reduction <add>, %reduce_sum3A_1439, %reduce_sum3A_1440 [1, 2] : vector<1x16x128xf32> to vector<1xf32>
    %reduce_sum3A_1442 = vector.shape_cast %reduce_sum3A_1441 : vector<1xf32> to vector<1x1x1xf32>
    %reduce_sum3A_1443 = vector.extract %reduce_sum3A_1442[0, 0, 0] : f32 from vector<1x1x1xf32>
    %reshape3A_1444 = vector.broadcast %reduce_sum3A_1443 : f32 to vector<1x1xf32>
    %add3A_1445 = arith.addf %add3A_1436, %reshape3A_1444 : vector<1x1xf32>
    %sub3A_1446 = arith.subf %sub3A_708, %select_n3A_1284 : vector<16x128xf32>
    %mul3A_1447 = arith.mulf %sub3A_1446, %sub3A_1446 : vector<16x128xf32>
    %reduce_sum3A_1448 = vector.shape_cast %mul3A_1447 : vector<16x128xf32> to vector<1x16x128xf32>
    %reduce_sum3A_1449 = arith.constant dense<0.000000e+00> : vector<1xf32>
    %reduce_sum3A_1450 = vector.multi_reduction <add>, %reduce_sum3A_1448, %reduce_sum3A_1449 [1, 2] : vector<1x16x128xf32> to vector<1xf32>
    %reduce_sum3A_1451 = vector.shape_cast %reduce_sum3A_1450 : vector<1xf32> to vector<1x1x1xf32>
    %reduce_sum3A_1452 = vector.extract %reduce_sum3A_1451[0, 0, 0] : f32 from vector<1x1x1xf32>
    %reshape3A_1453 = vector.broadcast %reduce_sum3A_1452 : f32 to vector<1x1xf32>
    %add3A_1454 = arith.addf %add3A_1445, %reshape3A_1453 : vector<1x1xf32>
    %sub3A_1455 = arith.subf %sub3A_709, %select_n3A_1308 : vector<16x128xf32>
    %mul3A_1456 = arith.mulf %sub3A_1455, %sub3A_1455 : vector<16x128xf32>
    %reduce_sum3A_1457 = vector.shape_cast %mul3A_1456 : vector<16x128xf32> to vector<1x16x128xf32>
    %reduce_sum3A_1458 = arith.constant dense<0.000000e+00> : vector<1xf32>
    %reduce_sum3A_1459 = vector.multi_reduction <add>, %reduce_sum3A_1457, %reduce_sum3A_1458 [1, 2] : vector<1x16x128xf32> to vector<1xf32>
    %reduce_sum3A_1460 = vector.shape_cast %reduce_sum3A_1459 : vector<1xf32> to vector<1x1x1xf32>
    %reduce_sum3A_1461 = vector.extract %reduce_sum3A_1460[0, 0, 0] : f32 from vector<1x1x1xf32>
    %reshape3A_1462 = vector.broadcast %reduce_sum3A_1461 : f32 to vector<1x1xf32>
    %add3A_1463 = arith.addf %add3A_1454, %reshape3A_1462 : vector<1x1xf32>
    %sub3A_1464 = arith.subf %sub3A_710, %select_n3A_1332 : vector<16x128xf32>
    %mul3A_1465 = arith.mulf %sub3A_1464, %sub3A_1464 : vector<16x128xf32>
    %reduce_sum3A_1466 = vector.shape_cast %mul3A_1465 : vector<16x128xf32> to vector<1x16x128xf32>
    %reduce_sum3A_1467 = arith.constant dense<0.000000e+00> : vector<1xf32>
    %reduce_sum3A_1468 = vector.multi_reduction <add>, %reduce_sum3A_1466, %reduce_sum3A_1467 [1, 2] : vector<1x16x128xf32> to vector<1xf32>
    %reduce_sum3A_1469 = vector.shape_cast %reduce_sum3A_1468 : vector<1xf32> to vector<1x1x1xf32>
    %reduce_sum3A_1470 = vector.extract %reduce_sum3A_1469[0, 0, 0] : f32 from vector<1x1x1xf32>
    %reshape3A_1471 = vector.broadcast %reduce_sum3A_1470 : f32 to vector<1x1xf32>
    %add3A_1472 = arith.addf %add3A_1463, %reshape3A_1471 : vector<1x1xf32>
    %sub3A_1473 = arith.subf %sub3A_711, %select_n3A_1356 : vector<16x128xf32>
    %mul3A_1474 = arith.mulf %sub3A_1473, %sub3A_1473 : vector<16x128xf32>
    %reduce_sum3A_1475 = vector.shape_cast %mul3A_1474 : vector<16x128xf32> to vector<1x16x128xf32>
    %reduce_sum3A_1476 = arith.constant dense<0.000000e+00> : vector<1xf32>
    %reduce_sum3A_1477 = vector.multi_reduction <add>, %reduce_sum3A_1475, %reduce_sum3A_1476 [1, 2] : vector<1x16x128xf32> to vector<1xf32>
    %reduce_sum3A_1478 = vector.shape_cast %reduce_sum3A_1477 : vector<1xf32> to vector<1x1x1xf32>
    %reduce_sum3A_1479 = vector.extract %reduce_sum3A_1478[0, 0, 0] : f32 from vector<1x1x1xf32>
    %reshape3A_1480 = vector.broadcast %reduce_sum3A_1479 : f32 to vector<1x1xf32>
    %add3A_1481 = arith.addf %add3A_1472, %reshape3A_1480 : vector<1x1xf32>
    %sub3A_1482 = arith.subf %sub3A_712, %select_n3A_1380 : vector<16x128xf32>
    %mul3A_1483 = arith.mulf %sub3A_1482, %sub3A_1482 : vector<16x128xf32>
    %reduce_sum3A_1484 = vector.shape_cast %mul3A_1483 : vector<16x128xf32> to vector<1x16x128xf32>
    %reduce_sum3A_1485 = arith.constant dense<0.000000e+00> : vector<1xf32>
    %reduce_sum3A_1486 = vector.multi_reduction <add>, %reduce_sum3A_1484, %reduce_sum3A_1485 [1, 2] : vector<1x16x128xf32> to vector<1xf32>
    %reduce_sum3A_1487 = vector.shape_cast %reduce_sum3A_1486 : vector<1xf32> to vector<1x1x1xf32>
    %reduce_sum3A_1488 = vector.extract %reduce_sum3A_1487[0, 0, 0] : f32 from vector<1x1x1xf32>
    %reshape3A_1489 = vector.broadcast %reduce_sum3A_1488 : f32 to vector<1x1xf32>
    %add3A_1490 = arith.addf %add3A_1481, %reshape3A_1489 : vector<1x1xf32>
    %sub3A_1491 = arith.subf %sub3A_713, %select_n3A_1404 : vector<16x128xf32>
    %mul3A_1492 = arith.mulf %sub3A_1491, %sub3A_1491 : vector<16x128xf32>
    %reduce_sum3A_1493 = vector.shape_cast %mul3A_1492 : vector<16x128xf32> to vector<1x16x128xf32>
    %reduce_sum3A_1494 = arith.constant dense<0.000000e+00> : vector<1xf32>
    %reduce_sum3A_1495 = vector.multi_reduction <add>, %reduce_sum3A_1493, %reduce_sum3A_1494 [1, 2] : vector<1x16x128xf32> to vector<1xf32>
    %reduce_sum3A_1496 = vector.shape_cast %reduce_sum3A_1495 : vector<1xf32> to vector<1x1x1xf32>
    %reduce_sum3A_1497 = vector.extract %reduce_sum3A_1496[0, 0, 0] : f32 from vector<1x1x1xf32>
    %reshape3A_1498 = vector.broadcast %reduce_sum3A_1497 : f32 to vector<1x1xf32>
    %add3A_1499 = arith.addf %add3A_1490, %reshape3A_1498 : vector<1x1xf32>
    %add3A_1500 = arith.addf %broadcast_in_dim3A_8, %add3A_1499 : vector<1x1xf32>
    %get3A_1501 = arith.constant 16 : index
    %get3A_1502 = arith.constant 0 : index
    %get3A_1503 = vector.load %arg8[%get3A_1501, %get3A_1502] : memref<64x1024xf32, #tpu.memory_space<vmem>>, vector<16x128xf32>
    %get3A_1504 = arith.constant 16 : index
    %get3A_1505 = arith.constant 128 : index
    %get3A_1506 = vector.load %arg8[%get3A_1504, %get3A_1505] : memref<64x1024xf32, #tpu.memory_space<vmem>>, vector<16x128xf32>
    %get3A_1507 = arith.constant 16 : index
    %get3A_1508 = arith.constant 256 : index
    %get3A_1509 = vector.load %arg8[%get3A_1507, %get3A_1508] : memref<64x1024xf32, #tpu.memory_space<vmem>>, vector<16x128xf32>
    %get3A_1510 = arith.constant 16 : index
    %get3A_1511 = arith.constant 384 : index
    %get3A_1512 = vector.load %arg8[%get3A_1510, %get3A_1511] : memref<64x1024xf32, #tpu.memory_space<vmem>>, vector<16x128xf32>
    %get3A_1513 = arith.constant 16 : index
    %get3A_1514 = arith.constant 512 : index
    %get3A_1515 = vector.load %arg8[%get3A_1513, %get3A_1514] : memref<64x1024xf32, #tpu.memory_space<vmem>>, vector<16x128xf32>
    %get3A_1516 = arith.constant 16 : index
    %get3A_1517 = arith.constant 640 : index
    %get3A_1518 = vector.load %arg8[%get3A_1516, %get3A_1517] : memref<64x1024xf32, #tpu.memory_space<vmem>>, vector<16x128xf32>
    %get3A_1519 = arith.constant 16 : index
    %get3A_1520 = arith.constant 768 : index
    %get3A_1521 = vector.load %arg8[%get3A_1519, %get3A_1520] : memref<64x1024xf32, #tpu.memory_space<vmem>>, vector<16x128xf32>
    %get3A_1522 = arith.constant 16 : index
    %get3A_1523 = arith.constant 896 : index
    %get3A_1524 = vector.load %arg8[%get3A_1522, %get3A_1523] : memref<64x1024xf32, #tpu.memory_space<vmem>>, vector<16x128xf32>
    %convert_element_type3A_1525 = arith.truncf %get3A_1503 : vector<16x128xf32> to vector<16x128xbf16>
    %convert_element_type3A_1526 = arith.extf %convert_element_type3A_1525 : vector<16x128xbf16> to vector<16x128xf32>
    %convert_element_type3A_1527 = arith.truncf %get3A_1506 : vector<16x128xf32> to vector<16x128xbf16>
    %convert_element_type3A_1528 = arith.extf %convert_element_type3A_1527 : vector<16x128xbf16> to vector<16x128xf32>
    %convert_element_type3A_1529 = arith.truncf %get3A_1509 : vector<16x128xf32> to vector<16x128xbf16>
    %convert_element_type3A_1530 = arith.extf %convert_element_type3A_1529 : vector<16x128xbf16> to vector<16x128xf32>
    %convert_element_type3A_1531 = arith.truncf %get3A_1512 : vector<16x128xf32> to vector<16x128xbf16>
    %convert_element_type3A_1532 = arith.extf %convert_element_type3A_1531 : vector<16x128xbf16> to vector<16x128xf32>
    %convert_element_type3A_1533 = arith.truncf %get3A_1515 : vector<16x128xf32> to vector<16x128xbf16>
    %convert_element_type3A_1534 = arith.extf %convert_element_type3A_1533 : vector<16x128xbf16> to vector<16x128xf32>
    %convert_element_type3A_1535 = arith.truncf %get3A_1518 : vector<16x128xf32> to vector<16x128xbf16>
    %convert_element_type3A_1536 = arith.extf %convert_element_type3A_1535 : vector<16x128xbf16> to vector<16x128xf32>
    %convert_element_type3A_1537 = arith.truncf %get3A_1521 : vector<16x128xf32> to vector<16x128xbf16>
    %convert_element_type3A_1538 = arith.extf %convert_element_type3A_1537 : vector<16x128xbf16> to vector<16x128xf32>
    %convert_element_type3A_1539 = arith.truncf %get3A_1524 : vector<16x128xf32> to vector<16x128xbf16>
    %convert_element_type3A_1540 = arith.extf %convert_element_type3A_1539 : vector<16x128xbf16> to vector<16x128xf32>
    %abs3A_1541 = math.absf %convert_element_type3A_1526 : vector<16x128xf32>
    %abs3A_1542 = math.absf %convert_element_type3A_1528 : vector<16x128xf32>
    %abs3A_1543 = math.absf %convert_element_type3A_1530 : vector<16x128xf32>
    %abs3A_1544 = math.absf %convert_element_type3A_1532 : vector<16x128xf32>
    %abs3A_1545 = math.absf %convert_element_type3A_1534 : vector<16x128xf32>
    %abs3A_1546 = math.absf %convert_element_type3A_1536 : vector<16x128xf32>
    %abs3A_1547 = math.absf %convert_element_type3A_1538 : vector<16x128xf32>
    %abs3A_1548 = math.absf %convert_element_type3A_1540 : vector<16x128xf32>
    %lt3A_1549 = arith.constant 0.000000e+00 : f32
    %lt3A_1550 = vector.broadcast %lt3A_1549 : f32 to vector<16x128xf32>
    %lt3A_1551 = arith.cmpf olt, %convert_element_type3A_1526, %lt3A_1550 : vector<16x128xf32>
    %lt3A_1552 = arith.constant 0.000000e+00 : f32
    %lt3A_1553 = vector.broadcast %lt3A_1552 : f32 to vector<16x128xf32>
    %lt3A_1554 = arith.cmpf olt, %convert_element_type3A_1528, %lt3A_1553 : vector<16x128xf32>
    %lt3A_1555 = arith.constant 0.000000e+00 : f32
    %lt3A_1556 = vector.broadcast %lt3A_1555 : f32 to vector<16x128xf32>
    %lt3A_1557 = arith.cmpf olt, %convert_element_type3A_1530, %lt3A_1556 : vector<16x128xf32>
    %lt3A_1558 = arith.constant 0.000000e+00 : f32
    %lt3A_1559 = vector.broadcast %lt3A_1558 : f32 to vector<16x128xf32>
    %lt3A_1560 = arith.cmpf olt, %convert_element_type3A_1532, %lt3A_1559 : vector<16x128xf32>
    %lt3A_1561 = arith.constant 0.000000e+00 : f32
    %lt3A_1562 = vector.broadcast %lt3A_1561 : f32 to vector<16x128xf32>
    %lt3A_1563 = arith.cmpf olt, %convert_element_type3A_1534, %lt3A_1562 : vector<16x128xf32>
    %lt3A_1564 = arith.constant 0.000000e+00 : f32
    %lt3A_1565 = vector.broadcast %lt3A_1564 : f32 to vector<16x128xf32>
    %lt3A_1566 = arith.cmpf olt, %convert_element_type3A_1536, %lt3A_1565 : vector<16x128xf32>
    %lt3A_1567 = arith.constant 0.000000e+00 : f32
    %lt3A_1568 = vector.broadcast %lt3A_1567 : f32 to vector<16x128xf32>
    %lt3A_1569 = arith.cmpf olt, %convert_element_type3A_1538, %lt3A_1568 : vector<16x128xf32>
    %lt3A_1570 = arith.constant 0.000000e+00 : f32
    %lt3A_1571 = vector.broadcast %lt3A_1570 : f32 to vector<16x128xf32>
    %lt3A_1572 = arith.cmpf olt, %convert_element_type3A_1540, %lt3A_1571 : vector<16x128xf32>
    %convert_element_type3A_1573 = arith.extui %lt3A_1551 : vector<16x128xi1> to vector<16x128xi32>
    %convert_element_type3A_1574 = arith.extui %lt3A_1554 : vector<16x128xi1> to vector<16x128xi32>
    %convert_element_type3A_1575 = arith.extui %lt3A_1557 : vector<16x128xi1> to vector<16x128xi32>
    %convert_element_type3A_1576 = arith.extui %lt3A_1560 : vector<16x128xi1> to vector<16x128xi32>
    %convert_element_type3A_1577 = arith.extui %lt3A_1563 : vector<16x128xi1> to vector<16x128xi32>
    %convert_element_type3A_1578 = arith.extui %lt3A_1566 : vector<16x128xi1> to vector<16x128xi32>
    %convert_element_type3A_1579 = arith.extui %lt3A_1569 : vector<16x128xi1> to vector<16x128xi32>
    %convert_element_type3A_1580 = arith.extui %lt3A_1572 : vector<16x128xi1> to vector<16x128xi32>
    %broadcast_in_dim3A_1581 = arith.constant 0 : i32
    %broadcast_in_dim3A_1582 = vector.broadcast %broadcast_in_dim3A_1581 : i32 to vector<16x128xi32>
    %gt3A_1583 = arith.cmpf ogt, %abs3A_1542, %abs3A_1541 : vector<16x128xf32>
    %select_n3A_1584 = arith.select %gt3A_1583, %abs3A_1542, %abs3A_1541 : vector<16x128xi1>, vector<16x128xf32>
    %jit3A_1585 = arith.constant 1 : i32
    %broadcast_in_dim3A_1586 = vector.broadcast %jit3A_1585 : i32 to vector<16x128xi32>
    %select_n3A_1587 = arith.select %gt3A_1583, %broadcast_in_dim3A_1586, %broadcast_in_dim3A_1582 : vector<16x128xi1>, vector<16x128xi32>
    %gt3A_1588 = arith.cmpf ogt, %abs3A_1543, %select_n3A_1584 : vector<16x128xf32>
    %select_n3A_1589 = arith.select %gt3A_1588, %abs3A_1543, %select_n3A_1584 : vector<16x128xi1>, vector<16x128xf32>
    %jit3A_1590 = arith.constant 2 : i32
    %broadcast_in_dim3A_1591 = vector.broadcast %jit3A_1590 : i32 to vector<16x128xi32>
    %select_n3A_1592 = arith.select %gt3A_1588, %broadcast_in_dim3A_1591, %select_n3A_1587 : vector<16x128xi1>, vector<16x128xi32>
    %gt3A_1593 = arith.cmpf ogt, %abs3A_1544, %select_n3A_1589 : vector<16x128xf32>
    %select_n3A_1594 = arith.select %gt3A_1593, %abs3A_1544, %select_n3A_1589 : vector<16x128xi1>, vector<16x128xf32>
    %jit3A_1595 = arith.constant 3 : i32
    %broadcast_in_dim3A_1596 = vector.broadcast %jit3A_1595 : i32 to vector<16x128xi32>
    %select_n3A_1597 = arith.select %gt3A_1593, %broadcast_in_dim3A_1596, %select_n3A_1592 : vector<16x128xi1>, vector<16x128xi32>
    %gt3A_1598 = arith.cmpf ogt, %abs3A_1545, %select_n3A_1594 : vector<16x128xf32>
    %select_n3A_1599 = arith.select %gt3A_1598, %abs3A_1545, %select_n3A_1594 : vector<16x128xi1>, vector<16x128xf32>
    %jit3A_1600 = arith.constant 4 : i32
    %broadcast_in_dim3A_1601 = vector.broadcast %jit3A_1600 : i32 to vector<16x128xi32>
    %select_n3A_1602 = arith.select %gt3A_1598, %broadcast_in_dim3A_1601, %select_n3A_1597 : vector<16x128xi1>, vector<16x128xi32>
    %gt3A_1603 = arith.cmpf ogt, %abs3A_1546, %select_n3A_1599 : vector<16x128xf32>
    %select_n3A_1604 = arith.select %gt3A_1603, %abs3A_1546, %select_n3A_1599 : vector<16x128xi1>, vector<16x128xf32>
    %jit3A_1605 = arith.constant 5 : i32
    %broadcast_in_dim3A_1606 = vector.broadcast %jit3A_1605 : i32 to vector<16x128xi32>
    %select_n3A_1607 = arith.select %gt3A_1603, %broadcast_in_dim3A_1606, %select_n3A_1602 : vector<16x128xi1>, vector<16x128xi32>
    %gt3A_1608 = arith.cmpf ogt, %abs3A_1547, %select_n3A_1604 : vector<16x128xf32>
    %select_n3A_1609 = arith.select %gt3A_1608, %abs3A_1547, %select_n3A_1604 : vector<16x128xi1>, vector<16x128xf32>
    %jit3A_1610 = arith.constant 6 : i32
    %broadcast_in_dim3A_1611 = vector.broadcast %jit3A_1610 : i32 to vector<16x128xi32>
    %select_n3A_1612 = arith.select %gt3A_1608, %broadcast_in_dim3A_1611, %select_n3A_1607 : vector<16x128xi1>, vector<16x128xi32>
    %gt3A_1613 = arith.cmpf ogt, %abs3A_1548, %select_n3A_1609 : vector<16x128xf32>
    %select_n3A_1614 = arith.select %gt3A_1613, %abs3A_1548, %select_n3A_1609 : vector<16x128xi1>, vector<16x128xf32>
    %jit3A_1615 = arith.constant 7 : i32
    %broadcast_in_dim3A_1616 = vector.broadcast %jit3A_1615 : i32 to vector<16x128xi32>
    %select_n3A_1617 = arith.select %gt3A_1613, %broadcast_in_dim3A_1616, %select_n3A_1612 : vector<16x128xi1>, vector<16x128xi32>
    %broadcast_in_dim3A_1618 = arith.constant -1.000000e+00 : f32
    %broadcast_in_dim3A_1619 = vector.broadcast %broadcast_in_dim3A_1618 : f32 to vector<16x128xf32>
    %broadcast_in_dim3A_1620 = arith.constant 0 : i32
    %broadcast_in_dim3A_1621 = vector.broadcast %broadcast_in_dim3A_1620 : i32 to vector<16x128xi32>
    %eq3A_1622 = arith.constant 0 : i32
    %eq3A_1623 = vector.broadcast %eq3A_1622 : i32 to vector<16x128xi32>
    %eq3A_1624 = arith.cmpi eq, %select_n3A_1617, %eq3A_1623 : vector<16x128xi32>
    %jit3A_1625 = arith.constant -1.000000e+00 : f32
    %broadcast_in_dim3A_1626 = vector.broadcast %jit3A_1625 : f32 to vector<16x128xf32>
    %select_n3A_1627 = arith.select %eq3A_1624, %broadcast_in_dim3A_1626, %abs3A_1541 : vector<16x128xi1>, vector<16x128xf32>
    %gt3A_1628 = arith.cmpf ogt, %select_n3A_1627, %broadcast_in_dim3A_1619 : vector<16x128xf32>
    %select_n3A_1629 = arith.select %gt3A_1628, %select_n3A_1627, %broadcast_in_dim3A_1619 : vector<16x128xi1>, vector<16x128xf32>
    %jit3A_1630 = arith.constant 0 : i32
    %broadcast_in_dim3A_1631 = vector.broadcast %jit3A_1630 : i32 to vector<16x128xi32>
    %select_n3A_1632 = arith.select %gt3A_1628, %broadcast_in_dim3A_1631, %broadcast_in_dim3A_1621 : vector<16x128xi1>, vector<16x128xi32>
    %eq3A_1633 = arith.constant 1 : i32
    %eq3A_1634 = vector.broadcast %eq3A_1633 : i32 to vector<16x128xi32>
    %eq3A_1635 = arith.cmpi eq, %select_n3A_1617, %eq3A_1634 : vector<16x128xi32>
    %jit3A_1636 = arith.constant -1.000000e+00 : f32
    %broadcast_in_dim3A_1637 = vector.broadcast %jit3A_1636 : f32 to vector<16x128xf32>
    %select_n3A_1638 = arith.select %eq3A_1635, %broadcast_in_dim3A_1637, %abs3A_1542 : vector<16x128xi1>, vector<16x128xf32>
    %gt3A_1639 = arith.cmpf ogt, %select_n3A_1638, %select_n3A_1629 : vector<16x128xf32>
    %select_n3A_1640 = arith.select %gt3A_1639, %select_n3A_1638, %select_n3A_1629 : vector<16x128xi1>, vector<16x128xf32>
    %jit3A_1641 = arith.constant 1 : i32
    %broadcast_in_dim3A_1642 = vector.broadcast %jit3A_1641 : i32 to vector<16x128xi32>
    %select_n3A_1643 = arith.select %gt3A_1639, %broadcast_in_dim3A_1642, %select_n3A_1632 : vector<16x128xi1>, vector<16x128xi32>
    %eq3A_1644 = arith.constant 2 : i32
    %eq3A_1645 = vector.broadcast %eq3A_1644 : i32 to vector<16x128xi32>
    %eq3A_1646 = arith.cmpi eq, %select_n3A_1617, %eq3A_1645 : vector<16x128xi32>
    %jit3A_1647 = arith.constant -1.000000e+00 : f32
    %broadcast_in_dim3A_1648 = vector.broadcast %jit3A_1647 : f32 to vector<16x128xf32>
    %select_n3A_1649 = arith.select %eq3A_1646, %broadcast_in_dim3A_1648, %abs3A_1543 : vector<16x128xi1>, vector<16x128xf32>
    %gt3A_1650 = arith.cmpf ogt, %select_n3A_1649, %select_n3A_1640 : vector<16x128xf32>
    %select_n3A_1651 = arith.select %gt3A_1650, %select_n3A_1649, %select_n3A_1640 : vector<16x128xi1>, vector<16x128xf32>
    %jit3A_1652 = arith.constant 2 : i32
    %broadcast_in_dim3A_1653 = vector.broadcast %jit3A_1652 : i32 to vector<16x128xi32>
    %select_n3A_1654 = arith.select %gt3A_1650, %broadcast_in_dim3A_1653, %select_n3A_1643 : vector<16x128xi1>, vector<16x128xi32>
    %eq3A_1655 = arith.constant 3 : i32
    %eq3A_1656 = vector.broadcast %eq3A_1655 : i32 to vector<16x128xi32>
    %eq3A_1657 = arith.cmpi eq, %select_n3A_1617, %eq3A_1656 : vector<16x128xi32>
    %jit3A_1658 = arith.constant -1.000000e+00 : f32
    %broadcast_in_dim3A_1659 = vector.broadcast %jit3A_1658 : f32 to vector<16x128xf32>
    %select_n3A_1660 = arith.select %eq3A_1657, %broadcast_in_dim3A_1659, %abs3A_1544 : vector<16x128xi1>, vector<16x128xf32>
    %gt3A_1661 = arith.cmpf ogt, %select_n3A_1660, %select_n3A_1651 : vector<16x128xf32>
    %select_n3A_1662 = arith.select %gt3A_1661, %select_n3A_1660, %select_n3A_1651 : vector<16x128xi1>, vector<16x128xf32>
    %jit3A_1663 = arith.constant 3 : i32
    %broadcast_in_dim3A_1664 = vector.broadcast %jit3A_1663 : i32 to vector<16x128xi32>
    %select_n3A_1665 = arith.select %gt3A_1661, %broadcast_in_dim3A_1664, %select_n3A_1654 : vector<16x128xi1>, vector<16x128xi32>
    %eq3A_1666 = arith.constant 4 : i32
    %eq3A_1667 = vector.broadcast %eq3A_1666 : i32 to vector<16x128xi32>
    %eq3A_1668 = arith.cmpi eq, %select_n3A_1617, %eq3A_1667 : vector<16x128xi32>
    %jit3A_1669 = arith.constant -1.000000e+00 : f32
    %broadcast_in_dim3A_1670 = vector.broadcast %jit3A_1669 : f32 to vector<16x128xf32>
    %select_n3A_1671 = arith.select %eq3A_1668, %broadcast_in_dim3A_1670, %abs3A_1545 : vector<16x128xi1>, vector<16x128xf32>
    %gt3A_1672 = arith.cmpf ogt, %select_n3A_1671, %select_n3A_1662 : vector<16x128xf32>
    %select_n3A_1673 = arith.select %gt3A_1672, %select_n3A_1671, %select_n3A_1662 : vector<16x128xi1>, vector<16x128xf32>
    %jit3A_1674 = arith.constant 4 : i32
    %broadcast_in_dim3A_1675 = vector.broadcast %jit3A_1674 : i32 to vector<16x128xi32>
    %select_n3A_1676 = arith.select %gt3A_1672, %broadcast_in_dim3A_1675, %select_n3A_1665 : vector<16x128xi1>, vector<16x128xi32>
    %eq3A_1677 = arith.constant 5 : i32
    %eq3A_1678 = vector.broadcast %eq3A_1677 : i32 to vector<16x128xi32>
    %eq3A_1679 = arith.cmpi eq, %select_n3A_1617, %eq3A_1678 : vector<16x128xi32>
    %jit3A_1680 = arith.constant -1.000000e+00 : f32
    %broadcast_in_dim3A_1681 = vector.broadcast %jit3A_1680 : f32 to vector<16x128xf32>
    %select_n3A_1682 = arith.select %eq3A_1679, %broadcast_in_dim3A_1681, %abs3A_1546 : vector<16x128xi1>, vector<16x128xf32>
    %gt3A_1683 = arith.cmpf ogt, %select_n3A_1682, %select_n3A_1673 : vector<16x128xf32>
    %select_n3A_1684 = arith.select %gt3A_1683, %select_n3A_1682, %select_n3A_1673 : vector<16x128xi1>, vector<16x128xf32>
    %jit3A_1685 = arith.constant 5 : i32
    %broadcast_in_dim3A_1686 = vector.broadcast %jit3A_1685 : i32 to vector<16x128xi32>
    %select_n3A_1687 = arith.select %gt3A_1683, %broadcast_in_dim3A_1686, %select_n3A_1676 : vector<16x128xi1>, vector<16x128xi32>
    %eq3A_1688 = arith.constant 6 : i32
    %eq3A_1689 = vector.broadcast %eq3A_1688 : i32 to vector<16x128xi32>
    %eq3A_1690 = arith.cmpi eq, %select_n3A_1617, %eq3A_1689 : vector<16x128xi32>
    %jit3A_1691 = arith.constant -1.000000e+00 : f32
    %broadcast_in_dim3A_1692 = vector.broadcast %jit3A_1691 : f32 to vector<16x128xf32>
    %select_n3A_1693 = arith.select %eq3A_1690, %broadcast_in_dim3A_1692, %abs3A_1547 : vector<16x128xi1>, vector<16x128xf32>
    %gt3A_1694 = arith.cmpf ogt, %select_n3A_1693, %select_n3A_1684 : vector<16x128xf32>
    %select_n3A_1695 = arith.select %gt3A_1694, %select_n3A_1693, %select_n3A_1684 : vector<16x128xi1>, vector<16x128xf32>
    %jit3A_1696 = arith.constant 6 : i32
    %broadcast_in_dim3A_1697 = vector.broadcast %jit3A_1696 : i32 to vector<16x128xi32>
    %select_n3A_1698 = arith.select %gt3A_1694, %broadcast_in_dim3A_1697, %select_n3A_1687 : vector<16x128xi1>, vector<16x128xi32>
    %eq3A_1699 = arith.constant 7 : i32
    %eq3A_1700 = vector.broadcast %eq3A_1699 : i32 to vector<16x128xi32>
    %eq3A_1701 = arith.cmpi eq, %select_n3A_1617, %eq3A_1700 : vector<16x128xi32>
    %jit3A_1702 = arith.constant -1.000000e+00 : f32
    %broadcast_in_dim3A_1703 = vector.broadcast %jit3A_1702 : f32 to vector<16x128xf32>
    %select_n3A_1704 = arith.select %eq3A_1701, %broadcast_in_dim3A_1703, %abs3A_1548 : vector<16x128xi1>, vector<16x128xf32>
    %gt3A_1705 = arith.cmpf ogt, %select_n3A_1704, %select_n3A_1695 : vector<16x128xf32>
    %select_n3A_1706 = arith.select %gt3A_1705, %select_n3A_1704, %select_n3A_1695 : vector<16x128xi1>, vector<16x128xf32>
    %jit3A_1707 = arith.constant 7 : i32
    %broadcast_in_dim3A_1708 = vector.broadcast %jit3A_1707 : i32 to vector<16x128xi32>
    %select_n3A_1709 = arith.select %gt3A_1705, %broadcast_in_dim3A_1708, %select_n3A_1698 : vector<16x128xi1>, vector<16x128xi32>
    %add3A_1710 = arith.addf %select_n3A_1614, %select_n3A_1706 : vector<16x128xf32>
    %add3A_1711 = arith.addf %abs3A_1541, %abs3A_1542 : vector<16x128xf32>
    %min3A_1712 = arith.minimumf %abs3A_1541, %abs3A_1542 : vector<16x128xf32>
    %add3A_1713 = arith.addf %add3A_1711, %abs3A_1543 : vector<16x128xf32>
    %min3A_1714 = arith.minimumf %min3A_1712, %abs3A_1543 : vector<16x128xf32>
    %add3A_1715 = arith.addf %add3A_1713, %abs3A_1544 : vector<16x128xf32>
    %min3A_1716 = arith.minimumf %min3A_1714, %abs3A_1544 : vector<16x128xf32>
    %add3A_1717 = arith.addf %add3A_1715, %abs3A_1545 : vector<16x128xf32>
    %min3A_1718 = arith.minimumf %min3A_1716, %abs3A_1545 : vector<16x128xf32>
    %add3A_1719 = arith.addf %add3A_1717, %abs3A_1546 : vector<16x128xf32>
    %min3A_1720 = arith.minimumf %min3A_1718, %abs3A_1546 : vector<16x128xf32>
    %add3A_1721 = arith.addf %add3A_1719, %abs3A_1547 : vector<16x128xf32>
    %min3A_1722 = arith.minimumf %min3A_1720, %abs3A_1547 : vector<16x128xf32>
    %add3A_1723 = arith.addf %add3A_1721, %abs3A_1548 : vector<16x128xf32>
    %min3A_1724 = arith.minimumf %min3A_1722, %abs3A_1548 : vector<16x128xf32>
    %eq3A_1725 = arith.cmpf oeq, %abs3A_1541, %min3A_1724 : vector<16x128xf32>
    %and3A_1726 = arith.andi %eq3A_1725, %lt3A_1551 : vector<16x128xi1>
    %broadcast_in_dim3A_1727 = arith.constant 0 : i32
    %broadcast_in_dim3A_1728 = vector.broadcast %broadcast_in_dim3A_1727 : i32 to vector<16x128xi32>
    %eq3A_1729 = arith.cmpf oeq, %abs3A_1541, %min3A_1724 : vector<16x128xf32>
    %and3A_1730 = arith.andi %eq3A_1729, %lt3A_1551 : vector<16x128xi1>
    %jit3A_1731 = arith.constant 0 : i32
    %broadcast_in_dim3A_1732 = vector.broadcast %jit3A_1731 : i32 to vector<16x128xi32>
    %select_n3A_1733 = arith.select %and3A_1730, %broadcast_in_dim3A_1732, %broadcast_in_dim3A_1728 : vector<16x128xi1>, vector<16x128xi32>
    %eq3A_1734 = arith.cmpf oeq, %abs3A_1542, %min3A_1724 : vector<16x128xf32>
    %and3A_1735 = arith.andi %eq3A_1734, %lt3A_1554 : vector<16x128xi1>
    %jit3A_1736 = arith.constant 1 : i32
    %broadcast_in_dim3A_1737 = vector.broadcast %jit3A_1736 : i32 to vector<16x128xi32>
    %select_n3A_1738 = arith.select %and3A_1735, %broadcast_in_dim3A_1737, %select_n3A_1733 : vector<16x128xi1>, vector<16x128xi32>
    %or3A_1739 = arith.ori %and3A_1726, %and3A_1735 : vector<16x128xi1>
    %eq3A_1740 = arith.cmpf oeq, %abs3A_1543, %min3A_1724 : vector<16x128xf32>
    %and3A_1741 = arith.andi %eq3A_1740, %lt3A_1557 : vector<16x128xi1>
    %jit3A_1742 = arith.constant 2 : i32
    %broadcast_in_dim3A_1743 = vector.broadcast %jit3A_1742 : i32 to vector<16x128xi32>
    %select_n3A_1744 = arith.select %and3A_1741, %broadcast_in_dim3A_1743, %select_n3A_1738 : vector<16x128xi1>, vector<16x128xi32>
    %or3A_1745 = arith.ori %or3A_1739, %and3A_1741 : vector<16x128xi1>
    %eq3A_1746 = arith.cmpf oeq, %abs3A_1544, %min3A_1724 : vector<16x128xf32>
    %and3A_1747 = arith.andi %eq3A_1746, %lt3A_1560 : vector<16x128xi1>
    %jit3A_1748 = arith.constant 3 : i32
    %broadcast_in_dim3A_1749 = vector.broadcast %jit3A_1748 : i32 to vector<16x128xi32>
    %select_n3A_1750 = arith.select %and3A_1747, %broadcast_in_dim3A_1749, %select_n3A_1744 : vector<16x128xi1>, vector<16x128xi32>
    %or3A_1751 = arith.ori %or3A_1745, %and3A_1747 : vector<16x128xi1>
    %eq3A_1752 = arith.cmpf oeq, %abs3A_1545, %min3A_1724 : vector<16x128xf32>
    %and3A_1753 = arith.andi %eq3A_1752, %lt3A_1563 : vector<16x128xi1>
    %jit3A_1754 = arith.constant 4 : i32
    %broadcast_in_dim3A_1755 = vector.broadcast %jit3A_1754 : i32 to vector<16x128xi32>
    %select_n3A_1756 = arith.select %and3A_1753, %broadcast_in_dim3A_1755, %select_n3A_1750 : vector<16x128xi1>, vector<16x128xi32>
    %or3A_1757 = arith.ori %or3A_1751, %and3A_1753 : vector<16x128xi1>
    %eq3A_1758 = arith.cmpf oeq, %abs3A_1546, %min3A_1724 : vector<16x128xf32>
    %and3A_1759 = arith.andi %eq3A_1758, %lt3A_1566 : vector<16x128xi1>
    %jit3A_1760 = arith.constant 5 : i32
    %broadcast_in_dim3A_1761 = vector.broadcast %jit3A_1760 : i32 to vector<16x128xi32>
    %select_n3A_1762 = arith.select %and3A_1759, %broadcast_in_dim3A_1761, %select_n3A_1756 : vector<16x128xi1>, vector<16x128xi32>
    %or3A_1763 = arith.ori %or3A_1757, %and3A_1759 : vector<16x128xi1>
    %eq3A_1764 = arith.cmpf oeq, %abs3A_1547, %min3A_1724 : vector<16x128xf32>
    %and3A_1765 = arith.andi %eq3A_1764, %lt3A_1569 : vector<16x128xi1>
    %jit3A_1766 = arith.constant 6 : i32
    %broadcast_in_dim3A_1767 = vector.broadcast %jit3A_1766 : i32 to vector<16x128xi32>
    %select_n3A_1768 = arith.select %and3A_1765, %broadcast_in_dim3A_1767, %select_n3A_1762 : vector<16x128xi1>, vector<16x128xi32>
    %or3A_1769 = arith.ori %or3A_1763, %and3A_1765 : vector<16x128xi1>
    %eq3A_1770 = arith.cmpf oeq, %abs3A_1548, %min3A_1724 : vector<16x128xf32>
    %and3A_1771 = arith.andi %eq3A_1770, %lt3A_1572 : vector<16x128xi1>
    %jit3A_1772 = arith.constant 7 : i32
    %broadcast_in_dim3A_1773 = vector.broadcast %jit3A_1772 : i32 to vector<16x128xi32>
    %select_n3A_1774 = arith.select %and3A_1771, %broadcast_in_dim3A_1773, %select_n3A_1768 : vector<16x128xi1>, vector<16x128xi32>
    %or3A_1775 = arith.ori %or3A_1769, %and3A_1771 : vector<16x128xi1>
    %broadcast_in_dim3A_1776 = arith.constant 0 : i32
    %broadcast_in_dim3A_1777 = vector.broadcast %broadcast_in_dim3A_1776 : i32 to vector<16x128xi32>
    %eq3A_1778 = arith.cmpf oeq, %abs3A_1548, %min3A_1724 : vector<16x128xf32>
    %jit3A_1779 = arith.constant 7 : i32
    %broadcast_in_dim3A_1780 = vector.broadcast %jit3A_1779 : i32 to vector<16x128xi32>
    %select_n3A_1781 = arith.select %eq3A_1778, %broadcast_in_dim3A_1780, %broadcast_in_dim3A_1777 : vector<16x128xi1>, vector<16x128xi32>
    %eq3A_1782 = arith.cmpf oeq, %abs3A_1547, %min3A_1724 : vector<16x128xf32>
    %jit3A_1783 = arith.constant 6 : i32
    %broadcast_in_dim3A_1784 = vector.broadcast %jit3A_1783 : i32 to vector<16x128xi32>
    %select_n3A_1785 = arith.select %eq3A_1782, %broadcast_in_dim3A_1784, %select_n3A_1781 : vector<16x128xi1>, vector<16x128xi32>
    %eq3A_1786 = arith.cmpf oeq, %abs3A_1546, %min3A_1724 : vector<16x128xf32>
    %jit3A_1787 = arith.constant 5 : i32
    %broadcast_in_dim3A_1788 = vector.broadcast %jit3A_1787 : i32 to vector<16x128xi32>
    %select_n3A_1789 = arith.select %eq3A_1786, %broadcast_in_dim3A_1788, %select_n3A_1785 : vector<16x128xi1>, vector<16x128xi32>
    %eq3A_1790 = arith.cmpf oeq, %abs3A_1545, %min3A_1724 : vector<16x128xf32>
    %jit3A_1791 = arith.constant 4 : i32
    %broadcast_in_dim3A_1792 = vector.broadcast %jit3A_1791 : i32 to vector<16x128xi32>
    %select_n3A_1793 = arith.select %eq3A_1790, %broadcast_in_dim3A_1792, %select_n3A_1789 : vector<16x128xi1>, vector<16x128xi32>
    %eq3A_1794 = arith.cmpf oeq, %abs3A_1544, %min3A_1724 : vector<16x128xf32>
    %jit3A_1795 = arith.constant 3 : i32
    %broadcast_in_dim3A_1796 = vector.broadcast %jit3A_1795 : i32 to vector<16x128xi32>
    %select_n3A_1797 = arith.select %eq3A_1794, %broadcast_in_dim3A_1796, %select_n3A_1793 : vector<16x128xi1>, vector<16x128xi32>
    %eq3A_1798 = arith.cmpf oeq, %abs3A_1543, %min3A_1724 : vector<16x128xf32>
    %jit3A_1799 = arith.constant 2 : i32
    %broadcast_in_dim3A_1800 = vector.broadcast %jit3A_1799 : i32 to vector<16x128xi32>
    %select_n3A_1801 = arith.select %eq3A_1798, %broadcast_in_dim3A_1800, %select_n3A_1797 : vector<16x128xi1>, vector<16x128xi32>
    %eq3A_1802 = arith.cmpf oeq, %abs3A_1542, %min3A_1724 : vector<16x128xf32>
    %jit3A_1803 = arith.constant 1 : i32
    %broadcast_in_dim3A_1804 = vector.broadcast %jit3A_1803 : i32 to vector<16x128xi32>
    %select_n3A_1805 = arith.select %eq3A_1802, %broadcast_in_dim3A_1804, %select_n3A_1801 : vector<16x128xi1>, vector<16x128xi32>
    %eq3A_1806 = arith.cmpf oeq, %abs3A_1541, %min3A_1724 : vector<16x128xf32>
    %jit3A_1807 = arith.constant 0 : i32
    %broadcast_in_dim3A_1808 = vector.broadcast %jit3A_1807 : i32 to vector<16x128xi32>
    %select_n3A_1809 = arith.select %eq3A_1806, %broadcast_in_dim3A_1808, %select_n3A_1805 : vector<16x128xi1>, vector<16x128xi32>
    %select_n3A_1810 = arith.select %or3A_1775, %select_n3A_1774, %select_n3A_1809 : vector<16x128xi1>, vector<16x128xi32>
    %xor3A_1811 = arith.xori %convert_element_type3A_1573, %convert_element_type3A_1574 : vector<16x128xi32>
    %xor3A_1812 = arith.xori %xor3A_1811, %convert_element_type3A_1575 : vector<16x128xi32>
    %xor3A_1813 = arith.xori %xor3A_1812, %convert_element_type3A_1576 : vector<16x128xi32>
    %xor3A_1814 = arith.xori %xor3A_1813, %convert_element_type3A_1577 : vector<16x128xi32>
    %xor3A_1815 = arith.xori %xor3A_1814, %convert_element_type3A_1578 : vector<16x128xi32>
    %xor3A_1816 = arith.xori %xor3A_1815, %convert_element_type3A_1579 : vector<16x128xi32>
    %xor3A_1817 = arith.xori %xor3A_1816, %convert_element_type3A_1580 : vector<16x128xi32>
    %eq3A_1818 = arith.constant 1 : i32
    %eq3A_1819 = vector.broadcast %eq3A_1818 : i32 to vector<16x128xi32>
    %eq3A_1820 = arith.cmpi eq, %xor3A_1817, %eq3A_1819 : vector<16x128xi32>
    %mul3A_1821 = arith.constant 5.000000e-01 : f32
    %mul3A_1822 = vector.broadcast %mul3A_1821 : f32 to vector<16x128xf32>
    %mul3A_1823 = arith.mulf %mul3A_1822, %add3A_1723 : vector<16x128xf32>
    %jit3A_1824 = arith.constant 0.000000e+00 : f32
    %broadcast_in_dim3A_1825 = vector.broadcast %jit3A_1824 : f32 to vector<16x128xf32>
    %select_n3A_1826 = arith.select %eq3A_1820, %min3A_1724, %broadcast_in_dim3A_1825 : vector<16x128xi1>, vector<16x128xf32>
    %sub3A_1827 = arith.subf %mul3A_1823, %select_n3A_1826 : vector<16x128xf32>
    %ge3A_1828 = arith.cmpf oge, %add3A_1710, %sub3A_1827 : vector<16x128xf32>
    %min3A_1829 = arith.minsi %select_n3A_1617, %select_n3A_1709 : vector<16x128xi32>
    %max3A_1830 = arith.maxsi %select_n3A_1617, %select_n3A_1709 : vector<16x128xi32>
    %sub3A_1831 = arith.constant 15 : i32
    %sub3A_1832 = vector.broadcast %sub3A_1831 : i32 to vector<16x128xi32>
    %sub3A_1833 = arith.subi %sub3A_1832, %min3A_1829 : vector<16x128xi32>
    %mul3A_1834 = arith.muli %min3A_1829, %sub3A_1833 : vector<16x128xi32>
    %shift_right_arithmetic3A_1835 = arith.constant 1 : i32
    %shift_right_arithmetic3A_1836 = vector.broadcast %shift_right_arithmetic3A_1835 : i32 to vector<16x128xi32>
    %shift_right_arithmetic3A_1837 = arith.shrsi %mul3A_1834, %shift_right_arithmetic3A_1836 : vector<16x128xi32>
    %sub3A_1838 = arith.subi %max3A_1830, %min3A_1829 : vector<16x128xi32>
    %sub3A_1839 = arith.constant 1 : i32
    %sub3A_1840 = vector.broadcast %sub3A_1839 : i32 to vector<16x128xi32>
    %sub3A_1841 = arith.subi %sub3A_1838, %sub3A_1840 : vector<16x128xi32>
    %add3A_1842 = arith.addi %shift_right_arithmetic3A_1837, %sub3A_1841 : vector<16x128xi32>
    %broadcast_in_dim3A_1843 = arith.constant 0 : i32
    %broadcast_in_dim3A_1844 = vector.broadcast %broadcast_in_dim3A_1843 : i32 to vector<16x128xi32>
    %broadcast_in_dim3A_1845 = arith.constant 0 : i32
    %broadcast_in_dim3A_1846 = vector.broadcast %broadcast_in_dim3A_1845 : i32 to vector<16x128xi32>
    %eq3A_1847 = arith.constant 0 : i32
    %eq3A_1848 = vector.broadcast %eq3A_1847 : i32 to vector<16x128xi32>
    %eq3A_1849 = arith.cmpi eq, %min3A_1829, %eq3A_1848 : vector<16x128xi32>
    %select_n3A_1850 = arith.select %eq3A_1849, %convert_element_type3A_1573, %broadcast_in_dim3A_1844 : vector<16x128xi1>, vector<16x128xi32>
    %eq3A_1851 = arith.constant 0 : i32
    %eq3A_1852 = vector.broadcast %eq3A_1851 : i32 to vector<16x128xi32>
    %eq3A_1853 = arith.cmpi eq, %max3A_1830, %eq3A_1852 : vector<16x128xi32>
    %select_n3A_1854 = arith.select %eq3A_1853, %convert_element_type3A_1573, %broadcast_in_dim3A_1846 : vector<16x128xi1>, vector<16x128xi32>
    %eq3A_1855 = arith.constant 1 : i32
    %eq3A_1856 = vector.broadcast %eq3A_1855 : i32 to vector<16x128xi32>
    %eq3A_1857 = arith.cmpi eq, %min3A_1829, %eq3A_1856 : vector<16x128xi32>
    %select_n3A_1858 = arith.select %eq3A_1857, %convert_element_type3A_1574, %select_n3A_1850 : vector<16x128xi1>, vector<16x128xi32>
    %eq3A_1859 = arith.constant 1 : i32
    %eq3A_1860 = vector.broadcast %eq3A_1859 : i32 to vector<16x128xi32>
    %eq3A_1861 = arith.cmpi eq, %max3A_1830, %eq3A_1860 : vector<16x128xi32>
    %select_n3A_1862 = arith.select %eq3A_1861, %convert_element_type3A_1574, %select_n3A_1854 : vector<16x128xi1>, vector<16x128xi32>
    %eq3A_1863 = arith.constant 2 : i32
    %eq3A_1864 = vector.broadcast %eq3A_1863 : i32 to vector<16x128xi32>
    %eq3A_1865 = arith.cmpi eq, %min3A_1829, %eq3A_1864 : vector<16x128xi32>
    %select_n3A_1866 = arith.select %eq3A_1865, %convert_element_type3A_1575, %select_n3A_1858 : vector<16x128xi1>, vector<16x128xi32>
    %eq3A_1867 = arith.constant 2 : i32
    %eq3A_1868 = vector.broadcast %eq3A_1867 : i32 to vector<16x128xi32>
    %eq3A_1869 = arith.cmpi eq, %max3A_1830, %eq3A_1868 : vector<16x128xi32>
    %select_n3A_1870 = arith.select %eq3A_1869, %convert_element_type3A_1575, %select_n3A_1862 : vector<16x128xi1>, vector<16x128xi32>
    %eq3A_1871 = arith.constant 3 : i32
    %eq3A_1872 = vector.broadcast %eq3A_1871 : i32 to vector<16x128xi32>
    %eq3A_1873 = arith.cmpi eq, %min3A_1829, %eq3A_1872 : vector<16x128xi32>
    %select_n3A_1874 = arith.select %eq3A_1873, %convert_element_type3A_1576, %select_n3A_1866 : vector<16x128xi1>, vector<16x128xi32>
    %eq3A_1875 = arith.constant 3 : i32
    %eq3A_1876 = vector.broadcast %eq3A_1875 : i32 to vector<16x128xi32>
    %eq3A_1877 = arith.cmpi eq, %max3A_1830, %eq3A_1876 : vector<16x128xi32>
    %select_n3A_1878 = arith.select %eq3A_1877, %convert_element_type3A_1576, %select_n3A_1870 : vector<16x128xi1>, vector<16x128xi32>
    %eq3A_1879 = arith.constant 4 : i32
    %eq3A_1880 = vector.broadcast %eq3A_1879 : i32 to vector<16x128xi32>
    %eq3A_1881 = arith.cmpi eq, %min3A_1829, %eq3A_1880 : vector<16x128xi32>
    %select_n3A_1882 = arith.select %eq3A_1881, %convert_element_type3A_1577, %select_n3A_1874 : vector<16x128xi1>, vector<16x128xi32>
    %eq3A_1883 = arith.constant 4 : i32
    %eq3A_1884 = vector.broadcast %eq3A_1883 : i32 to vector<16x128xi32>
    %eq3A_1885 = arith.cmpi eq, %max3A_1830, %eq3A_1884 : vector<16x128xi32>
    %select_n3A_1886 = arith.select %eq3A_1885, %convert_element_type3A_1577, %select_n3A_1878 : vector<16x128xi1>, vector<16x128xi32>
    %eq3A_1887 = arith.constant 5 : i32
    %eq3A_1888 = vector.broadcast %eq3A_1887 : i32 to vector<16x128xi32>
    %eq3A_1889 = arith.cmpi eq, %min3A_1829, %eq3A_1888 : vector<16x128xi32>
    %select_n3A_1890 = arith.select %eq3A_1889, %convert_element_type3A_1578, %select_n3A_1882 : vector<16x128xi1>, vector<16x128xi32>
    %eq3A_1891 = arith.constant 5 : i32
    %eq3A_1892 = vector.broadcast %eq3A_1891 : i32 to vector<16x128xi32>
    %eq3A_1893 = arith.cmpi eq, %max3A_1830, %eq3A_1892 : vector<16x128xi32>
    %select_n3A_1894 = arith.select %eq3A_1893, %convert_element_type3A_1578, %select_n3A_1886 : vector<16x128xi1>, vector<16x128xi32>
    %eq3A_1895 = arith.constant 6 : i32
    %eq3A_1896 = vector.broadcast %eq3A_1895 : i32 to vector<16x128xi32>
    %eq3A_1897 = arith.cmpi eq, %min3A_1829, %eq3A_1896 : vector<16x128xi32>
    %select_n3A_1898 = arith.select %eq3A_1897, %convert_element_type3A_1579, %select_n3A_1890 : vector<16x128xi1>, vector<16x128xi32>
    %eq3A_1899 = arith.constant 6 : i32
    %eq3A_1900 = vector.broadcast %eq3A_1899 : i32 to vector<16x128xi32>
    %eq3A_1901 = arith.cmpi eq, %max3A_1830, %eq3A_1900 : vector<16x128xi32>
    %select_n3A_1902 = arith.select %eq3A_1901, %convert_element_type3A_1579, %select_n3A_1894 : vector<16x128xi1>, vector<16x128xi32>
    %eq3A_1903 = arith.constant 7 : i32
    %eq3A_1904 = vector.broadcast %eq3A_1903 : i32 to vector<16x128xi32>
    %eq3A_1905 = arith.cmpi eq, %min3A_1829, %eq3A_1904 : vector<16x128xi32>
    %select_n3A_1906 = arith.select %eq3A_1905, %convert_element_type3A_1580, %select_n3A_1898 : vector<16x128xi1>, vector<16x128xi32>
    %eq3A_1907 = arith.constant 7 : i32
    %eq3A_1908 = vector.broadcast %eq3A_1907 : i32 to vector<16x128xi32>
    %eq3A_1909 = arith.cmpi eq, %max3A_1830, %eq3A_1908 : vector<16x128xi32>
    %select_n3A_1910 = arith.select %eq3A_1909, %convert_element_type3A_1580, %select_n3A_1902 : vector<16x128xi1>, vector<16x128xi32>
    %mul3A_1911 = arith.constant 4 : i32
    %mul3A_1912 = vector.broadcast %mul3A_1911 : i32 to vector<16x128xi32>
    %mul3A_1913 = arith.muli %mul3A_1912, %add3A_1842 : vector<16x128xi32>
    %mul3A_1914 = arith.constant 2 : i32
    %mul3A_1915 = vector.broadcast %mul3A_1914 : i32 to vector<16x128xi32>
    %mul3A_1916 = arith.muli %mul3A_1915, %select_n3A_1906 : vector<16x128xi32>
    %add3A_1917 = arith.addi %mul3A_1913, %mul3A_1916 : vector<16x128xi32>
    %add3A_1918 = arith.addi %add3A_1917, %select_n3A_1910 : vector<16x128xi32>
    %broadcast_in_dim3A_1919 = arith.constant 0 : i32
    %broadcast_in_dim3A_1920 = vector.broadcast %broadcast_in_dim3A_1919 : i32 to vector<16x128xi32>
    %eq3A_1921 = arith.constant 0 : i32
    %eq3A_1922 = vector.broadcast %eq3A_1921 : i32 to vector<16x128xi32>
    %eq3A_1923 = arith.cmpi eq, %select_n3A_1810, %eq3A_1922 : vector<16x128xi32>
    %and3A_1924 = arith.andi %eq3A_1820, %eq3A_1923 : vector<16x128xi1>
    %sub3A_1925 = arith.constant 1 : i32
    %sub3A_1926 = vector.broadcast %sub3A_1925 : i32 to vector<16x128xi32>
    %sub3A_1927 = arith.subi %sub3A_1926, %convert_element_type3A_1573 : vector<16x128xi32>
    %select_n3A_1928 = arith.select %and3A_1924, %sub3A_1927, %convert_element_type3A_1573 : vector<16x128xi1>, vector<16x128xi32>
    %shift_left3A_1929 = arith.constant 0 : i32
    %shift_left3A_1930 = vector.broadcast %shift_left3A_1929 : i32 to vector<16x128xi32>
    %shift_left3A_1931 = arith.shli %select_n3A_1928, %shift_left3A_1930 : vector<16x128xi32>
    %add3A_1932 = arith.addi %broadcast_in_dim3A_1920, %shift_left3A_1931 : vector<16x128xi32>
    %eq3A_1933 = arith.constant 1 : i32
    %eq3A_1934 = vector.broadcast %eq3A_1933 : i32 to vector<16x128xi32>
    %eq3A_1935 = arith.cmpi eq, %select_n3A_1810, %eq3A_1934 : vector<16x128xi32>
    %and3A_1936 = arith.andi %eq3A_1820, %eq3A_1935 : vector<16x128xi1>
    %sub3A_1937 = arith.constant 1 : i32
    %sub3A_1938 = vector.broadcast %sub3A_1937 : i32 to vector<16x128xi32>
    %sub3A_1939 = arith.subi %sub3A_1938, %convert_element_type3A_1574 : vector<16x128xi32>
    %select_n3A_1940 = arith.select %and3A_1936, %sub3A_1939, %convert_element_type3A_1574 : vector<16x128xi1>, vector<16x128xi32>
    %shift_left3A_1941 = arith.constant 1 : i32
    %shift_left3A_1942 = vector.broadcast %shift_left3A_1941 : i32 to vector<16x128xi32>
    %shift_left3A_1943 = arith.shli %select_n3A_1940, %shift_left3A_1942 : vector<16x128xi32>
    %add3A_1944 = arith.addi %add3A_1932, %shift_left3A_1943 : vector<16x128xi32>
    %eq3A_1945 = arith.constant 2 : i32
    %eq3A_1946 = vector.broadcast %eq3A_1945 : i32 to vector<16x128xi32>
    %eq3A_1947 = arith.cmpi eq, %select_n3A_1810, %eq3A_1946 : vector<16x128xi32>
    %and3A_1948 = arith.andi %eq3A_1820, %eq3A_1947 : vector<16x128xi1>
    %sub3A_1949 = arith.constant 1 : i32
    %sub3A_1950 = vector.broadcast %sub3A_1949 : i32 to vector<16x128xi32>
    %sub3A_1951 = arith.subi %sub3A_1950, %convert_element_type3A_1575 : vector<16x128xi32>
    %select_n3A_1952 = arith.select %and3A_1948, %sub3A_1951, %convert_element_type3A_1575 : vector<16x128xi1>, vector<16x128xi32>
    %shift_left3A_1953 = arith.constant 2 : i32
    %shift_left3A_1954 = vector.broadcast %shift_left3A_1953 : i32 to vector<16x128xi32>
    %shift_left3A_1955 = arith.shli %select_n3A_1952, %shift_left3A_1954 : vector<16x128xi32>
    %add3A_1956 = arith.addi %add3A_1944, %shift_left3A_1955 : vector<16x128xi32>
    %eq3A_1957 = arith.constant 3 : i32
    %eq3A_1958 = vector.broadcast %eq3A_1957 : i32 to vector<16x128xi32>
    %eq3A_1959 = arith.cmpi eq, %select_n3A_1810, %eq3A_1958 : vector<16x128xi32>
    %and3A_1960 = arith.andi %eq3A_1820, %eq3A_1959 : vector<16x128xi1>
    %sub3A_1961 = arith.constant 1 : i32
    %sub3A_1962 = vector.broadcast %sub3A_1961 : i32 to vector<16x128xi32>
    %sub3A_1963 = arith.subi %sub3A_1962, %convert_element_type3A_1576 : vector<16x128xi32>
    %select_n3A_1964 = arith.select %and3A_1960, %sub3A_1963, %convert_element_type3A_1576 : vector<16x128xi1>, vector<16x128xi32>
    %shift_left3A_1965 = arith.constant 3 : i32
    %shift_left3A_1966 = vector.broadcast %shift_left3A_1965 : i32 to vector<16x128xi32>
    %shift_left3A_1967 = arith.shli %select_n3A_1964, %shift_left3A_1966 : vector<16x128xi32>
    %add3A_1968 = arith.addi %add3A_1956, %shift_left3A_1967 : vector<16x128xi32>
    %eq3A_1969 = arith.constant 4 : i32
    %eq3A_1970 = vector.broadcast %eq3A_1969 : i32 to vector<16x128xi32>
    %eq3A_1971 = arith.cmpi eq, %select_n3A_1810, %eq3A_1970 : vector<16x128xi32>
    %and3A_1972 = arith.andi %eq3A_1820, %eq3A_1971 : vector<16x128xi1>
    %sub3A_1973 = arith.constant 1 : i32
    %sub3A_1974 = vector.broadcast %sub3A_1973 : i32 to vector<16x128xi32>
    %sub3A_1975 = arith.subi %sub3A_1974, %convert_element_type3A_1577 : vector<16x128xi32>
    %select_n3A_1976 = arith.select %and3A_1972, %sub3A_1975, %convert_element_type3A_1577 : vector<16x128xi1>, vector<16x128xi32>
    %shift_left3A_1977 = arith.constant 4 : i32
    %shift_left3A_1978 = vector.broadcast %shift_left3A_1977 : i32 to vector<16x128xi32>
    %shift_left3A_1979 = arith.shli %select_n3A_1976, %shift_left3A_1978 : vector<16x128xi32>
    %add3A_1980 = arith.addi %add3A_1968, %shift_left3A_1979 : vector<16x128xi32>
    %eq3A_1981 = arith.constant 5 : i32
    %eq3A_1982 = vector.broadcast %eq3A_1981 : i32 to vector<16x128xi32>
    %eq3A_1983 = arith.cmpi eq, %select_n3A_1810, %eq3A_1982 : vector<16x128xi32>
    %and3A_1984 = arith.andi %eq3A_1820, %eq3A_1983 : vector<16x128xi1>
    %sub3A_1985 = arith.constant 1 : i32
    %sub3A_1986 = vector.broadcast %sub3A_1985 : i32 to vector<16x128xi32>
    %sub3A_1987 = arith.subi %sub3A_1986, %convert_element_type3A_1578 : vector<16x128xi32>
    %select_n3A_1988 = arith.select %and3A_1984, %sub3A_1987, %convert_element_type3A_1578 : vector<16x128xi1>, vector<16x128xi32>
    %shift_left3A_1989 = arith.constant 5 : i32
    %shift_left3A_1990 = vector.broadcast %shift_left3A_1989 : i32 to vector<16x128xi32>
    %shift_left3A_1991 = arith.shli %select_n3A_1988, %shift_left3A_1990 : vector<16x128xi32>
    %add3A_1992 = arith.addi %add3A_1980, %shift_left3A_1991 : vector<16x128xi32>
    %eq3A_1993 = arith.constant 6 : i32
    %eq3A_1994 = vector.broadcast %eq3A_1993 : i32 to vector<16x128xi32>
    %eq3A_1995 = arith.cmpi eq, %select_n3A_1810, %eq3A_1994 : vector<16x128xi32>
    %and3A_1996 = arith.andi %eq3A_1820, %eq3A_1995 : vector<16x128xi1>
    %sub3A_1997 = arith.constant 1 : i32
    %sub3A_1998 = vector.broadcast %sub3A_1997 : i32 to vector<16x128xi32>
    %sub3A_1999 = arith.subi %sub3A_1998, %convert_element_type3A_1579 : vector<16x128xi32>
    %select_n3A_2000 = arith.select %and3A_1996, %sub3A_1999, %convert_element_type3A_1579 : vector<16x128xi1>, vector<16x128xi32>
    %shift_left3A_2001 = arith.constant 6 : i32
    %shift_left3A_2002 = vector.broadcast %shift_left3A_2001 : i32 to vector<16x128xi32>
    %shift_left3A_2003 = arith.shli %select_n3A_2000, %shift_left3A_2002 : vector<16x128xi32>
    %add3A_2004 = arith.addi %add3A_1992, %shift_left3A_2003 : vector<16x128xi32>
    %eq3A_2005 = arith.constant 7 : i32
    %eq3A_2006 = vector.broadcast %eq3A_2005 : i32 to vector<16x128xi32>
    %eq3A_2007 = arith.cmpi eq, %select_n3A_1810, %eq3A_2006 : vector<16x128xi32>
    %and3A_2008 = arith.andi %eq3A_1820, %eq3A_2007 : vector<16x128xi1>
    %sub3A_2009 = arith.constant 1 : i32
    %sub3A_2010 = vector.broadcast %sub3A_2009 : i32 to vector<16x128xi32>
    %sub3A_2011 = arith.subi %sub3A_2010, %convert_element_type3A_1580 : vector<16x128xi32>
    %select_n3A_2012 = arith.select %and3A_2008, %sub3A_2011, %convert_element_type3A_1580 : vector<16x128xi1>, vector<16x128xi32>
    %shift_left3A_2013 = arith.constant 7 : i32
    %shift_left3A_2014 = vector.broadcast %shift_left3A_2013 : i32 to vector<16x128xi32>
    %shift_left3A_2015 = arith.shli %select_n3A_2012, %shift_left3A_2014 : vector<16x128xi32>
    %add3A_2016 = arith.addi %add3A_2004, %shift_left3A_2015 : vector<16x128xi32>
    %shift_right_arithmetic3A_2017 = arith.constant 1 : i32
    %shift_right_arithmetic3A_2018 = vector.broadcast %shift_right_arithmetic3A_2017 : i32 to vector<16x128xi32>
    %shift_right_arithmetic3A_2019 = arith.shrsi %add3A_2016, %shift_right_arithmetic3A_2018 : vector<16x128xi32>
    %add3A_2020 = arith.constant 112 : i32
    %add3A_2021 = vector.broadcast %add3A_2020 : i32 to vector<16x128xi32>
    %add3A_2022 = arith.addi %add3A_2021, %shift_right_arithmetic3A_2019 : vector<16x128xi32>
    %select_n3A_2023 = arith.select %ge3A_1828, %add3A_1918, %add3A_2022 : vector<16x128xi1>, vector<16x128xi32>
    %jit3A_2024 = arith.constant -1.000000e+00 : f32
    %jit3A_2025 = arith.constant 1.000000e+00 : f32
    %broadcast_in_dim3A_2026 = vector.broadcast %jit3A_2024 : f32 to vector<16x128xf32>
    %broadcast_in_dim3A_2027 = vector.broadcast %jit3A_2025 : f32 to vector<16x128xf32>
    %select_n3A_2028 = arith.select %lt3A_1551, %broadcast_in_dim3A_2026, %broadcast_in_dim3A_2027 : vector<16x128xi1>, vector<16x128xf32>
    %eq3A_2029 = arith.constant 0 : i32
    %eq3A_2030 = vector.broadcast %eq3A_2029 : i32 to vector<16x128xi32>
    %eq3A_2031 = arith.cmpi eq, %select_n3A_1617, %eq3A_2030 : vector<16x128xi32>
    %eq3A_2032 = arith.constant 0 : i32
    %eq3A_2033 = vector.broadcast %eq3A_2032 : i32 to vector<16x128xi32>
    %eq3A_2034 = arith.cmpi eq, %select_n3A_1709, %eq3A_2033 : vector<16x128xi32>
    %or3A_2035 = arith.ori %eq3A_2031, %eq3A_2034 : vector<16x128xi1>
    %jit3A_2036 = arith.constant 0.000000e+00 : f32
    %broadcast_in_dim3A_2037 = vector.broadcast %jit3A_2036 : f32 to vector<16x128xf32>
    %select_n3A_2038 = arith.select %or3A_2035, %select_n3A_2028, %broadcast_in_dim3A_2037 : vector<16x128xi1>, vector<16x128xf32>
    %eq3A_2039 = arith.constant 1 : i32
    %eq3A_2040 = vector.broadcast %eq3A_2039 : i32 to vector<16x128xi32>
    %eq3A_2041 = arith.cmpi eq, %select_n3A_1928, %eq3A_2040 : vector<16x128xi32>
    %jit3A_2042 = arith.constant -5.000000e-01 : f32
    %jit3A_2043 = arith.constant 5.000000e-01 : f32
    %broadcast_in_dim3A_2044 = vector.broadcast %jit3A_2042 : f32 to vector<16x128xf32>
    %broadcast_in_dim3A_2045 = vector.broadcast %jit3A_2043 : f32 to vector<16x128xf32>
    %select_n3A_2046 = arith.select %eq3A_2041, %broadcast_in_dim3A_2044, %broadcast_in_dim3A_2045 : vector<16x128xi1>, vector<16x128xf32>
    %select_n3A_2047 = arith.select %ge3A_1828, %select_n3A_2038, %select_n3A_2046 : vector<16x128xi1>, vector<16x128xf32>
    %jit3A_2048 = arith.constant -1.000000e+00 : f32
    %jit3A_2049 = arith.constant 1.000000e+00 : f32
    %broadcast_in_dim3A_2050 = vector.broadcast %jit3A_2048 : f32 to vector<16x128xf32>
    %broadcast_in_dim3A_2051 = vector.broadcast %jit3A_2049 : f32 to vector<16x128xf32>
    %select_n3A_2052 = arith.select %lt3A_1554, %broadcast_in_dim3A_2050, %broadcast_in_dim3A_2051 : vector<16x128xi1>, vector<16x128xf32>
    %eq3A_2053 = arith.constant 1 : i32
    %eq3A_2054 = vector.broadcast %eq3A_2053 : i32 to vector<16x128xi32>
    %eq3A_2055 = arith.cmpi eq, %select_n3A_1617, %eq3A_2054 : vector<16x128xi32>
    %eq3A_2056 = arith.constant 1 : i32
    %eq3A_2057 = vector.broadcast %eq3A_2056 : i32 to vector<16x128xi32>
    %eq3A_2058 = arith.cmpi eq, %select_n3A_1709, %eq3A_2057 : vector<16x128xi32>
    %or3A_2059 = arith.ori %eq3A_2055, %eq3A_2058 : vector<16x128xi1>
    %jit3A_2060 = arith.constant 0.000000e+00 : f32
    %broadcast_in_dim3A_2061 = vector.broadcast %jit3A_2060 : f32 to vector<16x128xf32>
    %select_n3A_2062 = arith.select %or3A_2059, %select_n3A_2052, %broadcast_in_dim3A_2061 : vector<16x128xi1>, vector<16x128xf32>
    %eq3A_2063 = arith.constant 1 : i32
    %eq3A_2064 = vector.broadcast %eq3A_2063 : i32 to vector<16x128xi32>
    %eq3A_2065 = arith.cmpi eq, %select_n3A_1940, %eq3A_2064 : vector<16x128xi32>
    %jit3A_2066 = arith.constant -5.000000e-01 : f32
    %jit3A_2067 = arith.constant 5.000000e-01 : f32
    %broadcast_in_dim3A_2068 = vector.broadcast %jit3A_2066 : f32 to vector<16x128xf32>
    %broadcast_in_dim3A_2069 = vector.broadcast %jit3A_2067 : f32 to vector<16x128xf32>
    %select_n3A_2070 = arith.select %eq3A_2065, %broadcast_in_dim3A_2068, %broadcast_in_dim3A_2069 : vector<16x128xi1>, vector<16x128xf32>
    %select_n3A_2071 = arith.select %ge3A_1828, %select_n3A_2062, %select_n3A_2070 : vector<16x128xi1>, vector<16x128xf32>
    %jit3A_2072 = arith.constant -1.000000e+00 : f32
    %jit3A_2073 = arith.constant 1.000000e+00 : f32
    %broadcast_in_dim3A_2074 = vector.broadcast %jit3A_2072 : f32 to vector<16x128xf32>
    %broadcast_in_dim3A_2075 = vector.broadcast %jit3A_2073 : f32 to vector<16x128xf32>
    %select_n3A_2076 = arith.select %lt3A_1557, %broadcast_in_dim3A_2074, %broadcast_in_dim3A_2075 : vector<16x128xi1>, vector<16x128xf32>
    %eq3A_2077 = arith.constant 2 : i32
    %eq3A_2078 = vector.broadcast %eq3A_2077 : i32 to vector<16x128xi32>
    %eq3A_2079 = arith.cmpi eq, %select_n3A_1617, %eq3A_2078 : vector<16x128xi32>
    %eq3A_2080 = arith.constant 2 : i32
    %eq3A_2081 = vector.broadcast %eq3A_2080 : i32 to vector<16x128xi32>
    %eq3A_2082 = arith.cmpi eq, %select_n3A_1709, %eq3A_2081 : vector<16x128xi32>
    %or3A_2083 = arith.ori %eq3A_2079, %eq3A_2082 : vector<16x128xi1>
    %jit3A_2084 = arith.constant 0.000000e+00 : f32
    %broadcast_in_dim3A_2085 = vector.broadcast %jit3A_2084 : f32 to vector<16x128xf32>
    %select_n3A_2086 = arith.select %or3A_2083, %select_n3A_2076, %broadcast_in_dim3A_2085 : vector<16x128xi1>, vector<16x128xf32>
    %eq3A_2087 = arith.constant 1 : i32
    %eq3A_2088 = vector.broadcast %eq3A_2087 : i32 to vector<16x128xi32>
    %eq3A_2089 = arith.cmpi eq, %select_n3A_1952, %eq3A_2088 : vector<16x128xi32>
    %jit3A_2090 = arith.constant -5.000000e-01 : f32
    %jit3A_2091 = arith.constant 5.000000e-01 : f32
    %broadcast_in_dim3A_2092 = vector.broadcast %jit3A_2090 : f32 to vector<16x128xf32>
    %broadcast_in_dim3A_2093 = vector.broadcast %jit3A_2091 : f32 to vector<16x128xf32>
    %select_n3A_2094 = arith.select %eq3A_2089, %broadcast_in_dim3A_2092, %broadcast_in_dim3A_2093 : vector<16x128xi1>, vector<16x128xf32>
    %select_n3A_2095 = arith.select %ge3A_1828, %select_n3A_2086, %select_n3A_2094 : vector<16x128xi1>, vector<16x128xf32>
    %jit3A_2096 = arith.constant -1.000000e+00 : f32
    %jit3A_2097 = arith.constant 1.000000e+00 : f32
    %broadcast_in_dim3A_2098 = vector.broadcast %jit3A_2096 : f32 to vector<16x128xf32>
    %broadcast_in_dim3A_2099 = vector.broadcast %jit3A_2097 : f32 to vector<16x128xf32>
    %select_n3A_2100 = arith.select %lt3A_1560, %broadcast_in_dim3A_2098, %broadcast_in_dim3A_2099 : vector<16x128xi1>, vector<16x128xf32>
    %eq3A_2101 = arith.constant 3 : i32
    %eq3A_2102 = vector.broadcast %eq3A_2101 : i32 to vector<16x128xi32>
    %eq3A_2103 = arith.cmpi eq, %select_n3A_1617, %eq3A_2102 : vector<16x128xi32>
    %eq3A_2104 = arith.constant 3 : i32
    %eq3A_2105 = vector.broadcast %eq3A_2104 : i32 to vector<16x128xi32>
    %eq3A_2106 = arith.cmpi eq, %select_n3A_1709, %eq3A_2105 : vector<16x128xi32>
    %or3A_2107 = arith.ori %eq3A_2103, %eq3A_2106 : vector<16x128xi1>
    %jit3A_2108 = arith.constant 0.000000e+00 : f32
    %broadcast_in_dim3A_2109 = vector.broadcast %jit3A_2108 : f32 to vector<16x128xf32>
    %select_n3A_2110 = arith.select %or3A_2107, %select_n3A_2100, %broadcast_in_dim3A_2109 : vector<16x128xi1>, vector<16x128xf32>
    %eq3A_2111 = arith.constant 1 : i32
    %eq3A_2112 = vector.broadcast %eq3A_2111 : i32 to vector<16x128xi32>
    %eq3A_2113 = arith.cmpi eq, %select_n3A_1964, %eq3A_2112 : vector<16x128xi32>
    %jit3A_2114 = arith.constant -5.000000e-01 : f32
    %jit3A_2115 = arith.constant 5.000000e-01 : f32
    %broadcast_in_dim3A_2116 = vector.broadcast %jit3A_2114 : f32 to vector<16x128xf32>
    %broadcast_in_dim3A_2117 = vector.broadcast %jit3A_2115 : f32 to vector<16x128xf32>
    %select_n3A_2118 = arith.select %eq3A_2113, %broadcast_in_dim3A_2116, %broadcast_in_dim3A_2117 : vector<16x128xi1>, vector<16x128xf32>
    %select_n3A_2119 = arith.select %ge3A_1828, %select_n3A_2110, %select_n3A_2118 : vector<16x128xi1>, vector<16x128xf32>
    %jit3A_2120 = arith.constant -1.000000e+00 : f32
    %jit3A_2121 = arith.constant 1.000000e+00 : f32
    %broadcast_in_dim3A_2122 = vector.broadcast %jit3A_2120 : f32 to vector<16x128xf32>
    %broadcast_in_dim3A_2123 = vector.broadcast %jit3A_2121 : f32 to vector<16x128xf32>
    %select_n3A_2124 = arith.select %lt3A_1563, %broadcast_in_dim3A_2122, %broadcast_in_dim3A_2123 : vector<16x128xi1>, vector<16x128xf32>
    %eq3A_2125 = arith.constant 4 : i32
    %eq3A_2126 = vector.broadcast %eq3A_2125 : i32 to vector<16x128xi32>
    %eq3A_2127 = arith.cmpi eq, %select_n3A_1617, %eq3A_2126 : vector<16x128xi32>
    %eq3A_2128 = arith.constant 4 : i32
    %eq3A_2129 = vector.broadcast %eq3A_2128 : i32 to vector<16x128xi32>
    %eq3A_2130 = arith.cmpi eq, %select_n3A_1709, %eq3A_2129 : vector<16x128xi32>
    %or3A_2131 = arith.ori %eq3A_2127, %eq3A_2130 : vector<16x128xi1>
    %jit3A_2132 = arith.constant 0.000000e+00 : f32
    %broadcast_in_dim3A_2133 = vector.broadcast %jit3A_2132 : f32 to vector<16x128xf32>
    %select_n3A_2134 = arith.select %or3A_2131, %select_n3A_2124, %broadcast_in_dim3A_2133 : vector<16x128xi1>, vector<16x128xf32>
    %eq3A_2135 = arith.constant 1 : i32
    %eq3A_2136 = vector.broadcast %eq3A_2135 : i32 to vector<16x128xi32>
    %eq3A_2137 = arith.cmpi eq, %select_n3A_1976, %eq3A_2136 : vector<16x128xi32>
    %jit3A_2138 = arith.constant -5.000000e-01 : f32
    %jit3A_2139 = arith.constant 5.000000e-01 : f32
    %broadcast_in_dim3A_2140 = vector.broadcast %jit3A_2138 : f32 to vector<16x128xf32>
    %broadcast_in_dim3A_2141 = vector.broadcast %jit3A_2139 : f32 to vector<16x128xf32>
    %select_n3A_2142 = arith.select %eq3A_2137, %broadcast_in_dim3A_2140, %broadcast_in_dim3A_2141 : vector<16x128xi1>, vector<16x128xf32>
    %select_n3A_2143 = arith.select %ge3A_1828, %select_n3A_2134, %select_n3A_2142 : vector<16x128xi1>, vector<16x128xf32>
    %jit3A_2144 = arith.constant -1.000000e+00 : f32
    %jit3A_2145 = arith.constant 1.000000e+00 : f32
    %broadcast_in_dim3A_2146 = vector.broadcast %jit3A_2144 : f32 to vector<16x128xf32>
    %broadcast_in_dim3A_2147 = vector.broadcast %jit3A_2145 : f32 to vector<16x128xf32>
    %select_n3A_2148 = arith.select %lt3A_1566, %broadcast_in_dim3A_2146, %broadcast_in_dim3A_2147 : vector<16x128xi1>, vector<16x128xf32>
    %eq3A_2149 = arith.constant 5 : i32
    %eq3A_2150 = vector.broadcast %eq3A_2149 : i32 to vector<16x128xi32>
    %eq3A_2151 = arith.cmpi eq, %select_n3A_1617, %eq3A_2150 : vector<16x128xi32>
    %eq3A_2152 = arith.constant 5 : i32
    %eq3A_2153 = vector.broadcast %eq3A_2152 : i32 to vector<16x128xi32>
    %eq3A_2154 = arith.cmpi eq, %select_n3A_1709, %eq3A_2153 : vector<16x128xi32>
    %or3A_2155 = arith.ori %eq3A_2151, %eq3A_2154 : vector<16x128xi1>
    %jit3A_2156 = arith.constant 0.000000e+00 : f32
    %broadcast_in_dim3A_2157 = vector.broadcast %jit3A_2156 : f32 to vector<16x128xf32>
    %select_n3A_2158 = arith.select %or3A_2155, %select_n3A_2148, %broadcast_in_dim3A_2157 : vector<16x128xi1>, vector<16x128xf32>
    %eq3A_2159 = arith.constant 1 : i32
    %eq3A_2160 = vector.broadcast %eq3A_2159 : i32 to vector<16x128xi32>
    %eq3A_2161 = arith.cmpi eq, %select_n3A_1988, %eq3A_2160 : vector<16x128xi32>
    %jit3A_2162 = arith.constant -5.000000e-01 : f32
    %jit3A_2163 = arith.constant 5.000000e-01 : f32
    %broadcast_in_dim3A_2164 = vector.broadcast %jit3A_2162 : f32 to vector<16x128xf32>
    %broadcast_in_dim3A_2165 = vector.broadcast %jit3A_2163 : f32 to vector<16x128xf32>
    %select_n3A_2166 = arith.select %eq3A_2161, %broadcast_in_dim3A_2164, %broadcast_in_dim3A_2165 : vector<16x128xi1>, vector<16x128xf32>
    %select_n3A_2167 = arith.select %ge3A_1828, %select_n3A_2158, %select_n3A_2166 : vector<16x128xi1>, vector<16x128xf32>
    %jit3A_2168 = arith.constant -1.000000e+00 : f32
    %jit3A_2169 = arith.constant 1.000000e+00 : f32
    %broadcast_in_dim3A_2170 = vector.broadcast %jit3A_2168 : f32 to vector<16x128xf32>
    %broadcast_in_dim3A_2171 = vector.broadcast %jit3A_2169 : f32 to vector<16x128xf32>
    %select_n3A_2172 = arith.select %lt3A_1569, %broadcast_in_dim3A_2170, %broadcast_in_dim3A_2171 : vector<16x128xi1>, vector<16x128xf32>
    %eq3A_2173 = arith.constant 6 : i32
    %eq3A_2174 = vector.broadcast %eq3A_2173 : i32 to vector<16x128xi32>
    %eq3A_2175 = arith.cmpi eq, %select_n3A_1617, %eq3A_2174 : vector<16x128xi32>
    %eq3A_2176 = arith.constant 6 : i32
    %eq3A_2177 = vector.broadcast %eq3A_2176 : i32 to vector<16x128xi32>
    %eq3A_2178 = arith.cmpi eq, %select_n3A_1709, %eq3A_2177 : vector<16x128xi32>
    %or3A_2179 = arith.ori %eq3A_2175, %eq3A_2178 : vector<16x128xi1>
    %jit3A_2180 = arith.constant 0.000000e+00 : f32
    %broadcast_in_dim3A_2181 = vector.broadcast %jit3A_2180 : f32 to vector<16x128xf32>
    %select_n3A_2182 = arith.select %or3A_2179, %select_n3A_2172, %broadcast_in_dim3A_2181 : vector<16x128xi1>, vector<16x128xf32>
    %eq3A_2183 = arith.constant 1 : i32
    %eq3A_2184 = vector.broadcast %eq3A_2183 : i32 to vector<16x128xi32>
    %eq3A_2185 = arith.cmpi eq, %select_n3A_2000, %eq3A_2184 : vector<16x128xi32>
    %jit3A_2186 = arith.constant -5.000000e-01 : f32
    %jit3A_2187 = arith.constant 5.000000e-01 : f32
    %broadcast_in_dim3A_2188 = vector.broadcast %jit3A_2186 : f32 to vector<16x128xf32>
    %broadcast_in_dim3A_2189 = vector.broadcast %jit3A_2187 : f32 to vector<16x128xf32>
    %select_n3A_2190 = arith.select %eq3A_2185, %broadcast_in_dim3A_2188, %broadcast_in_dim3A_2189 : vector<16x128xi1>, vector<16x128xf32>
    %select_n3A_2191 = arith.select %ge3A_1828, %select_n3A_2182, %select_n3A_2190 : vector<16x128xi1>, vector<16x128xf32>
    %jit3A_2192 = arith.constant -1.000000e+00 : f32
    %jit3A_2193 = arith.constant 1.000000e+00 : f32
    %broadcast_in_dim3A_2194 = vector.broadcast %jit3A_2192 : f32 to vector<16x128xf32>
    %broadcast_in_dim3A_2195 = vector.broadcast %jit3A_2193 : f32 to vector<16x128xf32>
    %select_n3A_2196 = arith.select %lt3A_1572, %broadcast_in_dim3A_2194, %broadcast_in_dim3A_2195 : vector<16x128xi1>, vector<16x128xf32>
    %eq3A_2197 = arith.constant 7 : i32
    %eq3A_2198 = vector.broadcast %eq3A_2197 : i32 to vector<16x128xi32>
    %eq3A_2199 = arith.cmpi eq, %select_n3A_1617, %eq3A_2198 : vector<16x128xi32>
    %eq3A_2200 = arith.constant 7 : i32
    %eq3A_2201 = vector.broadcast %eq3A_2200 : i32 to vector<16x128xi32>
    %eq3A_2202 = arith.cmpi eq, %select_n3A_1709, %eq3A_2201 : vector<16x128xi32>
    %or3A_2203 = arith.ori %eq3A_2199, %eq3A_2202 : vector<16x128xi1>
    %jit3A_2204 = arith.constant 0.000000e+00 : f32
    %broadcast_in_dim3A_2205 = vector.broadcast %jit3A_2204 : f32 to vector<16x128xf32>
    %select_n3A_2206 = arith.select %or3A_2203, %select_n3A_2196, %broadcast_in_dim3A_2205 : vector<16x128xi1>, vector<16x128xf32>
    %eq3A_2207 = arith.constant 1 : i32
    %eq3A_2208 = vector.broadcast %eq3A_2207 : i32 to vector<16x128xi32>
    %eq3A_2209 = arith.cmpi eq, %select_n3A_2012, %eq3A_2208 : vector<16x128xi32>
    %jit3A_2210 = arith.constant -5.000000e-01 : f32
    %jit3A_2211 = arith.constant 5.000000e-01 : f32
    %broadcast_in_dim3A_2212 = vector.broadcast %jit3A_2210 : f32 to vector<16x128xf32>
    %broadcast_in_dim3A_2213 = vector.broadcast %jit3A_2211 : f32 to vector<16x128xf32>
    %select_n3A_2214 = arith.select %eq3A_2209, %broadcast_in_dim3A_2212, %broadcast_in_dim3A_2213 : vector<16x128xi1>, vector<16x128xf32>
    %select_n3A_2215 = arith.select %ge3A_1828, %select_n3A_2206, %select_n3A_2214 : vector<16x128xi1>, vector<16x128xf32>
    %sub3A_2216 = arith.subf %get3A_1503, %select_n3A_2047 : vector<16x128xf32>
    %sub3A_2217 = arith.subf %get3A_1506, %select_n3A_2071 : vector<16x128xf32>
    %sub3A_2218 = arith.subf %get3A_1509, %select_n3A_2095 : vector<16x128xf32>
    %sub3A_2219 = arith.subf %get3A_1512, %select_n3A_2119 : vector<16x128xf32>
    %sub3A_2220 = arith.subf %get3A_1515, %select_n3A_2143 : vector<16x128xf32>
    %sub3A_2221 = arith.subf %get3A_1518, %select_n3A_2167 : vector<16x128xf32>
    %sub3A_2222 = arith.subf %get3A_1521, %select_n3A_2191 : vector<16x128xf32>
    %sub3A_2223 = arith.subf %get3A_1524, %select_n3A_2215 : vector<16x128xf32>
    %convert_element_type3A_2224 = arith.truncf %sub3A_2216 : vector<16x128xf32> to vector<16x128xbf16>
    %convert_element_type3A_2225 = arith.extf %convert_element_type3A_2224 : vector<16x128xbf16> to vector<16x128xf32>
    %convert_element_type3A_2226 = arith.truncf %sub3A_2217 : vector<16x128xf32> to vector<16x128xbf16>
    %convert_element_type3A_2227 = arith.extf %convert_element_type3A_2226 : vector<16x128xbf16> to vector<16x128xf32>
    %convert_element_type3A_2228 = arith.truncf %sub3A_2218 : vector<16x128xf32> to vector<16x128xbf16>
    %convert_element_type3A_2229 = arith.extf %convert_element_type3A_2228 : vector<16x128xbf16> to vector<16x128xf32>
    %convert_element_type3A_2230 = arith.truncf %sub3A_2219 : vector<16x128xf32> to vector<16x128xbf16>
    %convert_element_type3A_2231 = arith.extf %convert_element_type3A_2230 : vector<16x128xbf16> to vector<16x128xf32>
    %convert_element_type3A_2232 = arith.truncf %sub3A_2220 : vector<16x128xf32> to vector<16x128xbf16>
    %convert_element_type3A_2233 = arith.extf %convert_element_type3A_2232 : vector<16x128xbf16> to vector<16x128xf32>
    %convert_element_type3A_2234 = arith.truncf %sub3A_2221 : vector<16x128xf32> to vector<16x128xbf16>
    %convert_element_type3A_2235 = arith.extf %convert_element_type3A_2234 : vector<16x128xbf16> to vector<16x128xf32>
    %convert_element_type3A_2236 = arith.truncf %sub3A_2222 : vector<16x128xf32> to vector<16x128xbf16>
    %convert_element_type3A_2237 = arith.extf %convert_element_type3A_2236 : vector<16x128xbf16> to vector<16x128xf32>
    %convert_element_type3A_2238 = arith.truncf %sub3A_2223 : vector<16x128xf32> to vector<16x128xbf16>
    %convert_element_type3A_2239 = arith.extf %convert_element_type3A_2238 : vector<16x128xbf16> to vector<16x128xf32>
    %abs3A_2240 = math.absf %convert_element_type3A_2225 : vector<16x128xf32>
    %abs3A_2241 = math.absf %convert_element_type3A_2227 : vector<16x128xf32>
    %abs3A_2242 = math.absf %convert_element_type3A_2229 : vector<16x128xf32>
    %abs3A_2243 = math.absf %convert_element_type3A_2231 : vector<16x128xf32>
    %abs3A_2244 = math.absf %convert_element_type3A_2233 : vector<16x128xf32>
    %abs3A_2245 = math.absf %convert_element_type3A_2235 : vector<16x128xf32>
    %abs3A_2246 = math.absf %convert_element_type3A_2237 : vector<16x128xf32>
    %abs3A_2247 = math.absf %convert_element_type3A_2239 : vector<16x128xf32>
    %lt3A_2248 = arith.constant 0.000000e+00 : f32
    %lt3A_2249 = vector.broadcast %lt3A_2248 : f32 to vector<16x128xf32>
    %lt3A_2250 = arith.cmpf olt, %convert_element_type3A_2225, %lt3A_2249 : vector<16x128xf32>
    %lt3A_2251 = arith.constant 0.000000e+00 : f32
    %lt3A_2252 = vector.broadcast %lt3A_2251 : f32 to vector<16x128xf32>
    %lt3A_2253 = arith.cmpf olt, %convert_element_type3A_2227, %lt3A_2252 : vector<16x128xf32>
    %lt3A_2254 = arith.constant 0.000000e+00 : f32
    %lt3A_2255 = vector.broadcast %lt3A_2254 : f32 to vector<16x128xf32>
    %lt3A_2256 = arith.cmpf olt, %convert_element_type3A_2229, %lt3A_2255 : vector<16x128xf32>
    %lt3A_2257 = arith.constant 0.000000e+00 : f32
    %lt3A_2258 = vector.broadcast %lt3A_2257 : f32 to vector<16x128xf32>
    %lt3A_2259 = arith.cmpf olt, %convert_element_type3A_2231, %lt3A_2258 : vector<16x128xf32>
    %lt3A_2260 = arith.constant 0.000000e+00 : f32
    %lt3A_2261 = vector.broadcast %lt3A_2260 : f32 to vector<16x128xf32>
    %lt3A_2262 = arith.cmpf olt, %convert_element_type3A_2233, %lt3A_2261 : vector<16x128xf32>
    %lt3A_2263 = arith.constant 0.000000e+00 : f32
    %lt3A_2264 = vector.broadcast %lt3A_2263 : f32 to vector<16x128xf32>
    %lt3A_2265 = arith.cmpf olt, %convert_element_type3A_2235, %lt3A_2264 : vector<16x128xf32>
    %lt3A_2266 = arith.constant 0.000000e+00 : f32
    %lt3A_2267 = vector.broadcast %lt3A_2266 : f32 to vector<16x128xf32>
    %lt3A_2268 = arith.cmpf olt, %convert_element_type3A_2237, %lt3A_2267 : vector<16x128xf32>
    %lt3A_2269 = arith.constant 0.000000e+00 : f32
    %lt3A_2270 = vector.broadcast %lt3A_2269 : f32 to vector<16x128xf32>
    %lt3A_2271 = arith.cmpf olt, %convert_element_type3A_2239, %lt3A_2270 : vector<16x128xf32>
    %convert_element_type3A_2272 = arith.extui %lt3A_2250 : vector<16x128xi1> to vector<16x128xi32>
    %convert_element_type3A_2273 = arith.extui %lt3A_2253 : vector<16x128xi1> to vector<16x128xi32>
    %convert_element_type3A_2274 = arith.extui %lt3A_2256 : vector<16x128xi1> to vector<16x128xi32>
    %convert_element_type3A_2275 = arith.extui %lt3A_2259 : vector<16x128xi1> to vector<16x128xi32>
    %convert_element_type3A_2276 = arith.extui %lt3A_2262 : vector<16x128xi1> to vector<16x128xi32>
    %convert_element_type3A_2277 = arith.extui %lt3A_2265 : vector<16x128xi1> to vector<16x128xi32>
    %convert_element_type3A_2278 = arith.extui %lt3A_2268 : vector<16x128xi1> to vector<16x128xi32>
    %convert_element_type3A_2279 = arith.extui %lt3A_2271 : vector<16x128xi1> to vector<16x128xi32>
    %broadcast_in_dim3A_2280 = arith.constant 0 : i32
    %broadcast_in_dim3A_2281 = vector.broadcast %broadcast_in_dim3A_2280 : i32 to vector<16x128xi32>
    %gt3A_2282 = arith.cmpf ogt, %abs3A_2241, %abs3A_2240 : vector<16x128xf32>
    %select_n3A_2283 = arith.select %gt3A_2282, %abs3A_2241, %abs3A_2240 : vector<16x128xi1>, vector<16x128xf32>
    %jit3A_2284 = arith.constant 1 : i32
    %broadcast_in_dim3A_2285 = vector.broadcast %jit3A_2284 : i32 to vector<16x128xi32>
    %select_n3A_2286 = arith.select %gt3A_2282, %broadcast_in_dim3A_2285, %broadcast_in_dim3A_2281 : vector<16x128xi1>, vector<16x128xi32>
    %gt3A_2287 = arith.cmpf ogt, %abs3A_2242, %select_n3A_2283 : vector<16x128xf32>
    %select_n3A_2288 = arith.select %gt3A_2287, %abs3A_2242, %select_n3A_2283 : vector<16x128xi1>, vector<16x128xf32>
    %jit3A_2289 = arith.constant 2 : i32
    %broadcast_in_dim3A_2290 = vector.broadcast %jit3A_2289 : i32 to vector<16x128xi32>
    %select_n3A_2291 = arith.select %gt3A_2287, %broadcast_in_dim3A_2290, %select_n3A_2286 : vector<16x128xi1>, vector<16x128xi32>
    %gt3A_2292 = arith.cmpf ogt, %abs3A_2243, %select_n3A_2288 : vector<16x128xf32>
    %select_n3A_2293 = arith.select %gt3A_2292, %abs3A_2243, %select_n3A_2288 : vector<16x128xi1>, vector<16x128xf32>
    %jit3A_2294 = arith.constant 3 : i32
    %broadcast_in_dim3A_2295 = vector.broadcast %jit3A_2294 : i32 to vector<16x128xi32>
    %select_n3A_2296 = arith.select %gt3A_2292, %broadcast_in_dim3A_2295, %select_n3A_2291 : vector<16x128xi1>, vector<16x128xi32>
    %gt3A_2297 = arith.cmpf ogt, %abs3A_2244, %select_n3A_2293 : vector<16x128xf32>
    %select_n3A_2298 = arith.select %gt3A_2297, %abs3A_2244, %select_n3A_2293 : vector<16x128xi1>, vector<16x128xf32>
    %jit3A_2299 = arith.constant 4 : i32
    %broadcast_in_dim3A_2300 = vector.broadcast %jit3A_2299 : i32 to vector<16x128xi32>
    %select_n3A_2301 = arith.select %gt3A_2297, %broadcast_in_dim3A_2300, %select_n3A_2296 : vector<16x128xi1>, vector<16x128xi32>
    %gt3A_2302 = arith.cmpf ogt, %abs3A_2245, %select_n3A_2298 : vector<16x128xf32>
    %select_n3A_2303 = arith.select %gt3A_2302, %abs3A_2245, %select_n3A_2298 : vector<16x128xi1>, vector<16x128xf32>
    %jit3A_2304 = arith.constant 5 : i32
    %broadcast_in_dim3A_2305 = vector.broadcast %jit3A_2304 : i32 to vector<16x128xi32>
    %select_n3A_2306 = arith.select %gt3A_2302, %broadcast_in_dim3A_2305, %select_n3A_2301 : vector<16x128xi1>, vector<16x128xi32>
    %gt3A_2307 = arith.cmpf ogt, %abs3A_2246, %select_n3A_2303 : vector<16x128xf32>
    %select_n3A_2308 = arith.select %gt3A_2307, %abs3A_2246, %select_n3A_2303 : vector<16x128xi1>, vector<16x128xf32>
    %jit3A_2309 = arith.constant 6 : i32
    %broadcast_in_dim3A_2310 = vector.broadcast %jit3A_2309 : i32 to vector<16x128xi32>
    %select_n3A_2311 = arith.select %gt3A_2307, %broadcast_in_dim3A_2310, %select_n3A_2306 : vector<16x128xi1>, vector<16x128xi32>
    %gt3A_2312 = arith.cmpf ogt, %abs3A_2247, %select_n3A_2308 : vector<16x128xf32>
    %select_n3A_2313 = arith.select %gt3A_2312, %abs3A_2247, %select_n3A_2308 : vector<16x128xi1>, vector<16x128xf32>
    %jit3A_2314 = arith.constant 7 : i32
    %broadcast_in_dim3A_2315 = vector.broadcast %jit3A_2314 : i32 to vector<16x128xi32>
    %select_n3A_2316 = arith.select %gt3A_2312, %broadcast_in_dim3A_2315, %select_n3A_2311 : vector<16x128xi1>, vector<16x128xi32>
    %broadcast_in_dim3A_2317 = arith.constant -1.000000e+00 : f32
    %broadcast_in_dim3A_2318 = vector.broadcast %broadcast_in_dim3A_2317 : f32 to vector<16x128xf32>
    %broadcast_in_dim3A_2319 = arith.constant 0 : i32
    %broadcast_in_dim3A_2320 = vector.broadcast %broadcast_in_dim3A_2319 : i32 to vector<16x128xi32>
    %eq3A_2321 = arith.constant 0 : i32
    %eq3A_2322 = vector.broadcast %eq3A_2321 : i32 to vector<16x128xi32>
    %eq3A_2323 = arith.cmpi eq, %select_n3A_2316, %eq3A_2322 : vector<16x128xi32>
    %jit3A_2324 = arith.constant -1.000000e+00 : f32
    %broadcast_in_dim3A_2325 = vector.broadcast %jit3A_2324 : f32 to vector<16x128xf32>
    %select_n3A_2326 = arith.select %eq3A_2323, %broadcast_in_dim3A_2325, %abs3A_2240 : vector<16x128xi1>, vector<16x128xf32>
    %gt3A_2327 = arith.cmpf ogt, %select_n3A_2326, %broadcast_in_dim3A_2318 : vector<16x128xf32>
    %select_n3A_2328 = arith.select %gt3A_2327, %select_n3A_2326, %broadcast_in_dim3A_2318 : vector<16x128xi1>, vector<16x128xf32>
    %jit3A_2329 = arith.constant 0 : i32
    %broadcast_in_dim3A_2330 = vector.broadcast %jit3A_2329 : i32 to vector<16x128xi32>
    %select_n3A_2331 = arith.select %gt3A_2327, %broadcast_in_dim3A_2330, %broadcast_in_dim3A_2320 : vector<16x128xi1>, vector<16x128xi32>
    %eq3A_2332 = arith.constant 1 : i32
    %eq3A_2333 = vector.broadcast %eq3A_2332 : i32 to vector<16x128xi32>
    %eq3A_2334 = arith.cmpi eq, %select_n3A_2316, %eq3A_2333 : vector<16x128xi32>
    %jit3A_2335 = arith.constant -1.000000e+00 : f32
    %broadcast_in_dim3A_2336 = vector.broadcast %jit3A_2335 : f32 to vector<16x128xf32>
    %select_n3A_2337 = arith.select %eq3A_2334, %broadcast_in_dim3A_2336, %abs3A_2241 : vector<16x128xi1>, vector<16x128xf32>
    %gt3A_2338 = arith.cmpf ogt, %select_n3A_2337, %select_n3A_2328 : vector<16x128xf32>
    %select_n3A_2339 = arith.select %gt3A_2338, %select_n3A_2337, %select_n3A_2328 : vector<16x128xi1>, vector<16x128xf32>
    %jit3A_2340 = arith.constant 1 : i32
    %broadcast_in_dim3A_2341 = vector.broadcast %jit3A_2340 : i32 to vector<16x128xi32>
    %select_n3A_2342 = arith.select %gt3A_2338, %broadcast_in_dim3A_2341, %select_n3A_2331 : vector<16x128xi1>, vector<16x128xi32>
    %eq3A_2343 = arith.constant 2 : i32
    %eq3A_2344 = vector.broadcast %eq3A_2343 : i32 to vector<16x128xi32>
    %eq3A_2345 = arith.cmpi eq, %select_n3A_2316, %eq3A_2344 : vector<16x128xi32>
    %jit3A_2346 = arith.constant -1.000000e+00 : f32
    %broadcast_in_dim3A_2347 = vector.broadcast %jit3A_2346 : f32 to vector<16x128xf32>
    %select_n3A_2348 = arith.select %eq3A_2345, %broadcast_in_dim3A_2347, %abs3A_2242 : vector<16x128xi1>, vector<16x128xf32>
    %gt3A_2349 = arith.cmpf ogt, %select_n3A_2348, %select_n3A_2339 : vector<16x128xf32>
    %select_n3A_2350 = arith.select %gt3A_2349, %select_n3A_2348, %select_n3A_2339 : vector<16x128xi1>, vector<16x128xf32>
    %jit3A_2351 = arith.constant 2 : i32
    %broadcast_in_dim3A_2352 = vector.broadcast %jit3A_2351 : i32 to vector<16x128xi32>
    %select_n3A_2353 = arith.select %gt3A_2349, %broadcast_in_dim3A_2352, %select_n3A_2342 : vector<16x128xi1>, vector<16x128xi32>
    %eq3A_2354 = arith.constant 3 : i32
    %eq3A_2355 = vector.broadcast %eq3A_2354 : i32 to vector<16x128xi32>
    %eq3A_2356 = arith.cmpi eq, %select_n3A_2316, %eq3A_2355 : vector<16x128xi32>
    %jit3A_2357 = arith.constant -1.000000e+00 : f32
    %broadcast_in_dim3A_2358 = vector.broadcast %jit3A_2357 : f32 to vector<16x128xf32>
    %select_n3A_2359 = arith.select %eq3A_2356, %broadcast_in_dim3A_2358, %abs3A_2243 : vector<16x128xi1>, vector<16x128xf32>
    %gt3A_2360 = arith.cmpf ogt, %select_n3A_2359, %select_n3A_2350 : vector<16x128xf32>
    %select_n3A_2361 = arith.select %gt3A_2360, %select_n3A_2359, %select_n3A_2350 : vector<16x128xi1>, vector<16x128xf32>
    %jit3A_2362 = arith.constant 3 : i32
    %broadcast_in_dim3A_2363 = vector.broadcast %jit3A_2362 : i32 to vector<16x128xi32>
    %select_n3A_2364 = arith.select %gt3A_2360, %broadcast_in_dim3A_2363, %select_n3A_2353 : vector<16x128xi1>, vector<16x128xi32>
    %eq3A_2365 = arith.constant 4 : i32
    %eq3A_2366 = vector.broadcast %eq3A_2365 : i32 to vector<16x128xi32>
    %eq3A_2367 = arith.cmpi eq, %select_n3A_2316, %eq3A_2366 : vector<16x128xi32>
    %jit3A_2368 = arith.constant -1.000000e+00 : f32
    %broadcast_in_dim3A_2369 = vector.broadcast %jit3A_2368 : f32 to vector<16x128xf32>
    %select_n3A_2370 = arith.select %eq3A_2367, %broadcast_in_dim3A_2369, %abs3A_2244 : vector<16x128xi1>, vector<16x128xf32>
    %gt3A_2371 = arith.cmpf ogt, %select_n3A_2370, %select_n3A_2361 : vector<16x128xf32>
    %select_n3A_2372 = arith.select %gt3A_2371, %select_n3A_2370, %select_n3A_2361 : vector<16x128xi1>, vector<16x128xf32>
    %jit3A_2373 = arith.constant 4 : i32
    %broadcast_in_dim3A_2374 = vector.broadcast %jit3A_2373 : i32 to vector<16x128xi32>
    %select_n3A_2375 = arith.select %gt3A_2371, %broadcast_in_dim3A_2374, %select_n3A_2364 : vector<16x128xi1>, vector<16x128xi32>
    %eq3A_2376 = arith.constant 5 : i32
    %eq3A_2377 = vector.broadcast %eq3A_2376 : i32 to vector<16x128xi32>
    %eq3A_2378 = arith.cmpi eq, %select_n3A_2316, %eq3A_2377 : vector<16x128xi32>
    %jit3A_2379 = arith.constant -1.000000e+00 : f32
    %broadcast_in_dim3A_2380 = vector.broadcast %jit3A_2379 : f32 to vector<16x128xf32>
    %select_n3A_2381 = arith.select %eq3A_2378, %broadcast_in_dim3A_2380, %abs3A_2245 : vector<16x128xi1>, vector<16x128xf32>
    %gt3A_2382 = arith.cmpf ogt, %select_n3A_2381, %select_n3A_2372 : vector<16x128xf32>
    %select_n3A_2383 = arith.select %gt3A_2382, %select_n3A_2381, %select_n3A_2372 : vector<16x128xi1>, vector<16x128xf32>
    %jit3A_2384 = arith.constant 5 : i32
    %broadcast_in_dim3A_2385 = vector.broadcast %jit3A_2384 : i32 to vector<16x128xi32>
    %select_n3A_2386 = arith.select %gt3A_2382, %broadcast_in_dim3A_2385, %select_n3A_2375 : vector<16x128xi1>, vector<16x128xi32>
    %eq3A_2387 = arith.constant 6 : i32
    %eq3A_2388 = vector.broadcast %eq3A_2387 : i32 to vector<16x128xi32>
    %eq3A_2389 = arith.cmpi eq, %select_n3A_2316, %eq3A_2388 : vector<16x128xi32>
    %jit3A_2390 = arith.constant -1.000000e+00 : f32
    %broadcast_in_dim3A_2391 = vector.broadcast %jit3A_2390 : f32 to vector<16x128xf32>
    %select_n3A_2392 = arith.select %eq3A_2389, %broadcast_in_dim3A_2391, %abs3A_2246 : vector<16x128xi1>, vector<16x128xf32>
    %gt3A_2393 = arith.cmpf ogt, %select_n3A_2392, %select_n3A_2383 : vector<16x128xf32>
    %select_n3A_2394 = arith.select %gt3A_2393, %select_n3A_2392, %select_n3A_2383 : vector<16x128xi1>, vector<16x128xf32>
    %jit3A_2395 = arith.constant 6 : i32
    %broadcast_in_dim3A_2396 = vector.broadcast %jit3A_2395 : i32 to vector<16x128xi32>
    %select_n3A_2397 = arith.select %gt3A_2393, %broadcast_in_dim3A_2396, %select_n3A_2386 : vector<16x128xi1>, vector<16x128xi32>
    %eq3A_2398 = arith.constant 7 : i32
    %eq3A_2399 = vector.broadcast %eq3A_2398 : i32 to vector<16x128xi32>
    %eq3A_2400 = arith.cmpi eq, %select_n3A_2316, %eq3A_2399 : vector<16x128xi32>
    %jit3A_2401 = arith.constant -1.000000e+00 : f32
    %broadcast_in_dim3A_2402 = vector.broadcast %jit3A_2401 : f32 to vector<16x128xf32>
    %select_n3A_2403 = arith.select %eq3A_2400, %broadcast_in_dim3A_2402, %abs3A_2247 : vector<16x128xi1>, vector<16x128xf32>
    %gt3A_2404 = arith.cmpf ogt, %select_n3A_2403, %select_n3A_2394 : vector<16x128xf32>
    %select_n3A_2405 = arith.select %gt3A_2404, %select_n3A_2403, %select_n3A_2394 : vector<16x128xi1>, vector<16x128xf32>
    %jit3A_2406 = arith.constant 7 : i32
    %broadcast_in_dim3A_2407 = vector.broadcast %jit3A_2406 : i32 to vector<16x128xi32>
    %select_n3A_2408 = arith.select %gt3A_2404, %broadcast_in_dim3A_2407, %select_n3A_2397 : vector<16x128xi1>, vector<16x128xi32>
    %add3A_2409 = arith.addf %select_n3A_2313, %select_n3A_2405 : vector<16x128xf32>
    %add3A_2410 = arith.addf %abs3A_2240, %abs3A_2241 : vector<16x128xf32>
    %min3A_2411 = arith.minimumf %abs3A_2240, %abs3A_2241 : vector<16x128xf32>
    %add3A_2412 = arith.addf %add3A_2410, %abs3A_2242 : vector<16x128xf32>
    %min3A_2413 = arith.minimumf %min3A_2411, %abs3A_2242 : vector<16x128xf32>
    %add3A_2414 = arith.addf %add3A_2412, %abs3A_2243 : vector<16x128xf32>
    %min3A_2415 = arith.minimumf %min3A_2413, %abs3A_2243 : vector<16x128xf32>
    %add3A_2416 = arith.addf %add3A_2414, %abs3A_2244 : vector<16x128xf32>
    %min3A_2417 = arith.minimumf %min3A_2415, %abs3A_2244 : vector<16x128xf32>
    %add3A_2418 = arith.addf %add3A_2416, %abs3A_2245 : vector<16x128xf32>
    %min3A_2419 = arith.minimumf %min3A_2417, %abs3A_2245 : vector<16x128xf32>
    %add3A_2420 = arith.addf %add3A_2418, %abs3A_2246 : vector<16x128xf32>
    %min3A_2421 = arith.minimumf %min3A_2419, %abs3A_2246 : vector<16x128xf32>
    %add3A_2422 = arith.addf %add3A_2420, %abs3A_2247 : vector<16x128xf32>
    %min3A_2423 = arith.minimumf %min3A_2421, %abs3A_2247 : vector<16x128xf32>
    %eq3A_2424 = arith.cmpf oeq, %abs3A_2240, %min3A_2423 : vector<16x128xf32>
    %and3A_2425 = arith.andi %eq3A_2424, %lt3A_2250 : vector<16x128xi1>
    %broadcast_in_dim3A_2426 = arith.constant 0 : i32
    %broadcast_in_dim3A_2427 = vector.broadcast %broadcast_in_dim3A_2426 : i32 to vector<16x128xi32>
    %eq3A_2428 = arith.cmpf oeq, %abs3A_2240, %min3A_2423 : vector<16x128xf32>
    %and3A_2429 = arith.andi %eq3A_2428, %lt3A_2250 : vector<16x128xi1>
    %jit3A_2430 = arith.constant 0 : i32
    %broadcast_in_dim3A_2431 = vector.broadcast %jit3A_2430 : i32 to vector<16x128xi32>
    %select_n3A_2432 = arith.select %and3A_2429, %broadcast_in_dim3A_2431, %broadcast_in_dim3A_2427 : vector<16x128xi1>, vector<16x128xi32>
    %eq3A_2433 = arith.cmpf oeq, %abs3A_2241, %min3A_2423 : vector<16x128xf32>
    %and3A_2434 = arith.andi %eq3A_2433, %lt3A_2253 : vector<16x128xi1>
    %jit3A_2435 = arith.constant 1 : i32
    %broadcast_in_dim3A_2436 = vector.broadcast %jit3A_2435 : i32 to vector<16x128xi32>
    %select_n3A_2437 = arith.select %and3A_2434, %broadcast_in_dim3A_2436, %select_n3A_2432 : vector<16x128xi1>, vector<16x128xi32>
    %or3A_2438 = arith.ori %and3A_2425, %and3A_2434 : vector<16x128xi1>
    %eq3A_2439 = arith.cmpf oeq, %abs3A_2242, %min3A_2423 : vector<16x128xf32>
    %and3A_2440 = arith.andi %eq3A_2439, %lt3A_2256 : vector<16x128xi1>
    %jit3A_2441 = arith.constant 2 : i32
    %broadcast_in_dim3A_2442 = vector.broadcast %jit3A_2441 : i32 to vector<16x128xi32>
    %select_n3A_2443 = arith.select %and3A_2440, %broadcast_in_dim3A_2442, %select_n3A_2437 : vector<16x128xi1>, vector<16x128xi32>
    %or3A_2444 = arith.ori %or3A_2438, %and3A_2440 : vector<16x128xi1>
    %eq3A_2445 = arith.cmpf oeq, %abs3A_2243, %min3A_2423 : vector<16x128xf32>
    %and3A_2446 = arith.andi %eq3A_2445, %lt3A_2259 : vector<16x128xi1>
    %jit3A_2447 = arith.constant 3 : i32
    %broadcast_in_dim3A_2448 = vector.broadcast %jit3A_2447 : i32 to vector<16x128xi32>
    %select_n3A_2449 = arith.select %and3A_2446, %broadcast_in_dim3A_2448, %select_n3A_2443 : vector<16x128xi1>, vector<16x128xi32>
    %or3A_2450 = arith.ori %or3A_2444, %and3A_2446 : vector<16x128xi1>
    %eq3A_2451 = arith.cmpf oeq, %abs3A_2244, %min3A_2423 : vector<16x128xf32>
    %and3A_2452 = arith.andi %eq3A_2451, %lt3A_2262 : vector<16x128xi1>
    %jit3A_2453 = arith.constant 4 : i32
    %broadcast_in_dim3A_2454 = vector.broadcast %jit3A_2453 : i32 to vector<16x128xi32>
    %select_n3A_2455 = arith.select %and3A_2452, %broadcast_in_dim3A_2454, %select_n3A_2449 : vector<16x128xi1>, vector<16x128xi32>
    %or3A_2456 = arith.ori %or3A_2450, %and3A_2452 : vector<16x128xi1>
    %eq3A_2457 = arith.cmpf oeq, %abs3A_2245, %min3A_2423 : vector<16x128xf32>
    %and3A_2458 = arith.andi %eq3A_2457, %lt3A_2265 : vector<16x128xi1>
    %jit3A_2459 = arith.constant 5 : i32
    %broadcast_in_dim3A_2460 = vector.broadcast %jit3A_2459 : i32 to vector<16x128xi32>
    %select_n3A_2461 = arith.select %and3A_2458, %broadcast_in_dim3A_2460, %select_n3A_2455 : vector<16x128xi1>, vector<16x128xi32>
    %or3A_2462 = arith.ori %or3A_2456, %and3A_2458 : vector<16x128xi1>
    %eq3A_2463 = arith.cmpf oeq, %abs3A_2246, %min3A_2423 : vector<16x128xf32>
    %and3A_2464 = arith.andi %eq3A_2463, %lt3A_2268 : vector<16x128xi1>
    %jit3A_2465 = arith.constant 6 : i32
    %broadcast_in_dim3A_2466 = vector.broadcast %jit3A_2465 : i32 to vector<16x128xi32>
    %select_n3A_2467 = arith.select %and3A_2464, %broadcast_in_dim3A_2466, %select_n3A_2461 : vector<16x128xi1>, vector<16x128xi32>
    %or3A_2468 = arith.ori %or3A_2462, %and3A_2464 : vector<16x128xi1>
    %eq3A_2469 = arith.cmpf oeq, %abs3A_2247, %min3A_2423 : vector<16x128xf32>
    %and3A_2470 = arith.andi %eq3A_2469, %lt3A_2271 : vector<16x128xi1>
    %jit3A_2471 = arith.constant 7 : i32
    %broadcast_in_dim3A_2472 = vector.broadcast %jit3A_2471 : i32 to vector<16x128xi32>
    %select_n3A_2473 = arith.select %and3A_2470, %broadcast_in_dim3A_2472, %select_n3A_2467 : vector<16x128xi1>, vector<16x128xi32>
    %or3A_2474 = arith.ori %or3A_2468, %and3A_2470 : vector<16x128xi1>
    %broadcast_in_dim3A_2475 = arith.constant 0 : i32
    %broadcast_in_dim3A_2476 = vector.broadcast %broadcast_in_dim3A_2475 : i32 to vector<16x128xi32>
    %eq3A_2477 = arith.cmpf oeq, %abs3A_2247, %min3A_2423 : vector<16x128xf32>
    %jit3A_2478 = arith.constant 7 : i32
    %broadcast_in_dim3A_2479 = vector.broadcast %jit3A_2478 : i32 to vector<16x128xi32>
    %select_n3A_2480 = arith.select %eq3A_2477, %broadcast_in_dim3A_2479, %broadcast_in_dim3A_2476 : vector<16x128xi1>, vector<16x128xi32>
    %eq3A_2481 = arith.cmpf oeq, %abs3A_2246, %min3A_2423 : vector<16x128xf32>
    %jit3A_2482 = arith.constant 6 : i32
    %broadcast_in_dim3A_2483 = vector.broadcast %jit3A_2482 : i32 to vector<16x128xi32>
    %select_n3A_2484 = arith.select %eq3A_2481, %broadcast_in_dim3A_2483, %select_n3A_2480 : vector<16x128xi1>, vector<16x128xi32>
    %eq3A_2485 = arith.cmpf oeq, %abs3A_2245, %min3A_2423 : vector<16x128xf32>
    %jit3A_2486 = arith.constant 5 : i32
    %broadcast_in_dim3A_2487 = vector.broadcast %jit3A_2486 : i32 to vector<16x128xi32>
    %select_n3A_2488 = arith.select %eq3A_2485, %broadcast_in_dim3A_2487, %select_n3A_2484 : vector<16x128xi1>, vector<16x128xi32>
    %eq3A_2489 = arith.cmpf oeq, %abs3A_2244, %min3A_2423 : vector<16x128xf32>
    %jit3A_2490 = arith.constant 4 : i32
    %broadcast_in_dim3A_2491 = vector.broadcast %jit3A_2490 : i32 to vector<16x128xi32>
    %select_n3A_2492 = arith.select %eq3A_2489, %broadcast_in_dim3A_2491, %select_n3A_2488 : vector<16x128xi1>, vector<16x128xi32>
    %eq3A_2493 = arith.cmpf oeq, %abs3A_2243, %min3A_2423 : vector<16x128xf32>
    %jit3A_2494 = arith.constant 3 : i32
    %broadcast_in_dim3A_2495 = vector.broadcast %jit3A_2494 : i32 to vector<16x128xi32>
    %select_n3A_2496 = arith.select %eq3A_2493, %broadcast_in_dim3A_2495, %select_n3A_2492 : vector<16x128xi1>, vector<16x128xi32>
    %eq3A_2497 = arith.cmpf oeq, %abs3A_2242, %min3A_2423 : vector<16x128xf32>
    %jit3A_2498 = arith.constant 2 : i32
    %broadcast_in_dim3A_2499 = vector.broadcast %jit3A_2498 : i32 to vector<16x128xi32>
    %select_n3A_2500 = arith.select %eq3A_2497, %broadcast_in_dim3A_2499, %select_n3A_2496 : vector<16x128xi1>, vector<16x128xi32>
    %eq3A_2501 = arith.cmpf oeq, %abs3A_2241, %min3A_2423 : vector<16x128xf32>
    %jit3A_2502 = arith.constant 1 : i32
    %broadcast_in_dim3A_2503 = vector.broadcast %jit3A_2502 : i32 to vector<16x128xi32>
    %select_n3A_2504 = arith.select %eq3A_2501, %broadcast_in_dim3A_2503, %select_n3A_2500 : vector<16x128xi1>, vector<16x128xi32>
    %eq3A_2505 = arith.cmpf oeq, %abs3A_2240, %min3A_2423 : vector<16x128xf32>
    %jit3A_2506 = arith.constant 0 : i32
    %broadcast_in_dim3A_2507 = vector.broadcast %jit3A_2506 : i32 to vector<16x128xi32>
    %select_n3A_2508 = arith.select %eq3A_2505, %broadcast_in_dim3A_2507, %select_n3A_2504 : vector<16x128xi1>, vector<16x128xi32>
    %select_n3A_2509 = arith.select %or3A_2474, %select_n3A_2473, %select_n3A_2508 : vector<16x128xi1>, vector<16x128xi32>
    %xor3A_2510 = arith.xori %convert_element_type3A_2272, %convert_element_type3A_2273 : vector<16x128xi32>
    %xor3A_2511 = arith.xori %xor3A_2510, %convert_element_type3A_2274 : vector<16x128xi32>
    %xor3A_2512 = arith.xori %xor3A_2511, %convert_element_type3A_2275 : vector<16x128xi32>
    %xor3A_2513 = arith.xori %xor3A_2512, %convert_element_type3A_2276 : vector<16x128xi32>
    %xor3A_2514 = arith.xori %xor3A_2513, %convert_element_type3A_2277 : vector<16x128xi32>
    %xor3A_2515 = arith.xori %xor3A_2514, %convert_element_type3A_2278 : vector<16x128xi32>
    %xor3A_2516 = arith.xori %xor3A_2515, %convert_element_type3A_2279 : vector<16x128xi32>
    %eq3A_2517 = arith.constant 1 : i32
    %eq3A_2518 = vector.broadcast %eq3A_2517 : i32 to vector<16x128xi32>
    %eq3A_2519 = arith.cmpi eq, %xor3A_2516, %eq3A_2518 : vector<16x128xi32>
    %mul3A_2520 = arith.constant 5.000000e-01 : f32
    %mul3A_2521 = vector.broadcast %mul3A_2520 : f32 to vector<16x128xf32>
    %mul3A_2522 = arith.mulf %mul3A_2521, %add3A_2422 : vector<16x128xf32>
    %jit3A_2523 = arith.constant 0.000000e+00 : f32
    %broadcast_in_dim3A_2524 = vector.broadcast %jit3A_2523 : f32 to vector<16x128xf32>
    %select_n3A_2525 = arith.select %eq3A_2519, %min3A_2423, %broadcast_in_dim3A_2524 : vector<16x128xi1>, vector<16x128xf32>
    %sub3A_2526 = arith.subf %mul3A_2522, %select_n3A_2525 : vector<16x128xf32>
    %ge3A_2527 = arith.cmpf oge, %add3A_2409, %sub3A_2526 : vector<16x128xf32>
    %min3A_2528 = arith.minsi %select_n3A_2316, %select_n3A_2408 : vector<16x128xi32>
    %max3A_2529 = arith.maxsi %select_n3A_2316, %select_n3A_2408 : vector<16x128xi32>
    %sub3A_2530 = arith.constant 15 : i32
    %sub3A_2531 = vector.broadcast %sub3A_2530 : i32 to vector<16x128xi32>
    %sub3A_2532 = arith.subi %sub3A_2531, %min3A_2528 : vector<16x128xi32>
    %mul3A_2533 = arith.muli %min3A_2528, %sub3A_2532 : vector<16x128xi32>
    %shift_right_arithmetic3A_2534 = arith.constant 1 : i32
    %shift_right_arithmetic3A_2535 = vector.broadcast %shift_right_arithmetic3A_2534 : i32 to vector<16x128xi32>
    %shift_right_arithmetic3A_2536 = arith.shrsi %mul3A_2533, %shift_right_arithmetic3A_2535 : vector<16x128xi32>
    %sub3A_2537 = arith.subi %max3A_2529, %min3A_2528 : vector<16x128xi32>
    %sub3A_2538 = arith.constant 1 : i32
    %sub3A_2539 = vector.broadcast %sub3A_2538 : i32 to vector<16x128xi32>
    %sub3A_2540 = arith.subi %sub3A_2537, %sub3A_2539 : vector<16x128xi32>
    %add3A_2541 = arith.addi %shift_right_arithmetic3A_2536, %sub3A_2540 : vector<16x128xi32>
    %broadcast_in_dim3A_2542 = arith.constant 0 : i32
    %broadcast_in_dim3A_2543 = vector.broadcast %broadcast_in_dim3A_2542 : i32 to vector<16x128xi32>
    %broadcast_in_dim3A_2544 = arith.constant 0 : i32
    %broadcast_in_dim3A_2545 = vector.broadcast %broadcast_in_dim3A_2544 : i32 to vector<16x128xi32>
    %eq3A_2546 = arith.constant 0 : i32
    %eq3A_2547 = vector.broadcast %eq3A_2546 : i32 to vector<16x128xi32>
    %eq3A_2548 = arith.cmpi eq, %min3A_2528, %eq3A_2547 : vector<16x128xi32>
    %select_n3A_2549 = arith.select %eq3A_2548, %convert_element_type3A_2272, %broadcast_in_dim3A_2543 : vector<16x128xi1>, vector<16x128xi32>
    %eq3A_2550 = arith.constant 0 : i32
    %eq3A_2551 = vector.broadcast %eq3A_2550 : i32 to vector<16x128xi32>
    %eq3A_2552 = arith.cmpi eq, %max3A_2529, %eq3A_2551 : vector<16x128xi32>
    %select_n3A_2553 = arith.select %eq3A_2552, %convert_element_type3A_2272, %broadcast_in_dim3A_2545 : vector<16x128xi1>, vector<16x128xi32>
    %eq3A_2554 = arith.constant 1 : i32
    %eq3A_2555 = vector.broadcast %eq3A_2554 : i32 to vector<16x128xi32>
    %eq3A_2556 = arith.cmpi eq, %min3A_2528, %eq3A_2555 : vector<16x128xi32>
    %select_n3A_2557 = arith.select %eq3A_2556, %convert_element_type3A_2273, %select_n3A_2549 : vector<16x128xi1>, vector<16x128xi32>
    %eq3A_2558 = arith.constant 1 : i32
    %eq3A_2559 = vector.broadcast %eq3A_2558 : i32 to vector<16x128xi32>
    %eq3A_2560 = arith.cmpi eq, %max3A_2529, %eq3A_2559 : vector<16x128xi32>
    %select_n3A_2561 = arith.select %eq3A_2560, %convert_element_type3A_2273, %select_n3A_2553 : vector<16x128xi1>, vector<16x128xi32>
    %eq3A_2562 = arith.constant 2 : i32
    %eq3A_2563 = vector.broadcast %eq3A_2562 : i32 to vector<16x128xi32>
    %eq3A_2564 = arith.cmpi eq, %min3A_2528, %eq3A_2563 : vector<16x128xi32>
    %select_n3A_2565 = arith.select %eq3A_2564, %convert_element_type3A_2274, %select_n3A_2557 : vector<16x128xi1>, vector<16x128xi32>
    %eq3A_2566 = arith.constant 2 : i32
    %eq3A_2567 = vector.broadcast %eq3A_2566 : i32 to vector<16x128xi32>
    %eq3A_2568 = arith.cmpi eq, %max3A_2529, %eq3A_2567 : vector<16x128xi32>
    %select_n3A_2569 = arith.select %eq3A_2568, %convert_element_type3A_2274, %select_n3A_2561 : vector<16x128xi1>, vector<16x128xi32>
    %eq3A_2570 = arith.constant 3 : i32
    %eq3A_2571 = vector.broadcast %eq3A_2570 : i32 to vector<16x128xi32>
    %eq3A_2572 = arith.cmpi eq, %min3A_2528, %eq3A_2571 : vector<16x128xi32>
    %select_n3A_2573 = arith.select %eq3A_2572, %convert_element_type3A_2275, %select_n3A_2565 : vector<16x128xi1>, vector<16x128xi32>
    %eq3A_2574 = arith.constant 3 : i32
    %eq3A_2575 = vector.broadcast %eq3A_2574 : i32 to vector<16x128xi32>
    %eq3A_2576 = arith.cmpi eq, %max3A_2529, %eq3A_2575 : vector<16x128xi32>
    %select_n3A_2577 = arith.select %eq3A_2576, %convert_element_type3A_2275, %select_n3A_2569 : vector<16x128xi1>, vector<16x128xi32>
    %eq3A_2578 = arith.constant 4 : i32
    %eq3A_2579 = vector.broadcast %eq3A_2578 : i32 to vector<16x128xi32>
    %eq3A_2580 = arith.cmpi eq, %min3A_2528, %eq3A_2579 : vector<16x128xi32>
    %select_n3A_2581 = arith.select %eq3A_2580, %convert_element_type3A_2276, %select_n3A_2573 : vector<16x128xi1>, vector<16x128xi32>
    %eq3A_2582 = arith.constant 4 : i32
    %eq3A_2583 = vector.broadcast %eq3A_2582 : i32 to vector<16x128xi32>
    %eq3A_2584 = arith.cmpi eq, %max3A_2529, %eq3A_2583 : vector<16x128xi32>
    %select_n3A_2585 = arith.select %eq3A_2584, %convert_element_type3A_2276, %select_n3A_2577 : vector<16x128xi1>, vector<16x128xi32>
    %eq3A_2586 = arith.constant 5 : i32
    %eq3A_2587 = vector.broadcast %eq3A_2586 : i32 to vector<16x128xi32>
    %eq3A_2588 = arith.cmpi eq, %min3A_2528, %eq3A_2587 : vector<16x128xi32>
    %select_n3A_2589 = arith.select %eq3A_2588, %convert_element_type3A_2277, %select_n3A_2581 : vector<16x128xi1>, vector<16x128xi32>
    %eq3A_2590 = arith.constant 5 : i32
    %eq3A_2591 = vector.broadcast %eq3A_2590 : i32 to vector<16x128xi32>
    %eq3A_2592 = arith.cmpi eq, %max3A_2529, %eq3A_2591 : vector<16x128xi32>
    %select_n3A_2593 = arith.select %eq3A_2592, %convert_element_type3A_2277, %select_n3A_2585 : vector<16x128xi1>, vector<16x128xi32>
    %eq3A_2594 = arith.constant 6 : i32
    %eq3A_2595 = vector.broadcast %eq3A_2594 : i32 to vector<16x128xi32>
    %eq3A_2596 = arith.cmpi eq, %min3A_2528, %eq3A_2595 : vector<16x128xi32>
    %select_n3A_2597 = arith.select %eq3A_2596, %convert_element_type3A_2278, %select_n3A_2589 : vector<16x128xi1>, vector<16x128xi32>
    %eq3A_2598 = arith.constant 6 : i32
    %eq3A_2599 = vector.broadcast %eq3A_2598 : i32 to vector<16x128xi32>
    %eq3A_2600 = arith.cmpi eq, %max3A_2529, %eq3A_2599 : vector<16x128xi32>
    %select_n3A_2601 = arith.select %eq3A_2600, %convert_element_type3A_2278, %select_n3A_2593 : vector<16x128xi1>, vector<16x128xi32>
    %eq3A_2602 = arith.constant 7 : i32
    %eq3A_2603 = vector.broadcast %eq3A_2602 : i32 to vector<16x128xi32>
    %eq3A_2604 = arith.cmpi eq, %min3A_2528, %eq3A_2603 : vector<16x128xi32>
    %select_n3A_2605 = arith.select %eq3A_2604, %convert_element_type3A_2279, %select_n3A_2597 : vector<16x128xi1>, vector<16x128xi32>
    %eq3A_2606 = arith.constant 7 : i32
    %eq3A_2607 = vector.broadcast %eq3A_2606 : i32 to vector<16x128xi32>
    %eq3A_2608 = arith.cmpi eq, %max3A_2529, %eq3A_2607 : vector<16x128xi32>
    %select_n3A_2609 = arith.select %eq3A_2608, %convert_element_type3A_2279, %select_n3A_2601 : vector<16x128xi1>, vector<16x128xi32>
    %mul3A_2610 = arith.constant 4 : i32
    %mul3A_2611 = vector.broadcast %mul3A_2610 : i32 to vector<16x128xi32>
    %mul3A_2612 = arith.muli %mul3A_2611, %add3A_2541 : vector<16x128xi32>
    %mul3A_2613 = arith.constant 2 : i32
    %mul3A_2614 = vector.broadcast %mul3A_2613 : i32 to vector<16x128xi32>
    %mul3A_2615 = arith.muli %mul3A_2614, %select_n3A_2605 : vector<16x128xi32>
    %add3A_2616 = arith.addi %mul3A_2612, %mul3A_2615 : vector<16x128xi32>
    %add3A_2617 = arith.addi %add3A_2616, %select_n3A_2609 : vector<16x128xi32>
    %broadcast_in_dim3A_2618 = arith.constant 0 : i32
    %broadcast_in_dim3A_2619 = vector.broadcast %broadcast_in_dim3A_2618 : i32 to vector<16x128xi32>
    %eq3A_2620 = arith.constant 0 : i32
    %eq3A_2621 = vector.broadcast %eq3A_2620 : i32 to vector<16x128xi32>
    %eq3A_2622 = arith.cmpi eq, %select_n3A_2509, %eq3A_2621 : vector<16x128xi32>
    %and3A_2623 = arith.andi %eq3A_2519, %eq3A_2622 : vector<16x128xi1>
    %sub3A_2624 = arith.constant 1 : i32
    %sub3A_2625 = vector.broadcast %sub3A_2624 : i32 to vector<16x128xi32>
    %sub3A_2626 = arith.subi %sub3A_2625, %convert_element_type3A_2272 : vector<16x128xi32>
    %select_n3A_2627 = arith.select %and3A_2623, %sub3A_2626, %convert_element_type3A_2272 : vector<16x128xi1>, vector<16x128xi32>
    %shift_left3A_2628 = arith.constant 0 : i32
    %shift_left3A_2629 = vector.broadcast %shift_left3A_2628 : i32 to vector<16x128xi32>
    %shift_left3A_2630 = arith.shli %select_n3A_2627, %shift_left3A_2629 : vector<16x128xi32>
    %add3A_2631 = arith.addi %broadcast_in_dim3A_2619, %shift_left3A_2630 : vector<16x128xi32>
    %eq3A_2632 = arith.constant 1 : i32
    %eq3A_2633 = vector.broadcast %eq3A_2632 : i32 to vector<16x128xi32>
    %eq3A_2634 = arith.cmpi eq, %select_n3A_2509, %eq3A_2633 : vector<16x128xi32>
    %and3A_2635 = arith.andi %eq3A_2519, %eq3A_2634 : vector<16x128xi1>
    %sub3A_2636 = arith.constant 1 : i32
    %sub3A_2637 = vector.broadcast %sub3A_2636 : i32 to vector<16x128xi32>
    %sub3A_2638 = arith.subi %sub3A_2637, %convert_element_type3A_2273 : vector<16x128xi32>
    %select_n3A_2639 = arith.select %and3A_2635, %sub3A_2638, %convert_element_type3A_2273 : vector<16x128xi1>, vector<16x128xi32>
    %shift_left3A_2640 = arith.constant 1 : i32
    %shift_left3A_2641 = vector.broadcast %shift_left3A_2640 : i32 to vector<16x128xi32>
    %shift_left3A_2642 = arith.shli %select_n3A_2639, %shift_left3A_2641 : vector<16x128xi32>
    %add3A_2643 = arith.addi %add3A_2631, %shift_left3A_2642 : vector<16x128xi32>
    %eq3A_2644 = arith.constant 2 : i32
    %eq3A_2645 = vector.broadcast %eq3A_2644 : i32 to vector<16x128xi32>
    %eq3A_2646 = arith.cmpi eq, %select_n3A_2509, %eq3A_2645 : vector<16x128xi32>
    %and3A_2647 = arith.andi %eq3A_2519, %eq3A_2646 : vector<16x128xi1>
    %sub3A_2648 = arith.constant 1 : i32
    %sub3A_2649 = vector.broadcast %sub3A_2648 : i32 to vector<16x128xi32>
    %sub3A_2650 = arith.subi %sub3A_2649, %convert_element_type3A_2274 : vector<16x128xi32>
    %select_n3A_2651 = arith.select %and3A_2647, %sub3A_2650, %convert_element_type3A_2274 : vector<16x128xi1>, vector<16x128xi32>
    %shift_left3A_2652 = arith.constant 2 : i32
    %shift_left3A_2653 = vector.broadcast %shift_left3A_2652 : i32 to vector<16x128xi32>
    %shift_left3A_2654 = arith.shli %select_n3A_2651, %shift_left3A_2653 : vector<16x128xi32>
    %add3A_2655 = arith.addi %add3A_2643, %shift_left3A_2654 : vector<16x128xi32>
    %eq3A_2656 = arith.constant 3 : i32
    %eq3A_2657 = vector.broadcast %eq3A_2656 : i32 to vector<16x128xi32>
    %eq3A_2658 = arith.cmpi eq, %select_n3A_2509, %eq3A_2657 : vector<16x128xi32>
    %and3A_2659 = arith.andi %eq3A_2519, %eq3A_2658 : vector<16x128xi1>
    %sub3A_2660 = arith.constant 1 : i32
    %sub3A_2661 = vector.broadcast %sub3A_2660 : i32 to vector<16x128xi32>
    %sub3A_2662 = arith.subi %sub3A_2661, %convert_element_type3A_2275 : vector<16x128xi32>
    %select_n3A_2663 = arith.select %and3A_2659, %sub3A_2662, %convert_element_type3A_2275 : vector<16x128xi1>, vector<16x128xi32>
    %shift_left3A_2664 = arith.constant 3 : i32
    %shift_left3A_2665 = vector.broadcast %shift_left3A_2664 : i32 to vector<16x128xi32>
    %shift_left3A_2666 = arith.shli %select_n3A_2663, %shift_left3A_2665 : vector<16x128xi32>
    %add3A_2667 = arith.addi %add3A_2655, %shift_left3A_2666 : vector<16x128xi32>
    %eq3A_2668 = arith.constant 4 : i32
    %eq3A_2669 = vector.broadcast %eq3A_2668 : i32 to vector<16x128xi32>
    %eq3A_2670 = arith.cmpi eq, %select_n3A_2509, %eq3A_2669 : vector<16x128xi32>
    %and3A_2671 = arith.andi %eq3A_2519, %eq3A_2670 : vector<16x128xi1>
    %sub3A_2672 = arith.constant 1 : i32
    %sub3A_2673 = vector.broadcast %sub3A_2672 : i32 to vector<16x128xi32>
    %sub3A_2674 = arith.subi %sub3A_2673, %convert_element_type3A_2276 : vector<16x128xi32>
    %select_n3A_2675 = arith.select %and3A_2671, %sub3A_2674, %convert_element_type3A_2276 : vector<16x128xi1>, vector<16x128xi32>
    %shift_left3A_2676 = arith.constant 4 : i32
    %shift_left3A_2677 = vector.broadcast %shift_left3A_2676 : i32 to vector<16x128xi32>
    %shift_left3A_2678 = arith.shli %select_n3A_2675, %shift_left3A_2677 : vector<16x128xi32>
    %add3A_2679 = arith.addi %add3A_2667, %shift_left3A_2678 : vector<16x128xi32>
    %eq3A_2680 = arith.constant 5 : i32
    %eq3A_2681 = vector.broadcast %eq3A_2680 : i32 to vector<16x128xi32>
    %eq3A_2682 = arith.cmpi eq, %select_n3A_2509, %eq3A_2681 : vector<16x128xi32>
    %and3A_2683 = arith.andi %eq3A_2519, %eq3A_2682 : vector<16x128xi1>
    %sub3A_2684 = arith.constant 1 : i32
    %sub3A_2685 = vector.broadcast %sub3A_2684 : i32 to vector<16x128xi32>
    %sub3A_2686 = arith.subi %sub3A_2685, %convert_element_type3A_2277 : vector<16x128xi32>
    %select_n3A_2687 = arith.select %and3A_2683, %sub3A_2686, %convert_element_type3A_2277 : vector<16x128xi1>, vector<16x128xi32>
    %shift_left3A_2688 = arith.constant 5 : i32
    %shift_left3A_2689 = vector.broadcast %shift_left3A_2688 : i32 to vector<16x128xi32>
    %shift_left3A_2690 = arith.shli %select_n3A_2687, %shift_left3A_2689 : vector<16x128xi32>
    %add3A_2691 = arith.addi %add3A_2679, %shift_left3A_2690 : vector<16x128xi32>
    %eq3A_2692 = arith.constant 6 : i32
    %eq3A_2693 = vector.broadcast %eq3A_2692 : i32 to vector<16x128xi32>
    %eq3A_2694 = arith.cmpi eq, %select_n3A_2509, %eq3A_2693 : vector<16x128xi32>
    %and3A_2695 = arith.andi %eq3A_2519, %eq3A_2694 : vector<16x128xi1>
    %sub3A_2696 = arith.constant 1 : i32
    %sub3A_2697 = vector.broadcast %sub3A_2696 : i32 to vector<16x128xi32>
    %sub3A_2698 = arith.subi %sub3A_2697, %convert_element_type3A_2278 : vector<16x128xi32>
    %select_n3A_2699 = arith.select %and3A_2695, %sub3A_2698, %convert_element_type3A_2278 : vector<16x128xi1>, vector<16x128xi32>
    %shift_left3A_2700 = arith.constant 6 : i32
    %shift_left3A_2701 = vector.broadcast %shift_left3A_2700 : i32 to vector<16x128xi32>
    %shift_left3A_2702 = arith.shli %select_n3A_2699, %shift_left3A_2701 : vector<16x128xi32>
    %add3A_2703 = arith.addi %add3A_2691, %shift_left3A_2702 : vector<16x128xi32>
    %eq3A_2704 = arith.constant 7 : i32
    %eq3A_2705 = vector.broadcast %eq3A_2704 : i32 to vector<16x128xi32>
    %eq3A_2706 = arith.cmpi eq, %select_n3A_2509, %eq3A_2705 : vector<16x128xi32>
    %and3A_2707 = arith.andi %eq3A_2519, %eq3A_2706 : vector<16x128xi1>
    %sub3A_2708 = arith.constant 1 : i32
    %sub3A_2709 = vector.broadcast %sub3A_2708 : i32 to vector<16x128xi32>
    %sub3A_2710 = arith.subi %sub3A_2709, %convert_element_type3A_2279 : vector<16x128xi32>
    %select_n3A_2711 = arith.select %and3A_2707, %sub3A_2710, %convert_element_type3A_2279 : vector<16x128xi1>, vector<16x128xi32>
    %shift_left3A_2712 = arith.constant 7 : i32
    %shift_left3A_2713 = vector.broadcast %shift_left3A_2712 : i32 to vector<16x128xi32>
    %shift_left3A_2714 = arith.shli %select_n3A_2711, %shift_left3A_2713 : vector<16x128xi32>
    %add3A_2715 = arith.addi %add3A_2703, %shift_left3A_2714 : vector<16x128xi32>
    %shift_right_arithmetic3A_2716 = arith.constant 1 : i32
    %shift_right_arithmetic3A_2717 = vector.broadcast %shift_right_arithmetic3A_2716 : i32 to vector<16x128xi32>
    %shift_right_arithmetic3A_2718 = arith.shrsi %add3A_2715, %shift_right_arithmetic3A_2717 : vector<16x128xi32>
    %add3A_2719 = arith.constant 112 : i32
    %add3A_2720 = vector.broadcast %add3A_2719 : i32 to vector<16x128xi32>
    %add3A_2721 = arith.addi %add3A_2720, %shift_right_arithmetic3A_2718 : vector<16x128xi32>
    %select_n3A_2722 = arith.select %ge3A_2527, %add3A_2617, %add3A_2721 : vector<16x128xi1>, vector<16x128xi32>
    %jit3A_2723 = arith.constant -1.000000e+00 : f32
    %jit3A_2724 = arith.constant 1.000000e+00 : f32
    %broadcast_in_dim3A_2725 = vector.broadcast %jit3A_2723 : f32 to vector<16x128xf32>
    %broadcast_in_dim3A_2726 = vector.broadcast %jit3A_2724 : f32 to vector<16x128xf32>
    %select_n3A_2727 = arith.select %lt3A_2250, %broadcast_in_dim3A_2725, %broadcast_in_dim3A_2726 : vector<16x128xi1>, vector<16x128xf32>
    %eq3A_2728 = arith.constant 0 : i32
    %eq3A_2729 = vector.broadcast %eq3A_2728 : i32 to vector<16x128xi32>
    %eq3A_2730 = arith.cmpi eq, %select_n3A_2316, %eq3A_2729 : vector<16x128xi32>
    %eq3A_2731 = arith.constant 0 : i32
    %eq3A_2732 = vector.broadcast %eq3A_2731 : i32 to vector<16x128xi32>
    %eq3A_2733 = arith.cmpi eq, %select_n3A_2408, %eq3A_2732 : vector<16x128xi32>
    %or3A_2734 = arith.ori %eq3A_2730, %eq3A_2733 : vector<16x128xi1>
    %jit3A_2735 = arith.constant 0.000000e+00 : f32
    %broadcast_in_dim3A_2736 = vector.broadcast %jit3A_2735 : f32 to vector<16x128xf32>
    %select_n3A_2737 = arith.select %or3A_2734, %select_n3A_2727, %broadcast_in_dim3A_2736 : vector<16x128xi1>, vector<16x128xf32>
    %eq3A_2738 = arith.constant 1 : i32
    %eq3A_2739 = vector.broadcast %eq3A_2738 : i32 to vector<16x128xi32>
    %eq3A_2740 = arith.cmpi eq, %select_n3A_2627, %eq3A_2739 : vector<16x128xi32>
    %jit3A_2741 = arith.constant -5.000000e-01 : f32
    %jit3A_2742 = arith.constant 5.000000e-01 : f32
    %broadcast_in_dim3A_2743 = vector.broadcast %jit3A_2741 : f32 to vector<16x128xf32>
    %broadcast_in_dim3A_2744 = vector.broadcast %jit3A_2742 : f32 to vector<16x128xf32>
    %select_n3A_2745 = arith.select %eq3A_2740, %broadcast_in_dim3A_2743, %broadcast_in_dim3A_2744 : vector<16x128xi1>, vector<16x128xf32>
    %select_n3A_2746 = arith.select %ge3A_2527, %select_n3A_2737, %select_n3A_2745 : vector<16x128xi1>, vector<16x128xf32>
    %jit3A_2747 = arith.constant -1.000000e+00 : f32
    %jit3A_2748 = arith.constant 1.000000e+00 : f32
    %broadcast_in_dim3A_2749 = vector.broadcast %jit3A_2747 : f32 to vector<16x128xf32>
    %broadcast_in_dim3A_2750 = vector.broadcast %jit3A_2748 : f32 to vector<16x128xf32>
    %select_n3A_2751 = arith.select %lt3A_2253, %broadcast_in_dim3A_2749, %broadcast_in_dim3A_2750 : vector<16x128xi1>, vector<16x128xf32>
    %eq3A_2752 = arith.constant 1 : i32
    %eq3A_2753 = vector.broadcast %eq3A_2752 : i32 to vector<16x128xi32>
    %eq3A_2754 = arith.cmpi eq, %select_n3A_2316, %eq3A_2753 : vector<16x128xi32>
    %eq3A_2755 = arith.constant 1 : i32
    %eq3A_2756 = vector.broadcast %eq3A_2755 : i32 to vector<16x128xi32>
    %eq3A_2757 = arith.cmpi eq, %select_n3A_2408, %eq3A_2756 : vector<16x128xi32>
    %or3A_2758 = arith.ori %eq3A_2754, %eq3A_2757 : vector<16x128xi1>
    %jit3A_2759 = arith.constant 0.000000e+00 : f32
    %broadcast_in_dim3A_2760 = vector.broadcast %jit3A_2759 : f32 to vector<16x128xf32>
    %select_n3A_2761 = arith.select %or3A_2758, %select_n3A_2751, %broadcast_in_dim3A_2760 : vector<16x128xi1>, vector<16x128xf32>
    %eq3A_2762 = arith.constant 1 : i32
    %eq3A_2763 = vector.broadcast %eq3A_2762 : i32 to vector<16x128xi32>
    %eq3A_2764 = arith.cmpi eq, %select_n3A_2639, %eq3A_2763 : vector<16x128xi32>
    %jit3A_2765 = arith.constant -5.000000e-01 : f32
    %jit3A_2766 = arith.constant 5.000000e-01 : f32
    %broadcast_in_dim3A_2767 = vector.broadcast %jit3A_2765 : f32 to vector<16x128xf32>
    %broadcast_in_dim3A_2768 = vector.broadcast %jit3A_2766 : f32 to vector<16x128xf32>
    %select_n3A_2769 = arith.select %eq3A_2764, %broadcast_in_dim3A_2767, %broadcast_in_dim3A_2768 : vector<16x128xi1>, vector<16x128xf32>
    %select_n3A_2770 = arith.select %ge3A_2527, %select_n3A_2761, %select_n3A_2769 : vector<16x128xi1>, vector<16x128xf32>
    %jit3A_2771 = arith.constant -1.000000e+00 : f32
    %jit3A_2772 = arith.constant 1.000000e+00 : f32
    %broadcast_in_dim3A_2773 = vector.broadcast %jit3A_2771 : f32 to vector<16x128xf32>
    %broadcast_in_dim3A_2774 = vector.broadcast %jit3A_2772 : f32 to vector<16x128xf32>
    %select_n3A_2775 = arith.select %lt3A_2256, %broadcast_in_dim3A_2773, %broadcast_in_dim3A_2774 : vector<16x128xi1>, vector<16x128xf32>
    %eq3A_2776 = arith.constant 2 : i32
    %eq3A_2777 = vector.broadcast %eq3A_2776 : i32 to vector<16x128xi32>
    %eq3A_2778 = arith.cmpi eq, %select_n3A_2316, %eq3A_2777 : vector<16x128xi32>
    %eq3A_2779 = arith.constant 2 : i32
    %eq3A_2780 = vector.broadcast %eq3A_2779 : i32 to vector<16x128xi32>
    %eq3A_2781 = arith.cmpi eq, %select_n3A_2408, %eq3A_2780 : vector<16x128xi32>
    %or3A_2782 = arith.ori %eq3A_2778, %eq3A_2781 : vector<16x128xi1>
    %jit3A_2783 = arith.constant 0.000000e+00 : f32
    %broadcast_in_dim3A_2784 = vector.broadcast %jit3A_2783 : f32 to vector<16x128xf32>
    %select_n3A_2785 = arith.select %or3A_2782, %select_n3A_2775, %broadcast_in_dim3A_2784 : vector<16x128xi1>, vector<16x128xf32>
    %eq3A_2786 = arith.constant 1 : i32
    %eq3A_2787 = vector.broadcast %eq3A_2786 : i32 to vector<16x128xi32>
    %eq3A_2788 = arith.cmpi eq, %select_n3A_2651, %eq3A_2787 : vector<16x128xi32>
    %jit3A_2789 = arith.constant -5.000000e-01 : f32
    %jit3A_2790 = arith.constant 5.000000e-01 : f32
    %broadcast_in_dim3A_2791 = vector.broadcast %jit3A_2789 : f32 to vector<16x128xf32>
    %broadcast_in_dim3A_2792 = vector.broadcast %jit3A_2790 : f32 to vector<16x128xf32>
    %select_n3A_2793 = arith.select %eq3A_2788, %broadcast_in_dim3A_2791, %broadcast_in_dim3A_2792 : vector<16x128xi1>, vector<16x128xf32>
    %select_n3A_2794 = arith.select %ge3A_2527, %select_n3A_2785, %select_n3A_2793 : vector<16x128xi1>, vector<16x128xf32>
    %jit3A_2795 = arith.constant -1.000000e+00 : f32
    %jit3A_2796 = arith.constant 1.000000e+00 : f32
    %broadcast_in_dim3A_2797 = vector.broadcast %jit3A_2795 : f32 to vector<16x128xf32>
    %broadcast_in_dim3A_2798 = vector.broadcast %jit3A_2796 : f32 to vector<16x128xf32>
    %select_n3A_2799 = arith.select %lt3A_2259, %broadcast_in_dim3A_2797, %broadcast_in_dim3A_2798 : vector<16x128xi1>, vector<16x128xf32>
    %eq3A_2800 = arith.constant 3 : i32
    %eq3A_2801 = vector.broadcast %eq3A_2800 : i32 to vector<16x128xi32>
    %eq3A_2802 = arith.cmpi eq, %select_n3A_2316, %eq3A_2801 : vector<16x128xi32>
    %eq3A_2803 = arith.constant 3 : i32
    %eq3A_2804 = vector.broadcast %eq3A_2803 : i32 to vector<16x128xi32>
    %eq3A_2805 = arith.cmpi eq, %select_n3A_2408, %eq3A_2804 : vector<16x128xi32>
    %or3A_2806 = arith.ori %eq3A_2802, %eq3A_2805 : vector<16x128xi1>
    %jit3A_2807 = arith.constant 0.000000e+00 : f32
    %broadcast_in_dim3A_2808 = vector.broadcast %jit3A_2807 : f32 to vector<16x128xf32>
    %select_n3A_2809 = arith.select %or3A_2806, %select_n3A_2799, %broadcast_in_dim3A_2808 : vector<16x128xi1>, vector<16x128xf32>
    %eq3A_2810 = arith.constant 1 : i32
    %eq3A_2811 = vector.broadcast %eq3A_2810 : i32 to vector<16x128xi32>
    %eq3A_2812 = arith.cmpi eq, %select_n3A_2663, %eq3A_2811 : vector<16x128xi32>
    %jit3A_2813 = arith.constant -5.000000e-01 : f32
    %jit3A_2814 = arith.constant 5.000000e-01 : f32
    %broadcast_in_dim3A_2815 = vector.broadcast %jit3A_2813 : f32 to vector<16x128xf32>
    %broadcast_in_dim3A_2816 = vector.broadcast %jit3A_2814 : f32 to vector<16x128xf32>
    %select_n3A_2817 = arith.select %eq3A_2812, %broadcast_in_dim3A_2815, %broadcast_in_dim3A_2816 : vector<16x128xi1>, vector<16x128xf32>
    %select_n3A_2818 = arith.select %ge3A_2527, %select_n3A_2809, %select_n3A_2817 : vector<16x128xi1>, vector<16x128xf32>
    %jit3A_2819 = arith.constant -1.000000e+00 : f32
    %jit3A_2820 = arith.constant 1.000000e+00 : f32
    %broadcast_in_dim3A_2821 = vector.broadcast %jit3A_2819 : f32 to vector<16x128xf32>
    %broadcast_in_dim3A_2822 = vector.broadcast %jit3A_2820 : f32 to vector<16x128xf32>
    %select_n3A_2823 = arith.select %lt3A_2262, %broadcast_in_dim3A_2821, %broadcast_in_dim3A_2822 : vector<16x128xi1>, vector<16x128xf32>
    %eq3A_2824 = arith.constant 4 : i32
    %eq3A_2825 = vector.broadcast %eq3A_2824 : i32 to vector<16x128xi32>
    %eq3A_2826 = arith.cmpi eq, %select_n3A_2316, %eq3A_2825 : vector<16x128xi32>
    %eq3A_2827 = arith.constant 4 : i32
    %eq3A_2828 = vector.broadcast %eq3A_2827 : i32 to vector<16x128xi32>
    %eq3A_2829 = arith.cmpi eq, %select_n3A_2408, %eq3A_2828 : vector<16x128xi32>
    %or3A_2830 = arith.ori %eq3A_2826, %eq3A_2829 : vector<16x128xi1>
    %jit3A_2831 = arith.constant 0.000000e+00 : f32
    %broadcast_in_dim3A_2832 = vector.broadcast %jit3A_2831 : f32 to vector<16x128xf32>
    %select_n3A_2833 = arith.select %or3A_2830, %select_n3A_2823, %broadcast_in_dim3A_2832 : vector<16x128xi1>, vector<16x128xf32>
    %eq3A_2834 = arith.constant 1 : i32
    %eq3A_2835 = vector.broadcast %eq3A_2834 : i32 to vector<16x128xi32>
    %eq3A_2836 = arith.cmpi eq, %select_n3A_2675, %eq3A_2835 : vector<16x128xi32>
    %jit3A_2837 = arith.constant -5.000000e-01 : f32
    %jit3A_2838 = arith.constant 5.000000e-01 : f32
    %broadcast_in_dim3A_2839 = vector.broadcast %jit3A_2837 : f32 to vector<16x128xf32>
    %broadcast_in_dim3A_2840 = vector.broadcast %jit3A_2838 : f32 to vector<16x128xf32>
    %select_n3A_2841 = arith.select %eq3A_2836, %broadcast_in_dim3A_2839, %broadcast_in_dim3A_2840 : vector<16x128xi1>, vector<16x128xf32>
    %select_n3A_2842 = arith.select %ge3A_2527, %select_n3A_2833, %select_n3A_2841 : vector<16x128xi1>, vector<16x128xf32>
    %jit3A_2843 = arith.constant -1.000000e+00 : f32
    %jit3A_2844 = arith.constant 1.000000e+00 : f32
    %broadcast_in_dim3A_2845 = vector.broadcast %jit3A_2843 : f32 to vector<16x128xf32>
    %broadcast_in_dim3A_2846 = vector.broadcast %jit3A_2844 : f32 to vector<16x128xf32>
    %select_n3A_2847 = arith.select %lt3A_2265, %broadcast_in_dim3A_2845, %broadcast_in_dim3A_2846 : vector<16x128xi1>, vector<16x128xf32>
    %eq3A_2848 = arith.constant 5 : i32
    %eq3A_2849 = vector.broadcast %eq3A_2848 : i32 to vector<16x128xi32>
    %eq3A_2850 = arith.cmpi eq, %select_n3A_2316, %eq3A_2849 : vector<16x128xi32>
    %eq3A_2851 = arith.constant 5 : i32
    %eq3A_2852 = vector.broadcast %eq3A_2851 : i32 to vector<16x128xi32>
    %eq3A_2853 = arith.cmpi eq, %select_n3A_2408, %eq3A_2852 : vector<16x128xi32>
    %or3A_2854 = arith.ori %eq3A_2850, %eq3A_2853 : vector<16x128xi1>
    %jit3A_2855 = arith.constant 0.000000e+00 : f32
    %broadcast_in_dim3A_2856 = vector.broadcast %jit3A_2855 : f32 to vector<16x128xf32>
    %select_n3A_2857 = arith.select %or3A_2854, %select_n3A_2847, %broadcast_in_dim3A_2856 : vector<16x128xi1>, vector<16x128xf32>
    %eq3A_2858 = arith.constant 1 : i32
    %eq3A_2859 = vector.broadcast %eq3A_2858 : i32 to vector<16x128xi32>
    %eq3A_2860 = arith.cmpi eq, %select_n3A_2687, %eq3A_2859 : vector<16x128xi32>
    %jit3A_2861 = arith.constant -5.000000e-01 : f32
    %jit3A_2862 = arith.constant 5.000000e-01 : f32
    %broadcast_in_dim3A_2863 = vector.broadcast %jit3A_2861 : f32 to vector<16x128xf32>
    %broadcast_in_dim3A_2864 = vector.broadcast %jit3A_2862 : f32 to vector<16x128xf32>
    %select_n3A_2865 = arith.select %eq3A_2860, %broadcast_in_dim3A_2863, %broadcast_in_dim3A_2864 : vector<16x128xi1>, vector<16x128xf32>
    %select_n3A_2866 = arith.select %ge3A_2527, %select_n3A_2857, %select_n3A_2865 : vector<16x128xi1>, vector<16x128xf32>
    %jit3A_2867 = arith.constant -1.000000e+00 : f32
    %jit3A_2868 = arith.constant 1.000000e+00 : f32
    %broadcast_in_dim3A_2869 = vector.broadcast %jit3A_2867 : f32 to vector<16x128xf32>
    %broadcast_in_dim3A_2870 = vector.broadcast %jit3A_2868 : f32 to vector<16x128xf32>
    %select_n3A_2871 = arith.select %lt3A_2268, %broadcast_in_dim3A_2869, %broadcast_in_dim3A_2870 : vector<16x128xi1>, vector<16x128xf32>
    %eq3A_2872 = arith.constant 6 : i32
    %eq3A_2873 = vector.broadcast %eq3A_2872 : i32 to vector<16x128xi32>
    %eq3A_2874 = arith.cmpi eq, %select_n3A_2316, %eq3A_2873 : vector<16x128xi32>
    %eq3A_2875 = arith.constant 6 : i32
    %eq3A_2876 = vector.broadcast %eq3A_2875 : i32 to vector<16x128xi32>
    %eq3A_2877 = arith.cmpi eq, %select_n3A_2408, %eq3A_2876 : vector<16x128xi32>
    %or3A_2878 = arith.ori %eq3A_2874, %eq3A_2877 : vector<16x128xi1>
    %jit3A_2879 = arith.constant 0.000000e+00 : f32
    %broadcast_in_dim3A_2880 = vector.broadcast %jit3A_2879 : f32 to vector<16x128xf32>
    %select_n3A_2881 = arith.select %or3A_2878, %select_n3A_2871, %broadcast_in_dim3A_2880 : vector<16x128xi1>, vector<16x128xf32>
    %eq3A_2882 = arith.constant 1 : i32
    %eq3A_2883 = vector.broadcast %eq3A_2882 : i32 to vector<16x128xi32>
    %eq3A_2884 = arith.cmpi eq, %select_n3A_2699, %eq3A_2883 : vector<16x128xi32>
    %jit3A_2885 = arith.constant -5.000000e-01 : f32
    %jit3A_2886 = arith.constant 5.000000e-01 : f32
    %broadcast_in_dim3A_2887 = vector.broadcast %jit3A_2885 : f32 to vector<16x128xf32>
    %broadcast_in_dim3A_2888 = vector.broadcast %jit3A_2886 : f32 to vector<16x128xf32>
    %select_n3A_2889 = arith.select %eq3A_2884, %broadcast_in_dim3A_2887, %broadcast_in_dim3A_2888 : vector<16x128xi1>, vector<16x128xf32>
    %select_n3A_2890 = arith.select %ge3A_2527, %select_n3A_2881, %select_n3A_2889 : vector<16x128xi1>, vector<16x128xf32>
    %jit3A_2891 = arith.constant -1.000000e+00 : f32
    %jit3A_2892 = arith.constant 1.000000e+00 : f32
    %broadcast_in_dim3A_2893 = vector.broadcast %jit3A_2891 : f32 to vector<16x128xf32>
    %broadcast_in_dim3A_2894 = vector.broadcast %jit3A_2892 : f32 to vector<16x128xf32>
    %select_n3A_2895 = arith.select %lt3A_2271, %broadcast_in_dim3A_2893, %broadcast_in_dim3A_2894 : vector<16x128xi1>, vector<16x128xf32>
    %eq3A_2896 = arith.constant 7 : i32
    %eq3A_2897 = vector.broadcast %eq3A_2896 : i32 to vector<16x128xi32>
    %eq3A_2898 = arith.cmpi eq, %select_n3A_2316, %eq3A_2897 : vector<16x128xi32>
    %eq3A_2899 = arith.constant 7 : i32
    %eq3A_2900 = vector.broadcast %eq3A_2899 : i32 to vector<16x128xi32>
    %eq3A_2901 = arith.cmpi eq, %select_n3A_2408, %eq3A_2900 : vector<16x128xi32>
    %or3A_2902 = arith.ori %eq3A_2898, %eq3A_2901 : vector<16x128xi1>
    %jit3A_2903 = arith.constant 0.000000e+00 : f32
    %broadcast_in_dim3A_2904 = vector.broadcast %jit3A_2903 : f32 to vector<16x128xf32>
    %select_n3A_2905 = arith.select %or3A_2902, %select_n3A_2895, %broadcast_in_dim3A_2904 : vector<16x128xi1>, vector<16x128xf32>
    %eq3A_2906 = arith.constant 1 : i32
    %eq3A_2907 = vector.broadcast %eq3A_2906 : i32 to vector<16x128xi32>
    %eq3A_2908 = arith.cmpi eq, %select_n3A_2711, %eq3A_2907 : vector<16x128xi32>
    %jit3A_2909 = arith.constant -5.000000e-01 : f32
    %jit3A_2910 = arith.constant 5.000000e-01 : f32
    %broadcast_in_dim3A_2911 = vector.broadcast %jit3A_2909 : f32 to vector<16x128xf32>
    %broadcast_in_dim3A_2912 = vector.broadcast %jit3A_2910 : f32 to vector<16x128xf32>
    %select_n3A_2913 = arith.select %eq3A_2908, %broadcast_in_dim3A_2911, %broadcast_in_dim3A_2912 : vector<16x128xi1>, vector<16x128xf32>
    %select_n3A_2914 = arith.select %ge3A_2527, %select_n3A_2905, %select_n3A_2913 : vector<16x128xi1>, vector<16x128xf32>
    %add3A_2915 = arith.addf %select_n3A_2047, %select_n3A_2746 : vector<16x128xf32>
    %add3A_2916 = arith.addf %select_n3A_2071, %select_n3A_2770 : vector<16x128xf32>
    %add3A_2917 = arith.addf %select_n3A_2095, %select_n3A_2794 : vector<16x128xf32>
    %add3A_2918 = arith.addf %select_n3A_2119, %select_n3A_2818 : vector<16x128xf32>
    %add3A_2919 = arith.addf %select_n3A_2143, %select_n3A_2842 : vector<16x128xf32>
    %add3A_2920 = arith.addf %select_n3A_2167, %select_n3A_2866 : vector<16x128xf32>
    %add3A_2921 = arith.addf %select_n3A_2191, %select_n3A_2890 : vector<16x128xf32>
    %add3A_2922 = arith.addf %select_n3A_2215, %select_n3A_2914 : vector<16x128xf32>
    %concatenate3A_2923 = tpu.concatenate %add3A_2915, %add3A_2916, %add3A_2917, %add3A_2918, %add3A_2919, %add3A_2920, %add3A_2921, %add3A_2922 in 1 : vector<16x128xf32>, vector<16x128xf32>, vector<16x128xf32>, vector<16x128xf32>, vector<16x128xf32>, vector<16x128xf32>, vector<16x128xf32>, vector<16x128xf32> -> vector<16x1024xf32>
    %swap3A_2924 = arith.constant 16 : index
    %swap3A_2925 = arith.constant 0 : index
    %swap3A_2926 = vector.load %arg9[%swap3A_2924, %swap3A_2925] : memref<64x1024xf32, #tpu.memory_space<vmem>>, vector<16x1024xf32>
    tpu.vector_store %arg9[%swap3A_2924, %swap3A_2925], %concatenate3A_2923 {strides = array<i32>} : memref<64x1024xf32, #tpu.memory_space<vmem>>, vector<16x1024xf32>,
    %swap3A_2927 = arith.constant 0 : index
    %swap3A_2928 = arith.constant 16 : index
    %swap3A_2929 = arith.constant 0 : index
    %swap3A_2930 = vector.load %arg5[%swap3A_2927, %swap3A_2928, %swap3A_2929] : memref<1x64x128xi32, #tpu.memory_space<vmem>>, vector<1x16x128xi32>
    %swap3A_2931 = vector.shape_cast %swap3A_2930 : vector<1x16x128xi32> to vector<16x128xi32>
    %swap3A_2932 = vector.shape_cast %select_n3A_2023 : vector<16x128xi32> to vector<1x16x128xi32>
    tpu.vector_store %arg5[%swap3A_2927, %swap3A_2928, %swap3A_2929], %swap3A_2932 {strides = array<i32>} : memref<1x64x128xi32, #tpu.memory_space<vmem>>, vector<1x16x128xi32>,
    %swap3A_2933 = arith.constant 0 : index
    %swap3A_2934 = arith.constant 16 : index
    %swap3A_2935 = arith.constant 0 : index
    %swap3A_2936 = vector.load %arg6[%swap3A_2933, %swap3A_2934, %swap3A_2935] : memref<1x64x128xi32, #tpu.memory_space<vmem>>, vector<1x16x128xi32>
    %swap3A_2937 = vector.shape_cast %swap3A_2936 : vector<1x16x128xi32> to vector<16x128xi32>
    %swap3A_2938 = vector.shape_cast %select_n3A_2722 : vector<16x128xi32> to vector<1x16x128xi32>
    tpu.vector_store %arg6[%swap3A_2933, %swap3A_2934, %swap3A_2935], %swap3A_2938 {strides = array<i32>} : memref<1x64x128xi32, #tpu.memory_space<vmem>>, vector<1x16x128xi32>,
    %broadcast_in_dim3A_2939 = arith.constant 0.000000e+00 : f32
    %broadcast_in_dim3A_2940 = vector.broadcast %broadcast_in_dim3A_2939 : f32 to vector<1x1xf32>
    %sub3A_2941 = arith.subf %sub3A_2216, %select_n3A_2746 : vector<16x128xf32>
    %mul3A_2942 = arith.mulf %sub3A_2941, %sub3A_2941 : vector<16x128xf32>
    %reduce_sum3A_2943 = vector.shape_cast %mul3A_2942 : vector<16x128xf32> to vector<1x16x128xf32>
    %reduce_sum3A_2944 = arith.constant dense<0.000000e+00> : vector<1xf32>
    %reduce_sum3A_2945 = vector.multi_reduction <add>, %reduce_sum3A_2943, %reduce_sum3A_2944 [1, 2] : vector<1x16x128xf32> to vector<1xf32>
    %reduce_sum3A_2946 = vector.shape_cast %reduce_sum3A_2945 : vector<1xf32> to vector<1x1x1xf32>
    %reduce_sum3A_2947 = vector.extract %reduce_sum3A_2946[0, 0, 0] : f32 from vector<1x1x1xf32>
    %reshape3A_2948 = vector.broadcast %reduce_sum3A_2947 : f32 to vector<1x1xf32>
    %add3A_2949 = arith.addf %broadcast_in_dim3A_2940, %reshape3A_2948 : vector<1x1xf32>
    %sub3A_2950 = arith.subf %sub3A_2217, %select_n3A_2770 : vector<16x128xf32>
    %mul3A_2951 = arith.mulf %sub3A_2950, %sub3A_2950 : vector<16x128xf32>
    %reduce_sum3A_2952 = vector.shape_cast %mul3A_2951 : vector<16x128xf32> to vector<1x16x128xf32>
    %reduce_sum3A_2953 = arith.constant dense<0.000000e+00> : vector<1xf32>
    %reduce_sum3A_2954 = vector.multi_reduction <add>, %reduce_sum3A_2952, %reduce_sum3A_2953 [1, 2] : vector<1x16x128xf32> to vector<1xf32>
    %reduce_sum3A_2955 = vector.shape_cast %reduce_sum3A_2954 : vector<1xf32> to vector<1x1x1xf32>
    %reduce_sum3A_2956 = vector.extract %reduce_sum3A_2955[0, 0, 0] : f32 from vector<1x1x1xf32>
    %reshape3A_2957 = vector.broadcast %reduce_sum3A_2956 : f32 to vector<1x1xf32>
    %add3A_2958 = arith.addf %add3A_2949, %reshape3A_2957 : vector<1x1xf32>
    %sub3A_2959 = arith.subf %sub3A_2218, %select_n3A_2794 : vector<16x128xf32>
    %mul3A_2960 = arith.mulf %sub3A_2959, %sub3A_2959 : vector<16x128xf32>
    %reduce_sum3A_2961 = vector.shape_cast %mul3A_2960 : vector<16x128xf32> to vector<1x16x128xf32>
    %reduce_sum3A_2962 = arith.constant dense<0.000000e+00> : vector<1xf32>
    %reduce_sum3A_2963 = vector.multi_reduction <add>, %reduce_sum3A_2961, %reduce_sum3A_2962 [1, 2] : vector<1x16x128xf32> to vector<1xf32>
    %reduce_sum3A_2964 = vector.shape_cast %reduce_sum3A_2963 : vector<1xf32> to vector<1x1x1xf32>
    %reduce_sum3A_2965 = vector.extract %reduce_sum3A_2964[0, 0, 0] : f32 from vector<1x1x1xf32>
    %reshape3A_2966 = vector.broadcast %reduce_sum3A_2965 : f32 to vector<1x1xf32>
    %add3A_2967 = arith.addf %add3A_2958, %reshape3A_2966 : vector<1x1xf32>
    %sub3A_2968 = arith.subf %sub3A_2219, %select_n3A_2818 : vector<16x128xf32>
    %mul3A_2969 = arith.mulf %sub3A_2968, %sub3A_2968 : vector<16x128xf32>
    %reduce_sum3A_2970 = vector.shape_cast %mul3A_2969 : vector<16x128xf32> to vector<1x16x128xf32>
    %reduce_sum3A_2971 = arith.constant dense<0.000000e+00> : vector<1xf32>
    %reduce_sum3A_2972 = vector.multi_reduction <add>, %reduce_sum3A_2970, %reduce_sum3A_2971 [1, 2] : vector<1x16x128xf32> to vector<1xf32>
    %reduce_sum3A_2973 = vector.shape_cast %reduce_sum3A_2972 : vector<1xf32> to vector<1x1x1xf32>
    %reduce_sum3A_2974 = vector.extract %reduce_sum3A_2973[0, 0, 0] : f32 from vector<1x1x1xf32>
    %reshape3A_2975 = vector.broadcast %reduce_sum3A_2974 : f32 to vector<1x1xf32>
    %add3A_2976 = arith.addf %add3A_2967, %reshape3A_2975 : vector<1x1xf32>
    %sub3A_2977 = arith.subf %sub3A_2220, %select_n3A_2842 : vector<16x128xf32>
    %mul3A_2978 = arith.mulf %sub3A_2977, %sub3A_2977 : vector<16x128xf32>
    %reduce_sum3A_2979 = vector.shape_cast %mul3A_2978 : vector<16x128xf32> to vector<1x16x128xf32>
    %reduce_sum3A_2980 = arith.constant dense<0.000000e+00> : vector<1xf32>
    %reduce_sum3A_2981 = vector.multi_reduction <add>, %reduce_sum3A_2979, %reduce_sum3A_2980 [1, 2] : vector<1x16x128xf32> to vector<1xf32>
    %reduce_sum3A_2982 = vector.shape_cast %reduce_sum3A_2981 : vector<1xf32> to vector<1x1x1xf32>
    %reduce_sum3A_2983 = vector.extract %reduce_sum3A_2982[0, 0, 0] : f32 from vector<1x1x1xf32>
    %reshape3A_2984 = vector.broadcast %reduce_sum3A_2983 : f32 to vector<1x1xf32>
    %add3A_2985 = arith.addf %add3A_2976, %reshape3A_2984 : vector<1x1xf32>
    %sub3A_2986 = arith.subf %sub3A_2221, %select_n3A_2866 : vector<16x128xf32>
    %mul3A_2987 = arith.mulf %sub3A_2986, %sub3A_2986 : vector<16x128xf32>
    %reduce_sum3A_2988 = vector.shape_cast %mul3A_2987 : vector<16x128xf32> to vector<1x16x128xf32>
    %reduce_sum3A_2989 = arith.constant dense<0.000000e+00> : vector<1xf32>
    %reduce_sum3A_2990 = vector.multi_reduction <add>, %reduce_sum3A_2988, %reduce_sum3A_2989 [1, 2] : vector<1x16x128xf32> to vector<1xf32>
    %reduce_sum3A_2991 = vector.shape_cast %reduce_sum3A_2990 : vector<1xf32> to vector<1x1x1xf32>
    %reduce_sum3A_2992 = vector.extract %reduce_sum3A_2991[0, 0, 0] : f32 from vector<1x1x1xf32>
    %reshape3A_2993 = vector.broadcast %reduce_sum3A_2992 : f32 to vector<1x1xf32>
    %add3A_2994 = arith.addf %add3A_2985, %reshape3A_2993 : vector<1x1xf32>
    %sub3A_2995 = arith.subf %sub3A_2222, %select_n3A_2890 : vector<16x128xf32>
    %mul3A_2996 = arith.mulf %sub3A_2995, %sub3A_2995 : vector<16x128xf32>
    %reduce_sum3A_2997 = vector.shape_cast %mul3A_2996 : vector<16x128xf32> to vector<1x16x128xf32>
    %reduce_sum3A_2998 = arith.constant dense<0.000000e+00> : vector<1xf32>
    %reduce_sum3A_2999 = vector.multi_reduction <add>, %reduce_sum3A_2997, %reduce_sum3A_2998 [1, 2] : vector<1x16x128xf32> to vector<1xf32>
    %reduce_sum3A_3000 = vector.shape_cast %reduce_sum3A_2999 : vector<1xf32> to vector<1x1x1xf32>
    %reduce_sum3A_3001 = vector.extract %reduce_sum3A_3000[0, 0, 0] : f32 from vector<1x1x1xf32>
    %reshape3A_3002 = vector.broadcast %reduce_sum3A_3001 : f32 to vector<1x1xf32>
    %add3A_3003 = arith.addf %add3A_2994, %reshape3A_3002 : vector<1x1xf32>
    %sub3A_3004 = arith.subf %sub3A_2223, %select_n3A_2914 : vector<16x128xf32>
    %mul3A_3005 = arith.mulf %sub3A_3004, %sub3A_3004 : vector<16x128xf32>
    %reduce_sum3A_3006 = vector.shape_cast %mul3A_3005 : vector<16x128xf32> to vector<1x16x128xf32>
    %reduce_sum3A_3007 = arith.constant dense<0.000000e+00> : vector<1xf32>
    %reduce_sum3A_3008 = vector.multi_reduction <add>, %reduce_sum3A_3006, %reduce_sum3A_3007 [1, 2] : vector<1x16x128xf32> to vector<1xf32>
    %reduce_sum3A_3009 = vector.shape_cast %reduce_sum3A_3008 : vector<1xf32> to vector<1x1x1xf32>
    %reduce_sum3A_3010 = vector.extract %reduce_sum3A_3009[0, 0, 0] : f32 from vector<1x1x1xf32>
    %reshape3A_3011 = vector.broadcast %reduce_sum3A_3010 : f32 to vector<1x1xf32>
    %add3A_3012 = arith.addf %add3A_3003, %reshape3A_3011 : vector<1x1xf32>
    %add3A_3013 = arith.addf %add3A_1500, %add3A_3012 : vector<1x1xf32>
    %get3A_3014 = arith.constant 32 : index
    %get3A_3015 = arith.constant 0 : index
    %get3A_3016 = vector.load %arg8[%get3A_3014, %get3A_3015] : memref<64x1024xf32, #tpu.memory_space<vmem>>, vector<16x128xf32>
    %get3A_3017 = arith.constant 32 : index
    %get3A_3018 = arith.constant 128 : index
    %get3A_3019 = vector.load %arg8[%get3A_3017, %get3A_3018] : memref<64x1024xf32, #tpu.memory_space<vmem>>, vector<16x128xf32>
    %get3A_3020 = arith.constant 32 : index
    %get3A_3021 = arith.constant 256 : index
    %get3A_3022 = vector.load %arg8[%get3A_3020, %get3A_3021] : memref<64x1024xf32, #tpu.memory_space<vmem>>, vector<16x128xf32>
    %get3A_3023 = arith.constant 32 : index
    %get3A_3024 = arith.constant 384 : index
    %get3A_3025 = vector.load %arg8[%get3A_3023, %get3A_3024] : memref<64x1024xf32, #tpu.memory_space<vmem>>, vector<16x128xf32>
    %get3A_3026 = arith.constant 32 : index
    %get3A_3027 = arith.constant 512 : index
    %get3A_3028 = vector.load %arg8[%get3A_3026, %get3A_3027] : memref<64x1024xf32, #tpu.memory_space<vmem>>, vector<16x128xf32>
    %get3A_3029 = arith.constant 32 : index
    %get3A_3030 = arith.constant 640 : index
    %get3A_3031 = vector.load %arg8[%get3A_3029, %get3A_3030] : memref<64x1024xf32, #tpu.memory_space<vmem>>, vector<16x128xf32>
    %get3A_3032 = arith.constant 32 : index
    %get3A_3033 = arith.constant 768 : index
    %get3A_3034 = vector.load %arg8[%get3A_3032, %get3A_3033] : memref<64x1024xf32, #tpu.memory_space<vmem>>, vector<16x128xf32>
    %get3A_3035 = arith.constant 32 : index
    %get3A_3036 = arith.constant 896 : index
    %get3A_3037 = vector.load %arg8[%get3A_3035, %get3A_3036] : memref<64x1024xf32, #tpu.memory_space<vmem>>, vector<16x128xf32>
    %convert_element_type3A_3038 = arith.truncf %get3A_3016 : vector<16x128xf32> to vector<16x128xbf16>
    %convert_element_type3A_3039 = arith.extf %convert_element_type3A_3038 : vector<16x128xbf16> to vector<16x128xf32>
    %convert_element_type3A_3040 = arith.truncf %get3A_3019 : vector<16x128xf32> to vector<16x128xbf16>
    %convert_element_type3A_3041 = arith.extf %convert_element_type3A_3040 : vector<16x128xbf16> to vector<16x128xf32>
    %convert_element_type3A_3042 = arith.truncf %get3A_3022 : vector<16x128xf32> to vector<16x128xbf16>
    %convert_element_type3A_3043 = arith.extf %convert_element_type3A_3042 : vector<16x128xbf16> to vector<16x128xf32>
    %convert_element_type3A_3044 = arith.truncf %get3A_3025 : vector<16x128xf32> to vector<16x128xbf16>
    %convert_element_type3A_3045 = arith.extf %convert_element_type3A_3044 : vector<16x128xbf16> to vector<16x128xf32>
    %convert_element_type3A_3046 = arith.truncf %get3A_3028 : vector<16x128xf32> to vector<16x128xbf16>
    %convert_element_type3A_3047 = arith.extf %convert_element_type3A_3046 : vector<16x128xbf16> to vector<16x128xf32>
    %convert_element_type3A_3048 = arith.truncf %get3A_3031 : vector<16x128xf32> to vector<16x128xbf16>
    %convert_element_type3A_3049 = arith.extf %convert_element_type3A_3048 : vector<16x128xbf16> to vector<16x128xf32>
    %convert_element_type3A_3050 = arith.truncf %get3A_3034 : vector<16x128xf32> to vector<16x128xbf16>
    %convert_element_type3A_3051 = arith.extf %convert_element_type3A_3050 : vector<16x128xbf16> to vector<16x128xf32>
    %convert_element_type3A_3052 = arith.truncf %get3A_3037 : vector<16x128xf32> to vector<16x128xbf16>
    %convert_element_type3A_3053 = arith.extf %convert_element_type3A_3052 : vector<16x128xbf16> to vector<16x128xf32>
    %abs3A_3054 = math.absf %convert_element_type3A_3039 : vector<16x128xf32>
    %abs3A_3055 = math.absf %convert_element_type3A_3041 : vector<16x128xf32>
    %abs3A_3056 = math.absf %convert_element_type3A_3043 : vector<16x128xf32>
    %abs3A_3057 = math.absf %convert_element_type3A_3045 : vector<16x128xf32>
    %abs3A_3058 = math.absf %convert_element_type3A_3047 : vector<16x128xf32>
    %abs3A_3059 = math.absf %convert_element_type3A_3049 : vector<16x128xf32>
    %abs3A_3060 = math.absf %convert_element_type3A_3051 : vector<16x128xf32>
    %abs3A_3061 = math.absf %convert_element_type3A_3053 : vector<16x128xf32>
    %lt3A_3062 = arith.constant 0.000000e+00 : f32
    %lt3A_3063 = vector.broadcast %lt3A_3062 : f32 to vector<16x128xf32>
    %lt3A_3064 = arith.cmpf olt, %convert_element_type3A_3039, %lt3A_3063 : vector<16x128xf32>
    %lt3A_3065 = arith.constant 0.000000e+00 : f32
    %lt3A_3066 = vector.broadcast %lt3A_3065 : f32 to vector<16x128xf32>
    %lt3A_3067 = arith.cmpf olt, %convert_element_type3A_3041, %lt3A_3066 : vector<16x128xf32>
    %lt3A_3068 = arith.constant 0.000000e+00 : f32
    %lt3A_3069 = vector.broadcast %lt3A_3068 : f32 to vector<16x128xf32>
    %lt3A_3070 = arith.cmpf olt, %convert_element_type3A_3043, %lt3A_3069 : vector<16x128xf32>
    %lt3A_3071 = arith.constant 0.000000e+00 : f32
    %lt3A_3072 = vector.broadcast %lt3A_3071 : f32 to vector<16x128xf32>
    %lt3A_3073 = arith.cmpf olt, %convert_element_type3A_3045, %lt3A_3072 : vector<16x128xf32>
    %lt3A_3074 = arith.constant 0.000000e+00 : f32
    %lt3A_3075 = vector.broadcast %lt3A_3074 : f32 to vector<16x128xf32>
    %lt3A_3076 = arith.cmpf olt, %convert_element_type3A_3047, %lt3A_3075 : vector<16x128xf32>
    %lt3A_3077 = arith.constant 0.000000e+00 : f32
    %lt3A_3078 = vector.broadcast %lt3A_3077 : f32 to vector<16x128xf32>
    %lt3A_3079 = arith.cmpf olt, %convert_element_type3A_3049, %lt3A_3078 : vector<16x128xf32>
    %lt3A_3080 = arith.constant 0.000000e+00 : f32
    %lt3A_3081 = vector.broadcast %lt3A_3080 : f32 to vector<16x128xf32>
    %lt3A_3082 = arith.cmpf olt, %convert_element_type3A_3051, %lt3A_3081 : vector<16x128xf32>
    %lt3A_3083 = arith.constant 0.000000e+00 : f32
    %lt3A_3084 = vector.broadcast %lt3A_3083 : f32 to vector<16x128xf32>
    %lt3A_3085 = arith.cmpf olt, %convert_element_type3A_3053, %lt3A_3084 : vector<16x128xf32>
    %convert_element_type3A_3086 = arith.extui %lt3A_3064 : vector<16x128xi1> to vector<16x128xi32>
    %convert_element_type3A_3087 = arith.extui %lt3A_3067 : vector<16x128xi1> to vector<16x128xi32>
    %convert_element_type3A_3088 = arith.extui %lt3A_3070 : vector<16x128xi1> to vector<16x128xi32>
    %convert_element_type3A_3089 = arith.extui %lt3A_3073 : vector<16x128xi1> to vector<16x128xi32>
    %convert_element_type3A_3090 = arith.extui %lt3A_3076 : vector<16x128xi1> to vector<16x128xi32>
    %convert_element_type3A_3091 = arith.extui %lt3A_3079 : vector<16x128xi1> to vector<16x128xi32>
    %convert_element_type3A_3092 = arith.extui %lt3A_3082 : vector<16x128xi1> to vector<16x128xi32>
    %convert_element_type3A_3093 = arith.extui %lt3A_3085 : vector<16x128xi1> to vector<16x128xi32>
    %broadcast_in_dim3A_3094 = arith.constant 0 : i32
    %broadcast_in_dim3A_3095 = vector.broadcast %broadcast_in_dim3A_3094 : i32 to vector<16x128xi32>
    %gt3A_3096 = arith.cmpf ogt, %abs3A_3055, %abs3A_3054 : vector<16x128xf32>
    %select_n3A_3097 = arith.select %gt3A_3096, %abs3A_3055, %abs3A_3054 : vector<16x128xi1>, vector<16x128xf32>
    %jit3A_3098 = arith.constant 1 : i32
    %broadcast_in_dim3A_3099 = vector.broadcast %jit3A_3098 : i32 to vector<16x128xi32>
    %select_n3A_3100 = arith.select %gt3A_3096, %broadcast_in_dim3A_3099, %broadcast_in_dim3A_3095 : vector<16x128xi1>, vector<16x128xi32>
    %gt3A_3101 = arith.cmpf ogt, %abs3A_3056, %select_n3A_3097 : vector<16x128xf32>
    %select_n3A_3102 = arith.select %gt3A_3101, %abs3A_3056, %select_n3A_3097 : vector<16x128xi1>, vector<16x128xf32>
    %jit3A_3103 = arith.constant 2 : i32
    %broadcast_in_dim3A_3104 = vector.broadcast %jit3A_3103 : i32 to vector<16x128xi32>
    %select_n3A_3105 = arith.select %gt3A_3101, %broadcast_in_dim3A_3104, %select_n3A_3100 : vector<16x128xi1>, vector<16x128xi32>
    %gt3A_3106 = arith.cmpf ogt, %abs3A_3057, %select_n3A_3102 : vector<16x128xf32>
    %select_n3A_3107 = arith.select %gt3A_3106, %abs3A_3057, %select_n3A_3102 : vector<16x128xi1>, vector<16x128xf32>
    %jit3A_3108 = arith.constant 3 : i32
    %broadcast_in_dim3A_3109 = vector.broadcast %jit3A_3108 : i32 to vector<16x128xi32>
    %select_n3A_3110 = arith.select %gt3A_3106, %broadcast_in_dim3A_3109, %select_n3A_3105 : vector<16x128xi1>, vector<16x128xi32>
    %gt3A_3111 = arith.cmpf ogt, %abs3A_3058, %select_n3A_3107 : vector<16x128xf32>
    %select_n3A_3112 = arith.select %gt3A_3111, %abs3A_3058, %select_n3A_3107 : vector<16x128xi1>, vector<16x128xf32>
    %jit3A_3113 = arith.constant 4 : i32
    %broadcast_in_dim3A_3114 = vector.broadcast %jit3A_3113 : i32 to vector<16x128xi32>
    %select_n3A_3115 = arith.select %gt3A_3111, %broadcast_in_dim3A_3114, %select_n3A_3110 : vector<16x128xi1>, vector<16x128xi32>
    %gt3A_3116 = arith.cmpf ogt, %abs3A_3059, %select_n3A_3112 : vector<16x128xf32>
    %select_n3A_3117 = arith.select %gt3A_3116, %abs3A_3059, %select_n3A_3112 : vector<16x128xi1>, vector<16x128xf32>
    %jit3A_3118 = arith.constant 5 : i32
    %broadcast_in_dim3A_3119 = vector.broadcast %jit3A_3118 : i32 to vector<16x128xi32>
    %select_n3A_3120 = arith.select %gt3A_3116, %broadcast_in_dim3A_3119, %select_n3A_3115 : vector<16x128xi1>, vector<16x128xi32>
    %gt3A_3121 = arith.cmpf ogt, %abs3A_3060, %select_n3A_3117 : vector<16x128xf32>
    %select_n3A_3122 = arith.select %gt3A_3121, %abs3A_3060, %select_n3A_3117 : vector<16x128xi1>, vector<16x128xf32>
    %jit3A_3123 = arith.constant 6 : i32
    %broadcast_in_dim3A_3124 = vector.broadcast %jit3A_3123 : i32 to vector<16x128xi32>
    %select_n3A_3125 = arith.select %gt3A_3121, %broadcast_in_dim3A_3124, %select_n3A_3120 : vector<16x128xi1>, vector<16x128xi32>
    %gt3A_3126 = arith.cmpf ogt, %abs3A_3061, %select_n3A_3122 : vector<16x128xf32>
    %select_n3A_3127 = arith.select %gt3A_3126, %abs3A_3061, %select_n3A_3122 : vector<16x128xi1>, vector<16x128xf32>
    %jit3A_3128 = arith.constant 7 : i32
    %broadcast_in_dim3A_3129 = vector.broadcast %jit3A_3128 : i32 to vector<16x128xi32>
    %select_n3A_3130 = arith.select %gt3A_3126, %broadcast_in_dim3A_3129, %select_n3A_3125 : vector<16x128xi1>, vector<16x128xi32>
    %broadcast_in_dim3A_3131 = arith.constant -1.000000e+00 : f32
    %broadcast_in_dim3A_3132 = vector.broadcast %broadcast_in_dim3A_3131 : f32 to vector<16x128xf32>
    %broadcast_in_dim3A_3133 = arith.constant 0 : i32
    %broadcast_in_dim3A_3134 = vector.broadcast %broadcast_in_dim3A_3133 : i32 to vector<16x128xi32>
    %eq3A_3135 = arith.constant 0 : i32
    %eq3A_3136 = vector.broadcast %eq3A_3135 : i32 to vector<16x128xi32>
    %eq3A_3137 = arith.cmpi eq, %select_n3A_3130, %eq3A_3136 : vector<16x128xi32>
    %jit3A_3138 = arith.constant -1.000000e+00 : f32
    %broadcast_in_dim3A_3139 = vector.broadcast %jit3A_3138 : f32 to vector<16x128xf32>
    %select_n3A_3140 = arith.select %eq3A_3137, %broadcast_in_dim3A_3139, %abs3A_3054 : vector<16x128xi1>, vector<16x128xf32>
    %gt3A_3141 = arith.cmpf ogt, %select_n3A_3140, %broadcast_in_dim3A_3132 : vector<16x128xf32>
    %select_n3A_3142 = arith.select %gt3A_3141, %select_n3A_3140, %broadcast_in_dim3A_3132 : vector<16x128xi1>, vector<16x128xf32>
    %jit3A_3143 = arith.constant 0 : i32
    %broadcast_in_dim3A_3144 = vector.broadcast %jit3A_3143 : i32 to vector<16x128xi32>
    %select_n3A_3145 = arith.select %gt3A_3141, %broadcast_in_dim3A_3144, %broadcast_in_dim3A_3134 : vector<16x128xi1>, vector<16x128xi32>
    %eq3A_3146 = arith.constant 1 : i32
    %eq3A_3147 = vector.broadcast %eq3A_3146 : i32 to vector<16x128xi32>
    %eq3A_3148 = arith.cmpi eq, %select_n3A_3130, %eq3A_3147 : vector<16x128xi32>
    %jit3A_3149 = arith.constant -1.000000e+00 : f32
    %broadcast_in_dim3A_3150 = vector.broadcast %jit3A_3149 : f32 to vector<16x128xf32>
    %select_n3A_3151 = arith.select %eq3A_3148, %broadcast_in_dim3A_3150, %abs3A_3055 : vector<16x128xi1>, vector<16x128xf32>
    %gt3A_3152 = arith.cmpf ogt, %select_n3A_3151, %select_n3A_3142 : vector<16x128xf32>
    %select_n3A_3153 = arith.select %gt3A_3152, %select_n3A_3151, %select_n3A_3142 : vector<16x128xi1>, vector<16x128xf32>
    %jit3A_3154 = arith.constant 1 : i32
    %broadcast_in_dim3A_3155 = vector.broadcast %jit3A_3154 : i32 to vector<16x128xi32>
    %select_n3A_3156 = arith.select %gt3A_3152, %broadcast_in_dim3A_3155, %select_n3A_3145 : vector<16x128xi1>, vector<16x128xi32>
    %eq3A_3157 = arith.constant 2 : i32
    %eq3A_3158 = vector.broadcast %eq3A_3157 : i32 to vector<16x128xi32>
    %eq3A_3159 = arith.cmpi eq, %select_n3A_3130, %eq3A_3158 : vector<16x128xi32>
    %jit3A_3160 = arith.constant -1.000000e+00 : f32
    %broadcast_in_dim3A_3161 = vector.broadcast %jit3A_3160 : f32 to vector<16x128xf32>
    %select_n3A_3162 = arith.select %eq3A_3159, %broadcast_in_dim3A_3161, %abs3A_3056 : vector<16x128xi1>, vector<16x128xf32>
    %gt3A_3163 = arith.cmpf ogt, %select_n3A_3162, %select_n3A_3153 : vector<16x128xf32>
    %select_n3A_3164 = arith.select %gt3A_3163, %select_n3A_3162, %select_n3A_3153 : vector<16x128xi1>, vector<16x128xf32>
    %jit3A_3165 = arith.constant 2 : i32
    %broadcast_in_dim3A_3166 = vector.broadcast %jit3A_3165 : i32 to vector<16x128xi32>
    %select_n3A_3167 = arith.select %gt3A_3163, %broadcast_in_dim3A_3166, %select_n3A_3156 : vector<16x128xi1>, vector<16x128xi32>
    %eq3A_3168 = arith.constant 3 : i32
    %eq3A_3169 = vector.broadcast %eq3A_3168 : i32 to vector<16x128xi32>
    %eq3A_3170 = arith.cmpi eq, %select_n3A_3130, %eq3A_3169 : vector<16x128xi32>
    %jit3A_3171 = arith.constant -1.000000e+00 : f32
    %broadcast_in_dim3A_3172 = vector.broadcast %jit3A_3171 : f32 to vector<16x128xf32>
    %select_n3A_3173 = arith.select %eq3A_3170, %broadcast_in_dim3A_3172, %abs3A_3057 : vector<16x128xi1>, vector<16x128xf32>
    %gt3A_3174 = arith.cmpf ogt, %select_n3A_3173, %select_n3A_3164 : vector<16x128xf32>
    %select_n3A_3175 = arith.select %gt3A_3174, %select_n3A_3173, %select_n3A_3164 : vector<16x128xi1>, vector<16x128xf32>
    %jit3A_3176 = arith.constant 3 : i32
    %broadcast_in_dim3A_3177 = vector.broadcast %jit3A_3176 : i32 to vector<16x128xi32>
    %select_n3A_3178 = arith.select %gt3A_3174, %broadcast_in_dim3A_3177, %select_n3A_3167 : vector<16x128xi1>, vector<16x128xi32>
    %eq3A_3179 = arith.constant 4 : i32
    %eq3A_3180 = vector.broadcast %eq3A_3179 : i32 to vector<16x128xi32>
    %eq3A_3181 = arith.cmpi eq, %select_n3A_3130, %eq3A_3180 : vector<16x128xi32>
    %jit3A_3182 = arith.constant -1.000000e+00 : f32
    %broadcast_in_dim3A_3183 = vector.broadcast %jit3A_3182 : f32 to vector<16x128xf32>
    %select_n3A_3184 = arith.select %eq3A_3181, %broadcast_in_dim3A_3183, %abs3A_3058 : vector<16x128xi1>, vector<16x128xf32>
    %gt3A_3185 = arith.cmpf ogt, %select_n3A_3184, %select_n3A_3175 : vector<16x128xf32>
    %select_n3A_3186 = arith.select %gt3A_3185, %select_n3A_3184, %select_n3A_3175 : vector<16x128xi1>, vector<16x128xf32>
    %jit3A_3187 = arith.constant 4 : i32
    %broadcast_in_dim3A_3188 = vector.broadcast %jit3A_3187 : i32 to vector<16x128xi32>
    %select_n3A_3189 = arith.select %gt3A_3185, %broadcast_in_dim3A_3188, %select_n3A_3178 : vector<16x128xi1>, vector<16x128xi32>
    %eq3A_3190 = arith.constant 5 : i32
    %eq3A_3191 = vector.broadcast %eq3A_3190 : i32 to vector<16x128xi32>
    %eq3A_3192 = arith.cmpi eq, %select_n3A_3130, %eq3A_3191 : vector<16x128xi32>
    %jit3A_3193 = arith.constant -1.000000e+00 : f32
    %broadcast_in_dim3A_3194 = vector.broadcast %jit3A_3193 : f32 to vector<16x128xf32>
    %select_n3A_3195 = arith.select %eq3A_3192, %broadcast_in_dim3A_3194, %abs3A_3059 : vector<16x128xi1>, vector<16x128xf32>
    %gt3A_3196 = arith.cmpf ogt, %select_n3A_3195, %select_n3A_3186 : vector<16x128xf32>
    %select_n3A_3197 = arith.select %gt3A_3196, %select_n3A_3195, %select_n3A_3186 : vector<16x128xi1>, vector<16x128xf32>
    %jit3A_3198 = arith.constant 5 : i32
    %broadcast_in_dim3A_3199 = vector.broadcast %jit3A_3198 : i32 to vector<16x128xi32>
    %select_n3A_3200 = arith.select %gt3A_3196, %broadcast_in_dim3A_3199, %select_n3A_3189 : vector<16x128xi1>, vector<16x128xi32>
    %eq3A_3201 = arith.constant 6 : i32
    %eq3A_3202 = vector.broadcast %eq3A_3201 : i32 to vector<16x128xi32>
    %eq3A_3203 = arith.cmpi eq, %select_n3A_3130, %eq3A_3202 : vector<16x128xi32>
    %jit3A_3204 = arith.constant -1.000000e+00 : f32
    %broadcast_in_dim3A_3205 = vector.broadcast %jit3A_3204 : f32 to vector<16x128xf32>
    %select_n3A_3206 = arith.select %eq3A_3203, %broadcast_in_dim3A_3205, %abs3A_3060 : vector<16x128xi1>, vector<16x128xf32>
    %gt3A_3207 = arith.cmpf ogt, %select_n3A_3206, %select_n3A_3197 : vector<16x128xf32>
    %select_n3A_3208 = arith.select %gt3A_3207, %select_n3A_3206, %select_n3A_3197 : vector<16x128xi1>, vector<16x128xf32>
    %jit3A_3209 = arith.constant 6 : i32
    %broadcast_in_dim3A_3210 = vector.broadcast %jit3A_3209 : i32 to vector<16x128xi32>
    %select_n3A_3211 = arith.select %gt3A_3207, %broadcast_in_dim3A_3210, %select_n3A_3200 : vector<16x128xi1>, vector<16x128xi32>
    %eq3A_3212 = arith.constant 7 : i32
    %eq3A_3213 = vector.broadcast %eq3A_3212 : i32 to vector<16x128xi32>
    %eq3A_3214 = arith.cmpi eq, %select_n3A_3130, %eq3A_3213 : vector<16x128xi32>
    %jit3A_3215 = arith.constant -1.000000e+00 : f32
    %broadcast_in_dim3A_3216 = vector.broadcast %jit3A_3215 : f32 to vector<16x128xf32>
    %select_n3A_3217 = arith.select %eq3A_3214, %broadcast_in_dim3A_3216, %abs3A_3061 : vector<16x128xi1>, vector<16x128xf32>
    %gt3A_3218 = arith.cmpf ogt, %select_n3A_3217, %select_n3A_3208 : vector<16x128xf32>
    %select_n3A_3219 = arith.select %gt3A_3218, %select_n3A_3217, %select_n3A_3208 : vector<16x128xi1>, vector<16x128xf32>
    %jit3A_3220 = arith.constant 7 : i32
    %broadcast_in_dim3A_3221 = vector.broadcast %jit3A_3220 : i32 to vector<16x128xi32>
    %select_n3A_3222 = arith.select %gt3A_3218, %broadcast_in_dim3A_3221, %select_n3A_3211 : vector<16x128xi1>, vector<16x128xi32>
    %add3A_3223 = arith.addf %select_n3A_3127, %select_n3A_3219 : vector<16x128xf32>
    %add3A_3224 = arith.addf %abs3A_3054, %abs3A_3055 : vector<16x128xf32>
    %min3A_3225 = arith.minimumf %abs3A_3054, %abs3A_3055 : vector<16x128xf32>
    %add3A_3226 = arith.addf %add3A_3224, %abs3A_3056 : vector<16x128xf32>
    %min3A_3227 = arith.minimumf %min3A_3225, %abs3A_3056 : vector<16x128xf32>
    %add3A_3228 = arith.addf %add3A_3226, %abs3A_3057 : vector<16x128xf32>
    %min3A_3229 = arith.minimumf %min3A_3227, %abs3A_3057 : vector<16x128xf32>
    %add3A_3230 = arith.addf %add3A_3228, %abs3A_3058 : vector<16x128xf32>
    %min3A_3231 = arith.minimumf %min3A_3229, %abs3A_3058 : vector<16x128xf32>
    %add3A_3232 = arith.addf %add3A_3230, %abs3A_3059 : vector<16x128xf32>
    %min3A_3233 = arith.minimumf %min3A_3231, %abs3A_3059 : vector<16x128xf32>
    %add3A_3234 = arith.addf %add3A_3232, %abs3A_3060 : vector<16x128xf32>
    %min3A_3235 = arith.minimumf %min3A_3233, %abs3A_3060 : vector<16x128xf32>
    %add3A_3236 = arith.addf %add3A_3234, %abs3A_3061 : vector<16x128xf32>
    %min3A_3237 = arith.minimumf %min3A_3235, %abs3A_3061 : vector<16x128xf32>
    %eq3A_3238 = arith.cmpf oeq, %abs3A_3054, %min3A_3237 : vector<16x128xf32>
    %and3A_3239 = arith.andi %eq3A_3238, %lt3A_3064 : vector<16x128xi1>
    %broadcast_in_dim3A_3240 = arith.constant 0 : i32
    %broadcast_in_dim3A_3241 = vector.broadcast %broadcast_in_dim3A_3240 : i32 to vector<16x128xi32>
    %eq3A_3242 = arith.cmpf oeq, %abs3A_3054, %min3A_3237 : vector<16x128xf32>
    %and3A_3243 = arith.andi %eq3A_3242, %lt3A_3064 : vector<16x128xi1>
    %jit3A_3244 = arith.constant 0 : i32
    %broadcast_in_dim3A_3245 = vector.broadcast %jit3A_3244 : i32 to vector<16x128xi32>
    %select_n3A_3246 = arith.select %and3A_3243, %broadcast_in_dim3A_3245, %broadcast_in_dim3A_3241 : vector<16x128xi1>, vector<16x128xi32>
    %eq3A_3247 = arith.cmpf oeq, %abs3A_3055, %min3A_3237 : vector<16x128xf32>
    %and3A_3248 = arith.andi %eq3A_3247, %lt3A_3067 : vector<16x128xi1>
    %jit3A_3249 = arith.constant 1 : i32
    %broadcast_in_dim3A_3250 = vector.broadcast %jit3A_3249 : i32 to vector<16x128xi32>
    %select_n3A_3251 = arith.select %and3A_3248, %broadcast_in_dim3A_3250, %select_n3A_3246 : vector<16x128xi1>, vector<16x128xi32>
    %or3A_3252 = arith.ori %and3A_3239, %and3A_3248 : vector<16x128xi1>
    %eq3A_3253 = arith.cmpf oeq, %abs3A_3056, %min3A_3237 : vector<16x128xf32>
    %and3A_3254 = arith.andi %eq3A_3253, %lt3A_3070 : vector<16x128xi1>
    %jit3A_3255 = arith.constant 2 : i32
    %broadcast_in_dim3A_3256 = vector.broadcast %jit3A_3255 : i32 to vector<16x128xi32>
    %select_n3A_3257 = arith.select %and3A_3254, %broadcast_in_dim3A_3256, %select_n3A_3251 : vector<16x128xi1>, vector<16x128xi32>
    %or3A_3258 = arith.ori %or3A_3252, %and3A_3254 : vector<16x128xi1>
    %eq3A_3259 = arith.cmpf oeq, %abs3A_3057, %min3A_3237 : vector<16x128xf32>
    %and3A_3260 = arith.andi %eq3A_3259, %lt3A_3073 : vector<16x128xi1>
    %jit3A_3261 = arith.constant 3 : i32
    %broadcast_in_dim3A_3262 = vector.broadcast %jit3A_3261 : i32 to vector<16x128xi32>
    %select_n3A_3263 = arith.select %and3A_3260, %broadcast_in_dim3A_3262, %select_n3A_3257 : vector<16x128xi1>, vector<16x128xi32>
    %or3A_3264 = arith.ori %or3A_3258, %and3A_3260 : vector<16x128xi1>
    %eq3A_3265 = arith.cmpf oeq, %abs3A_3058, %min3A_3237 : vector<16x128xf32>
    %and3A_3266 = arith.andi %eq3A_3265, %lt3A_3076 : vector<16x128xi1>
    %jit3A_3267 = arith.constant 4 : i32
    %broadcast_in_dim3A_3268 = vector.broadcast %jit3A_3267 : i32 to vector<16x128xi32>
    %select_n3A_3269 = arith.select %and3A_3266, %broadcast_in_dim3A_3268, %select_n3A_3263 : vector<16x128xi1>, vector<16x128xi32>
    %or3A_3270 = arith.ori %or3A_3264, %and3A_3266 : vector<16x128xi1>
    %eq3A_3271 = arith.cmpf oeq, %abs3A_3059, %min3A_3237 : vector<16x128xf32>
    %and3A_3272 = arith.andi %eq3A_3271, %lt3A_3079 : vector<16x128xi1>
    %jit3A_3273 = arith.constant 5 : i32
    %broadcast_in_dim3A_3274 = vector.broadcast %jit3A_3273 : i32 to vector<16x128xi32>
    %select_n3A_3275 = arith.select %and3A_3272, %broadcast_in_dim3A_3274, %select_n3A_3269 : vector<16x128xi1>, vector<16x128xi32>
    %or3A_3276 = arith.ori %or3A_3270, %and3A_3272 : vector<16x128xi1>
    %eq3A_3277 = arith.cmpf oeq, %abs3A_3060, %min3A_3237 : vector<16x128xf32>
    %and3A_3278 = arith.andi %eq3A_3277, %lt3A_3082 : vector<16x128xi1>
    %jit3A_3279 = arith.constant 6 : i32
    %broadcast_in_dim3A_3280 = vector.broadcast %jit3A_3279 : i32 to vector<16x128xi32>
    %select_n3A_3281 = arith.select %and3A_3278, %broadcast_in_dim3A_3280, %select_n3A_3275 : vector<16x128xi1>, vector<16x128xi32>
    %or3A_3282 = arith.ori %or3A_3276, %and3A_3278 : vector<16x128xi1>
    %eq3A_3283 = arith.cmpf oeq, %abs3A_3061, %min3A_3237 : vector<16x128xf32>
    %and3A_3284 = arith.andi %eq3A_3283, %lt3A_3085 : vector<16x128xi1>
    %jit3A_3285 = arith.constant 7 : i32
    %broadcast_in_dim3A_3286 = vector.broadcast %jit3A_3285 : i32 to vector<16x128xi32>
    %select_n3A_3287 = arith.select %and3A_3284, %broadcast_in_dim3A_3286, %select_n3A_3281 : vector<16x128xi1>, vector<16x128xi32>
    %or3A_3288 = arith.ori %or3A_3282, %and3A_3284 : vector<16x128xi1>
    %broadcast_in_dim3A_3289 = arith.constant 0 : i32
    %broadcast_in_dim3A_3290 = vector.broadcast %broadcast_in_dim3A_3289 : i32 to vector<16x128xi32>
    %eq3A_3291 = arith.cmpf oeq, %abs3A_3061, %min3A_3237 : vector<16x128xf32>
    %jit3A_3292 = arith.constant 7 : i32
    %broadcast_in_dim3A_3293 = vector.broadcast %jit3A_3292 : i32 to vector<16x128xi32>
    %select_n3A_3294 = arith.select %eq3A_3291, %broadcast_in_dim3A_3293, %broadcast_in_dim3A_3290 : vector<16x128xi1>, vector<16x128xi32>
    %eq3A_3295 = arith.cmpf oeq, %abs3A_3060, %min3A_3237 : vector<16x128xf32>
    %jit3A_3296 = arith.constant 6 : i32
    %broadcast_in_dim3A_3297 = vector.broadcast %jit3A_3296 : i32 to vector<16x128xi32>
    %select_n3A_3298 = arith.select %eq3A_3295, %broadcast_in_dim3A_3297, %select_n3A_3294 : vector<16x128xi1>, vector<16x128xi32>
    %eq3A_3299 = arith.cmpf oeq, %abs3A_3059, %min3A_3237 : vector<16x128xf32>
    %jit3A_3300 = arith.constant 5 : i32
    %broadcast_in_dim3A_3301 = vector.broadcast %jit3A_3300 : i32 to vector<16x128xi32>
    %select_n3A_3302 = arith.select %eq3A_3299, %broadcast_in_dim3A_3301, %select_n3A_3298 : vector<16x128xi1>, vector<16x128xi32>
    %eq3A_3303 = arith.cmpf oeq, %abs3A_3058, %min3A_3237 : vector<16x128xf32>
    %jit3A_3304 = arith.constant 4 : i32
    %broadcast_in_dim3A_3305 = vector.broadcast %jit3A_3304 : i32 to vector<16x128xi32>
    %select_n3A_3306 = arith.select %eq3A_3303, %broadcast_in_dim3A_3305, %select_n3A_3302 : vector<16x128xi1>, vector<16x128xi32>
    %eq3A_3307 = arith.cmpf oeq, %abs3A_3057, %min3A_3237 : vector<16x128xf32>
    %jit3A_3308 = arith.constant 3 : i32
    %broadcast_in_dim3A_3309 = vector.broadcast %jit3A_3308 : i32 to vector<16x128xi32>
    %select_n3A_3310 = arith.select %eq3A_3307, %broadcast_in_dim3A_3309, %select_n3A_3306 : vector<16x128xi1>, vector<16x128xi32>
    %eq3A_3311 = arith.cmpf oeq, %abs3A_3056, %min3A_3237 : vector<16x128xf32>
    %jit3A_3312 = arith.constant 2 : i32
    %broadcast_in_dim3A_3313 = vector.broadcast %jit3A_3312 : i32 to vector<16x128xi32>
    %select_n3A_3314 = arith.select %eq3A_3311, %broadcast_in_dim3A_3313, %select_n3A_3310 : vector<16x128xi1>, vector<16x128xi32>
    %eq3A_3315 = arith.cmpf oeq, %abs3A_3055, %min3A_3237 : vector<16x128xf32>
    %jit3A_3316 = arith.constant 1 : i32
    %broadcast_in_dim3A_3317 = vector.broadcast %jit3A_3316 : i32 to vector<16x128xi32>
    %select_n3A_3318 = arith.select %eq3A_3315, %broadcast_in_dim3A_3317, %select_n3A_3314 : vector<16x128xi1>, vector<16x128xi32>
    %eq3A_3319 = arith.cmpf oeq, %abs3A_3054, %min3A_3237 : vector<16x128xf32>
    %jit3A_3320 = arith.constant 0 : i32
    %broadcast_in_dim3A_3321 = vector.broadcast %jit3A_3320 : i32 to vector<16x128xi32>
    %select_n3A_3322 = arith.select %eq3A_3319, %broadcast_in_dim3A_3321, %select_n3A_3318 : vector<16x128xi1>, vector<16x128xi32>
    %select_n3A_3323 = arith.select %or3A_3288, %select_n3A_3287, %select_n3A_3322 : vector<16x128xi1>, vector<16x128xi32>
    %xor3A_3324 = arith.xori %convert_element_type3A_3086, %convert_element_type3A_3087 : vector<16x128xi32>
    %xor3A_3325 = arith.xori %xor3A_3324, %convert_element_type3A_3088 : vector<16x128xi32>
    %xor3A_3326 = arith.xori %xor3A_3325, %convert_element_type3A_3089 : vector<16x128xi32>
    %xor3A_3327 = arith.xori %xor3A_3326, %convert_element_type3A_3090 : vector<16x128xi32>
    %xor3A_3328 = arith.xori %xor3A_3327, %convert_element_type3A_3091 : vector<16x128xi32>
    %xor3A_3329 = arith.xori %xor3A_3328, %convert_element_type3A_3092 : vector<16x128xi32>
    %xor3A_3330 = arith.xori %xor3A_3329, %convert_element_type3A_3093 : vector<16x128xi32>
    %eq3A_3331 = arith.constant 1 : i32
    %eq3A_3332 = vector.broadcast %eq3A_3331 : i32 to vector<16x128xi32>
    %eq3A_3333 = arith.cmpi eq, %xor3A_3330, %eq3A_3332 : vector<16x128xi32>
    %mul3A_3334 = arith.constant 5.000000e-01 : f32
    %mul3A_3335 = vector.broadcast %mul3A_3334 : f32 to vector<16x128xf32>
    %mul3A_3336 = arith.mulf %mul3A_3335, %add3A_3236 : vector<16x128xf32>
    %jit3A_3337 = arith.constant 0.000000e+00 : f32
    %broadcast_in_dim3A_3338 = vector.broadcast %jit3A_3337 : f32 to vector<16x128xf32>
    %select_n3A_3339 = arith.select %eq3A_3333, %min3A_3237, %broadcast_in_dim3A_3338 : vector<16x128xi1>, vector<16x128xf32>
    %sub3A_3340 = arith.subf %mul3A_3336, %select_n3A_3339 : vector<16x128xf32>
    %ge3A_3341 = arith.cmpf oge, %add3A_3223, %sub3A_3340 : vector<16x128xf32>
    %min3A_3342 = arith.minsi %select_n3A_3130, %select_n3A_3222 : vector<16x128xi32>
    %max3A_3343 = arith.maxsi %select_n3A_3130, %select_n3A_3222 : vector<16x128xi32>
    %sub3A_3344 = arith.constant 15 : i32
    %sub3A_3345 = vector.broadcast %sub3A_3344 : i32 to vector<16x128xi32>
    %sub3A_3346 = arith.subi %sub3A_3345, %min3A_3342 : vector<16x128xi32>
    %mul3A_3347 = arith.muli %min3A_3342, %sub3A_3346 : vector<16x128xi32>
    %shift_right_arithmetic3A_3348 = arith.constant 1 : i32
    %shift_right_arithmetic3A_3349 = vector.broadcast %shift_right_arithmetic3A_3348 : i32 to vector<16x128xi32>
    %shift_right_arithmetic3A_3350 = arith.shrsi %mul3A_3347, %shift_right_arithmetic3A_3349 : vector<16x128xi32>
    %sub3A_3351 = arith.subi %max3A_3343, %min3A_3342 : vector<16x128xi32>
    %sub3A_3352 = arith.constant 1 : i32
    %sub3A_3353 = vector.broadcast %sub3A_3352 : i32 to vector<16x128xi32>
    %sub3A_3354 = arith.subi %sub3A_3351, %sub3A_3353 : vector<16x128xi32>
    %add3A_3355 = arith.addi %shift_right_arithmetic3A_3350, %sub3A_3354 : vector<16x128xi32>
    %broadcast_in_dim3A_3356 = arith.constant 0 : i32
    %broadcast_in_dim3A_3357 = vector.broadcast %broadcast_in_dim3A_3356 : i32 to vector<16x128xi32>
    %broadcast_in_dim3A_3358 = arith.constant 0 : i32
    %broadcast_in_dim3A_3359 = vector.broadcast %broadcast_in_dim3A_3358 : i32 to vector<16x128xi32>
    %eq3A_3360 = arith.constant 0 : i32
    %eq3A_3361 = vector.broadcast %eq3A_3360 : i32 to vector<16x128xi32>
    %eq3A_3362 = arith.cmpi eq, %min3A_3342, %eq3A_3361 : vector<16x128xi32>
    %select_n3A_3363 = arith.select %eq3A_3362, %convert_element_type3A_3086, %broadcast_in_dim3A_3357 : vector<16x128xi1>, vector<16x128xi32>
    %eq3A_3364 = arith.constant 0 : i32
    %eq3A_3365 = vector.broadcast %eq3A_3364 : i32 to vector<16x128xi32>
    %eq3A_3366 = arith.cmpi eq, %max3A_3343, %eq3A_3365 : vector<16x128xi32>
    %select_n3A_3367 = arith.select %eq3A_3366, %convert_element_type3A_3086, %broadcast_in_dim3A_3359 : vector<16x128xi1>, vector<16x128xi32>
    %eq3A_3368 = arith.constant 1 : i32
    %eq3A_3369 = vector.broadcast %eq3A_3368 : i32 to vector<16x128xi32>
    %eq3A_3370 = arith.cmpi eq, %min3A_3342, %eq3A_3369 : vector<16x128xi32>
    %select_n3A_3371 = arith.select %eq3A_3370, %convert_element_type3A_3087, %select_n3A_3363 : vector<16x128xi1>, vector<16x128xi32>
    %eq3A_3372 = arith.constant 1 : i32
    %eq3A_3373 = vector.broadcast %eq3A_3372 : i32 to vector<16x128xi32>
    %eq3A_3374 = arith.cmpi eq, %max3A_3343, %eq3A_3373 : vector<16x128xi32>
    %select_n3A_3375 = arith.select %eq3A_3374, %convert_element_type3A_3087, %select_n3A_3367 : vector<16x128xi1>, vector<16x128xi32>
    %eq3A_3376 = arith.constant 2 : i32
    %eq3A_3377 = vector.broadcast %eq3A_3376 : i32 to vector<16x128xi32>
    %eq3A_3378 = arith.cmpi eq, %min3A_3342, %eq3A_3377 : vector<16x128xi32>
    %select_n3A_3379 = arith.select %eq3A_3378, %convert_element_type3A_3088, %select_n3A_3371 : vector<16x128xi1>, vector<16x128xi32>
    %eq3A_3380 = arith.constant 2 : i32
    %eq3A_3381 = vector.broadcast %eq3A_3380 : i32 to vector<16x128xi32>
    %eq3A_3382 = arith.cmpi eq, %max3A_3343, %eq3A_3381 : vector<16x128xi32>
    %select_n3A_3383 = arith.select %eq3A_3382, %convert_element_type3A_3088, %select_n3A_3375 : vector<16x128xi1>, vector<16x128xi32>
    %eq3A_3384 = arith.constant 3 : i32
    %eq3A_3385 = vector.broadcast %eq3A_3384 : i32 to vector<16x128xi32>
    %eq3A_3386 = arith.cmpi eq, %min3A_3342, %eq3A_3385 : vector<16x128xi32>
    %select_n3A_3387 = arith.select %eq3A_3386, %convert_element_type3A_3089, %select_n3A_3379 : vector<16x128xi1>, vector<16x128xi32>
    %eq3A_3388 = arith.constant 3 : i32
    %eq3A_3389 = vector.broadcast %eq3A_3388 : i32 to vector<16x128xi32>
    %eq3A_3390 = arith.cmpi eq, %max3A_3343, %eq3A_3389 : vector<16x128xi32>
    %select_n3A_3391 = arith.select %eq3A_3390, %convert_element_type3A_3089, %select_n3A_3383 : vector<16x128xi1>, vector<16x128xi32>
    %eq3A_3392 = arith.constant 4 : i32
    %eq3A_3393 = vector.broadcast %eq3A_3392 : i32 to vector<16x128xi32>
    %eq3A_3394 = arith.cmpi eq, %min3A_3342, %eq3A_3393 : vector<16x128xi32>
    %select_n3A_3395 = arith.select %eq3A_3394, %convert_element_type3A_3090, %select_n3A_3387 : vector<16x128xi1>, vector<16x128xi32>
    %eq3A_3396 = arith.constant 4 : i32
    %eq3A_3397 = vector.broadcast %eq3A_3396 : i32 to vector<16x128xi32>
    %eq3A_3398 = arith.cmpi eq, %max3A_3343, %eq3A_3397 : vector<16x128xi32>
    %select_n3A_3399 = arith.select %eq3A_3398, %convert_element_type3A_3090, %select_n3A_3391 : vector<16x128xi1>, vector<16x128xi32>
    %eq3A_3400 = arith.constant 5 : i32
    %eq3A_3401 = vector.broadcast %eq3A_3400 : i32 to vector<16x128xi32>
    %eq3A_3402 = arith.cmpi eq, %min3A_3342, %eq3A_3401 : vector<16x128xi32>
    %select_n3A_3403 = arith.select %eq3A_3402, %convert_element_type3A_3091, %select_n3A_3395 : vector<16x128xi1>, vector<16x128xi32>
    %eq3A_3404 = arith.constant 5 : i32
    %eq3A_3405 = vector.broadcast %eq3A_3404 : i32 to vector<16x128xi32>
    %eq3A_3406 = arith.cmpi eq, %max3A_3343, %eq3A_3405 : vector<16x128xi32>
    %select_n3A_3407 = arith.select %eq3A_3406, %convert_element_type3A_3091, %select_n3A_3399 : vector<16x128xi1>, vector<16x128xi32>
    %eq3A_3408 = arith.constant 6 : i32
    %eq3A_3409 = vector.broadcast %eq3A_3408 : i32 to vector<16x128xi32>
    %eq3A_3410 = arith.cmpi eq, %min3A_3342, %eq3A_3409 : vector<16x128xi32>
    %select_n3A_3411 = arith.select %eq3A_3410, %convert_element_type3A_3092, %select_n3A_3403 : vector<16x128xi1>, vector<16x128xi32>
    %eq3A_3412 = arith.constant 6 : i32
    %eq3A_3413 = vector.broadcast %eq3A_3412 : i32 to vector<16x128xi32>
    %eq3A_3414 = arith.cmpi eq, %max3A_3343, %eq3A_3413 : vector<16x128xi32>
    %select_n3A_3415 = arith.select %eq3A_3414, %convert_element_type3A_3092, %select_n3A_3407 : vector<16x128xi1>, vector<16x128xi32>
    %eq3A_3416 = arith.constant 7 : i32
    %eq3A_3417 = vector.broadcast %eq3A_3416 : i32 to vector<16x128xi32>
    %eq3A_3418 = arith.cmpi eq, %min3A_3342, %eq3A_3417 : vector<16x128xi32>
    %select_n3A_3419 = arith.select %eq3A_3418, %convert_element_type3A_3093, %select_n3A_3411 : vector<16x128xi1>, vector<16x128xi32>
    %eq3A_3420 = arith.constant 7 : i32
    %eq3A_3421 = vector.broadcast %eq3A_3420 : i32 to vector<16x128xi32>
    %eq3A_3422 = arith.cmpi eq, %max3A_3343, %eq3A_3421 : vector<16x128xi32>
    %select_n3A_3423 = arith.select %eq3A_3422, %convert_element_type3A_3093, %select_n3A_3415 : vector<16x128xi1>, vector<16x128xi32>
    %mul3A_3424 = arith.constant 4 : i32
    %mul3A_3425 = vector.broadcast %mul3A_3424 : i32 to vector<16x128xi32>
    %mul3A_3426 = arith.muli %mul3A_3425, %add3A_3355 : vector<16x128xi32>
    %mul3A_3427 = arith.constant 2 : i32
    %mul3A_3428 = vector.broadcast %mul3A_3427 : i32 to vector<16x128xi32>
    %mul3A_3429 = arith.muli %mul3A_3428, %select_n3A_3419 : vector<16x128xi32>
    %add3A_3430 = arith.addi %mul3A_3426, %mul3A_3429 : vector<16x128xi32>
    %add3A_3431 = arith.addi %add3A_3430, %select_n3A_3423 : vector<16x128xi32>
    %broadcast_in_dim3A_3432 = arith.constant 0 : i32
    %broadcast_in_dim3A_3433 = vector.broadcast %broadcast_in_dim3A_3432 : i32 to vector<16x128xi32>
    %eq3A_3434 = arith.constant 0 : i32
    %eq3A_3435 = vector.broadcast %eq3A_3434 : i32 to vector<16x128xi32>
    %eq3A_3436 = arith.cmpi eq, %select_n3A_3323, %eq3A_3435 : vector<16x128xi32>
    %and3A_3437 = arith.andi %eq3A_3333, %eq3A_3436 : vector<16x128xi1>
    %sub3A_3438 = arith.constant 1 : i32
    %sub3A_3439 = vector.broadcast %sub3A_3438 : i32 to vector<16x128xi32>
    %sub3A_3440 = arith.subi %sub3A_3439, %convert_element_type3A_3086 : vector<16x128xi32>
    %select_n3A_3441 = arith.select %and3A_3437, %sub3A_3440, %convert_element_type3A_3086 : vector<16x128xi1>, vector<16x128xi32>
    %shift_left3A_3442 = arith.constant 0 : i32
    %shift_left3A_3443 = vector.broadcast %shift_left3A_3442 : i32 to vector<16x128xi32>
    %shift_left3A_3444 = arith.shli %select_n3A_3441, %shift_left3A_3443 : vector<16x128xi32>
    %add3A_3445 = arith.addi %broadcast_in_dim3A_3433, %shift_left3A_3444 : vector<16x128xi32>
    %eq3A_3446 = arith.constant 1 : i32
    %eq3A_3447 = vector.broadcast %eq3A_3446 : i32 to vector<16x128xi32>
    %eq3A_3448 = arith.cmpi eq, %select_n3A_3323, %eq3A_3447 : vector<16x128xi32>
    %and3A_3449 = arith.andi %eq3A_3333, %eq3A_3448 : vector<16x128xi1>
    %sub3A_3450 = arith.constant 1 : i32
    %sub3A_3451 = vector.broadcast %sub3A_3450 : i32 to vector<16x128xi32>
    %sub3A_3452 = arith.subi %sub3A_3451, %convert_element_type3A_3087 : vector<16x128xi32>
    %select_n3A_3453 = arith.select %and3A_3449, %sub3A_3452, %convert_element_type3A_3087 : vector<16x128xi1>, vector<16x128xi32>
    %shift_left3A_3454 = arith.constant 1 : i32
    %shift_left3A_3455 = vector.broadcast %shift_left3A_3454 : i32 to vector<16x128xi32>
    %shift_left3A_3456 = arith.shli %select_n3A_3453, %shift_left3A_3455 : vector<16x128xi32>
    %add3A_3457 = arith.addi %add3A_3445, %shift_left3A_3456 : vector<16x128xi32>
    %eq3A_3458 = arith.constant 2 : i32
    %eq3A_3459 = vector.broadcast %eq3A_3458 : i32 to vector<16x128xi32>
    %eq3A_3460 = arith.cmpi eq, %select_n3A_3323, %eq3A_3459 : vector<16x128xi32>
    %and3A_3461 = arith.andi %eq3A_3333, %eq3A_3460 : vector<16x128xi1>
    %sub3A_3462 = arith.constant 1 : i32
    %sub3A_3463 = vector.broadcast %sub3A_3462 : i32 to vector<16x128xi32>
    %sub3A_3464 = arith.subi %sub3A_3463, %convert_element_type3A_3088 : vector<16x128xi32>
    %select_n3A_3465 = arith.select %and3A_3461, %sub3A_3464, %convert_element_type3A_3088 : vector<16x128xi1>, vector<16x128xi32>
    %shift_left3A_3466 = arith.constant 2 : i32
    %shift_left3A_3467 = vector.broadcast %shift_left3A_3466 : i32 to vector<16x128xi32>
    %shift_left3A_3468 = arith.shli %select_n3A_3465, %shift_left3A_3467 : vector<16x128xi32>
    %add3A_3469 = arith.addi %add3A_3457, %shift_left3A_3468 : vector<16x128xi32>
    %eq3A_3470 = arith.constant 3 : i32
    %eq3A_3471 = vector.broadcast %eq3A_3470 : i32 to vector<16x128xi32>
    %eq3A_3472 = arith.cmpi eq, %select_n3A_3323, %eq3A_3471 : vector<16x128xi32>
    %and3A_3473 = arith.andi %eq3A_3333, %eq3A_3472 : vector<16x128xi1>
    %sub3A_3474 = arith.constant 1 : i32
    %sub3A_3475 = vector.broadcast %sub3A_3474 : i32 to vector<16x128xi32>
    %sub3A_3476 = arith.subi %sub3A_3475, %convert_element_type3A_3089 : vector<16x128xi32>
    %select_n3A_3477 = arith.select %and3A_3473, %sub3A_3476, %convert_element_type3A_3089 : vector<16x128xi1>, vector<16x128xi32>
    %shift_left3A_3478 = arith.constant 3 : i32
    %shift_left3A_3479 = vector.broadcast %shift_left3A_3478 : i32 to vector<16x128xi32>
    %shift_left3A_3480 = arith.shli %select_n3A_3477, %shift_left3A_3479 : vector<16x128xi32>
    %add3A_3481 = arith.addi %add3A_3469, %shift_left3A_3480 : vector<16x128xi32>
    %eq3A_3482 = arith.constant 4 : i32
    %eq3A_3483 = vector.broadcast %eq3A_3482 : i32 to vector<16x128xi32>
    %eq3A_3484 = arith.cmpi eq, %select_n3A_3323, %eq3A_3483 : vector<16x128xi32>
    %and3A_3485 = arith.andi %eq3A_3333, %eq3A_3484 : vector<16x128xi1>
    %sub3A_3486 = arith.constant 1 : i32
    %sub3A_3487 = vector.broadcast %sub3A_3486 : i32 to vector<16x128xi32>
    %sub3A_3488 = arith.subi %sub3A_3487, %convert_element_type3A_3090 : vector<16x128xi32>
    %select_n3A_3489 = arith.select %and3A_3485, %sub3A_3488, %convert_element_type3A_3090 : vector<16x128xi1>, vector<16x128xi32>
    %shift_left3A_3490 = arith.constant 4 : i32
    %shift_left3A_3491 = vector.broadcast %shift_left3A_3490 : i32 to vector<16x128xi32>
    %shift_left3A_3492 = arith.shli %select_n3A_3489, %shift_left3A_3491 : vector<16x128xi32>
    %add3A_3493 = arith.addi %add3A_3481, %shift_left3A_3492 : vector<16x128xi32>
    %eq3A_3494 = arith.constant 5 : i32
    %eq3A_3495 = vector.broadcast %eq3A_3494 : i32 to vector<16x128xi32>
    %eq3A_3496 = arith.cmpi eq, %select_n3A_3323, %eq3A_3495 : vector<16x128xi32>
    %and3A_3497 = arith.andi %eq3A_3333, %eq3A_3496 : vector<16x128xi1>
    %sub3A_3498 = arith.constant 1 : i32
    %sub3A_3499 = vector.broadcast %sub3A_3498 : i32 to vector<16x128xi32>
    %sub3A_3500 = arith.subi %sub3A_3499, %convert_element_type3A_3091 : vector<16x128xi32>
    %select_n3A_3501 = arith.select %and3A_3497, %sub3A_3500, %convert_element_type3A_3091 : vector<16x128xi1>, vector<16x128xi32>
    %shift_left3A_3502 = arith.constant 5 : i32
    %shift_left3A_3503 = vector.broadcast %shift_left3A_3502 : i32 to vector<16x128xi32>
    %shift_left3A_3504 = arith.shli %select_n3A_3501, %shift_left3A_3503 : vector<16x128xi32>
    %add3A_3505 = arith.addi %add3A_3493, %shift_left3A_3504 : vector<16x128xi32>
    %eq3A_3506 = arith.constant 6 : i32
    %eq3A_3507 = vector.broadcast %eq3A_3506 : i32 to vector<16x128xi32>
    %eq3A_3508 = arith.cmpi eq, %select_n3A_3323, %eq3A_3507 : vector<16x128xi32>
    %and3A_3509 = arith.andi %eq3A_3333, %eq3A_3508 : vector<16x128xi1>
    %sub3A_3510 = arith.constant 1 : i32
    %sub3A_3511 = vector.broadcast %sub3A_3510 : i32 to vector<16x128xi32>
    %sub3A_3512 = arith.subi %sub3A_3511, %convert_element_type3A_3092 : vector<16x128xi32>
    %select_n3A_3513 = arith.select %and3A_3509, %sub3A_3512, %convert_element_type3A_3092 : vector<16x128xi1>, vector<16x128xi32>
    %shift_left3A_3514 = arith.constant 6 : i32
    %shift_left3A_3515 = vector.broadcast %shift_left3A_3514 : i32 to vector<16x128xi32>
    %shift_left3A_3516 = arith.shli %select_n3A_3513, %shift_left3A_3515 : vector<16x128xi32>
    %add3A_3517 = arith.addi %add3A_3505, %shift_left3A_3516 : vector<16x128xi32>
    %eq3A_3518 = arith.constant 7 : i32
    %eq3A_3519 = vector.broadcast %eq3A_3518 : i32 to vector<16x128xi32>
    %eq3A_3520 = arith.cmpi eq, %select_n3A_3323, %eq3A_3519 : vector<16x128xi32>
    %and3A_3521 = arith.andi %eq3A_3333, %eq3A_3520 : vector<16x128xi1>
    %sub3A_3522 = arith.constant 1 : i32
    %sub3A_3523 = vector.broadcast %sub3A_3522 : i32 to vector<16x128xi32>
    %sub3A_3524 = arith.subi %sub3A_3523, %convert_element_type3A_3093 : vector<16x128xi32>
    %select_n3A_3525 = arith.select %and3A_3521, %sub3A_3524, %convert_element_type3A_3093 : vector<16x128xi1>, vector<16x128xi32>
    %shift_left3A_3526 = arith.constant 7 : i32
    %shift_left3A_3527 = vector.broadcast %shift_left3A_3526 : i32 to vector<16x128xi32>
    %shift_left3A_3528 = arith.shli %select_n3A_3525, %shift_left3A_3527 : vector<16x128xi32>
    %add3A_3529 = arith.addi %add3A_3517, %shift_left3A_3528 : vector<16x128xi32>
    %shift_right_arithmetic3A_3530 = arith.constant 1 : i32
    %shift_right_arithmetic3A_3531 = vector.broadcast %shift_right_arithmetic3A_3530 : i32 to vector<16x128xi32>
    %shift_right_arithmetic3A_3532 = arith.shrsi %add3A_3529, %shift_right_arithmetic3A_3531 : vector<16x128xi32>
    %add3A_3533 = arith.constant 112 : i32
    %add3A_3534 = vector.broadcast %add3A_3533 : i32 to vector<16x128xi32>
    %add3A_3535 = arith.addi %add3A_3534, %shift_right_arithmetic3A_3532 : vector<16x128xi32>
    %select_n3A_3536 = arith.select %ge3A_3341, %add3A_3431, %add3A_3535 : vector<16x128xi1>, vector<16x128xi32>
    %jit3A_3537 = arith.constant -1.000000e+00 : f32
    %jit3A_3538 = arith.constant 1.000000e+00 : f32
    %broadcast_in_dim3A_3539 = vector.broadcast %jit3A_3537 : f32 to vector<16x128xf32>
    %broadcast_in_dim3A_3540 = vector.broadcast %jit3A_3538 : f32 to vector<16x128xf32>
    %select_n3A_3541 = arith.select %lt3A_3064, %broadcast_in_dim3A_3539, %broadcast_in_dim3A_3540 : vector<16x128xi1>, vector<16x128xf32>
    %eq3A_3542 = arith.constant 0 : i32
    %eq3A_3543 = vector.broadcast %eq3A_3542 : i32 to vector<16x128xi32>
    %eq3A_3544 = arith.cmpi eq, %select_n3A_3130, %eq3A_3543 : vector<16x128xi32>
    %eq3A_3545 = arith.constant 0 : i32
    %eq3A_3546 = vector.broadcast %eq3A_3545 : i32 to vector<16x128xi32>
    %eq3A_3547 = arith.cmpi eq, %select_n3A_3222, %eq3A_3546 : vector<16x128xi32>
    %or3A_3548 = arith.ori %eq3A_3544, %eq3A_3547 : vector<16x128xi1>
    %jit3A_3549 = arith.constant 0.000000e+00 : f32
    %broadcast_in_dim3A_3550 = vector.broadcast %jit3A_3549 : f32 to vector<16x128xf32>
    %select_n3A_3551 = arith.select %or3A_3548, %select_n3A_3541, %broadcast_in_dim3A_3550 : vector<16x128xi1>, vector<16x128xf32>
    %eq3A_3552 = arith.constant 1 : i32
    %eq3A_3553 = vector.broadcast %eq3A_3552 : i32 to vector<16x128xi32>
    %eq3A_3554 = arith.cmpi eq, %select_n3A_3441, %eq3A_3553 : vector<16x128xi32>
    %jit3A_3555 = arith.constant -5.000000e-01 : f32
    %jit3A_3556 = arith.constant 5.000000e-01 : f32
    %broadcast_in_dim3A_3557 = vector.broadcast %jit3A_3555 : f32 to vector<16x128xf32>
    %broadcast_in_dim3A_3558 = vector.broadcast %jit3A_3556 : f32 to vector<16x128xf32>
    %select_n3A_3559 = arith.select %eq3A_3554, %broadcast_in_dim3A_3557, %broadcast_in_dim3A_3558 : vector<16x128xi1>, vector<16x128xf32>
    %select_n3A_3560 = arith.select %ge3A_3341, %select_n3A_3551, %select_n3A_3559 : vector<16x128xi1>, vector<16x128xf32>
    %jit3A_3561 = arith.constant -1.000000e+00 : f32
    %jit3A_3562 = arith.constant 1.000000e+00 : f32
    %broadcast_in_dim3A_3563 = vector.broadcast %jit3A_3561 : f32 to vector<16x128xf32>
    %broadcast_in_dim3A_3564 = vector.broadcast %jit3A_3562 : f32 to vector<16x128xf32>
    %select_n3A_3565 = arith.select %lt3A_3067, %broadcast_in_dim3A_3563, %broadcast_in_dim3A_3564 : vector<16x128xi1>, vector<16x128xf32>
    %eq3A_3566 = arith.constant 1 : i32
    %eq3A_3567 = vector.broadcast %eq3A_3566 : i32 to vector<16x128xi32>
    %eq3A_3568 = arith.cmpi eq, %select_n3A_3130, %eq3A_3567 : vector<16x128xi32>
    %eq3A_3569 = arith.constant 1 : i32
    %eq3A_3570 = vector.broadcast %eq3A_3569 : i32 to vector<16x128xi32>
    %eq3A_3571 = arith.cmpi eq, %select_n3A_3222, %eq3A_3570 : vector<16x128xi32>
    %or3A_3572 = arith.ori %eq3A_3568, %eq3A_3571 : vector<16x128xi1>
    %jit3A_3573 = arith.constant 0.000000e+00 : f32
    %broadcast_in_dim3A_3574 = vector.broadcast %jit3A_3573 : f32 to vector<16x128xf32>
    %select_n3A_3575 = arith.select %or3A_3572, %select_n3A_3565, %broadcast_in_dim3A_3574 : vector<16x128xi1>, vector<16x128xf32>
    %eq3A_3576 = arith.constant 1 : i32
    %eq3A_3577 = vector.broadcast %eq3A_3576 : i32 to vector<16x128xi32>
    %eq3A_3578 = arith.cmpi eq, %select_n3A_3453, %eq3A_3577 : vector<16x128xi32>
    %jit3A_3579 = arith.constant -5.000000e-01 : f32
    %jit3A_3580 = arith.constant 5.000000e-01 : f32
    %broadcast_in_dim3A_3581 = vector.broadcast %jit3A_3579 : f32 to vector<16x128xf32>
    %broadcast_in_dim3A_3582 = vector.broadcast %jit3A_3580 : f32 to vector<16x128xf32>
    %select_n3A_3583 = arith.select %eq3A_3578, %broadcast_in_dim3A_3581, %broadcast_in_dim3A_3582 : vector<16x128xi1>, vector<16x128xf32>
    %select_n3A_3584 = arith.select %ge3A_3341, %select_n3A_3575, %select_n3A_3583 : vector<16x128xi1>, vector<16x128xf32>
    %jit3A_3585 = arith.constant -1.000000e+00 : f32
    %jit3A_3586 = arith.constant 1.000000e+00 : f32
    %broadcast_in_dim3A_3587 = vector.broadcast %jit3A_3585 : f32 to vector<16x128xf32>
    %broadcast_in_dim3A_3588 = vector.broadcast %jit3A_3586 : f32 to vector<16x128xf32>
    %select_n3A_3589 = arith.select %lt3A_3070, %broadcast_in_dim3A_3587, %broadcast_in_dim3A_3588 : vector<16x128xi1>, vector<16x128xf32>
    %eq3A_3590 = arith.constant 2 : i32
    %eq3A_3591 = vector.broadcast %eq3A_3590 : i32 to vector<16x128xi32>
    %eq3A_3592 = arith.cmpi eq, %select_n3A_3130, %eq3A_3591 : vector<16x128xi32>
    %eq3A_3593 = arith.constant 2 : i32
    %eq3A_3594 = vector.broadcast %eq3A_3593 : i32 to vector<16x128xi32>
    %eq3A_3595 = arith.cmpi eq, %select_n3A_3222, %eq3A_3594 : vector<16x128xi32>
    %or3A_3596 = arith.ori %eq3A_3592, %eq3A_3595 : vector<16x128xi1>
    %jit3A_3597 = arith.constant 0.000000e+00 : f32
    %broadcast_in_dim3A_3598 = vector.broadcast %jit3A_3597 : f32 to vector<16x128xf32>
    %select_n3A_3599 = arith.select %or3A_3596, %select_n3A_3589, %broadcast_in_dim3A_3598 : vector<16x128xi1>, vector<16x128xf32>
    %eq3A_3600 = arith.constant 1 : i32
    %eq3A_3601 = vector.broadcast %eq3A_3600 : i32 to vector<16x128xi32>
    %eq3A_3602 = arith.cmpi eq, %select_n3A_3465, %eq3A_3601 : vector<16x128xi32>
    %jit3A_3603 = arith.constant -5.000000e-01 : f32
    %jit3A_3604 = arith.constant 5.000000e-01 : f32
    %broadcast_in_dim3A_3605 = vector.broadcast %jit3A_3603 : f32 to vector<16x128xf32>
    %broadcast_in_dim3A_3606 = vector.broadcast %jit3A_3604 : f32 to vector<16x128xf32>
    %select_n3A_3607 = arith.select %eq3A_3602, %broadcast_in_dim3A_3605, %broadcast_in_dim3A_3606 : vector<16x128xi1>, vector<16x128xf32>
    %select_n3A_3608 = arith.select %ge3A_3341, %select_n3A_3599, %select_n3A_3607 : vector<16x128xi1>, vector<16x128xf32>
    %jit3A_3609 = arith.constant -1.000000e+00 : f32
    %jit3A_3610 = arith.constant 1.000000e+00 : f32
    %broadcast_in_dim3A_3611 = vector.broadcast %jit3A_3609 : f32 to vector<16x128xf32>
    %broadcast_in_dim3A_3612 = vector.broadcast %jit3A_3610 : f32 to vector<16x128xf32>
    %select_n3A_3613 = arith.select %lt3A_3073, %broadcast_in_dim3A_3611, %broadcast_in_dim3A_3612 : vector<16x128xi1>, vector<16x128xf32>
    %eq3A_3614 = arith.constant 3 : i32
    %eq3A_3615 = vector.broadcast %eq3A_3614 : i32 to vector<16x128xi32>
    %eq3A_3616 = arith.cmpi eq, %select_n3A_3130, %eq3A_3615 : vector<16x128xi32>
    %eq3A_3617 = arith.constant 3 : i32
    %eq3A_3618 = vector.broadcast %eq3A_3617 : i32 to vector<16x128xi32>
    %eq3A_3619 = arith.cmpi eq, %select_n3A_3222, %eq3A_3618 : vector<16x128xi32>
    %or3A_3620 = arith.ori %eq3A_3616, %eq3A_3619 : vector<16x128xi1>
    %jit3A_3621 = arith.constant 0.000000e+00 : f32
    %broadcast_in_dim3A_3622 = vector.broadcast %jit3A_3621 : f32 to vector<16x128xf32>
    %select_n3A_3623 = arith.select %or3A_3620, %select_n3A_3613, %broadcast_in_dim3A_3622 : vector<16x128xi1>, vector<16x128xf32>
    %eq3A_3624 = arith.constant 1 : i32
    %eq3A_3625 = vector.broadcast %eq3A_3624 : i32 to vector<16x128xi32>
    %eq3A_3626 = arith.cmpi eq, %select_n3A_3477, %eq3A_3625 : vector<16x128xi32>
    %jit3A_3627 = arith.constant -5.000000e-01 : f32
    %jit3A_3628 = arith.constant 5.000000e-01 : f32
    %broadcast_in_dim3A_3629 = vector.broadcast %jit3A_3627 : f32 to vector<16x128xf32>
    %broadcast_in_dim3A_3630 = vector.broadcast %jit3A_3628 : f32 to vector<16x128xf32>
    %select_n3A_3631 = arith.select %eq3A_3626, %broadcast_in_dim3A_3629, %broadcast_in_dim3A_3630 : vector<16x128xi1>, vector<16x128xf32>
    %select_n3A_3632 = arith.select %ge3A_3341, %select_n3A_3623, %select_n3A_3631 : vector<16x128xi1>, vector<16x128xf32>
    %jit3A_3633 = arith.constant -1.000000e+00 : f32
    %jit3A_3634 = arith.constant 1.000000e+00 : f32
    %broadcast_in_dim3A_3635 = vector.broadcast %jit3A_3633 : f32 to vector<16x128xf32>
    %broadcast_in_dim3A_3636 = vector.broadcast %jit3A_3634 : f32 to vector<16x128xf32>
    %select_n3A_3637 = arith.select %lt3A_3076, %broadcast_in_dim3A_3635, %broadcast_in_dim3A_3636 : vector<16x128xi1>, vector<16x128xf32>
    %eq3A_3638 = arith.constant 4 : i32
    %eq3A_3639 = vector.broadcast %eq3A_3638 : i32 to vector<16x128xi32>
    %eq3A_3640 = arith.cmpi eq, %select_n3A_3130, %eq3A_3639 : vector<16x128xi32>
    %eq3A_3641 = arith.constant 4 : i32
    %eq3A_3642 = vector.broadcast %eq3A_3641 : i32 to vector<16x128xi32>
    %eq3A_3643 = arith.cmpi eq, %select_n3A_3222, %eq3A_3642 : vector<16x128xi32>
    %or3A_3644 = arith.ori %eq3A_3640, %eq3A_3643 : vector<16x128xi1>
    %jit3A_3645 = arith.constant 0.000000e+00 : f32
    %broadcast_in_dim3A_3646 = vector.broadcast %jit3A_3645 : f32 to vector<16x128xf32>
    %select_n3A_3647 = arith.select %or3A_3644, %select_n3A_3637, %broadcast_in_dim3A_3646 : vector<16x128xi1>, vector<16x128xf32>
    %eq3A_3648 = arith.constant 1 : i32
    %eq3A_3649 = vector.broadcast %eq3A_3648 : i32 to vector<16x128xi32>
    %eq3A_3650 = arith.cmpi eq, %select_n3A_3489, %eq3A_3649 : vector<16x128xi32>
    %jit3A_3651 = arith.constant -5.000000e-01 : f32
    %jit3A_3652 = arith.constant 5.000000e-01 : f32
    %broadcast_in_dim3A_3653 = vector.broadcast %jit3A_3651 : f32 to vector<16x128xf32>
    %broadcast_in_dim3A_3654 = vector.broadcast %jit3A_3652 : f32 to vector<16x128xf32>
    %select_n3A_3655 = arith.select %eq3A_3650, %broadcast_in_dim3A_3653, %broadcast_in_dim3A_3654 : vector<16x128xi1>, vector<16x128xf32>
    %select_n3A_3656 = arith.select %ge3A_3341, %select_n3A_3647, %select_n3A_3655 : vector<16x128xi1>, vector<16x128xf32>
    %jit3A_3657 = arith.constant -1.000000e+00 : f32
    %jit3A_3658 = arith.constant 1.000000e+00 : f32
    %broadcast_in_dim3A_3659 = vector.broadcast %jit3A_3657 : f32 to vector<16x128xf32>
    %broadcast_in_dim3A_3660 = vector.broadcast %jit3A_3658 : f32 to vector<16x128xf32>
    %select_n3A_3661 = arith.select %lt3A_3079, %broadcast_in_dim3A_3659, %broadcast_in_dim3A_3660 : vector<16x128xi1>, vector<16x128xf32>
    %eq3A_3662 = arith.constant 5 : i32
    %eq3A_3663 = vector.broadcast %eq3A_3662 : i32 to vector<16x128xi32>
    %eq3A_3664 = arith.cmpi eq, %select_n3A_3130, %eq3A_3663 : vector<16x128xi32>
    %eq3A_3665 = arith.constant 5 : i32
    %eq3A_3666 = vector.broadcast %eq3A_3665 : i32 to vector<16x128xi32>
    %eq3A_3667 = arith.cmpi eq, %select_n3A_3222, %eq3A_3666 : vector<16x128xi32>
    %or3A_3668 = arith.ori %eq3A_3664, %eq3A_3667 : vector<16x128xi1>
    %jit3A_3669 = arith.constant 0.000000e+00 : f32
    %broadcast_in_dim3A_3670 = vector.broadcast %jit3A_3669 : f32 to vector<16x128xf32>
    %select_n3A_3671 = arith.select %or3A_3668, %select_n3A_3661, %broadcast_in_dim3A_3670 : vector<16x128xi1>, vector<16x128xf32>
    %eq3A_3672 = arith.constant 1 : i32
    %eq3A_3673 = vector.broadcast %eq3A_3672 : i32 to vector<16x128xi32>
    %eq3A_3674 = arith.cmpi eq, %select_n3A_3501, %eq3A_3673 : vector<16x128xi32>
    %jit3A_3675 = arith.constant -5.000000e-01 : f32
    %jit3A_3676 = arith.constant 5.000000e-01 : f32
    %broadcast_in_dim3A_3677 = vector.broadcast %jit3A_3675 : f32 to vector<16x128xf32>
    %broadcast_in_dim3A_3678 = vector.broadcast %jit3A_3676 : f32 to vector<16x128xf32>
    %select_n3A_3679 = arith.select %eq3A_3674, %broadcast_in_dim3A_3677, %broadcast_in_dim3A_3678 : vector<16x128xi1>, vector<16x128xf32>
    %select_n3A_3680 = arith.select %ge3A_3341, %select_n3A_3671, %select_n3A_3679 : vector<16x128xi1>, vector<16x128xf32>
    %jit3A_3681 = arith.constant -1.000000e+00 : f32
    %jit3A_3682 = arith.constant 1.000000e+00 : f32
    %broadcast_in_dim3A_3683 = vector.broadcast %jit3A_3681 : f32 to vector<16x128xf32>
    %broadcast_in_dim3A_3684 = vector.broadcast %jit3A_3682 : f32 to vector<16x128xf32>
    %select_n3A_3685 = arith.select %lt3A_3082, %broadcast_in_dim3A_3683, %broadcast_in_dim3A_3684 : vector<16x128xi1>, vector<16x128xf32>
    %eq3A_3686 = arith.constant 6 : i32
    %eq3A_3687 = vector.broadcast %eq3A_3686 : i32 to vector<16x128xi32>
    %eq3A_3688 = arith.cmpi eq, %select_n3A_3130, %eq3A_3687 : vector<16x128xi32>
    %eq3A_3689 = arith.constant 6 : i32
    %eq3A_3690 = vector.broadcast %eq3A_3689 : i32 to vector<16x128xi32>
    %eq3A_3691 = arith.cmpi eq, %select_n3A_3222, %eq3A_3690 : vector<16x128xi32>
    %or3A_3692 = arith.ori %eq3A_3688, %eq3A_3691 : vector<16x128xi1>
    %jit3A_3693 = arith.constant 0.000000e+00 : f32
    %broadcast_in_dim3A_3694 = vector.broadcast %jit3A_3693 : f32 to vector<16x128xf32>
    %select_n3A_3695 = arith.select %or3A_3692, %select_n3A_3685, %broadcast_in_dim3A_3694 : vector<16x128xi1>, vector<16x128xf32>
    %eq3A_3696 = arith.constant 1 : i32
    %eq3A_3697 = vector.broadcast %eq3A_3696 : i32 to vector<16x128xi32>
    %eq3A_3698 = arith.cmpi eq, %select_n3A_3513, %eq3A_3697 : vector<16x128xi32>
    %jit3A_3699 = arith.constant -5.000000e-01 : f32
    %jit3A_3700 = arith.constant 5.000000e-01 : f32
    %broadcast_in_dim3A_3701 = vector.broadcast %jit3A_3699 : f32 to vector<16x128xf32>
    %broadcast_in_dim3A_3702 = vector.broadcast %jit3A_3700 : f32 to vector<16x128xf32>
    %select_n3A_3703 = arith.select %eq3A_3698, %broadcast_in_dim3A_3701, %broadcast_in_dim3A_3702 : vector<16x128xi1>, vector<16x128xf32>
    %select_n3A_3704 = arith.select %ge3A_3341, %select_n3A_3695, %select_n3A_3703 : vector<16x128xi1>, vector<16x128xf32>
    %jit3A_3705 = arith.constant -1.000000e+00 : f32
    %jit3A_3706 = arith.constant 1.000000e+00 : f32
    %broadcast_in_dim3A_3707 = vector.broadcast %jit3A_3705 : f32 to vector<16x128xf32>
    %broadcast_in_dim3A_3708 = vector.broadcast %jit3A_3706 : f32 to vector<16x128xf32>
    %select_n3A_3709 = arith.select %lt3A_3085, %broadcast_in_dim3A_3707, %broadcast_in_dim3A_3708 : vector<16x128xi1>, vector<16x128xf32>
    %eq3A_3710 = arith.constant 7 : i32
    %eq3A_3711 = vector.broadcast %eq3A_3710 : i32 to vector<16x128xi32>
    %eq3A_3712 = arith.cmpi eq, %select_n3A_3130, %eq3A_3711 : vector<16x128xi32>
    %eq3A_3713 = arith.constant 7 : i32
    %eq3A_3714 = vector.broadcast %eq3A_3713 : i32 to vector<16x128xi32>
    %eq3A_3715 = arith.cmpi eq, %select_n3A_3222, %eq3A_3714 : vector<16x128xi32>
    %or3A_3716 = arith.ori %eq3A_3712, %eq3A_3715 : vector<16x128xi1>
    %jit3A_3717 = arith.constant 0.000000e+00 : f32
    %broadcast_in_dim3A_3718 = vector.broadcast %jit3A_3717 : f32 to vector<16x128xf32>
    %select_n3A_3719 = arith.select %or3A_3716, %select_n3A_3709, %broadcast_in_dim3A_3718 : vector<16x128xi1>, vector<16x128xf32>
    %eq3A_3720 = arith.constant 1 : i32
    %eq3A_3721 = vector.broadcast %eq3A_3720 : i32 to vector<16x128xi32>
    %eq3A_3722 = arith.cmpi eq, %select_n3A_3525, %eq3A_3721 : vector<16x128xi32>
    %jit3A_3723 = arith.constant -5.000000e-01 : f32
    %jit3A_3724 = arith.constant 5.000000e-01 : f32
    %broadcast_in_dim3A_3725 = vector.broadcast %jit3A_3723 : f32 to vector<16x128xf32>
    %broadcast_in_dim3A_3726 = vector.broadcast %jit3A_3724 : f32 to vector<16x128xf32>
    %select_n3A_3727 = arith.select %eq3A_3722, %broadcast_in_dim3A_3725, %broadcast_in_dim3A_3726 : vector<16x128xi1>, vector<16x128xf32>
    %select_n3A_3728 = arith.select %ge3A_3341, %select_n3A_3719, %select_n3A_3727 : vector<16x128xi1>, vector<16x128xf32>
    %sub3A_3729 = arith.subf %get3A_3016, %select_n3A_3560 : vector<16x128xf32>
    %sub3A_3730 = arith.subf %get3A_3019, %select_n3A_3584 : vector<16x128xf32>
    %sub3A_3731 = arith.subf %get3A_3022, %select_n3A_3608 : vector<16x128xf32>
    %sub3A_3732 = arith.subf %get3A_3025, %select_n3A_3632 : vector<16x128xf32>
    %sub3A_3733 = arith.subf %get3A_3028, %select_n3A_3656 : vector<16x128xf32>
    %sub3A_3734 = arith.subf %get3A_3031, %select_n3A_3680 : vector<16x128xf32>
    %sub3A_3735 = arith.subf %get3A_3034, %select_n3A_3704 : vector<16x128xf32>
    %sub3A_3736 = arith.subf %get3A_3037, %select_n3A_3728 : vector<16x128xf32>
    %convert_element_type3A_3737 = arith.truncf %sub3A_3729 : vector<16x128xf32> to vector<16x128xbf16>
    %convert_element_type3A_3738 = arith.extf %convert_element_type3A_3737 : vector<16x128xbf16> to vector<16x128xf32>
    %convert_element_type3A_3739 = arith.truncf %sub3A_3730 : vector<16x128xf32> to vector<16x128xbf16>
    %convert_element_type3A_3740 = arith.extf %convert_element_type3A_3739 : vector<16x128xbf16> to vector<16x128xf32>
    %convert_element_type3A_3741 = arith.truncf %sub3A_3731 : vector<16x128xf32> to vector<16x128xbf16>
    %convert_element_type3A_3742 = arith.extf %convert_element_type3A_3741 : vector<16x128xbf16> to vector<16x128xf32>
    %convert_element_type3A_3743 = arith.truncf %sub3A_3732 : vector<16x128xf32> to vector<16x128xbf16>
    %convert_element_type3A_3744 = arith.extf %convert_element_type3A_3743 : vector<16x128xbf16> to vector<16x128xf32>
    %convert_element_type3A_3745 = arith.truncf %sub3A_3733 : vector<16x128xf32> to vector<16x128xbf16>
    %convert_element_type3A_3746 = arith.extf %convert_element_type3A_3745 : vector<16x128xbf16> to vector<16x128xf32>
    %convert_element_type3A_3747 = arith.truncf %sub3A_3734 : vector<16x128xf32> to vector<16x128xbf16>
    %convert_element_type3A_3748 = arith.extf %convert_element_type3A_3747 : vector<16x128xbf16> to vector<16x128xf32>
    %convert_element_type3A_3749 = arith.truncf %sub3A_3735 : vector<16x128xf32> to vector<16x128xbf16>
    %convert_element_type3A_3750 = arith.extf %convert_element_type3A_3749 : vector<16x128xbf16> to vector<16x128xf32>
    %convert_element_type3A_3751 = arith.truncf %sub3A_3736 : vector<16x128xf32> to vector<16x128xbf16>
    %convert_element_type3A_3752 = arith.extf %convert_element_type3A_3751 : vector<16x128xbf16> to vector<16x128xf32>
    %abs3A_3753 = math.absf %convert_element_type3A_3738 : vector<16x128xf32>
    %abs3A_3754 = math.absf %convert_element_type3A_3740 : vector<16x128xf32>
    %abs3A_3755 = math.absf %convert_element_type3A_3742 : vector<16x128xf32>
    %abs3A_3756 = math.absf %convert_element_type3A_3744 : vector<16x128xf32>
    %abs3A_3757 = math.absf %convert_element_type3A_3746 : vector<16x128xf32>
    %abs3A_3758 = math.absf %convert_element_type3A_3748 : vector<16x128xf32>
    %abs3A_3759 = math.absf %convert_element_type3A_3750 : vector<16x128xf32>
    %abs3A_3760 = math.absf %convert_element_type3A_3752 : vector<16x128xf32>
    %lt3A_3761 = arith.constant 0.000000e+00 : f32
    %lt3A_3762 = vector.broadcast %lt3A_3761 : f32 to vector<16x128xf32>
    %lt3A_3763 = arith.cmpf olt, %convert_element_type3A_3738, %lt3A_3762 : vector<16x128xf32>
    %lt3A_3764 = arith.constant 0.000000e+00 : f32
    %lt3A_3765 = vector.broadcast %lt3A_3764 : f32 to vector<16x128xf32>
    %lt3A_3766 = arith.cmpf olt, %convert_element_type3A_3740, %lt3A_3765 : vector<16x128xf32>
    %lt3A_3767 = arith.constant 0.000000e+00 : f32
    %lt3A_3768 = vector.broadcast %lt3A_3767 : f32 to vector<16x128xf32>
    %lt3A_3769 = arith.cmpf olt, %convert_element_type3A_3742, %lt3A_3768 : vector<16x128xf32>
    %lt3A_3770 = arith.constant 0.000000e+00 : f32
    %lt3A_3771 = vector.broadcast %lt3A_3770 : f32 to vector<16x128xf32>
    %lt3A_3772 = arith.cmpf olt, %convert_element_type3A_3744, %lt3A_3771 : vector<16x128xf32>
    %lt3A_3773 = arith.constant 0.000000e+00 : f32
    %lt3A_3774 = vector.broadcast %lt3A_3773 : f32 to vector<16x128xf32>
    %lt3A_3775 = arith.cmpf olt, %convert_element_type3A_3746, %lt3A_3774 : vector<16x128xf32>
    %lt3A_3776 = arith.constant 0.000000e+00 : f32
    %lt3A_3777 = vector.broadcast %lt3A_3776 : f32 to vector<16x128xf32>
    %lt3A_3778 = arith.cmpf olt, %convert_element_type3A_3748, %lt3A_3777 : vector<16x128xf32>
    %lt3A_3779 = arith.constant 0.000000e+00 : f32
    %lt3A_3780 = vector.broadcast %lt3A_3779 : f32 to vector<16x128xf32>
    %lt3A_3781 = arith.cmpf olt, %convert_element_type3A_3750, %lt3A_3780 : vector<16x128xf32>
    %lt3A_3782 = arith.constant 0.000000e+00 : f32
    %lt3A_3783 = vector.broadcast %lt3A_3782 : f32 to vector<16x128xf32>
    %lt3A_3784 = arith.cmpf olt, %convert_element_type3A_3752, %lt3A_3783 : vector<16x128xf32>
    %convert_element_type3A_3785 = arith.extui %lt3A_3763 : vector<16x128xi1> to vector<16x128xi32>
    %convert_element_type3A_3786 = arith.extui %lt3A_3766 : vector<16x128xi1> to vector<16x128xi32>
    %convert_element_type3A_3787 = arith.extui %lt3A_3769 : vector<16x128xi1> to vector<16x128xi32>
    %convert_element_type3A_3788 = arith.extui %lt3A_3772 : vector<16x128xi1> to vector<16x128xi32>
    %convert_element_type3A_3789 = arith.extui %lt3A_3775 : vector<16x128xi1> to vector<16x128xi32>
    %convert_element_type3A_3790 = arith.extui %lt3A_3778 : vector<16x128xi1> to vector<16x128xi32>
    %convert_element_type3A_3791 = arith.extui %lt3A_3781 : vector<16x128xi1> to vector<16x128xi32>
    %convert_element_type3A_3792 = arith.extui %lt3A_3784 : vector<16x128xi1> to vector<16x128xi32>
    %broadcast_in_dim3A_3793 = arith.constant 0 : i32
    %broadcast_in_dim3A_3794 = vector.broadcast %broadcast_in_dim3A_3793 : i32 to vector<16x128xi32>
    %gt3A_3795 = arith.cmpf ogt, %abs3A_3754, %abs3A_3753 : vector<16x128xf32>
    %select_n3A_3796 = arith.select %gt3A_3795, %abs3A_3754, %abs3A_3753 : vector<16x128xi1>, vector<16x128xf32>
    %jit3A_3797 = arith.constant 1 : i32
    %broadcast_in_dim3A_3798 = vector.broadcast %jit3A_3797 : i32 to vector<16x128xi32>
    %select_n3A_3799 = arith.select %gt3A_3795, %broadcast_in_dim3A_3798, %broadcast_in_dim3A_3794 : vector<16x128xi1>, vector<16x128xi32>
    %gt3A_3800 = arith.cmpf ogt, %abs3A_3755, %select_n3A_3796 : vector<16x128xf32>
    %select_n3A_3801 = arith.select %gt3A_3800, %abs3A_3755, %select_n3A_3796 : vector<16x128xi1>, vector<16x128xf32>
    %jit3A_3802 = arith.constant 2 : i32
    %broadcast_in_dim3A_3803 = vector.broadcast %jit3A_3802 : i32 to vector<16x128xi32>
    %select_n3A_3804 = arith.select %gt3A_3800, %broadcast_in_dim3A_3803, %select_n3A_3799 : vector<16x128xi1>, vector<16x128xi32>
    %gt3A_3805 = arith.cmpf ogt, %abs3A_3756, %select_n3A_3801 : vector<16x128xf32>
    %select_n3A_3806 = arith.select %gt3A_3805, %abs3A_3756, %select_n3A_3801 : vector<16x128xi1>, vector<16x128xf32>
    %jit3A_3807 = arith.constant 3 : i32
    %broadcast_in_dim3A_3808 = vector.broadcast %jit3A_3807 : i32 to vector<16x128xi32>
    %select_n3A_3809 = arith.select %gt3A_3805, %broadcast_in_dim3A_3808, %select_n3A_3804 : vector<16x128xi1>, vector<16x128xi32>
    %gt3A_3810 = arith.cmpf ogt, %abs3A_3757, %select_n3A_3806 : vector<16x128xf32>
    %select_n3A_3811 = arith.select %gt3A_3810, %abs3A_3757, %select_n3A_3806 : vector<16x128xi1>, vector<16x128xf32>
    %jit3A_3812 = arith.constant 4 : i32
    %broadcast_in_dim3A_3813 = vector.broadcast %jit3A_3812 : i32 to vector<16x128xi32>
    %select_n3A_3814 = arith.select %gt3A_3810, %broadcast_in_dim3A_3813, %select_n3A_3809 : vector<16x128xi1>, vector<16x128xi32>
    %gt3A_3815 = arith.cmpf ogt, %abs3A_3758, %select_n3A_3811 : vector<16x128xf32>
    %select_n3A_3816 = arith.select %gt3A_3815, %abs3A_3758, %select_n3A_3811 : vector<16x128xi1>, vector<16x128xf32>
    %jit3A_3817 = arith.constant 5 : i32
    %broadcast_in_dim3A_3818 = vector.broadcast %jit3A_3817 : i32 to vector<16x128xi32>
    %select_n3A_3819 = arith.select %gt3A_3815, %broadcast_in_dim3A_3818, %select_n3A_3814 : vector<16x128xi1>, vector<16x128xi32>
    %gt3A_3820 = arith.cmpf ogt, %abs3A_3759, %select_n3A_3816 : vector<16x128xf32>
    %select_n3A_3821 = arith.select %gt3A_3820, %abs3A_3759, %select_n3A_3816 : vector<16x128xi1>, vector<16x128xf32>
    %jit3A_3822 = arith.constant 6 : i32
    %broadcast_in_dim3A_3823 = vector.broadcast %jit3A_3822 : i32 to vector<16x128xi32>
    %select_n3A_3824 = arith.select %gt3A_3820, %broadcast_in_dim3A_3823, %select_n3A_3819 : vector<16x128xi1>, vector<16x128xi32>
    %gt3A_3825 = arith.cmpf ogt, %abs3A_3760, %select_n3A_3821 : vector<16x128xf32>
    %select_n3A_3826 = arith.select %gt3A_3825, %abs3A_3760, %select_n3A_3821 : vector<16x128xi1>, vector<16x128xf32>
    %jit3A_3827 = arith.constant 7 : i32
    %broadcast_in_dim3A_3828 = vector.broadcast %jit3A_3827 : i32 to vector<16x128xi32>
    %select_n3A_3829 = arith.select %gt3A_3825, %broadcast_in_dim3A_3828, %select_n3A_3824 : vector<16x128xi1>, vector<16x128xi32>
    %broadcast_in_dim3A_3830 = arith.constant -1.000000e+00 : f32
    %broadcast_in_dim3A_3831 = vector.broadcast %broadcast_in_dim3A_3830 : f32 to vector<16x128xf32>
    %broadcast_in_dim3A_3832 = arith.constant 0 : i32
    %broadcast_in_dim3A_3833 = vector.broadcast %broadcast_in_dim3A_3832 : i32 to vector<16x128xi32>
    %eq3A_3834 = arith.constant 0 : i32
    %eq3A_3835 = vector.broadcast %eq3A_3834 : i32 to vector<16x128xi32>
    %eq3A_3836 = arith.cmpi eq, %select_n3A_3829, %eq3A_3835 : vector<16x128xi32>
    %jit3A_3837 = arith.constant -1.000000e+00 : f32
    %broadcast_in_dim3A_3838 = vector.broadcast %jit3A_3837 : f32 to vector<16x128xf32>
    %select_n3A_3839 = arith.select %eq3A_3836, %broadcast_in_dim3A_3838, %abs3A_3753 : vector<16x128xi1>, vector<16x128xf32>
    %gt3A_3840 = arith.cmpf ogt, %select_n3A_3839, %broadcast_in_dim3A_3831 : vector<16x128xf32>
    %select_n3A_3841 = arith.select %gt3A_3840, %select_n3A_3839, %broadcast_in_dim3A_3831 : vector<16x128xi1>, vector<16x128xf32>
    %jit3A_3842 = arith.constant 0 : i32
    %broadcast_in_dim3A_3843 = vector.broadcast %jit3A_3842 : i32 to vector<16x128xi32>
    %select_n3A_3844 = arith.select %gt3A_3840, %broadcast_in_dim3A_3843, %broadcast_in_dim3A_3833 : vector<16x128xi1>, vector<16x128xi32>
    %eq3A_3845 = arith.constant 1 : i32
    %eq3A_3846 = vector.broadcast %eq3A_3845 : i32 to vector<16x128xi32>
    %eq3A_3847 = arith.cmpi eq, %select_n3A_3829, %eq3A_3846 : vector<16x128xi32>
    %jit3A_3848 = arith.constant -1.000000e+00 : f32
    %broadcast_in_dim3A_3849 = vector.broadcast %jit3A_3848 : f32 to vector<16x128xf32>
    %select_n3A_3850 = arith.select %eq3A_3847, %broadcast_in_dim3A_3849, %abs3A_3754 : vector<16x128xi1>, vector<16x128xf32>
    %gt3A_3851 = arith.cmpf ogt, %select_n3A_3850, %select_n3A_3841 : vector<16x128xf32>
    %select_n3A_3852 = arith.select %gt3A_3851, %select_n3A_3850, %select_n3A_3841 : vector<16x128xi1>, vector<16x128xf32>
    %jit3A_3853 = arith.constant 1 : i32
    %broadcast_in_dim3A_3854 = vector.broadcast %jit3A_3853 : i32 to vector<16x128xi32>
    %select_n3A_3855 = arith.select %gt3A_3851, %broadcast_in_dim3A_3854, %select_n3A_3844 : vector<16x128xi1>, vector<16x128xi32>
    %eq3A_3856 = arith.constant 2 : i32
    %eq3A_3857 = vector.broadcast %eq3A_3856 : i32 to vector<16x128xi32>
    %eq3A_3858 = arith.cmpi eq, %select_n3A_3829, %eq3A_3857 : vector<16x128xi32>
    %jit3A_3859 = arith.constant -1.000000e+00 : f32
    %broadcast_in_dim3A_3860 = vector.broadcast %jit3A_3859 : f32 to vector<16x128xf32>
    %select_n3A_3861 = arith.select %eq3A_3858, %broadcast_in_dim3A_3860, %abs3A_3755 : vector<16x128xi1>, vector<16x128xf32>
    %gt3A_3862 = arith.cmpf ogt, %select_n3A_3861, %select_n3A_3852 : vector<16x128xf32>
    %select_n3A_3863 = arith.select %gt3A_3862, %select_n3A_3861, %select_n3A_3852 : vector<16x128xi1>, vector<16x128xf32>
    %jit3A_3864 = arith.constant 2 : i32
    %broadcast_in_dim3A_3865 = vector.broadcast %jit3A_3864 : i32 to vector<16x128xi32>
    %select_n3A_3866 = arith.select %gt3A_3862, %broadcast_in_dim3A_3865, %select_n3A_3855 : vector<16x128xi1>, vector<16x128xi32>
    %eq3A_3867 = arith.constant 3 : i32
    %eq3A_3868 = vector.broadcast %eq3A_3867 : i32 to vector<16x128xi32>
    %eq3A_3869 = arith.cmpi eq, %select_n3A_3829, %eq3A_3868 : vector<16x128xi32>
    %jit3A_3870 = arith.constant -1.000000e+00 : f32
    %broadcast_in_dim3A_3871 = vector.broadcast %jit3A_3870 : f32 to vector<16x128xf32>
    %select_n3A_3872 = arith.select %eq3A_3869, %broadcast_in_dim3A_3871, %abs3A_3756 : vector<16x128xi1>, vector<16x128xf32>
    %gt3A_3873 = arith.cmpf ogt, %select_n3A_3872, %select_n3A_3863 : vector<16x128xf32>
    %select_n3A_3874 = arith.select %gt3A_3873, %select_n3A_3872, %select_n3A_3863 : vector<16x128xi1>, vector<16x128xf32>
    %jit3A_3875 = arith.constant 3 : i32
    %broadcast_in_dim3A_3876 = vector.broadcast %jit3A_3875 : i32 to vector<16x128xi32>
    %select_n3A_3877 = arith.select %gt3A_3873, %broadcast_in_dim3A_3876, %select_n3A_3866 : vector<16x128xi1>, vector<16x128xi32>
    %eq3A_3878 = arith.constant 4 : i32
    %eq3A_3879 = vector.broadcast %eq3A_3878 : i32 to vector<16x128xi32>
    %eq3A_3880 = arith.cmpi eq, %select_n3A_3829, %eq3A_3879 : vector<16x128xi32>
    %jit3A_3881 = arith.constant -1.000000e+00 : f32
    %broadcast_in_dim3A_3882 = vector.broadcast %jit3A_3881 : f32 to vector<16x128xf32>
    %select_n3A_3883 = arith.select %eq3A_3880, %broadcast_in_dim3A_3882, %abs3A_3757 : vector<16x128xi1>, vector<16x128xf32>
    %gt3A_3884 = arith.cmpf ogt, %select_n3A_3883, %select_n3A_3874 : vector<16x128xf32>
    %select_n3A_3885 = arith.select %gt3A_3884, %select_n3A_3883, %select_n3A_3874 : vector<16x128xi1>, vector<16x128xf32>
    %jit3A_3886 = arith.constant 4 : i32
    %broadcast_in_dim3A_3887 = vector.broadcast %jit3A_3886 : i32 to vector<16x128xi32>
    %select_n3A_3888 = arith.select %gt3A_3884, %broadcast_in_dim3A_3887, %select_n3A_3877 : vector<16x128xi1>, vector<16x128xi32>
    %eq3A_3889 = arith.constant 5 : i32
    %eq3A_3890 = vector.broadcast %eq3A_3889 : i32 to vector<16x128xi32>
    %eq3A_3891 = arith.cmpi eq, %select_n3A_3829, %eq3A_3890 : vector<16x128xi32>
    %jit3A_3892 = arith.constant -1.000000e+00 : f32
    %broadcast_in_dim3A_3893 = vector.broadcast %jit3A_3892 : f32 to vector<16x128xf32>
    %select_n3A_3894 = arith.select %eq3A_3891, %broadcast_in_dim3A_3893, %abs3A_3758 : vector<16x128xi1>, vector<16x128xf32>
    %gt3A_3895 = arith.cmpf ogt, %select_n3A_3894, %select_n3A_3885 : vector<16x128xf32>
    %select_n3A_3896 = arith.select %gt3A_3895, %select_n3A_3894, %select_n3A_3885 : vector<16x128xi1>, vector<16x128xf32>
    %jit3A_3897 = arith.constant 5 : i32
    %broadcast_in_dim3A_3898 = vector.broadcast %jit3A_3897 : i32 to vector<16x128xi32>
    %select_n3A_3899 = arith.select %gt3A_3895, %broadcast_in_dim3A_3898, %select_n3A_3888 : vector<16x128xi1>, vector<16x128xi32>
    %eq3A_3900 = arith.constant 6 : i32
    %eq3A_3901 = vector.broadcast %eq3A_3900 : i32 to vector<16x128xi32>
    %eq3A_3902 = arith.cmpi eq, %select_n3A_3829, %eq3A_3901 : vector<16x128xi32>
    %jit3A_3903 = arith.constant -1.000000e+00 : f32
    %broadcast_in_dim3A_3904 = vector.broadcast %jit3A_3903 : f32 to vector<16x128xf32>
    %select_n3A_3905 = arith.select %eq3A_3902, %broadcast_in_dim3A_3904, %abs3A_3759 : vector<16x128xi1>, vector<16x128xf32>
    %gt3A_3906 = arith.cmpf ogt, %select_n3A_3905, %select_n3A_3896 : vector<16x128xf32>
    %select_n3A_3907 = arith.select %gt3A_3906, %select_n3A_3905, %select_n3A_3896 : vector<16x128xi1>, vector<16x128xf32>
    %jit3A_3908 = arith.constant 6 : i32
    %broadcast_in_dim3A_3909 = vector.broadcast %jit3A_3908 : i32 to vector<16x128xi32>
    %select_n3A_3910 = arith.select %gt3A_3906, %broadcast_in_dim3A_3909, %select_n3A_3899 : vector<16x128xi1>, vector<16x128xi32>
    %eq3A_3911 = arith.constant 7 : i32
    %eq3A_3912 = vector.broadcast %eq3A_3911 : i32 to vector<16x128xi32>
    %eq3A_3913 = arith.cmpi eq, %select_n3A_3829, %eq3A_3912 : vector<16x128xi32>
    %jit3A_3914 = arith.constant -1.000000e+00 : f32
    %broadcast_in_dim3A_3915 = vector.broadcast %jit3A_3914 : f32 to vector<16x128xf32>
    %select_n3A_3916 = arith.select %eq3A_3913, %broadcast_in_dim3A_3915, %abs3A_3760 : vector<16x128xi1>, vector<16x128xf32>
    %gt3A_3917 = arith.cmpf ogt, %select_n3A_3916, %select_n3A_3907 : vector<16x128xf32>
    %select_n3A_3918 = arith.select %gt3A_3917, %select_n3A_3916, %select_n3A_3907 : vector<16x128xi1>, vector<16x128xf32>
    %jit3A_3919 = arith.constant 7 : i32
    %broadcast_in_dim3A_3920 = vector.broadcast %jit3A_3919 : i32 to vector<16x128xi32>
    %select_n3A_3921 = arith.select %gt3A_3917, %broadcast_in_dim3A_3920, %select_n3A_3910 : vector<16x128xi1>, vector<16x128xi32>
    %add3A_3922 = arith.addf %select_n3A_3826, %select_n3A_3918 : vector<16x128xf32>
    %add3A_3923 = arith.addf %abs3A_3753, %abs3A_3754 : vector<16x128xf32>
    %min3A_3924 = arith.minimumf %abs3A_3753, %abs3A_3754 : vector<16x128xf32>
    %add3A_3925 = arith.addf %add3A_3923, %abs3A_3755 : vector<16x128xf32>
    %min3A_3926 = arith.minimumf %min3A_3924, %abs3A_3755 : vector<16x128xf32>
    %add3A_3927 = arith.addf %add3A_3925, %abs3A_3756 : vector<16x128xf32>
    %min3A_3928 = arith.minimumf %min3A_3926, %abs3A_3756 : vector<16x128xf32>
    %add3A_3929 = arith.addf %add3A_3927, %abs3A_3757 : vector<16x128xf32>
    %min3A_3930 = arith.minimumf %min3A_3928, %abs3A_3757 : vector<16x128xf32>
    %add3A_3931 = arith.addf %add3A_3929, %abs3A_3758 : vector<16x128xf32>
    %min3A_3932 = arith.minimumf %min3A_3930, %abs3A_3758 : vector<16x128xf32>
    %add3A_3933 = arith.addf %add3A_3931, %abs3A_3759 : vector<16x128xf32>
    %min3A_3934 = arith.minimumf %min3A_3932, %abs3A_3759 : vector<16x128xf32>
    %add3A_3935 = arith.addf %add3A_3933, %abs3A_3760 : vector<16x128xf32>
    %min3A_3936 = arith.minimumf %min3A_3934, %abs3A_3760 : vector<16x128xf32>
    %eq3A_3937 = arith.cmpf oeq, %abs3A_3753, %min3A_3936 : vector<16x128xf32>
    %and3A_3938 = arith.andi %eq3A_3937, %lt3A_3763 : vector<16x128xi1>
    %broadcast_in_dim3A_3939 = arith.constant 0 : i32
    %broadcast_in_dim3A_3940 = vector.broadcast %broadcast_in_dim3A_3939 : i32 to vector<16x128xi32>
    %eq3A_3941 = arith.cmpf oeq, %abs3A_3753, %min3A_3936 : vector<16x128xf32>
    %and3A_3942 = arith.andi %eq3A_3941, %lt3A_3763 : vector<16x128xi1>
    %jit3A_3943 = arith.constant 0 : i32
    %broadcast_in_dim3A_3944 = vector.broadcast %jit3A_3943 : i32 to vector<16x128xi32>
    %select_n3A_3945 = arith.select %and3A_3942, %broadcast_in_dim3A_3944, %broadcast_in_dim3A_3940 : vector<16x128xi1>, vector<16x128xi32>
    %eq3A_3946 = arith.cmpf oeq, %abs3A_3754, %min3A_3936 : vector<16x128xf32>
    %and3A_3947 = arith.andi %eq3A_3946, %lt3A_3766 : vector<16x128xi1>
    %jit3A_3948 = arith.constant 1 : i32
    %broadcast_in_dim3A_3949 = vector.broadcast %jit3A_3948 : i32 to vector<16x128xi32>
    %select_n3A_3950 = arith.select %and3A_3947, %broadcast_in_dim3A_3949, %select_n3A_3945 : vector<16x128xi1>, vector<16x128xi32>
    %or3A_3951 = arith.ori %and3A_3938, %and3A_3947 : vector<16x128xi1>
    %eq3A_3952 = arith.cmpf oeq, %abs3A_3755, %min3A_3936 : vector<16x128xf32>
    %and3A_3953 = arith.andi %eq3A_3952, %lt3A_3769 : vector<16x128xi1>
    %jit3A_3954 = arith.constant 2 : i32
    %broadcast_in_dim3A_3955 = vector.broadcast %jit3A_3954 : i32 to vector<16x128xi32>
    %select_n3A_3956 = arith.select %and3A_3953, %broadcast_in_dim3A_3955, %select_n3A_3950 : vector<16x128xi1>, vector<16x128xi32>
    %or3A_3957 = arith.ori %or3A_3951, %and3A_3953 : vector<16x128xi1>
    %eq3A_3958 = arith.cmpf oeq, %abs3A_3756, %min3A_3936 : vector<16x128xf32>
    %and3A_3959 = arith.andi %eq3A_3958, %lt3A_3772 : vector<16x128xi1>
    %jit3A_3960 = arith.constant 3 : i32
    %broadcast_in_dim3A_3961 = vector.broadcast %jit3A_3960 : i32 to vector<16x128xi32>
    %select_n3A_3962 = arith.select %and3A_3959, %broadcast_in_dim3A_3961, %select_n3A_3956 : vector<16x128xi1>, vector<16x128xi32>
    %or3A_3963 = arith.ori %or3A_3957, %and3A_3959 : vector<16x128xi1>
    %eq3A_3964 = arith.cmpf oeq, %abs3A_3757, %min3A_3936 : vector<16x128xf32>
    %and3A_3965 = arith.andi %eq3A_3964, %lt3A_3775 : vector<16x128xi1>
    %jit3A_3966 = arith.constant 4 : i32
    %broadcast_in_dim3A_3967 = vector.broadcast %jit3A_3966 : i32 to vector<16x128xi32>
    %select_n3A_3968 = arith.select %and3A_3965, %broadcast_in_dim3A_3967, %select_n3A_3962 : vector<16x128xi1>, vector<16x128xi32>
    %or3A_3969 = arith.ori %or3A_3963, %and3A_3965 : vector<16x128xi1>
    %eq3A_3970 = arith.cmpf oeq, %abs3A_3758, %min3A_3936 : vector<16x128xf32>
    %and3A_3971 = arith.andi %eq3A_3970, %lt3A_3778 : vector<16x128xi1>
    %jit3A_3972 = arith.constant 5 : i32
    %broadcast_in_dim3A_3973 = vector.broadcast %jit3A_3972 : i32 to vector<16x128xi32>
    %select_n3A_3974 = arith.select %and3A_3971, %broadcast_in_dim3A_3973, %select_n3A_3968 : vector<16x128xi1>, vector<16x128xi32>
    %or3A_3975 = arith.ori %or3A_3969, %and3A_3971 : vector<16x128xi1>
    %eq3A_3976 = arith.cmpf oeq, %abs3A_3759, %min3A_3936 : vector<16x128xf32>
    %and3A_3977 = arith.andi %eq3A_3976, %lt3A_3781 : vector<16x128xi1>
    %jit3A_3978 = arith.constant 6 : i32
    %broadcast_in_dim3A_3979 = vector.broadcast %jit3A_3978 : i32 to vector<16x128xi32>
    %select_n3A_3980 = arith.select %and3A_3977, %broadcast_in_dim3A_3979, %select_n3A_3974 : vector<16x128xi1>, vector<16x128xi32>
    %or3A_3981 = arith.ori %or3A_3975, %and3A_3977 : vector<16x128xi1>
    %eq3A_3982 = arith.cmpf oeq, %abs3A_3760, %min3A_3936 : vector<16x128xf32>
    %and3A_3983 = arith.andi %eq3A_3982, %lt3A_3784 : vector<16x128xi1>
    %jit3A_3984 = arith.constant 7 : i32
    %broadcast_in_dim3A_3985 = vector.broadcast %jit3A_3984 : i32 to vector<16x128xi32>
    %select_n3A_3986 = arith.select %and3A_3983, %broadcast_in_dim3A_3985, %select_n3A_3980 : vector<16x128xi1>, vector<16x128xi32>
    %or3A_3987 = arith.ori %or3A_3981, %and3A_3983 : vector<16x128xi1>
    %broadcast_in_dim3A_3988 = arith.constant 0 : i32
    %broadcast_in_dim3A_3989 = vector.broadcast %broadcast_in_dim3A_3988 : i32 to vector<16x128xi32>
    %eq3A_3990 = arith.cmpf oeq, %abs3A_3760, %min3A_3936 : vector<16x128xf32>
    %jit3A_3991 = arith.constant 7 : i32
    %broadcast_in_dim3A_3992 = vector.broadcast %jit3A_3991 : i32 to vector<16x128xi32>
    %select_n3A_3993 = arith.select %eq3A_3990, %broadcast_in_dim3A_3992, %broadcast_in_dim3A_3989 : vector<16x128xi1>, vector<16x128xi32>
    %eq3A_3994 = arith.cmpf oeq, %abs3A_3759, %min3A_3936 : vector<16x128xf32>
    %jit3A_3995 = arith.constant 6 : i32
    %broadcast_in_dim3A_3996 = vector.broadcast %jit3A_3995 : i32 to vector<16x128xi32>
    %select_n3A_3997 = arith.select %eq3A_3994, %broadcast_in_dim3A_3996, %select_n3A_3993 : vector<16x128xi1>, vector<16x128xi32>
    %eq3A_3998 = arith.cmpf oeq, %abs3A_3758, %min3A_3936 : vector<16x128xf32>
    %jit3A_3999 = arith.constant 5 : i32
    %broadcast_in_dim3A_4000 = vector.broadcast %jit3A_3999 : i32 to vector<16x128xi32>
    %select_n3A_4001 = arith.select %eq3A_3998, %broadcast_in_dim3A_4000, %select_n3A_3997 : vector<16x128xi1>, vector<16x128xi32>
    %eq3A_4002 = arith.cmpf oeq, %abs3A_3757, %min3A_3936 : vector<16x128xf32>
    %jit3A_4003 = arith.constant 4 : i32
    %broadcast_in_dim3A_4004 = vector.broadcast %jit3A_4003 : i32 to vector<16x128xi32>
    %select_n3A_4005 = arith.select %eq3A_4002, %broadcast_in_dim3A_4004, %select_n3A_4001 : vector<16x128xi1>, vector<16x128xi32>
    %eq3A_4006 = arith.cmpf oeq, %abs3A_3756, %min3A_3936 : vector<16x128xf32>
    %jit3A_4007 = arith.constant 3 : i32
    %broadcast_in_dim3A_4008 = vector.broadcast %jit3A_4007 : i32 to vector<16x128xi32>
    %select_n3A_4009 = arith.select %eq3A_4006, %broadcast_in_dim3A_4008, %select_n3A_4005 : vector<16x128xi1>, vector<16x128xi32>
    %eq3A_4010 = arith.cmpf oeq, %abs3A_3755, %min3A_3936 : vector<16x128xf32>
    %jit3A_4011 = arith.constant 2 : i32
    %broadcast_in_dim3A_4012 = vector.broadcast %jit3A_4011 : i32 to vector<16x128xi32>
    %select_n3A_4013 = arith.select %eq3A_4010, %broadcast_in_dim3A_4012, %select_n3A_4009 : vector<16x128xi1>, vector<16x128xi32>
    %eq3A_4014 = arith.cmpf oeq, %abs3A_3754, %min3A_3936 : vector<16x128xf32>
    %jit3A_4015 = arith.constant 1 : i32
    %broadcast_in_dim3A_4016 = vector.broadcast %jit3A_4015 : i32 to vector<16x128xi32>
    %select_n3A_4017 = arith.select %eq3A_4014, %broadcast_in_dim3A_4016, %select_n3A_4013 : vector<16x128xi1>, vector<16x128xi32>
    %eq3A_4018 = arith.cmpf oeq, %abs3A_3753, %min3A_3936 : vector<16x128xf32>
    %jit3A_4019 = arith.constant 0 : i32
    %broadcast_in_dim3A_4020 = vector.broadcast %jit3A_4019 : i32 to vector<16x128xi32>
    %select_n3A_4021 = arith.select %eq3A_4018, %broadcast_in_dim3A_4020, %select_n3A_4017 : vector<16x128xi1>, vector<16x128xi32>
    %select_n3A_4022 = arith.select %or3A_3987, %select_n3A_3986, %select_n3A_4021 : vector<16x128xi1>, vector<16x128xi32>
    %xor3A_4023 = arith.xori %convert_element_type3A_3785, %convert_element_type3A_3786 : vector<16x128xi32>
    %xor3A_4024 = arith.xori %xor3A_4023, %convert_element_type3A_3787 : vector<16x128xi32>
    %xor3A_4025 = arith.xori %xor3A_4024, %convert_element_type3A_3788 : vector<16x128xi32>
    %xor3A_4026 = arith.xori %xor3A_4025, %convert_element_type3A_3789 : vector<16x128xi32>
    %xor3A_4027 = arith.xori %xor3A_4026, %convert_element_type3A_3790 : vector<16x128xi32>
    %xor3A_4028 = arith.xori %xor3A_4027, %convert_element_type3A_3791 : vector<16x128xi32>
    %xor3A_4029 = arith.xori %xor3A_4028, %convert_element_type3A_3792 : vector<16x128xi32>
    %eq3A_4030 = arith.constant 1 : i32
    %eq3A_4031 = vector.broadcast %eq3A_4030 : i32 to vector<16x128xi32>
    %eq3A_4032 = arith.cmpi eq, %xor3A_4029, %eq3A_4031 : vector<16x128xi32>
    %mul3A_4033 = arith.constant 5.000000e-01 : f32
    %mul3A_4034 = vector.broadcast %mul3A_4033 : f32 to vector<16x128xf32>
    %mul3A_4035 = arith.mulf %mul3A_4034, %add3A_3935 : vector<16x128xf32>
    %jit3A_4036 = arith.constant 0.000000e+00 : f32
    %broadcast_in_dim3A_4037 = vector.broadcast %jit3A_4036 : f32 to vector<16x128xf32>
    %select_n3A_4038 = arith.select %eq3A_4032, %min3A_3936, %broadcast_in_dim3A_4037 : vector<16x128xi1>, vector<16x128xf32>
    %sub3A_4039 = arith.subf %mul3A_4035, %select_n3A_4038 : vector<16x128xf32>
    %ge3A_4040 = arith.cmpf oge, %add3A_3922, %sub3A_4039 : vector<16x128xf32>
    %min3A_4041 = arith.minsi %select_n3A_3829, %select_n3A_3921 : vector<16x128xi32>
    %max3A_4042 = arith.maxsi %select_n3A_3829, %select_n3A_3921 : vector<16x128xi32>
    %sub3A_4043 = arith.constant 15 : i32
    %sub3A_4044 = vector.broadcast %sub3A_4043 : i32 to vector<16x128xi32>
    %sub3A_4045 = arith.subi %sub3A_4044, %min3A_4041 : vector<16x128xi32>
    %mul3A_4046 = arith.muli %min3A_4041, %sub3A_4045 : vector<16x128xi32>
    %shift_right_arithmetic3A_4047 = arith.constant 1 : i32
    %shift_right_arithmetic3A_4048 = vector.broadcast %shift_right_arithmetic3A_4047 : i32 to vector<16x128xi32>
    %shift_right_arithmetic3A_4049 = arith.shrsi %mul3A_4046, %shift_right_arithmetic3A_4048 : vector<16x128xi32>
    %sub3A_4050 = arith.subi %max3A_4042, %min3A_4041 : vector<16x128xi32>
    %sub3A_4051 = arith.constant 1 : i32
    %sub3A_4052 = vector.broadcast %sub3A_4051 : i32 to vector<16x128xi32>
    %sub3A_4053 = arith.subi %sub3A_4050, %sub3A_4052 : vector<16x128xi32>
    %add3A_4054 = arith.addi %shift_right_arithmetic3A_4049, %sub3A_4053 : vector<16x128xi32>
    %broadcast_in_dim3A_4055 = arith.constant 0 : i32
    %broadcast_in_dim3A_4056 = vector.broadcast %broadcast_in_dim3A_4055 : i32 to vector<16x128xi32>
    %broadcast_in_dim3A_4057 = arith.constant 0 : i32
    %broadcast_in_dim3A_4058 = vector.broadcast %broadcast_in_dim3A_4057 : i32 to vector<16x128xi32>
    %eq3A_4059 = arith.constant 0 : i32
    %eq3A_4060 = vector.broadcast %eq3A_4059 : i32 to vector<16x128xi32>
    %eq3A_4061 = arith.cmpi eq, %min3A_4041, %eq3A_4060 : vector<16x128xi32>
    %select_n3A_4062 = arith.select %eq3A_4061, %convert_element_type3A_3785, %broadcast_in_dim3A_4056 : vector<16x128xi1>, vector<16x128xi32>
    %eq3A_4063 = arith.constant 0 : i32
    %eq3A_4064 = vector.broadcast %eq3A_4063 : i32 to vector<16x128xi32>
    %eq3A_4065 = arith.cmpi eq, %max3A_4042, %eq3A_4064 : vector<16x128xi32>
    %select_n3A_4066 = arith.select %eq3A_4065, %convert_element_type3A_3785, %broadcast_in_dim3A_4058 : vector<16x128xi1>, vector<16x128xi32>
    %eq3A_4067 = arith.constant 1 : i32
    %eq3A_4068 = vector.broadcast %eq3A_4067 : i32 to vector<16x128xi32>
    %eq3A_4069 = arith.cmpi eq, %min3A_4041, %eq3A_4068 : vector<16x128xi32>
    %select_n3A_4070 = arith.select %eq3A_4069, %convert_element_type3A_3786, %select_n3A_4062 : vector<16x128xi1>, vector<16x128xi32>
    %eq3A_4071 = arith.constant 1 : i32
    %eq3A_4072 = vector.broadcast %eq3A_4071 : i32 to vector<16x128xi32>
    %eq3A_4073 = arith.cmpi eq, %max3A_4042, %eq3A_4072 : vector<16x128xi32>
    %select_n3A_4074 = arith.select %eq3A_4073, %convert_element_type3A_3786, %select_n3A_4066 : vector<16x128xi1>, vector<16x128xi32>
    %eq3A_4075 = arith.constant 2 : i32
    %eq3A_4076 = vector.broadcast %eq3A_4075 : i32 to vector<16x128xi32>
    %eq3A_4077 = arith.cmpi eq, %min3A_4041, %eq3A_4076 : vector<16x128xi32>
    %select_n3A_4078 = arith.select %eq3A_4077, %convert_element_type3A_3787, %select_n3A_4070 : vector<16x128xi1>, vector<16x128xi32>
    %eq3A_4079 = arith.constant 2 : i32
    %eq3A_4080 = vector.broadcast %eq3A_4079 : i32 to vector<16x128xi32>
    %eq3A_4081 = arith.cmpi eq, %max3A_4042, %eq3A_4080 : vector<16x128xi32>
    %select_n3A_4082 = arith.select %eq3A_4081, %convert_element_type3A_3787, %select_n3A_4074 : vector<16x128xi1>, vector<16x128xi32>
    %eq3A_4083 = arith.constant 3 : i32
    %eq3A_4084 = vector.broadcast %eq3A_4083 : i32 to vector<16x128xi32>
    %eq3A_4085 = arith.cmpi eq, %min3A_4041, %eq3A_4084 : vector<16x128xi32>
    %select_n3A_4086 = arith.select %eq3A_4085, %convert_element_type3A_3788, %select_n3A_4078 : vector<16x128xi1>, vector<16x128xi32>
    %eq3A_4087 = arith.constant 3 : i32
    %eq3A_4088 = vector.broadcast %eq3A_4087 : i32 to vector<16x128xi32>
    %eq3A_4089 = arith.cmpi eq, %max3A_4042, %eq3A_4088 : vector<16x128xi32>
    %select_n3A_4090 = arith.select %eq3A_4089, %convert_element_type3A_3788, %select_n3A_4082 : vector<16x128xi1>, vector<16x128xi32>
    %eq3A_4091 = arith.constant 4 : i32
    %eq3A_4092 = vector.broadcast %eq3A_4091 : i32 to vector<16x128xi32>
    %eq3A_4093 = arith.cmpi eq, %min3A_4041, %eq3A_4092 : vector<16x128xi32>
    %select_n3A_4094 = arith.select %eq3A_4093, %convert_element_type3A_3789, %select_n3A_4086 : vector<16x128xi1>, vector<16x128xi32>
    %eq3A_4095 = arith.constant 4 : i32
    %eq3A_4096 = vector.broadcast %eq3A_4095 : i32 to vector<16x128xi32>
    %eq3A_4097 = arith.cmpi eq, %max3A_4042, %eq3A_4096 : vector<16x128xi32>
    %select_n3A_4098 = arith.select %eq3A_4097, %convert_element_type3A_3789, %select_n3A_4090 : vector<16x128xi1>, vector<16x128xi32>
    %eq3A_4099 = arith.constant 5 : i32
    %eq3A_4100 = vector.broadcast %eq3A_4099 : i32 to vector<16x128xi32>
    %eq3A_4101 = arith.cmpi eq, %min3A_4041, %eq3A_4100 : vector<16x128xi32>
    %select_n3A_4102 = arith.select %eq3A_4101, %convert_element_type3A_3790, %select_n3A_4094 : vector<16x128xi1>, vector<16x128xi32>
    %eq3A_4103 = arith.constant 5 : i32
    %eq3A_4104 = vector.broadcast %eq3A_4103 : i32 to vector<16x128xi32>
    %eq3A_4105 = arith.cmpi eq, %max3A_4042, %eq3A_4104 : vector<16x128xi32>
    %select_n3A_4106 = arith.select %eq3A_4105, %convert_element_type3A_3790, %select_n3A_4098 : vector<16x128xi1>, vector<16x128xi32>
    %eq3A_4107 = arith.constant 6 : i32
    %eq3A_4108 = vector.broadcast %eq3A_4107 : i32 to vector<16x128xi32>
    %eq3A_4109 = arith.cmpi eq, %min3A_4041, %eq3A_4108 : vector<16x128xi32>
    %select_n3A_4110 = arith.select %eq3A_4109, %convert_element_type3A_3791, %select_n3A_4102 : vector<16x128xi1>, vector<16x128xi32>
    %eq3A_4111 = arith.constant 6 : i32
    %eq3A_4112 = vector.broadcast %eq3A_4111 : i32 to vector<16x128xi32>
    %eq3A_4113 = arith.cmpi eq, %max3A_4042, %eq3A_4112 : vector<16x128xi32>
    %select_n3A_4114 = arith.select %eq3A_4113, %convert_element_type3A_3791, %select_n3A_4106 : vector<16x128xi1>, vector<16x128xi32>
    %eq3A_4115 = arith.constant 7 : i32
    %eq3A_4116 = vector.broadcast %eq3A_4115 : i32 to vector<16x128xi32>
    %eq3A_4117 = arith.cmpi eq, %min3A_4041, %eq3A_4116 : vector<16x128xi32>
    %select_n3A_4118 = arith.select %eq3A_4117, %convert_element_type3A_3792, %select_n3A_4110 : vector<16x128xi1>, vector<16x128xi32>
    %eq3A_4119 = arith.constant 7 : i32
    %eq3A_4120 = vector.broadcast %eq3A_4119 : i32 to vector<16x128xi32>
    %eq3A_4121 = arith.cmpi eq, %max3A_4042, %eq3A_4120 : vector<16x128xi32>
    %select_n3A_4122 = arith.select %eq3A_4121, %convert_element_type3A_3792, %select_n3A_4114 : vector<16x128xi1>, vector<16x128xi32>
    %mul3A_4123 = arith.constant 4 : i32
    %mul3A_4124 = vector.broadcast %mul3A_4123 : i32 to vector<16x128xi32>
    %mul3A_4125 = arith.muli %mul3A_4124, %add3A_4054 : vector<16x128xi32>
    %mul3A_4126 = arith.constant 2 : i32
    %mul3A_4127 = vector.broadcast %mul3A_4126 : i32 to vector<16x128xi32>
    %mul3A_4128 = arith.muli %mul3A_4127, %select_n3A_4118 : vector<16x128xi32>
    %add3A_4129 = arith.addi %mul3A_4125, %mul3A_4128 : vector<16x128xi32>
    %add3A_4130 = arith.addi %add3A_4129, %select_n3A_4122 : vector<16x128xi32>
    %broadcast_in_dim3A_4131 = arith.constant 0 : i32
    %broadcast_in_dim3A_4132 = vector.broadcast %broadcast_in_dim3A_4131 : i32 to vector<16x128xi32>
    %eq3A_4133 = arith.constant 0 : i32
    %eq3A_4134 = vector.broadcast %eq3A_4133 : i32 to vector<16x128xi32>
    %eq3A_4135 = arith.cmpi eq, %select_n3A_4022, %eq3A_4134 : vector<16x128xi32>
    %and3A_4136 = arith.andi %eq3A_4032, %eq3A_4135 : vector<16x128xi1>
    %sub3A_4137 = arith.constant 1 : i32
    %sub3A_4138 = vector.broadcast %sub3A_4137 : i32 to vector<16x128xi32>
    %sub3A_4139 = arith.subi %sub3A_4138, %convert_element_type3A_3785 : vector<16x128xi32>
    %select_n3A_4140 = arith.select %and3A_4136, %sub3A_4139, %convert_element_type3A_3785 : vector<16x128xi1>, vector<16x128xi32>
    %shift_left3A_4141 = arith.constant 0 : i32
    %shift_left3A_4142 = vector.broadcast %shift_left3A_4141 : i32 to vector<16x128xi32>
    %shift_left3A_4143 = arith.shli %select_n3A_4140, %shift_left3A_4142 : vector<16x128xi32>
    %add3A_4144 = arith.addi %broadcast_in_dim3A_4132, %shift_left3A_4143 : vector<16x128xi32>
    %eq3A_4145 = arith.constant 1 : i32
    %eq3A_4146 = vector.broadcast %eq3A_4145 : i32 to vector<16x128xi32>
    %eq3A_4147 = arith.cmpi eq, %select_n3A_4022, %eq3A_4146 : vector<16x128xi32>
    %and3A_4148 = arith.andi %eq3A_4032, %eq3A_4147 : vector<16x128xi1>
    %sub3A_4149 = arith.constant 1 : i32
    %sub3A_4150 = vector.broadcast %sub3A_4149 : i32 to vector<16x128xi32>
    %sub3A_4151 = arith.subi %sub3A_4150, %convert_element_type3A_3786 : vector<16x128xi32>
    %select_n3A_4152 = arith.select %and3A_4148, %sub3A_4151, %convert_element_type3A_3786 : vector<16x128xi1>, vector<16x128xi32>
    %shift_left3A_4153 = arith.constant 1 : i32
    %shift_left3A_4154 = vector.broadcast %shift_left3A_4153 : i32 to vector<16x128xi32>
    %shift_left3A_4155 = arith.shli %select_n3A_4152, %shift_left3A_4154 : vector<16x128xi32>
    %add3A_4156 = arith.addi %add3A_4144, %shift_left3A_4155 : vector<16x128xi32>
    %eq3A_4157 = arith.constant 2 : i32
    %eq3A_4158 = vector.broadcast %eq3A_4157 : i32 to vector<16x128xi32>
    %eq3A_4159 = arith.cmpi eq, %select_n3A_4022, %eq3A_4158 : vector<16x128xi32>
    %and3A_4160 = arith.andi %eq3A_4032, %eq3A_4159 : vector<16x128xi1>
    %sub3A_4161 = arith.constant 1 : i32
    %sub3A_4162 = vector.broadcast %sub3A_4161 : i32 to vector<16x128xi32>
    %sub3A_4163 = arith.subi %sub3A_4162, %convert_element_type3A_3787 : vector<16x128xi32>
    %select_n3A_4164 = arith.select %and3A_4160, %sub3A_4163, %convert_element_type3A_3787 : vector<16x128xi1>, vector<16x128xi32>
    %shift_left3A_4165 = arith.constant 2 : i32
    %shift_left3A_4166 = vector.broadcast %shift_left3A_4165 : i32 to vector<16x128xi32>
    %shift_left3A_4167 = arith.shli %select_n3A_4164, %shift_left3A_4166 : vector<16x128xi32>
    %add3A_4168 = arith.addi %add3A_4156, %shift_left3A_4167 : vector<16x128xi32>
    %eq3A_4169 = arith.constant 3 : i32
    %eq3A_4170 = vector.broadcast %eq3A_4169 : i32 to vector<16x128xi32>
    %eq3A_4171 = arith.cmpi eq, %select_n3A_4022, %eq3A_4170 : vector<16x128xi32>
    %and3A_4172 = arith.andi %eq3A_4032, %eq3A_4171 : vector<16x128xi1>
    %sub3A_4173 = arith.constant 1 : i32
    %sub3A_4174 = vector.broadcast %sub3A_4173 : i32 to vector<16x128xi32>
    %sub3A_4175 = arith.subi %sub3A_4174, %convert_element_type3A_3788 : vector<16x128xi32>
    %select_n3A_4176 = arith.select %and3A_4172, %sub3A_4175, %convert_element_type3A_3788 : vector<16x128xi1>, vector<16x128xi32>
    %shift_left3A_4177 = arith.constant 3 : i32
    %shift_left3A_4178 = vector.broadcast %shift_left3A_4177 : i32 to vector<16x128xi32>
    %shift_left3A_4179 = arith.shli %select_n3A_4176, %shift_left3A_4178 : vector<16x128xi32>
    %add3A_4180 = arith.addi %add3A_4168, %shift_left3A_4179 : vector<16x128xi32>
    %eq3A_4181 = arith.constant 4 : i32
    %eq3A_4182 = vector.broadcast %eq3A_4181 : i32 to vector<16x128xi32>
    %eq3A_4183 = arith.cmpi eq, %select_n3A_4022, %eq3A_4182 : vector<16x128xi32>
    %and3A_4184 = arith.andi %eq3A_4032, %eq3A_4183 : vector<16x128xi1>
    %sub3A_4185 = arith.constant 1 : i32
    %sub3A_4186 = vector.broadcast %sub3A_4185 : i32 to vector<16x128xi32>
    %sub3A_4187 = arith.subi %sub3A_4186, %convert_element_type3A_3789 : vector<16x128xi32>
    %select_n3A_4188 = arith.select %and3A_4184, %sub3A_4187, %convert_element_type3A_3789 : vector<16x128xi1>, vector<16x128xi32>
    %shift_left3A_4189 = arith.constant 4 : i32
    %shift_left3A_4190 = vector.broadcast %shift_left3A_4189 : i32 to vector<16x128xi32>
    %shift_left3A_4191 = arith.shli %select_n3A_4188, %shift_left3A_4190 : vector<16x128xi32>
    %add3A_4192 = arith.addi %add3A_4180, %shift_left3A_4191 : vector<16x128xi32>
    %eq3A_4193 = arith.constant 5 : i32
    %eq3A_4194 = vector.broadcast %eq3A_4193 : i32 to vector<16x128xi32>
    %eq3A_4195 = arith.cmpi eq, %select_n3A_4022, %eq3A_4194 : vector<16x128xi32>
    %and3A_4196 = arith.andi %eq3A_4032, %eq3A_4195 : vector<16x128xi1>
    %sub3A_4197 = arith.constant 1 : i32
    %sub3A_4198 = vector.broadcast %sub3A_4197 : i32 to vector<16x128xi32>
    %sub3A_4199 = arith.subi %sub3A_4198, %convert_element_type3A_3790 : vector<16x128xi32>
    %select_n3A_4200 = arith.select %and3A_4196, %sub3A_4199, %convert_element_type3A_3790 : vector<16x128xi1>, vector<16x128xi32>
    %shift_left3A_4201 = arith.constant 5 : i32
    %shift_left3A_4202 = vector.broadcast %shift_left3A_4201 : i32 to vector<16x128xi32>
    %shift_left3A_4203 = arith.shli %select_n3A_4200, %shift_left3A_4202 : vector<16x128xi32>
    %add3A_4204 = arith.addi %add3A_4192, %shift_left3A_4203 : vector<16x128xi32>
    %eq3A_4205 = arith.constant 6 : i32
    %eq3A_4206 = vector.broadcast %eq3A_4205 : i32 to vector<16x128xi32>
    %eq3A_4207 = arith.cmpi eq, %select_n3A_4022, %eq3A_4206 : vector<16x128xi32>
    %and3A_4208 = arith.andi %eq3A_4032, %eq3A_4207 : vector<16x128xi1>
    %sub3A_4209 = arith.constant 1 : i32
    %sub3A_4210 = vector.broadcast %sub3A_4209 : i32 to vector<16x128xi32>
    %sub3A_4211 = arith.subi %sub3A_4210, %convert_element_type3A_3791 : vector<16x128xi32>
    %select_n3A_4212 = arith.select %and3A_4208, %sub3A_4211, %convert_element_type3A_3791 : vector<16x128xi1>, vector<16x128xi32>
    %shift_left3A_4213 = arith.constant 6 : i32
    %shift_left3A_4214 = vector.broadcast %shift_left3A_4213 : i32 to vector<16x128xi32>
    %shift_left3A_4215 = arith.shli %select_n3A_4212, %shift_left3A_4214 : vector<16x128xi32>
    %add3A_4216 = arith.addi %add3A_4204, %shift_left3A_4215 : vector<16x128xi32>
    %eq3A_4217 = arith.constant 7 : i32
    %eq3A_4218 = vector.broadcast %eq3A_4217 : i32 to vector<16x128xi32>
    %eq3A_4219 = arith.cmpi eq, %select_n3A_4022, %eq3A_4218 : vector<16x128xi32>
    %and3A_4220 = arith.andi %eq3A_4032, %eq3A_4219 : vector<16x128xi1>
    %sub3A_4221 = arith.constant 1 : i32
    %sub3A_4222 = vector.broadcast %sub3A_4221 : i32 to vector<16x128xi32>
    %sub3A_4223 = arith.subi %sub3A_4222, %convert_element_type3A_3792 : vector<16x128xi32>
    %select_n3A_4224 = arith.select %and3A_4220, %sub3A_4223, %convert_element_type3A_3792 : vector<16x128xi1>, vector<16x128xi32>
    %shift_left3A_4225 = arith.constant 7 : i32
    %shift_left3A_4226 = vector.broadcast %shift_left3A_4225 : i32 to vector<16x128xi32>
    %shift_left3A_4227 = arith.shli %select_n3A_4224, %shift_left3A_4226 : vector<16x128xi32>
    %add3A_4228 = arith.addi %add3A_4216, %shift_left3A_4227 : vector<16x128xi32>
    %shift_right_arithmetic3A_4229 = arith.constant 1 : i32
    %shift_right_arithmetic3A_4230 = vector.broadcast %shift_right_arithmetic3A_4229 : i32 to vector<16x128xi32>
    %shift_right_arithmetic3A_4231 = arith.shrsi %add3A_4228, %shift_right_arithmetic3A_4230 : vector<16x128xi32>
    %add3A_4232 = arith.constant 112 : i32
    %add3A_4233 = vector.broadcast %add3A_4232 : i32 to vector<16x128xi32>
    %add3A_4234 = arith.addi %add3A_4233, %shift_right_arithmetic3A_4231 : vector<16x128xi32>
    %select_n3A_4235 = arith.select %ge3A_4040, %add3A_4130, %add3A_4234 : vector<16x128xi1>, vector<16x128xi32>
    %jit3A_4236 = arith.constant -1.000000e+00 : f32
    %jit3A_4237 = arith.constant 1.000000e+00 : f32
    %broadcast_in_dim3A_4238 = vector.broadcast %jit3A_4236 : f32 to vector<16x128xf32>
    %broadcast_in_dim3A_4239 = vector.broadcast %jit3A_4237 : f32 to vector<16x128xf32>
    %select_n3A_4240 = arith.select %lt3A_3763, %broadcast_in_dim3A_4238, %broadcast_in_dim3A_4239 : vector<16x128xi1>, vector<16x128xf32>
    %eq3A_4241 = arith.constant 0 : i32
    %eq3A_4242 = vector.broadcast %eq3A_4241 : i32 to vector<16x128xi32>
    %eq3A_4243 = arith.cmpi eq, %select_n3A_3829, %eq3A_4242 : vector<16x128xi32>
    %eq3A_4244 = arith.constant 0 : i32
    %eq3A_4245 = vector.broadcast %eq3A_4244 : i32 to vector<16x128xi32>
    %eq3A_4246 = arith.cmpi eq, %select_n3A_3921, %eq3A_4245 : vector<16x128xi32>
    %or3A_4247 = arith.ori %eq3A_4243, %eq3A_4246 : vector<16x128xi1>
    %jit3A_4248 = arith.constant 0.000000e+00 : f32
    %broadcast_in_dim3A_4249 = vector.broadcast %jit3A_4248 : f32 to vector<16x128xf32>
    %select_n3A_4250 = arith.select %or3A_4247, %select_n3A_4240, %broadcast_in_dim3A_4249 : vector<16x128xi1>, vector<16x128xf32>
    %eq3A_4251 = arith.constant 1 : i32
    %eq3A_4252 = vector.broadcast %eq3A_4251 : i32 to vector<16x128xi32>
    %eq3A_4253 = arith.cmpi eq, %select_n3A_4140, %eq3A_4252 : vector<16x128xi32>
    %jit3A_4254 = arith.constant -5.000000e-01 : f32
    %jit3A_4255 = arith.constant 5.000000e-01 : f32
    %broadcast_in_dim3A_4256 = vector.broadcast %jit3A_4254 : f32 to vector<16x128xf32>
    %broadcast_in_dim3A_4257 = vector.broadcast %jit3A_4255 : f32 to vector<16x128xf32>
    %select_n3A_4258 = arith.select %eq3A_4253, %broadcast_in_dim3A_4256, %broadcast_in_dim3A_4257 : vector<16x128xi1>, vector<16x128xf32>
    %select_n3A_4259 = arith.select %ge3A_4040, %select_n3A_4250, %select_n3A_4258 : vector<16x128xi1>, vector<16x128xf32>
    %jit3A_4260 = arith.constant -1.000000e+00 : f32
    %jit3A_4261 = arith.constant 1.000000e+00 : f32
    %broadcast_in_dim3A_4262 = vector.broadcast %jit3A_4260 : f32 to vector<16x128xf32>
    %broadcast_in_dim3A_4263 = vector.broadcast %jit3A_4261 : f32 to vector<16x128xf32>
    %select_n3A_4264 = arith.select %lt3A_3766, %broadcast_in_dim3A_4262, %broadcast_in_dim3A_4263 : vector<16x128xi1>, vector<16x128xf32>
    %eq3A_4265 = arith.constant 1 : i32
    %eq3A_4266 = vector.broadcast %eq3A_4265 : i32 to vector<16x128xi32>
    %eq3A_4267 = arith.cmpi eq, %select_n3A_3829, %eq3A_4266 : vector<16x128xi32>
    %eq3A_4268 = arith.constant 1 : i32
    %eq3A_4269 = vector.broadcast %eq3A_4268 : i32 to vector<16x128xi32>
    %eq3A_4270 = arith.cmpi eq, %select_n3A_3921, %eq3A_4269 : vector<16x128xi32>
    %or3A_4271 = arith.ori %eq3A_4267, %eq3A_4270 : vector<16x128xi1>
    %jit3A_4272 = arith.constant 0.000000e+00 : f32
    %broadcast_in_dim3A_4273 = vector.broadcast %jit3A_4272 : f32 to vector<16x128xf32>
    %select_n3A_4274 = arith.select %or3A_4271, %select_n3A_4264, %broadcast_in_dim3A_4273 : vector<16x128xi1>, vector<16x128xf32>
    %eq3A_4275 = arith.constant 1 : i32
    %eq3A_4276 = vector.broadcast %eq3A_4275 : i32 to vector<16x128xi32>
    %eq3A_4277 = arith.cmpi eq, %select_n3A_4152, %eq3A_4276 : vector<16x128xi32>
    %jit3A_4278 = arith.constant -5.000000e-01 : f32
    %jit3A_4279 = arith.constant 5.000000e-01 : f32
    %broadcast_in_dim3A_4280 = vector.broadcast %jit3A_4278 : f32 to vector<16x128xf32>
    %broadcast_in_dim3A_4281 = vector.broadcast %jit3A_4279 : f32 to vector<16x128xf32>
    %select_n3A_4282 = arith.select %eq3A_4277, %broadcast_in_dim3A_4280, %broadcast_in_dim3A_4281 : vector<16x128xi1>, vector<16x128xf32>
    %select_n3A_4283 = arith.select %ge3A_4040, %select_n3A_4274, %select_n3A_4282 : vector<16x128xi1>, vector<16x128xf32>
    %jit3A_4284 = arith.constant -1.000000e+00 : f32
    %jit3A_4285 = arith.constant 1.000000e+00 : f32
    %broadcast_in_dim3A_4286 = vector.broadcast %jit3A_4284 : f32 to vector<16x128xf32>
    %broadcast_in_dim3A_4287 = vector.broadcast %jit3A_4285 : f32 to vector<16x128xf32>
    %select_n3A_4288 = arith.select %lt3A_3769, %broadcast_in_dim3A_4286, %broadcast_in_dim3A_4287 : vector<16x128xi1>, vector<16x128xf32>
    %eq3A_4289 = arith.constant 2 : i32
    %eq3A_4290 = vector.broadcast %eq3A_4289 : i32 to vector<16x128xi32>
    %eq3A_4291 = arith.cmpi eq, %select_n3A_3829, %eq3A_4290 : vector<16x128xi32>
    %eq3A_4292 = arith.constant 2 : i32
    %eq3A_4293 = vector.broadcast %eq3A_4292 : i32 to vector<16x128xi32>
    %eq3A_4294 = arith.cmpi eq, %select_n3A_3921, %eq3A_4293 : vector<16x128xi32>
    %or3A_4295 = arith.ori %eq3A_4291, %eq3A_4294 : vector<16x128xi1>
    %jit3A_4296 = arith.constant 0.000000e+00 : f32
    %broadcast_in_dim3A_4297 = vector.broadcast %jit3A_4296 : f32 to vector<16x128xf32>
    %select_n3A_4298 = arith.select %or3A_4295, %select_n3A_4288, %broadcast_in_dim3A_4297 : vector<16x128xi1>, vector<16x128xf32>
    %eq3A_4299 = arith.constant 1 : i32
    %eq3A_4300 = vector.broadcast %eq3A_4299 : i32 to vector<16x128xi32>
    %eq3A_4301 = arith.cmpi eq, %select_n3A_4164, %eq3A_4300 : vector<16x128xi32>
    %jit3A_4302 = arith.constant -5.000000e-01 : f32
    %jit3A_4303 = arith.constant 5.000000e-01 : f32
    %broadcast_in_dim3A_4304 = vector.broadcast %jit3A_4302 : f32 to vector<16x128xf32>
    %broadcast_in_dim3A_4305 = vector.broadcast %jit3A_4303 : f32 to vector<16x128xf32>
    %select_n3A_4306 = arith.select %eq3A_4301, %broadcast_in_dim3A_4304, %broadcast_in_dim3A_4305 : vector<16x128xi1>, vector<16x128xf32>
    %select_n3A_4307 = arith.select %ge3A_4040, %select_n3A_4298, %select_n3A_4306 : vector<16x128xi1>, vector<16x128xf32>
    %jit3A_4308 = arith.constant -1.000000e+00 : f32
    %jit3A_4309 = arith.constant 1.000000e+00 : f32
    %broadcast_in_dim3A_4310 = vector.broadcast %jit3A_4308 : f32 to vector<16x128xf32>
    %broadcast_in_dim3A_4311 = vector.broadcast %jit3A_4309 : f32 to vector<16x128xf32>
    %select_n3A_4312 = arith.select %lt3A_3772, %broadcast_in_dim3A_4310, %broadcast_in_dim3A_4311 : vector<16x128xi1>, vector<16x128xf32>
    %eq3A_4313 = arith.constant 3 : i32
    %eq3A_4314 = vector.broadcast %eq3A_4313 : i32 to vector<16x128xi32>
    %eq3A_4315 = arith.cmpi eq, %select_n3A_3829, %eq3A_4314 : vector<16x128xi32>
    %eq3A_4316 = arith.constant 3 : i32
    %eq3A_4317 = vector.broadcast %eq3A_4316 : i32 to vector<16x128xi32>
    %eq3A_4318 = arith.cmpi eq, %select_n3A_3921, %eq3A_4317 : vector<16x128xi32>
    %or3A_4319 = arith.ori %eq3A_4315, %eq3A_4318 : vector<16x128xi1>
    %jit3A_4320 = arith.constant 0.000000e+00 : f32
    %broadcast_in_dim3A_4321 = vector.broadcast %jit3A_4320 : f32 to vector<16x128xf32>
    %select_n3A_4322 = arith.select %or3A_4319, %select_n3A_4312, %broadcast_in_dim3A_4321 : vector<16x128xi1>, vector<16x128xf32>
    %eq3A_4323 = arith.constant 1 : i32
    %eq3A_4324 = vector.broadcast %eq3A_4323 : i32 to vector<16x128xi32>
    %eq3A_4325 = arith.cmpi eq, %select_n3A_4176, %eq3A_4324 : vector<16x128xi32>
    %jit3A_4326 = arith.constant -5.000000e-01 : f32
    %jit3A_4327 = arith.constant 5.000000e-01 : f32
    %broadcast_in_dim3A_4328 = vector.broadcast %jit3A_4326 : f32 to vector<16x128xf32>
    %broadcast_in_dim3A_4329 = vector.broadcast %jit3A_4327 : f32 to vector<16x128xf32>
    %select_n3A_4330 = arith.select %eq3A_4325, %broadcast_in_dim3A_4328, %broadcast_in_dim3A_4329 : vector<16x128xi1>, vector<16x128xf32>
    %select_n3A_4331 = arith.select %ge3A_4040, %select_n3A_4322, %select_n3A_4330 : vector<16x128xi1>, vector<16x128xf32>
    %jit3A_4332 = arith.constant -1.000000e+00 : f32
    %jit3A_4333 = arith.constant 1.000000e+00 : f32
    %broadcast_in_dim3A_4334 = vector.broadcast %jit3A_4332 : f32 to vector<16x128xf32>
    %broadcast_in_dim3A_4335 = vector.broadcast %jit3A_4333 : f32 to vector<16x128xf32>
    %select_n3A_4336 = arith.select %lt3A_3775, %broadcast_in_dim3A_4334, %broadcast_in_dim3A_4335 : vector<16x128xi1>, vector<16x128xf32>
    %eq3A_4337 = arith.constant 4 : i32
    %eq3A_4338 = vector.broadcast %eq3A_4337 : i32 to vector<16x128xi32>
    %eq3A_4339 = arith.cmpi eq, %select_n3A_3829, %eq3A_4338 : vector<16x128xi32>
    %eq3A_4340 = arith.constant 4 : i32
    %eq3A_4341 = vector.broadcast %eq3A_4340 : i32 to vector<16x128xi32>
    %eq3A_4342 = arith.cmpi eq, %select_n3A_3921, %eq3A_4341 : vector<16x128xi32>
    %or3A_4343 = arith.ori %eq3A_4339, %eq3A_4342 : vector<16x128xi1>
    %jit3A_4344 = arith.constant 0.000000e+00 : f32
    %broadcast_in_dim3A_4345 = vector.broadcast %jit3A_4344 : f32 to vector<16x128xf32>
    %select_n3A_4346 = arith.select %or3A_4343, %select_n3A_4336, %broadcast_in_dim3A_4345 : vector<16x128xi1>, vector<16x128xf32>
    %eq3A_4347 = arith.constant 1 : i32
    %eq3A_4348 = vector.broadcast %eq3A_4347 : i32 to vector<16x128xi32>
    %eq3A_4349 = arith.cmpi eq, %select_n3A_4188, %eq3A_4348 : vector<16x128xi32>
    %jit3A_4350 = arith.constant -5.000000e-01 : f32
    %jit3A_4351 = arith.constant 5.000000e-01 : f32
    %broadcast_in_dim3A_4352 = vector.broadcast %jit3A_4350 : f32 to vector<16x128xf32>
    %broadcast_in_dim3A_4353 = vector.broadcast %jit3A_4351 : f32 to vector<16x128xf32>
    %select_n3A_4354 = arith.select %eq3A_4349, %broadcast_in_dim3A_4352, %broadcast_in_dim3A_4353 : vector<16x128xi1>, vector<16x128xf32>
    %select_n3A_4355 = arith.select %ge3A_4040, %select_n3A_4346, %select_n3A_4354 : vector<16x128xi1>, vector<16x128xf32>
    %jit3A_4356 = arith.constant -1.000000e+00 : f32
    %jit3A_4357 = arith.constant 1.000000e+00 : f32
    %broadcast_in_dim3A_4358 = vector.broadcast %jit3A_4356 : f32 to vector<16x128xf32>
    %broadcast_in_dim3A_4359 = vector.broadcast %jit3A_4357 : f32 to vector<16x128xf32>
    %select_n3A_4360 = arith.select %lt3A_3778, %broadcast_in_dim3A_4358, %broadcast_in_dim3A_4359 : vector<16x128xi1>, vector<16x128xf32>
    %eq3A_4361 = arith.constant 5 : i32
    %eq3A_4362 = vector.broadcast %eq3A_4361 : i32 to vector<16x128xi32>
    %eq3A_4363 = arith.cmpi eq, %select_n3A_3829, %eq3A_4362 : vector<16x128xi32>
    %eq3A_4364 = arith.constant 5 : i32
    %eq3A_4365 = vector.broadcast %eq3A_4364 : i32 to vector<16x128xi32>
    %eq3A_4366 = arith.cmpi eq, %select_n3A_3921, %eq3A_4365 : vector<16x128xi32>
    %or3A_4367 = arith.ori %eq3A_4363, %eq3A_4366 : vector<16x128xi1>
    %jit3A_4368 = arith.constant 0.000000e+00 : f32
    %broadcast_in_dim3A_4369 = vector.broadcast %jit3A_4368 : f32 to vector<16x128xf32>
    %select_n3A_4370 = arith.select %or3A_4367, %select_n3A_4360, %broadcast_in_dim3A_4369 : vector<16x128xi1>, vector<16x128xf32>
    %eq3A_4371 = arith.constant 1 : i32
    %eq3A_4372 = vector.broadcast %eq3A_4371 : i32 to vector<16x128xi32>
    %eq3A_4373 = arith.cmpi eq, %select_n3A_4200, %eq3A_4372 : vector<16x128xi32>
    %jit3A_4374 = arith.constant -5.000000e-01 : f32
    %jit3A_4375 = arith.constant 5.000000e-01 : f32
    %broadcast_in_dim3A_4376 = vector.broadcast %jit3A_4374 : f32 to vector<16x128xf32>
    %broadcast_in_dim3A_4377 = vector.broadcast %jit3A_4375 : f32 to vector<16x128xf32>
    %select_n3A_4378 = arith.select %eq3A_4373, %broadcast_in_dim3A_4376, %broadcast_in_dim3A_4377 : vector<16x128xi1>, vector<16x128xf32>
    %select_n3A_4379 = arith.select %ge3A_4040, %select_n3A_4370, %select_n3A_4378 : vector<16x128xi1>, vector<16x128xf32>
    %jit3A_4380 = arith.constant -1.000000e+00 : f32
    %jit3A_4381 = arith.constant 1.000000e+00 : f32
    %broadcast_in_dim3A_4382 = vector.broadcast %jit3A_4380 : f32 to vector<16x128xf32>
    %broadcast_in_dim3A_4383 = vector.broadcast %jit3A_4381 : f32 to vector<16x128xf32>
    %select_n3A_4384 = arith.select %lt3A_3781, %broadcast_in_dim3A_4382, %broadcast_in_dim3A_4383 : vector<16x128xi1>, vector<16x128xf32>
    %eq3A_4385 = arith.constant 6 : i32
    %eq3A_4386 = vector.broadcast %eq3A_4385 : i32 to vector<16x128xi32>
    %eq3A_4387 = arith.cmpi eq, %select_n3A_3829, %eq3A_4386 : vector<16x128xi32>
    %eq3A_4388 = arith.constant 6 : i32
    %eq3A_4389 = vector.broadcast %eq3A_4388 : i32 to vector<16x128xi32>
    %eq3A_4390 = arith.cmpi eq, %select_n3A_3921, %eq3A_4389 : vector<16x128xi32>
    %or3A_4391 = arith.ori %eq3A_4387, %eq3A_4390 : vector<16x128xi1>
    %jit3A_4392 = arith.constant 0.000000e+00 : f32
    %broadcast_in_dim3A_4393 = vector.broadcast %jit3A_4392 : f32 to vector<16x128xf32>
    %select_n3A_4394 = arith.select %or3A_4391, %select_n3A_4384, %broadcast_in_dim3A_4393 : vector<16x128xi1>, vector<16x128xf32>
    %eq3A_4395 = arith.constant 1 : i32
    %eq3A_4396 = vector.broadcast %eq3A_4395 : i32 to vector<16x128xi32>
    %eq3A_4397 = arith.cmpi eq, %select_n3A_4212, %eq3A_4396 : vector<16x128xi32>
    %jit3A_4398 = arith.constant -5.000000e-01 : f32
    %jit3A_4399 = arith.constant 5.000000e-01 : f32
    %broadcast_in_dim3A_4400 = vector.broadcast %jit3A_4398 : f32 to vector<16x128xf32>
    %broadcast_in_dim3A_4401 = vector.broadcast %jit3A_4399 : f32 to vector<16x128xf32>
    %select_n3A_4402 = arith.select %eq3A_4397, %broadcast_in_dim3A_4400, %broadcast_in_dim3A_4401 : vector<16x128xi1>, vector<16x128xf32>
    %select_n3A_4403 = arith.select %ge3A_4040, %select_n3A_4394, %select_n3A_4402 : vector<16x128xi1>, vector<16x128xf32>
    %jit3A_4404 = arith.constant -1.000000e+00 : f32
    %jit3A_4405 = arith.constant 1.000000e+00 : f32
    %broadcast_in_dim3A_4406 = vector.broadcast %jit3A_4404 : f32 to vector<16x128xf32>
    %broadcast_in_dim3A_4407 = vector.broadcast %jit3A_4405 : f32 to vector<16x128xf32>
    %select_n3A_4408 = arith.select %lt3A_3784, %broadcast_in_dim3A_4406, %broadcast_in_dim3A_4407 : vector<16x128xi1>, vector<16x128xf32>
    %eq3A_4409 = arith.constant 7 : i32
    %eq3A_4410 = vector.broadcast %eq3A_4409 : i32 to vector<16x128xi32>
    %eq3A_4411 = arith.cmpi eq, %select_n3A_3829, %eq3A_4410 : vector<16x128xi32>
    %eq3A_4412 = arith.constant 7 : i32
    %eq3A_4413 = vector.broadcast %eq3A_4412 : i32 to vector<16x128xi32>
    %eq3A_4414 = arith.cmpi eq, %select_n3A_3921, %eq3A_4413 : vector<16x128xi32>
    %or3A_4415 = arith.ori %eq3A_4411, %eq3A_4414 : vector<16x128xi1>
    %jit3A_4416 = arith.constant 0.000000e+00 : f32
    %broadcast_in_dim3A_4417 = vector.broadcast %jit3A_4416 : f32 to vector<16x128xf32>
    %select_n3A_4418 = arith.select %or3A_4415, %select_n3A_4408, %broadcast_in_dim3A_4417 : vector<16x128xi1>, vector<16x128xf32>
    %eq3A_4419 = arith.constant 1 : i32
    %eq3A_4420 = vector.broadcast %eq3A_4419 : i32 to vector<16x128xi32>
    %eq3A_4421 = arith.cmpi eq, %select_n3A_4224, %eq3A_4420 : vector<16x128xi32>
    %jit3A_4422 = arith.constant -5.000000e-01 : f32
    %jit3A_4423 = arith.constant 5.000000e-01 : f32
    %broadcast_in_dim3A_4424 = vector.broadcast %jit3A_4422 : f32 to vector<16x128xf32>
    %broadcast_in_dim3A_4425 = vector.broadcast %jit3A_4423 : f32 to vector<16x128xf32>
    %select_n3A_4426 = arith.select %eq3A_4421, %broadcast_in_dim3A_4424, %broadcast_in_dim3A_4425 : vector<16x128xi1>, vector<16x128xf32>
    %select_n3A_4427 = arith.select %ge3A_4040, %select_n3A_4418, %select_n3A_4426 : vector<16x128xi1>, vector<16x128xf32>
    %add3A_4428 = arith.addf %select_n3A_3560, %select_n3A_4259 : vector<16x128xf32>
    %add3A_4429 = arith.addf %select_n3A_3584, %select_n3A_4283 : vector<16x128xf32>
    %add3A_4430 = arith.addf %select_n3A_3608, %select_n3A_4307 : vector<16x128xf32>
    %add3A_4431 = arith.addf %select_n3A_3632, %select_n3A_4331 : vector<16x128xf32>
    %add3A_4432 = arith.addf %select_n3A_3656, %select_n3A_4355 : vector<16x128xf32>
    %add3A_4433 = arith.addf %select_n3A_3680, %select_n3A_4379 : vector<16x128xf32>
    %add3A_4434 = arith.addf %select_n3A_3704, %select_n3A_4403 : vector<16x128xf32>
    %add3A_4435 = arith.addf %select_n3A_3728, %select_n3A_4427 : vector<16x128xf32>
    %concatenate3A_4436 = tpu.concatenate %add3A_4428, %add3A_4429, %add3A_4430, %add3A_4431, %add3A_4432, %add3A_4433, %add3A_4434, %add3A_4435 in 1 : vector<16x128xf32>, vector<16x128xf32>, vector<16x128xf32>, vector<16x128xf32>, vector<16x128xf32>, vector<16x128xf32>, vector<16x128xf32>, vector<16x128xf32> -> vector<16x1024xf32>
    %swap3A_4437 = arith.constant 32 : index
    %swap3A_4438 = arith.constant 0 : index
    %swap3A_4439 = vector.load %arg9[%swap3A_4437, %swap3A_4438] : memref<64x1024xf32, #tpu.memory_space<vmem>>, vector<16x1024xf32>
    tpu.vector_store %arg9[%swap3A_4437, %swap3A_4438], %concatenate3A_4436 {strides = array<i32>} : memref<64x1024xf32, #tpu.memory_space<vmem>>, vector<16x1024xf32>,
    %swap3A_4440 = arith.constant 0 : index
    %swap3A_4441 = arith.constant 32 : index
    %swap3A_4442 = arith.constant 0 : index
    %swap3A_4443 = vector.load %arg5[%swap3A_4440, %swap3A_4441, %swap3A_4442] : memref<1x64x128xi32, #tpu.memory_space<vmem>>, vector<1x16x128xi32>
    %swap3A_4444 = vector.shape_cast %swap3A_4443 : vector<1x16x128xi32> to vector<16x128xi32>
    %swap3A_4445 = vector.shape_cast %select_n3A_3536 : vector<16x128xi32> to vector<1x16x128xi32>
    tpu.vector_store %arg5[%swap3A_4440, %swap3A_4441, %swap3A_4442], %swap3A_4445 {strides = array<i32>} : memref<1x64x128xi32, #tpu.memory_space<vmem>>, vector<1x16x128xi32>,
    %swap3A_4446 = arith.constant 0 : index
    %swap3A_4447 = arith.constant 32 : index
    %swap3A_4448 = arith.constant 0 : index
    %swap3A_4449 = vector.load %arg6[%swap3A_4446, %swap3A_4447, %swap3A_4448] : memref<1x64x128xi32, #tpu.memory_space<vmem>>, vector<1x16x128xi32>
    %swap3A_4450 = vector.shape_cast %swap3A_4449 : vector<1x16x128xi32> to vector<16x128xi32>
    %swap3A_4451 = vector.shape_cast %select_n3A_4235 : vector<16x128xi32> to vector<1x16x128xi32>
    tpu.vector_store %arg6[%swap3A_4446, %swap3A_4447, %swap3A_4448], %swap3A_4451 {strides = array<i32>} : memref<1x64x128xi32, #tpu.memory_space<vmem>>, vector<1x16x128xi32>,
    %broadcast_in_dim3A_4452 = arith.constant 0.000000e+00 : f32
    %broadcast_in_dim3A_4453 = vector.broadcast %broadcast_in_dim3A_4452 : f32 to vector<1x1xf32>
    %sub3A_4454 = arith.subf %sub3A_3729, %select_n3A_4259 : vector<16x128xf32>
    %mul3A_4455 = arith.mulf %sub3A_4454, %sub3A_4454 : vector<16x128xf32>
    %reduce_sum3A_4456 = vector.shape_cast %mul3A_4455 : vector<16x128xf32> to vector<1x16x128xf32>
    %reduce_sum3A_4457 = arith.constant dense<0.000000e+00> : vector<1xf32>
    %reduce_sum3A_4458 = vector.multi_reduction <add>, %reduce_sum3A_4456, %reduce_sum3A_4457 [1, 2] : vector<1x16x128xf32> to vector<1xf32>
    %reduce_sum3A_4459 = vector.shape_cast %reduce_sum3A_4458 : vector<1xf32> to vector<1x1x1xf32>
    %reduce_sum3A_4460 = vector.extract %reduce_sum3A_4459[0, 0, 0] : f32 from vector<1x1x1xf32>
    %reshape3A_4461 = vector.broadcast %reduce_sum3A_4460 : f32 to vector<1x1xf32>
    %add3A_4462 = arith.addf %broadcast_in_dim3A_4453, %reshape3A_4461 : vector<1x1xf32>
    %sub3A_4463 = arith.subf %sub3A_3730, %select_n3A_4283 : vector<16x128xf32>
    %mul3A_4464 = arith.mulf %sub3A_4463, %sub3A_4463 : vector<16x128xf32>
    %reduce_sum3A_4465 = vector.shape_cast %mul3A_4464 : vector<16x128xf32> to vector<1x16x128xf32>
    %reduce_sum3A_4466 = arith.constant dense<0.000000e+00> : vector<1xf32>
    %reduce_sum3A_4467 = vector.multi_reduction <add>, %reduce_sum3A_4465, %reduce_sum3A_4466 [1, 2] : vector<1x16x128xf32> to vector<1xf32>
    %reduce_sum3A_4468 = vector.shape_cast %reduce_sum3A_4467 : vector<1xf32> to vector<1x1x1xf32>
    %reduce_sum3A_4469 = vector.extract %reduce_sum3A_4468[0, 0, 0] : f32 from vector<1x1x1xf32>
    %reshape3A_4470 = vector.broadcast %reduce_sum3A_4469 : f32 to vector<1x1xf32>
    %add3A_4471 = arith.addf %add3A_4462, %reshape3A_4470 : vector<1x1xf32>
    %sub3A_4472 = arith.subf %sub3A_3731, %select_n3A_4307 : vector<16x128xf32>
    %mul3A_4473 = arith.mulf %sub3A_4472, %sub3A_4472 : vector<16x128xf32>
    %reduce_sum3A_4474 = vector.shape_cast %mul3A_4473 : vector<16x128xf32> to vector<1x16x128xf32>
    %reduce_sum3A_4475 = arith.constant dense<0.000000e+00> : vector<1xf32>
    %reduce_sum3A_4476 = vector.multi_reduction <add>, %reduce_sum3A_4474, %reduce_sum3A_4475 [1, 2] : vector<1x16x128xf32> to vector<1xf32>
    %reduce_sum3A_4477 = vector.shape_cast %reduce_sum3A_4476 : vector<1xf32> to vector<1x1x1xf32>
    %reduce_sum3A_4478 = vector.extract %reduce_sum3A_4477[0, 0, 0] : f32 from vector<1x1x1xf32>
    %reshape3A_4479 = vector.broadcast %reduce_sum3A_4478 : f32 to vector<1x1xf32>
    %add3A_4480 = arith.addf %add3A_4471, %reshape3A_4479 : vector<1x1xf32>
    %sub3A_4481 = arith.subf %sub3A_3732, %select_n3A_4331 : vector<16x128xf32>
    %mul3A_4482 = arith.mulf %sub3A_4481, %sub3A_4481 : vector<16x128xf32>
    %reduce_sum3A_4483 = vector.shape_cast %mul3A_4482 : vector<16x128xf32> to vector<1x16x128xf32>
    %reduce_sum3A_4484 = arith.constant dense<0.000000e+00> : vector<1xf32>
    %reduce_sum3A_4485 = vector.multi_reduction <add>, %reduce_sum3A_4483, %reduce_sum3A_4484 [1, 2] : vector<1x16x128xf32> to vector<1xf32>
    %reduce_sum3A_4486 = vector.shape_cast %reduce_sum3A_4485 : vector<1xf32> to vector<1x1x1xf32>
    %reduce_sum3A_4487 = vector.extract %reduce_sum3A_4486[0, 0, 0] : f32 from vector<1x1x1xf32>
    %reshape3A_4488 = vector.broadcast %reduce_sum3A_4487 : f32 to vector<1x1xf32>
    %add3A_4489 = arith.addf %add3A_4480, %reshape3A_4488 : vector<1x1xf32>
    %sub3A_4490 = arith.subf %sub3A_3733, %select_n3A_4355 : vector<16x128xf32>
    %mul3A_4491 = arith.mulf %sub3A_4490, %sub3A_4490 : vector<16x128xf32>
    %reduce_sum3A_4492 = vector.shape_cast %mul3A_4491 : vector<16x128xf32> to vector<1x16x128xf32>
    %reduce_sum3A_4493 = arith.constant dense<0.000000e+00> : vector<1xf32>
    %reduce_sum3A_4494 = vector.multi_reduction <add>, %reduce_sum3A_4492, %reduce_sum3A_4493 [1, 2] : vector<1x16x128xf32> to vector<1xf32>
    %reduce_sum3A_4495 = vector.shape_cast %reduce_sum3A_4494 : vector<1xf32> to vector<1x1x1xf32>
    %reduce_sum3A_4496 = vector.extract %reduce_sum3A_4495[0, 0, 0] : f32 from vector<1x1x1xf32>
    %reshape3A_4497 = vector.broadcast %reduce_sum3A_4496 : f32 to vector<1x1xf32>
    %add3A_4498 = arith.addf %add3A_4489, %reshape3A_4497 : vector<1x1xf32>
    %sub3A_4499 = arith.subf %sub3A_3734, %select_n3A_4379 : vector<16x128xf32>
    %mul3A_4500 = arith.mulf %sub3A_4499, %sub3A_4499 : vector<16x128xf32>
    %reduce_sum3A_4501 = vector.shape_cast %mul3A_4500 : vector<16x128xf32> to vector<1x16x128xf32>
    %reduce_sum3A_4502 = arith.constant dense<0.000000e+00> : vector<1xf32>
    %reduce_sum3A_4503 = vector.multi_reduction <add>, %reduce_sum3A_4501, %reduce_sum3A_4502 [1, 2] : vector<1x16x128xf32> to vector<1xf32>
    %reduce_sum3A_4504 = vector.shape_cast %reduce_sum3A_4503 : vector<1xf32> to vector<1x1x1xf32>
    %reduce_sum3A_4505 = vector.extract %reduce_sum3A_4504[0, 0, 0] : f32 from vector<1x1x1xf32>
    %reshape3A_4506 = vector.broadcast %reduce_sum3A_4505 : f32 to vector<1x1xf32>
    %add3A_4507 = arith.addf %add3A_4498, %reshape3A_4506 : vector<1x1xf32>
    %sub3A_4508 = arith.subf %sub3A_3735, %select_n3A_4403 : vector<16x128xf32>
    %mul3A_4509 = arith.mulf %sub3A_4508, %sub3A_4508 : vector<16x128xf32>
    %reduce_sum3A_4510 = vector.shape_cast %mul3A_4509 : vector<16x128xf32> to vector<1x16x128xf32>
    %reduce_sum3A_4511 = arith.constant dense<0.000000e+00> : vector<1xf32>
    %reduce_sum3A_4512 = vector.multi_reduction <add>, %reduce_sum3A_4510, %reduce_sum3A_4511 [1, 2] : vector<1x16x128xf32> to vector<1xf32>
    %reduce_sum3A_4513 = vector.shape_cast %reduce_sum3A_4512 : vector<1xf32> to vector<1x1x1xf32>
    %reduce_sum3A_4514 = vector.extract %reduce_sum3A_4513[0, 0, 0] : f32 from vector<1x1x1xf32>
    %reshape3A_4515 = vector.broadcast %reduce_sum3A_4514 : f32 to vector<1x1xf32>
    %add3A_4516 = arith.addf %add3A_4507, %reshape3A_4515 : vector<1x1xf32>
    %sub3A_4517 = arith.subf %sub3A_3736, %select_n3A_4427 : vector<16x128xf32>
    %mul3A_4518 = arith.mulf %sub3A_4517, %sub3A_4517 : vector<16x128xf32>
    %reduce_sum3A_4519 = vector.shape_cast %mul3A_4518 : vector<16x128xf32> to vector<1x16x128xf32>
    %reduce_sum3A_4520 = arith.constant dense<0.000000e+00> : vector<1xf32>
    %reduce_sum3A_4521 = vector.multi_reduction <add>, %reduce_sum3A_4519, %reduce_sum3A_4520 [1, 2] : vector<1x16x128xf32> to vector<1xf32>
    %reduce_sum3A_4522 = vector.shape_cast %reduce_sum3A_4521 : vector<1xf32> to vector<1x1x1xf32>
    %reduce_sum3A_4523 = vector.extract %reduce_sum3A_4522[0, 0, 0] : f32 from vector<1x1x1xf32>
    %reshape3A_4524 = vector.broadcast %reduce_sum3A_4523 : f32 to vector<1x1xf32>
    %add3A_4525 = arith.addf %add3A_4516, %reshape3A_4524 : vector<1x1xf32>
    %add3A_4526 = arith.addf %add3A_3013, %add3A_4525 : vector<1x1xf32>
    %get3A_4527 = arith.constant 48 : index
    %get3A_4528 = arith.constant 0 : index
    %get3A_4529 = vector.load %arg8[%get3A_4527, %get3A_4528] : memref<64x1024xf32, #tpu.memory_space<vmem>>, vector<16x128xf32>
    %get3A_4530 = arith.constant 48 : index
    %get3A_4531 = arith.constant 128 : index
    %get3A_4532 = vector.load %arg8[%get3A_4530, %get3A_4531] : memref<64x1024xf32, #tpu.memory_space<vmem>>, vector<16x128xf32>
    %get3A_4533 = arith.constant 48 : index
    %get3A_4534 = arith.constant 256 : index
    %get3A_4535 = vector.load %arg8[%get3A_4533, %get3A_4534] : memref<64x1024xf32, #tpu.memory_space<vmem>>, vector<16x128xf32>
    %get3A_4536 = arith.constant 48 : index
    %get3A_4537 = arith.constant 384 : index
    %get3A_4538 = vector.load %arg8[%get3A_4536, %get3A_4537] : memref<64x1024xf32, #tpu.memory_space<vmem>>, vector<16x128xf32>
    %get3A_4539 = arith.constant 48 : index
    %get3A_4540 = arith.constant 512 : index
    %get3A_4541 = vector.load %arg8[%get3A_4539, %get3A_4540] : memref<64x1024xf32, #tpu.memory_space<vmem>>, vector<16x128xf32>
    %get3A_4542 = arith.constant 48 : index
    %get3A_4543 = arith.constant 640 : index
    %get3A_4544 = vector.load %arg8[%get3A_4542, %get3A_4543] : memref<64x1024xf32, #tpu.memory_space<vmem>>, vector<16x128xf32>
    %get3A_4545 = arith.constant 48 : index
    %get3A_4546 = arith.constant 768 : index
    %get3A_4547 = vector.load %arg8[%get3A_4545, %get3A_4546] : memref<64x1024xf32, #tpu.memory_space<vmem>>, vector<16x128xf32>
    %get3A_4548 = arith.constant 48 : index
    %get3A_4549 = arith.constant 896 : index
    %get3A_4550 = vector.load %arg8[%get3A_4548, %get3A_4549] : memref<64x1024xf32, #tpu.memory_space<vmem>>, vector<16x128xf32>
    %convert_element_type3A_4551 = arith.truncf %get3A_4529 : vector<16x128xf32> to vector<16x128xbf16>
    %convert_element_type3A_4552 = arith.extf %convert_element_type3A_4551 : vector<16x128xbf16> to vector<16x128xf32>
    %convert_element_type3A_4553 = arith.truncf %get3A_4532 : vector<16x128xf32> to vector<16x128xbf16>
    %convert_element_type3A_4554 = arith.extf %convert_element_type3A_4553 : vector<16x128xbf16> to vector<16x128xf32>
    %convert_element_type3A_4555 = arith.truncf %get3A_4535 : vector<16x128xf32> to vector<16x128xbf16>
    %convert_element_type3A_4556 = arith.extf %convert_element_type3A_4555 : vector<16x128xbf16> to vector<16x128xf32>
    %convert_element_type3A_4557 = arith.truncf %get3A_4538 : vector<16x128xf32> to vector<16x128xbf16>
    %convert_element_type3A_4558 = arith.extf %convert_element_type3A_4557 : vector<16x128xbf16> to vector<16x128xf32>
    %convert_element_type3A_4559 = arith.truncf %get3A_4541 : vector<16x128xf32> to vector<16x128xbf16>
    %convert_element_type3A_4560 = arith.extf %convert_element_type3A_4559 : vector<16x128xbf16> to vector<16x128xf32>
    %convert_element_type3A_4561 = arith.truncf %get3A_4544 : vector<16x128xf32> to vector<16x128xbf16>
    %convert_element_type3A_4562 = arith.extf %convert_element_type3A_4561 : vector<16x128xbf16> to vector<16x128xf32>
    %convert_element_type3A_4563 = arith.truncf %get3A_4547 : vector<16x128xf32> to vector<16x128xbf16>
    %convert_element_type3A_4564 = arith.extf %convert_element_type3A_4563 : vector<16x128xbf16> to vector<16x128xf32>
    %convert_element_type3A_4565 = arith.truncf %get3A_4550 : vector<16x128xf32> to vector<16x128xbf16>
    %convert_element_type3A_4566 = arith.extf %convert_element_type3A_4565 : vector<16x128xbf16> to vector<16x128xf32>
    %abs3A_4567 = math.absf %convert_element_type3A_4552 : vector<16x128xf32>
    %abs3A_4568 = math.absf %convert_element_type3A_4554 : vector<16x128xf32>
    %abs3A_4569 = math.absf %convert_element_type3A_4556 : vector<16x128xf32>
    %abs3A_4570 = math.absf %convert_element_type3A_4558 : vector<16x128xf32>
    %abs3A_4571 = math.absf %convert_element_type3A_4560 : vector<16x128xf32>
    %abs3A_4572 = math.absf %convert_element_type3A_4562 : vector<16x128xf32>
    %abs3A_4573 = math.absf %convert_element_type3A_4564 : vector<16x128xf32>
    %abs3A_4574 = math.absf %convert_element_type3A_4566 : vector<16x128xf32>
    %lt3A_4575 = arith.constant 0.000000e+00 : f32
    %lt3A_4576 = vector.broadcast %lt3A_4575 : f32 to vector<16x128xf32>
    %lt3A_4577 = arith.cmpf olt, %convert_element_type3A_4552, %lt3A_4576 : vector<16x128xf32>
    %lt3A_4578 = arith.constant 0.000000e+00 : f32
    %lt3A_4579 = vector.broadcast %lt3A_4578 : f32 to vector<16x128xf32>
    %lt3A_4580 = arith.cmpf olt, %convert_element_type3A_4554, %lt3A_4579 : vector<16x128xf32>
    %lt3A_4581 = arith.constant 0.000000e+00 : f32
    %lt3A_4582 = vector.broadcast %lt3A_4581 : f32 to vector<16x128xf32>
    %lt3A_4583 = arith.cmpf olt, %convert_element_type3A_4556, %lt3A_4582 : vector<16x128xf32>
    %lt3A_4584 = arith.constant 0.000000e+00 : f32
    %lt3A_4585 = vector.broadcast %lt3A_4584 : f32 to vector<16x128xf32>
    %lt3A_4586 = arith.cmpf olt, %convert_element_type3A_4558, %lt3A_4585 : vector<16x128xf32>
    %lt3A_4587 = arith.constant 0.000000e+00 : f32
    %lt3A_4588 = vector.broadcast %lt3A_4587 : f32 to vector<16x128xf32>
    %lt3A_4589 = arith.cmpf olt, %convert_element_type3A_4560, %lt3A_4588 : vector<16x128xf32>
    %lt3A_4590 = arith.constant 0.000000e+00 : f32
    %lt3A_4591 = vector.broadcast %lt3A_4590 : f32 to vector<16x128xf32>
    %lt3A_4592 = arith.cmpf olt, %convert_element_type3A_4562, %lt3A_4591 : vector<16x128xf32>
    %lt3A_4593 = arith.constant 0.000000e+00 : f32
    %lt3A_4594 = vector.broadcast %lt3A_4593 : f32 to vector<16x128xf32>
    %lt3A_4595 = arith.cmpf olt, %convert_element_type3A_4564, %lt3A_4594 : vector<16x128xf32>
    %lt3A_4596 = arith.constant 0.000000e+00 : f32
    %lt3A_4597 = vector.broadcast %lt3A_4596 : f32 to vector<16x128xf32>
    %lt3A_4598 = arith.cmpf olt, %convert_element_type3A_4566, %lt3A_4597 : vector<16x128xf32>
    %convert_element_type3A_4599 = arith.extui %lt3A_4577 : vector<16x128xi1> to vector<16x128xi32>
    %convert_element_type3A_4600 = arith.extui %lt3A_4580 : vector<16x128xi1> to vector<16x128xi32>
    %convert_element_type3A_4601 = arith.extui %lt3A_4583 : vector<16x128xi1> to vector<16x128xi32>
    %convert_element_type3A_4602 = arith.extui %lt3A_4586 : vector<16x128xi1> to vector<16x128xi32>
    %convert_element_type3A_4603 = arith.extui %lt3A_4589 : vector<16x128xi1> to vector<16x128xi32>
    %convert_element_type3A_4604 = arith.extui %lt3A_4592 : vector<16x128xi1> to vector<16x128xi32>
    %convert_element_type3A_4605 = arith.extui %lt3A_4595 : vector<16x128xi1> to vector<16x128xi32>
    %convert_element_type3A_4606 = arith.extui %lt3A_4598 : vector<16x128xi1> to vector<16x128xi32>
    %broadcast_in_dim3A_4607 = arith.constant 0 : i32
    %broadcast_in_dim3A_4608 = vector.broadcast %broadcast_in_dim3A_4607 : i32 to vector<16x128xi32>
    %gt3A_4609 = arith.cmpf ogt, %abs3A_4568, %abs3A_4567 : vector<16x128xf32>
    %select_n3A_4610 = arith.select %gt3A_4609, %abs3A_4568, %abs3A_4567 : vector<16x128xi1>, vector<16x128xf32>
    %jit3A_4611 = arith.constant 1 : i32
    %broadcast_in_dim3A_4612 = vector.broadcast %jit3A_4611 : i32 to vector<16x128xi32>
    %select_n3A_4613 = arith.select %gt3A_4609, %broadcast_in_dim3A_4612, %broadcast_in_dim3A_4608 : vector<16x128xi1>, vector<16x128xi32>
    %gt3A_4614 = arith.cmpf ogt, %abs3A_4569, %select_n3A_4610 : vector<16x128xf32>
    %select_n3A_4615 = arith.select %gt3A_4614, %abs3A_4569, %select_n3A_4610 : vector<16x128xi1>, vector<16x128xf32>
    %jit3A_4616 = arith.constant 2 : i32
    %broadcast_in_dim3A_4617 = vector.broadcast %jit3A_4616 : i32 to vector<16x128xi32>
    %select_n3A_4618 = arith.select %gt3A_4614, %broadcast_in_dim3A_4617, %select_n3A_4613 : vector<16x128xi1>, vector<16x128xi32>
    %gt3A_4619 = arith.cmpf ogt, %abs3A_4570, %select_n3A_4615 : vector<16x128xf32>
    %select_n3A_4620 = arith.select %gt3A_4619, %abs3A_4570, %select_n3A_4615 : vector<16x128xi1>, vector<16x128xf32>
    %jit3A_4621 = arith.constant 3 : i32
    %broadcast_in_dim3A_4622 = vector.broadcast %jit3A_4621 : i32 to vector<16x128xi32>
    %select_n3A_4623 = arith.select %gt3A_4619, %broadcast_in_dim3A_4622, %select_n3A_4618 : vector<16x128xi1>, vector<16x128xi32>
    %gt3A_4624 = arith.cmpf ogt, %abs3A_4571, %select_n3A_4620 : vector<16x128xf32>
    %select_n3A_4625 = arith.select %gt3A_4624, %abs3A_4571, %select_n3A_4620 : vector<16x128xi1>, vector<16x128xf32>
    %jit3A_4626 = arith.constant 4 : i32
    %broadcast_in_dim3A_4627 = vector.broadcast %jit3A_4626 : i32 to vector<16x128xi32>
    %select_n3A_4628 = arith.select %gt3A_4624, %broadcast_in_dim3A_4627, %select_n3A_4623 : vector<16x128xi1>, vector<16x128xi32>
    %gt3A_4629 = arith.cmpf ogt, %abs3A_4572, %select_n3A_4625 : vector<16x128xf32>
    %select_n3A_4630 = arith.select %gt3A_4629, %abs3A_4572, %select_n3A_4625 : vector<16x128xi1>, vector<16x128xf32>
    %jit3A_4631 = arith.constant 5 : i32
    %broadcast_in_dim3A_4632 = vector.broadcast %jit3A_4631 : i32 to vector<16x128xi32>
    %select_n3A_4633 = arith.select %gt3A_4629, %broadcast_in_dim3A_4632, %select_n3A_4628 : vector<16x128xi1>, vector<16x128xi32>
    %gt3A_4634 = arith.cmpf ogt, %abs3A_4573, %select_n3A_4630 : vector<16x128xf32>
    %select_n3A_4635 = arith.select %gt3A_4634, %abs3A_4573, %select_n3A_4630 : vector<16x128xi1>, vector<16x128xf32>
    %jit3A_4636 = arith.constant 6 : i32
    %broadcast_in_dim3A_4637 = vector.broadcast %jit3A_4636 : i32 to vector<16x128xi32>
    %select_n3A_4638 = arith.select %gt3A_4634, %broadcast_in_dim3A_4637, %select_n3A_4633 : vector<16x128xi1>, vector<16x128xi32>
    %gt3A_4639 = arith.cmpf ogt, %abs3A_4574, %select_n3A_4635 : vector<16x128xf32>
    %select_n3A_4640 = arith.select %gt3A_4639, %abs3A_4574, %select_n3A_4635 : vector<16x128xi1>, vector<16x128xf32>
    %jit3A_4641 = arith.constant 7 : i32
    %broadcast_in_dim3A_4642 = vector.broadcast %jit3A_4641 : i32 to vector<16x128xi32>
    %select_n3A_4643 = arith.select %gt3A_4639, %broadcast_in_dim3A_4642, %select_n3A_4638 : vector<16x128xi1>, vector<16x128xi32>
    %broadcast_in_dim3A_4644 = arith.constant -1.000000e+00 : f32
    %broadcast_in_dim3A_4645 = vector.broadcast %broadcast_in_dim3A_4644 : f32 to vector<16x128xf32>
    %broadcast_in_dim3A_4646 = arith.constant 0 : i32
    %broadcast_in_dim3A_4647 = vector.broadcast %broadcast_in_dim3A_4646 : i32 to vector<16x128xi32>
    %eq3A_4648 = arith.constant 0 : i32
    %eq3A_4649 = vector.broadcast %eq3A_4648 : i32 to vector<16x128xi32>
    %eq3A_4650 = arith.cmpi eq, %select_n3A_4643, %eq3A_4649 : vector<16x128xi32>
    %jit3A_4651 = arith.constant -1.000000e+00 : f32
    %broadcast_in_dim3A_4652 = vector.broadcast %jit3A_4651 : f32 to vector<16x128xf32>
    %select_n3A_4653 = arith.select %eq3A_4650, %broadcast_in_dim3A_4652, %abs3A_4567 : vector<16x128xi1>, vector<16x128xf32>
    %gt3A_4654 = arith.cmpf ogt, %select_n3A_4653, %broadcast_in_dim3A_4645 : vector<16x128xf32>
    %select_n3A_4655 = arith.select %gt3A_4654, %select_n3A_4653, %broadcast_in_dim3A_4645 : vector<16x128xi1>, vector<16x128xf32>
    %jit3A_4656 = arith.constant 0 : i32
    %broadcast_in_dim3A_4657 = vector.broadcast %jit3A_4656 : i32 to vector<16x128xi32>
    %select_n3A_4658 = arith.select %gt3A_4654, %broadcast_in_dim3A_4657, %broadcast_in_dim3A_4647 : vector<16x128xi1>, vector<16x128xi32>
    %eq3A_4659 = arith.constant 1 : i32
    %eq3A_4660 = vector.broadcast %eq3A_4659 : i32 to vector<16x128xi32>
    %eq3A_4661 = arith.cmpi eq, %select_n3A_4643, %eq3A_4660 : vector<16x128xi32>
    %jit3A_4662 = arith.constant -1.000000e+00 : f32
    %broadcast_in_dim3A_4663 = vector.broadcast %jit3A_4662 : f32 to vector<16x128xf32>
    %select_n3A_4664 = arith.select %eq3A_4661, %broadcast_in_dim3A_4663, %abs3A_4568 : vector<16x128xi1>, vector<16x128xf32>
    %gt3A_4665 = arith.cmpf ogt, %select_n3A_4664, %select_n3A_4655 : vector<16x128xf32>
    %select_n3A_4666 = arith.select %gt3A_4665, %select_n3A_4664, %select_n3A_4655 : vector<16x128xi1>, vector<16x128xf32>
    %jit3A_4667 = arith.constant 1 : i32
    %broadcast_in_dim3A_4668 = vector.broadcast %jit3A_4667 : i32 to vector<16x128xi32>
    %select_n3A_4669 = arith.select %gt3A_4665, %broadcast_in_dim3A_4668, %select_n3A_4658 : vector<16x128xi1>, vector<16x128xi32>
    %eq3A_4670 = arith.constant 2 : i32
    %eq3A_4671 = vector.broadcast %eq3A_4670 : i32 to vector<16x128xi32>
    %eq3A_4672 = arith.cmpi eq, %select_n3A_4643, %eq3A_4671 : vector<16x128xi32>
    %jit3A_4673 = arith.constant -1.000000e+00 : f32
    %broadcast_in_dim3A_4674 = vector.broadcast %jit3A_4673 : f32 to vector<16x128xf32>
    %select_n3A_4675 = arith.select %eq3A_4672, %broadcast_in_dim3A_4674, %abs3A_4569 : vector<16x128xi1>, vector<16x128xf32>
    %gt3A_4676 = arith.cmpf ogt, %select_n3A_4675, %select_n3A_4666 : vector<16x128xf32>
    %select_n3A_4677 = arith.select %gt3A_4676, %select_n3A_4675, %select_n3A_4666 : vector<16x128xi1>, vector<16x128xf32>
    %jit3A_4678 = arith.constant 2 : i32
    %broadcast_in_dim3A_4679 = vector.broadcast %jit3A_4678 : i32 to vector<16x128xi32>
    %select_n3A_4680 = arith.select %gt3A_4676, %broadcast_in_dim3A_4679, %select_n3A_4669 : vector<16x128xi1>, vector<16x128xi32>
    %eq3A_4681 = arith.constant 3 : i32
    %eq3A_4682 = vector.broadcast %eq3A_4681 : i32 to vector<16x128xi32>
    %eq3A_4683 = arith.cmpi eq, %select_n3A_4643, %eq3A_4682 : vector<16x128xi32>
    %jit3A_4684 = arith.constant -1.000000e+00 : f32
    %broadcast_in_dim3A_4685 = vector.broadcast %jit3A_4684 : f32 to vector<16x128xf32>
    %select_n3A_4686 = arith.select %eq3A_4683, %broadcast_in_dim3A_4685, %abs3A_4570 : vector<16x128xi1>, vector<16x128xf32>
    %gt3A_4687 = arith.cmpf ogt, %select_n3A_4686, %select_n3A_4677 : vector<16x128xf32>
    %select_n3A_4688 = arith.select %gt3A_4687, %select_n3A_4686, %select_n3A_4677 : vector<16x128xi1>, vector<16x128xf32>
    %jit3A_4689 = arith.constant 3 : i32
    %broadcast_in_dim3A_4690 = vector.broadcast %jit3A_4689 : i32 to vector<16x128xi32>
    %select_n3A_4691 = arith.select %gt3A_4687, %broadcast_in_dim3A_4690, %select_n3A_4680 : vector<16x128xi1>, vector<16x128xi32>
    %eq3A_4692 = arith.constant 4 : i32
    %eq3A_4693 = vector.broadcast %eq3A_4692 : i32 to vector<16x128xi32>
    %eq3A_4694 = arith.cmpi eq, %select_n3A_4643, %eq3A_4693 : vector<16x128xi32>
    %jit3A_4695 = arith.constant -1.000000e+00 : f32
    %broadcast_in_dim3A_4696 = vector.broadcast %jit3A_4695 : f32 to vector<16x128xf32>
    %select_n3A_4697 = arith.select %eq3A_4694, %broadcast_in_dim3A_4696, %abs3A_4571 : vector<16x128xi1>, vector<16x128xf32>
    %gt3A_4698 = arith.cmpf ogt, %select_n3A_4697, %select_n3A_4688 : vector<16x128xf32>
    %select_n3A_4699 = arith.select %gt3A_4698, %select_n3A_4697, %select_n3A_4688 : vector<16x128xi1>, vector<16x128xf32>
    %jit3A_4700 = arith.constant 4 : i32
    %broadcast_in_dim3A_4701 = vector.broadcast %jit3A_4700 : i32 to vector<16x128xi32>
    %select_n3A_4702 = arith.select %gt3A_4698, %broadcast_in_dim3A_4701, %select_n3A_4691 : vector<16x128xi1>, vector<16x128xi32>
    %eq3A_4703 = arith.constant 5 : i32
    %eq3A_4704 = vector.broadcast %eq3A_4703 : i32 to vector<16x128xi32>
    %eq3A_4705 = arith.cmpi eq, %select_n3A_4643, %eq3A_4704 : vector<16x128xi32>
    %jit3A_4706 = arith.constant -1.000000e+00 : f32
    %broadcast_in_dim3A_4707 = vector.broadcast %jit3A_4706 : f32 to vector<16x128xf32>
    %select_n3A_4708 = arith.select %eq3A_4705, %broadcast_in_dim3A_4707, %abs3A_4572 : vector<16x128xi1>, vector<16x128xf32>
    %gt3A_4709 = arith.cmpf ogt, %select_n3A_4708, %select_n3A_4699 : vector<16x128xf32>
    %select_n3A_4710 = arith.select %gt3A_4709, %select_n3A_4708, %select_n3A_4699 : vector<16x128xi1>, vector<16x128xf32>
    %jit3A_4711 = arith.constant 5 : i32
    %broadcast_in_dim3A_4712 = vector.broadcast %jit3A_4711 : i32 to vector<16x128xi32>
    %select_n3A_4713 = arith.select %gt3A_4709, %broadcast_in_dim3A_4712, %select_n3A_4702 : vector<16x128xi1>, vector<16x128xi32>
    %eq3A_4714 = arith.constant 6 : i32
    %eq3A_4715 = vector.broadcast %eq3A_4714 : i32 to vector<16x128xi32>
    %eq3A_4716 = arith.cmpi eq, %select_n3A_4643, %eq3A_4715 : vector<16x128xi32>
    %jit3A_4717 = arith.constant -1.000000e+00 : f32
    %broadcast_in_dim3A_4718 = vector.broadcast %jit3A_4717 : f32 to vector<16x128xf32>
    %select_n3A_4719 = arith.select %eq3A_4716, %broadcast_in_dim3A_4718, %abs3A_4573 : vector<16x128xi1>, vector<16x128xf32>
    %gt3A_4720 = arith.cmpf ogt, %select_n3A_4719, %select_n3A_4710 : vector<16x128xf32>
    %select_n3A_4721 = arith.select %gt3A_4720, %select_n3A_4719, %select_n3A_4710 : vector<16x128xi1>, vector<16x128xf32>
    %jit3A_4722 = arith.constant 6 : i32
    %broadcast_in_dim3A_4723 = vector.broadcast %jit3A_4722 : i32 to vector<16x128xi32>
    %select_n3A_4724 = arith.select %gt3A_4720, %broadcast_in_dim3A_4723, %select_n3A_4713 : vector<16x128xi1>, vector<16x128xi32>
    %eq3A_4725 = arith.constant 7 : i32
    %eq3A_4726 = vector.broadcast %eq3A_4725 : i32 to vector<16x128xi32>
    %eq3A_4727 = arith.cmpi eq, %select_n3A_4643, %eq3A_4726 : vector<16x128xi32>
    %jit3A_4728 = arith.constant -1.000000e+00 : f32
    %broadcast_in_dim3A_4729 = vector.broadcast %jit3A_4728 : f32 to vector<16x128xf32>
    %select_n3A_4730 = arith.select %eq3A_4727, %broadcast_in_dim3A_4729, %abs3A_4574 : vector<16x128xi1>, vector<16x128xf32>
    %gt3A_4731 = arith.cmpf ogt, %select_n3A_4730, %select_n3A_4721 : vector<16x128xf32>
    %select_n3A_4732 = arith.select %gt3A_4731, %select_n3A_4730, %select_n3A_4721 : vector<16x128xi1>, vector<16x128xf32>
    %jit3A_4733 = arith.constant 7 : i32
    %broadcast_in_dim3A_4734 = vector.broadcast %jit3A_4733 : i32 to vector<16x128xi32>
    %select_n3A_4735 = arith.select %gt3A_4731, %broadcast_in_dim3A_4734, %select_n3A_4724 : vector<16x128xi1>, vector<16x128xi32>
    %add3A_4736 = arith.addf %select_n3A_4640, %select_n3A_4732 : vector<16x128xf32>
    %add3A_4737 = arith.addf %abs3A_4567, %abs3A_4568 : vector<16x128xf32>
    %min3A_4738 = arith.minimumf %abs3A_4567, %abs3A_4568 : vector<16x128xf32>
    %add3A_4739 = arith.addf %add3A_4737, %abs3A_4569 : vector<16x128xf32>
    %min3A_4740 = arith.minimumf %min3A_4738, %abs3A_4569 : vector<16x128xf32>
    %add3A_4741 = arith.addf %add3A_4739, %abs3A_4570 : vector<16x128xf32>
    %min3A_4742 = arith.minimumf %min3A_4740, %abs3A_4570 : vector<16x128xf32>
    %add3A_4743 = arith.addf %add3A_4741, %abs3A_4571 : vector<16x128xf32>
    %min3A_4744 = arith.minimumf %min3A_4742, %abs3A_4571 : vector<16x128xf32>
    %add3A_4745 = arith.addf %add3A_4743, %abs3A_4572 : vector<16x128xf32>
    %min3A_4746 = arith.minimumf %min3A_4744, %abs3A_4572 : vector<16x128xf32>
    %add3A_4747 = arith.addf %add3A_4745, %abs3A_4573 : vector<16x128xf32>
    %min3A_4748 = arith.minimumf %min3A_4746, %abs3A_4573 : vector<16x128xf32>
    %add3A_4749 = arith.addf %add3A_4747, %abs3A_4574 : vector<16x128xf32>
    %min3A_4750 = arith.minimumf %min3A_4748, %abs3A_4574 : vector<16x128xf32>
    %eq3A_4751 = arith.cmpf oeq, %abs3A_4567, %min3A_4750 : vector<16x128xf32>
    %and3A_4752 = arith.andi %eq3A_4751, %lt3A_4577 : vector<16x128xi1>
    %broadcast_in_dim3A_4753 = arith.constant 0 : i32
    %broadcast_in_dim3A_4754 = vector.broadcast %broadcast_in_dim3A_4753 : i32 to vector<16x128xi32>
    %eq3A_4755 = arith.cmpf oeq, %abs3A_4567, %min3A_4750 : vector<16x128xf32>
    %and3A_4756 = arith.andi %eq3A_4755, %lt3A_4577 : vector<16x128xi1>
    %jit3A_4757 = arith.constant 0 : i32
    %broadcast_in_dim3A_4758 = vector.broadcast %jit3A_4757 : i32 to vector<16x128xi32>
    %select_n3A_4759 = arith.select %and3A_4756, %broadcast_in_dim3A_4758, %broadcast_in_dim3A_4754 : vector<16x128xi1>, vector<16x128xi32>
    %eq3A_4760 = arith.cmpf oeq, %abs3A_4568, %min3A_4750 : vector<16x128xf32>
    %and3A_4761 = arith.andi %eq3A_4760, %lt3A_4580 : vector<16x128xi1>
    %jit3A_4762 = arith.constant 1 : i32
    %broadcast_in_dim3A_4763 = vector.broadcast %jit3A_4762 : i32 to vector<16x128xi32>
    %select_n3A_4764 = arith.select %and3A_4761, %broadcast_in_dim3A_4763, %select_n3A_4759 : vector<16x128xi1>, vector<16x128xi32>
    %or3A_4765 = arith.ori %and3A_4752, %and3A_4761 : vector<16x128xi1>
    %eq3A_4766 = arith.cmpf oeq, %abs3A_4569, %min3A_4750 : vector<16x128xf32>
    %and3A_4767 = arith.andi %eq3A_4766, %lt3A_4583 : vector<16x128xi1>
    %jit3A_4768 = arith.constant 2 : i32
    %broadcast_in_dim3A_4769 = vector.broadcast %jit3A_4768 : i32 to vector<16x128xi32>
    %select_n3A_4770 = arith.select %and3A_4767, %broadcast_in_dim3A_4769, %select_n3A_4764 : vector<16x128xi1>, vector<16x128xi32>
    %or3A_4771 = arith.ori %or3A_4765, %and3A_4767 : vector<16x128xi1>
    %eq3A_4772 = arith.cmpf oeq, %abs3A_4570, %min3A_4750 : vector<16x128xf32>
    %and3A_4773 = arith.andi %eq3A_4772, %lt3A_4586 : vector<16x128xi1>
    %jit3A_4774 = arith.constant 3 : i32
    %broadcast_in_dim3A_4775 = vector.broadcast %jit3A_4774 : i32 to vector<16x128xi32>
    %select_n3A_4776 = arith.select %and3A_4773, %broadcast_in_dim3A_4775, %select_n3A_4770 : vector<16x128xi1>, vector<16x128xi32>
    %or3A_4777 = arith.ori %or3A_4771, %and3A_4773 : vector<16x128xi1>
    %eq3A_4778 = arith.cmpf oeq, %abs3A_4571, %min3A_4750 : vector<16x128xf32>
    %and3A_4779 = arith.andi %eq3A_4778, %lt3A_4589 : vector<16x128xi1>
    %jit3A_4780 = arith.constant 4 : i32
    %broadcast_in_dim3A_4781 = vector.broadcast %jit3A_4780 : i32 to vector<16x128xi32>
    %select_n3A_4782 = arith.select %and3A_4779, %broadcast_in_dim3A_4781, %select_n3A_4776 : vector<16x128xi1>, vector<16x128xi32>
    %or3A_4783 = arith.ori %or3A_4777, %and3A_4779 : vector<16x128xi1>
    %eq3A_4784 = arith.cmpf oeq, %abs3A_4572, %min3A_4750 : vector<16x128xf32>
    %and3A_4785 = arith.andi %eq3A_4784, %lt3A_4592 : vector<16x128xi1>
    %jit3A_4786 = arith.constant 5 : i32
    %broadcast_in_dim3A_4787 = vector.broadcast %jit3A_4786 : i32 to vector<16x128xi32>
    %select_n3A_4788 = arith.select %and3A_4785, %broadcast_in_dim3A_4787, %select_n3A_4782 : vector<16x128xi1>, vector<16x128xi32>
    %or3A_4789 = arith.ori %or3A_4783, %and3A_4785 : vector<16x128xi1>
    %eq3A_4790 = arith.cmpf oeq, %abs3A_4573, %min3A_4750 : vector<16x128xf32>
    %and3A_4791 = arith.andi %eq3A_4790, %lt3A_4595 : vector<16x128xi1>
    %jit3A_4792 = arith.constant 6 : i32
    %broadcast_in_dim3A_4793 = vector.broadcast %jit3A_4792 : i32 to vector<16x128xi32>
    %select_n3A_4794 = arith.select %and3A_4791, %broadcast_in_dim3A_4793, %select_n3A_4788 : vector<16x128xi1>, vector<16x128xi32>
    %or3A_4795 = arith.ori %or3A_4789, %and3A_4791 : vector<16x128xi1>
    %eq3A_4796 = arith.cmpf oeq, %abs3A_4574, %min3A_4750 : vector<16x128xf32>
    %and3A_4797 = arith.andi %eq3A_4796, %lt3A_4598 : vector<16x128xi1>
    %jit3A_4798 = arith.constant 7 : i32
    %broadcast_in_dim3A_4799 = vector.broadcast %jit3A_4798 : i32 to vector<16x128xi32>
    %select_n3A_4800 = arith.select %and3A_4797, %broadcast_in_dim3A_4799, %select_n3A_4794 : vector<16x128xi1>, vector<16x128xi32>
    %or3A_4801 = arith.ori %or3A_4795, %and3A_4797 : vector<16x128xi1>
    %broadcast_in_dim3A_4802 = arith.constant 0 : i32
    %broadcast_in_dim3A_4803 = vector.broadcast %broadcast_in_dim3A_4802 : i32 to vector<16x128xi32>
    %eq3A_4804 = arith.cmpf oeq, %abs3A_4574, %min3A_4750 : vector<16x128xf32>
    %jit3A_4805 = arith.constant 7 : i32
    %broadcast_in_dim3A_4806 = vector.broadcast %jit3A_4805 : i32 to vector<16x128xi32>
    %select_n3A_4807 = arith.select %eq3A_4804, %broadcast_in_dim3A_4806, %broadcast_in_dim3A_4803 : vector<16x128xi1>, vector<16x128xi32>
    %eq3A_4808 = arith.cmpf oeq, %abs3A_4573, %min3A_4750 : vector<16x128xf32>
    %jit3A_4809 = arith.constant 6 : i32
    %broadcast_in_dim3A_4810 = vector.broadcast %jit3A_4809 : i32 to vector<16x128xi32>
    %select_n3A_4811 = arith.select %eq3A_4808, %broadcast_in_dim3A_4810, %select_n3A_4807 : vector<16x128xi1>, vector<16x128xi32>
    %eq3A_4812 = arith.cmpf oeq, %abs3A_4572, %min3A_4750 : vector<16x128xf32>
    %jit3A_4813 = arith.constant 5 : i32
    %broadcast_in_dim3A_4814 = vector.broadcast %jit3A_4813 : i32 to vector<16x128xi32>
    %select_n3A_4815 = arith.select %eq3A_4812, %broadcast_in_dim3A_4814, %select_n3A_4811 : vector<16x128xi1>, vector<16x128xi32>
    %eq3A_4816 = arith.cmpf oeq, %abs3A_4571, %min3A_4750 : vector<16x128xf32>
    %jit3A_4817 = arith.constant 4 : i32
    %broadcast_in_dim3A_4818 = vector.broadcast %jit3A_4817 : i32 to vector<16x128xi32>
    %select_n3A_4819 = arith.select %eq3A_4816, %broadcast_in_dim3A_4818, %select_n3A_4815 : vector<16x128xi1>, vector<16x128xi32>
    %eq3A_4820 = arith.cmpf oeq, %abs3A_4570, %min3A_4750 : vector<16x128xf32>
    %jit3A_4821 = arith.constant 3 : i32
    %broadcast_in_dim3A_4822 = vector.broadcast %jit3A_4821 : i32 to vector<16x128xi32>
    %select_n3A_4823 = arith.select %eq3A_4820, %broadcast_in_dim3A_4822, %select_n3A_4819 : vector<16x128xi1>, vector<16x128xi32>
    %eq3A_4824 = arith.cmpf oeq, %abs3A_4569, %min3A_4750 : vector<16x128xf32>
    %jit3A_4825 = arith.constant 2 : i32
    %broadcast_in_dim3A_4826 = vector.broadcast %jit3A_4825 : i32 to vector<16x128xi32>
    %select_n3A_4827 = arith.select %eq3A_4824, %broadcast_in_dim3A_4826, %select_n3A_4823 : vector<16x128xi1>, vector<16x128xi32>
    %eq3A_4828 = arith.cmpf oeq, %abs3A_4568, %min3A_4750 : vector<16x128xf32>
    %jit3A_4829 = arith.constant 1 : i32
    %broadcast_in_dim3A_4830 = vector.broadcast %jit3A_4829 : i32 to vector<16x128xi32>
    %select_n3A_4831 = arith.select %eq3A_4828, %broadcast_in_dim3A_4830, %select_n3A_4827 : vector<16x128xi1>, vector<16x128xi32>
    %eq3A_4832 = arith.cmpf oeq, %abs3A_4567, %min3A_4750 : vector<16x128xf32>
    %jit3A_4833 = arith.constant 0 : i32
    %broadcast_in_dim3A_4834 = vector.broadcast %jit3A_4833 : i32 to vector<16x128xi32>
    %select_n3A_4835 = arith.select %eq3A_4832, %broadcast_in_dim3A_4834, %select_n3A_4831 : vector<16x128xi1>, vector<16x128xi32>
    %select_n3A_4836 = arith.select %or3A_4801, %select_n3A_4800, %select_n3A_4835 : vector<16x128xi1>, vector<16x128xi32>
    %xor3A_4837 = arith.xori %convert_element_type3A_4599, %convert_element_type3A_4600 : vector<16x128xi32>
    %xor3A_4838 = arith.xori %xor3A_4837, %convert_element_type3A_4601 : vector<16x128xi32>
    %xor3A_4839 = arith.xori %xor3A_4838, %convert_element_type3A_4602 : vector<16x128xi32>
    %xor3A_4840 = arith.xori %xor3A_4839, %convert_element_type3A_4603 : vector<16x128xi32>
    %xor3A_4841 = arith.xori %xor3A_4840, %convert_element_type3A_4604 : vector<16x128xi32>
    %xor3A_4842 = arith.xori %xor3A_4841, %convert_element_type3A_4605 : vector<16x128xi32>
    %xor3A_4843 = arith.xori %xor3A_4842, %convert_element_type3A_4606 : vector<16x128xi32>
    %eq3A_4844 = arith.constant 1 : i32
    %eq3A_4845 = vector.broadcast %eq3A_4844 : i32 to vector<16x128xi32>
    %eq3A_4846 = arith.cmpi eq, %xor3A_4843, %eq3A_4845 : vector<16x128xi32>
    %mul3A_4847 = arith.constant 5.000000e-01 : f32
    %mul3A_4848 = vector.broadcast %mul3A_4847 : f32 to vector<16x128xf32>
    %mul3A_4849 = arith.mulf %mul3A_4848, %add3A_4749 : vector<16x128xf32>
    %jit3A_4850 = arith.constant 0.000000e+00 : f32
    %broadcast_in_dim3A_4851 = vector.broadcast %jit3A_4850 : f32 to vector<16x128xf32>
    %select_n3A_4852 = arith.select %eq3A_4846, %min3A_4750, %broadcast_in_dim3A_4851 : vector<16x128xi1>, vector<16x128xf32>
    %sub3A_4853 = arith.subf %mul3A_4849, %select_n3A_4852 : vector<16x128xf32>
    %ge3A_4854 = arith.cmpf oge, %add3A_4736, %sub3A_4853 : vector<16x128xf32>
    %min3A_4855 = arith.minsi %select_n3A_4643, %select_n3A_4735 : vector<16x128xi32>
    %max3A_4856 = arith.maxsi %select_n3A_4643, %select_n3A_4735 : vector<16x128xi32>
    %sub3A_4857 = arith.constant 15 : i32
    %sub3A_4858 = vector.broadcast %sub3A_4857 : i32 to vector<16x128xi32>
    %sub3A_4859 = arith.subi %sub3A_4858, %min3A_4855 : vector<16x128xi32>
    %mul3A_4860 = arith.muli %min3A_4855, %sub3A_4859 : vector<16x128xi32>
    %shift_right_arithmetic3A_4861 = arith.constant 1 : i32
    %shift_right_arithmetic3A_4862 = vector.broadcast %shift_right_arithmetic3A_4861 : i32 to vector<16x128xi32>
    %shift_right_arithmetic3A_4863 = arith.shrsi %mul3A_4860, %shift_right_arithmetic3A_4862 : vector<16x128xi32>
    %sub3A_4864 = arith.subi %max3A_4856, %min3A_4855 : vector<16x128xi32>
    %sub3A_4865 = arith.constant 1 : i32
    %sub3A_4866 = vector.broadcast %sub3A_4865 : i32 to vector<16x128xi32>
    %sub3A_4867 = arith.subi %sub3A_4864, %sub3A_4866 : vector<16x128xi32>
    %add3A_4868 = arith.addi %shift_right_arithmetic3A_4863, %sub3A_4867 : vector<16x128xi32>
    %broadcast_in_dim3A_4869 = arith.constant 0 : i32
    %broadcast_in_dim3A_4870 = vector.broadcast %broadcast_in_dim3A_4869 : i32 to vector<16x128xi32>
    %broadcast_in_dim3A_4871 = arith.constant 0 : i32
    %broadcast_in_dim3A_4872 = vector.broadcast %broadcast_in_dim3A_4871 : i32 to vector<16x128xi32>
    %eq3A_4873 = arith.constant 0 : i32
    %eq3A_4874 = vector.broadcast %eq3A_4873 : i32 to vector<16x128xi32>
    %eq3A_4875 = arith.cmpi eq, %min3A_4855, %eq3A_4874 : vector<16x128xi32>
    %select_n3A_4876 = arith.select %eq3A_4875, %convert_element_type3A_4599, %broadcast_in_dim3A_4870 : vector<16x128xi1>, vector<16x128xi32>
    %eq3A_4877 = arith.constant 0 : i32
    %eq3A_4878 = vector.broadcast %eq3A_4877 : i32 to vector<16x128xi32>
    %eq3A_4879 = arith.cmpi eq, %max3A_4856, %eq3A_4878 : vector<16x128xi32>
    %select_n3A_4880 = arith.select %eq3A_4879, %convert_element_type3A_4599, %broadcast_in_dim3A_4872 : vector<16x128xi1>, vector<16x128xi32>
    %eq3A_4881 = arith.constant 1 : i32
    %eq3A_4882 = vector.broadcast %eq3A_4881 : i32 to vector<16x128xi32>
    %eq3A_4883 = arith.cmpi eq, %min3A_4855, %eq3A_4882 : vector<16x128xi32>
    %select_n3A_4884 = arith.select %eq3A_4883, %convert_element_type3A_4600, %select_n3A_4876 : vector<16x128xi1>, vector<16x128xi32>
    %eq3A_4885 = arith.constant 1 : i32
    %eq3A_4886 = vector.broadcast %eq3A_4885 : i32 to vector<16x128xi32>
    %eq3A_4887 = arith.cmpi eq, %max3A_4856, %eq3A_4886 : vector<16x128xi32>
    %select_n3A_4888 = arith.select %eq3A_4887, %convert_element_type3A_4600, %select_n3A_4880 : vector<16x128xi1>, vector<16x128xi32>
    %eq3A_4889 = arith.constant 2 : i32
    %eq3A_4890 = vector.broadcast %eq3A_4889 : i32 to vector<16x128xi32>
    %eq3A_4891 = arith.cmpi eq, %min3A_4855, %eq3A_4890 : vector<16x128xi32>
    %select_n3A_4892 = arith.select %eq3A_4891, %convert_element_type3A_4601, %select_n3A_4884 : vector<16x128xi1>, vector<16x128xi32>
    %eq3A_4893 = arith.constant 2 : i32
    %eq3A_4894 = vector.broadcast %eq3A_4893 : i32 to vector<16x128xi32>
    %eq3A_4895 = arith.cmpi eq, %max3A_4856, %eq3A_4894 : vector<16x128xi32>
    %select_n3A_4896 = arith.select %eq3A_4895, %convert_element_type3A_4601, %select_n3A_4888 : vector<16x128xi1>, vector<16x128xi32>
    %eq3A_4897 = arith.constant 3 : i32
    %eq3A_4898 = vector.broadcast %eq3A_4897 : i32 to vector<16x128xi32>
    %eq3A_4899 = arith.cmpi eq, %min3A_4855, %eq3A_4898 : vector<16x128xi32>
    %select_n3A_4900 = arith.select %eq3A_4899, %convert_element_type3A_4602, %select_n3A_4892 : vector<16x128xi1>, vector<16x128xi32>
    %eq3A_4901 = arith.constant 3 : i32
    %eq3A_4902 = vector.broadcast %eq3A_4901 : i32 to vector<16x128xi32>
    %eq3A_4903 = arith.cmpi eq, %max3A_4856, %eq3A_4902 : vector<16x128xi32>
    %select_n3A_4904 = arith.select %eq3A_4903, %convert_element_type3A_4602, %select_n3A_4896 : vector<16x128xi1>, vector<16x128xi32>
    %eq3A_4905 = arith.constant 4 : i32
    %eq3A_4906 = vector.broadcast %eq3A_4905 : i32 to vector<16x128xi32>
    %eq3A_4907 = arith.cmpi eq, %min3A_4855, %eq3A_4906 : vector<16x128xi32>
    %select_n3A_4908 = arith.select %eq3A_4907, %convert_element_type3A_4603, %select_n3A_4900 : vector<16x128xi1>, vector<16x128xi32>
    %eq3A_4909 = arith.constant 4 : i32
    %eq3A_4910 = vector.broadcast %eq3A_4909 : i32 to vector<16x128xi32>
    %eq3A_4911 = arith.cmpi eq, %max3A_4856, %eq3A_4910 : vector<16x128xi32>
    %select_n3A_4912 = arith.select %eq3A_4911, %convert_element_type3A_4603, %select_n3A_4904 : vector<16x128xi1>, vector<16x128xi32>
    %eq3A_4913 = arith.constant 5 : i32
    %eq3A_4914 = vector.broadcast %eq3A_4913 : i32 to vector<16x128xi32>
    %eq3A_4915 = arith.cmpi eq, %min3A_4855, %eq3A_4914 : vector<16x128xi32>
    %select_n3A_4916 = arith.select %eq3A_4915, %convert_element_type3A_4604, %select_n3A_4908 : vector<16x128xi1>, vector<16x128xi32>
    %eq3A_4917 = arith.constant 5 : i32
    %eq3A_4918 = vector.broadcast %eq3A_4917 : i32 to vector<16x128xi32>
    %eq3A_4919 = arith.cmpi eq, %max3A_4856, %eq3A_4918 : vector<16x128xi32>
    %select_n3A_4920 = arith.select %eq3A_4919, %convert_element_type3A_4604, %select_n3A_4912 : vector<16x128xi1>, vector<16x128xi32>
    %eq3A_4921 = arith.constant 6 : i32
    %eq3A_4922 = vector.broadcast %eq3A_4921 : i32 to vector<16x128xi32>
    %eq3A_4923 = arith.cmpi eq, %min3A_4855, %eq3A_4922 : vector<16x128xi32>
    %select_n3A_4924 = arith.select %eq3A_4923, %convert_element_type3A_4605, %select_n3A_4916 : vector<16x128xi1>, vector<16x128xi32>
    %eq3A_4925 = arith.constant 6 : i32
    %eq3A_4926 = vector.broadcast %eq3A_4925 : i32 to vector<16x128xi32>
    %eq3A_4927 = arith.cmpi eq, %max3A_4856, %eq3A_4926 : vector<16x128xi32>
    %select_n3A_4928 = arith.select %eq3A_4927, %convert_element_type3A_4605, %select_n3A_4920 : vector<16x128xi1>, vector<16x128xi32>
    %eq3A_4929 = arith.constant 7 : i32
    %eq3A_4930 = vector.broadcast %eq3A_4929 : i32 to vector<16x128xi32>
    %eq3A_4931 = arith.cmpi eq, %min3A_4855, %eq3A_4930 : vector<16x128xi32>
    %select_n3A_4932 = arith.select %eq3A_4931, %convert_element_type3A_4606, %select_n3A_4924 : vector<16x128xi1>, vector<16x128xi32>
    %eq3A_4933 = arith.constant 7 : i32
    %eq3A_4934 = vector.broadcast %eq3A_4933 : i32 to vector<16x128xi32>
    %eq3A_4935 = arith.cmpi eq, %max3A_4856, %eq3A_4934 : vector<16x128xi32>
    %select_n3A_4936 = arith.select %eq3A_4935, %convert_element_type3A_4606, %select_n3A_4928 : vector<16x128xi1>, vector<16x128xi32>
    %mul3A_4937 = arith.constant 4 : i32
    %mul3A_4938 = vector.broadcast %mul3A_4937 : i32 to vector<16x128xi32>
    %mul3A_4939 = arith.muli %mul3A_4938, %add3A_4868 : vector<16x128xi32>
    %mul3A_4940 = arith.constant 2 : i32
    %mul3A_4941 = vector.broadcast %mul3A_4940 : i32 to vector<16x128xi32>
    %mul3A_4942 = arith.muli %mul3A_4941, %select_n3A_4932 : vector<16x128xi32>
    %add3A_4943 = arith.addi %mul3A_4939, %mul3A_4942 : vector<16x128xi32>
    %add3A_4944 = arith.addi %add3A_4943, %select_n3A_4936 : vector<16x128xi32>
    %broadcast_in_dim3A_4945 = arith.constant 0 : i32
    %broadcast_in_dim3A_4946 = vector.broadcast %broadcast_in_dim3A_4945 : i32 to vector<16x128xi32>
    %eq3A_4947 = arith.constant 0 : i32
    %eq3A_4948 = vector.broadcast %eq3A_4947 : i32 to vector<16x128xi32>
    %eq3A_4949 = arith.cmpi eq, %select_n3A_4836, %eq3A_4948 : vector<16x128xi32>
    %and3A_4950 = arith.andi %eq3A_4846, %eq3A_4949 : vector<16x128xi1>
    %sub3A_4951 = arith.constant 1 : i32
    %sub3A_4952 = vector.broadcast %sub3A_4951 : i32 to vector<16x128xi32>
    %sub3A_4953 = arith.subi %sub3A_4952, %convert_element_type3A_4599 : vector<16x128xi32>
    %select_n3A_4954 = arith.select %and3A_4950, %sub3A_4953, %convert_element_type3A_4599 : vector<16x128xi1>, vector<16x128xi32>
    %shift_left3A_4955 = arith.constant 0 : i32
    %shift_left3A_4956 = vector.broadcast %shift_left3A_4955 : i32 to vector<16x128xi32>
    %shift_left3A_4957 = arith.shli %select_n3A_4954, %shift_left3A_4956 : vector<16x128xi32>
    %add3A_4958 = arith.addi %broadcast_in_dim3A_4946, %shift_left3A_4957 : vector<16x128xi32>
    %eq3A_4959 = arith.constant 1 : i32
    %eq3A_4960 = vector.broadcast %eq3A_4959 : i32 to vector<16x128xi32>
    %eq3A_4961 = arith.cmpi eq, %select_n3A_4836, %eq3A_4960 : vector<16x128xi32>
    %and3A_4962 = arith.andi %eq3A_4846, %eq3A_4961 : vector<16x128xi1>
    %sub3A_4963 = arith.constant 1 : i32
    %sub3A_4964 = vector.broadcast %sub3A_4963 : i32 to vector<16x128xi32>
    %sub3A_4965 = arith.subi %sub3A_4964, %convert_element_type3A_4600 : vector<16x128xi32>
    %select_n3A_4966 = arith.select %and3A_4962, %sub3A_4965, %convert_element_type3A_4600 : vector<16x128xi1>, vector<16x128xi32>
    %shift_left3A_4967 = arith.constant 1 : i32
    %shift_left3A_4968 = vector.broadcast %shift_left3A_4967 : i32 to vector<16x128xi32>
    %shift_left3A_4969 = arith.shli %select_n3A_4966, %shift_left3A_4968 : vector<16x128xi32>
    %add3A_4970 = arith.addi %add3A_4958, %shift_left3A_4969 : vector<16x128xi32>
    %eq3A_4971 = arith.constant 2 : i32
    %eq3A_4972 = vector.broadcast %eq3A_4971 : i32 to vector<16x128xi32>
    %eq3A_4973 = arith.cmpi eq, %select_n3A_4836, %eq3A_4972 : vector<16x128xi32>
    %and3A_4974 = arith.andi %eq3A_4846, %eq3A_4973 : vector<16x128xi1>
    %sub3A_4975 = arith.constant 1 : i32
    %sub3A_4976 = vector.broadcast %sub3A_4975 : i32 to vector<16x128xi32>
    %sub3A_4977 = arith.subi %sub3A_4976, %convert_element_type3A_4601 : vector<16x128xi32>
    %select_n3A_4978 = arith.select %and3A_4974, %sub3A_4977, %convert_element_type3A_4601 : vector<16x128xi1>, vector<16x128xi32>
    %shift_left3A_4979 = arith.constant 2 : i32
    %shift_left3A_4980 = vector.broadcast %shift_left3A_4979 : i32 to vector<16x128xi32>
    %shift_left3A_4981 = arith.shli %select_n3A_4978, %shift_left3A_4980 : vector<16x128xi32>
    %add3A_4982 = arith.addi %add3A_4970, %shift_left3A_4981 : vector<16x128xi32>
    %eq3A_4983 = arith.constant 3 : i32
    %eq3A_4984 = vector.broadcast %eq3A_4983 : i32 to vector<16x128xi32>
    %eq3A_4985 = arith.cmpi eq, %select_n3A_4836, %eq3A_4984 : vector<16x128xi32>
    %and3A_4986 = arith.andi %eq3A_4846, %eq3A_4985 : vector<16x128xi1>
    %sub3A_4987 = arith.constant 1 : i32
    %sub3A_4988 = vector.broadcast %sub3A_4987 : i32 to vector<16x128xi32>
    %sub3A_4989 = arith.subi %sub3A_4988, %convert_element_type3A_4602 : vector<16x128xi32>
    %select_n3A_4990 = arith.select %and3A_4986, %sub3A_4989, %convert_element_type3A_4602 : vector<16x128xi1>, vector<16x128xi32>
    %shift_left3A_4991 = arith.constant 3 : i32
    %shift_left3A_4992 = vector.broadcast %shift_left3A_4991 : i32 to vector<16x128xi32>
    %shift_left3A_4993 = arith.shli %select_n3A_4990, %shift_left3A_4992 : vector<16x128xi32>
    %add3A_4994 = arith.addi %add3A_4982, %shift_left3A_4993 : vector<16x128xi32>
    %eq3A_4995 = arith.constant 4 : i32
    %eq3A_4996 = vector.broadcast %eq3A_4995 : i32 to vector<16x128xi32>
    %eq3A_4997 = arith.cmpi eq, %select_n3A_4836, %eq3A_4996 : vector<16x128xi32>
    %and3A_4998 = arith.andi %eq3A_4846, %eq3A_4997 : vector<16x128xi1>
    %sub3A_4999 = arith.constant 1 : i32
    %sub3A_5000 = vector.broadcast %sub3A_4999 : i32 to vector<16x128xi32>
    %sub3A_5001 = arith.subi %sub3A_5000, %convert_element_type3A_4603 : vector<16x128xi32>
    %select_n3A_5002 = arith.select %and3A_4998, %sub3A_5001, %convert_element_type3A_4603 : vector<16x128xi1>, vector<16x128xi32>
    %shift_left3A_5003 = arith.constant 4 : i32
    %shift_left3A_5004 = vector.broadcast %shift_left3A_5003 : i32 to vector<16x128xi32>
    %shift_left3A_5005 = arith.shli %select_n3A_5002, %shift_left3A_5004 : vector<16x128xi32>
    %add3A_5006 = arith.addi %add3A_4994, %shift_left3A_5005 : vector<16x128xi32>
    %eq3A_5007 = arith.constant 5 : i32
    %eq3A_5008 = vector.broadcast %eq3A_5007 : i32 to vector<16x128xi32>
    %eq3A_5009 = arith.cmpi eq, %select_n3A_4836, %eq3A_5008 : vector<16x128xi32>
    %and3A_5010 = arith.andi %eq3A_4846, %eq3A_5009 : vector<16x128xi1>
    %sub3A_5011 = arith.constant 1 : i32
    %sub3A_5012 = vector.broadcast %sub3A_5011 : i32 to vector<16x128xi32>
    %sub3A_5013 = arith.subi %sub3A_5012, %convert_element_type3A_4604 : vector<16x128xi32>
    %select_n3A_5014 = arith.select %and3A_5010, %sub3A_5013, %convert_element_type3A_4604 : vector<16x128xi1>, vector<16x128xi32>
    %shift_left3A_5015 = arith.constant 5 : i32
    %shift_left3A_5016 = vector.broadcast %shift_left3A_5015 : i32 to vector<16x128xi32>
    %shift_left3A_5017 = arith.shli %select_n3A_5014, %shift_left3A_5016 : vector<16x128xi32>
    %add3A_5018 = arith.addi %add3A_5006, %shift_left3A_5017 : vector<16x128xi32>
    %eq3A_5019 = arith.constant 6 : i32
    %eq3A_5020 = vector.broadcast %eq3A_5019 : i32 to vector<16x128xi32>
    %eq3A_5021 = arith.cmpi eq, %select_n3A_4836, %eq3A_5020 : vector<16x128xi32>
    %and3A_5022 = arith.andi %eq3A_4846, %eq3A_5021 : vector<16x128xi1>
    %sub3A_5023 = arith.constant 1 : i32
    %sub3A_5024 = vector.broadcast %sub3A_5023 : i32 to vector<16x128xi32>
    %sub3A_5025 = arith.subi %sub3A_5024, %convert_element_type3A_4605 : vector<16x128xi32>
    %select_n3A_5026 = arith.select %and3A_5022, %sub3A_5025, %convert_element_type3A_4605 : vector<16x128xi1>, vector<16x128xi32>
    %shift_left3A_5027 = arith.constant 6 : i32
    %shift_left3A_5028 = vector.broadcast %shift_left3A_5027 : i32 to vector<16x128xi32>
    %shift_left3A_5029 = arith.shli %select_n3A_5026, %shift_left3A_5028 : vector<16x128xi32>
    %add3A_5030 = arith.addi %add3A_5018, %shift_left3A_5029 : vector<16x128xi32>
    %eq3A_5031 = arith.constant 7 : i32
    %eq3A_5032 = vector.broadcast %eq3A_5031 : i32 to vector<16x128xi32>
    %eq3A_5033 = arith.cmpi eq, %select_n3A_4836, %eq3A_5032 : vector<16x128xi32>
    %and3A_5034 = arith.andi %eq3A_4846, %eq3A_5033 : vector<16x128xi1>
    %sub3A_5035 = arith.constant 1 : i32
    %sub3A_5036 = vector.broadcast %sub3A_5035 : i32 to vector<16x128xi32>
    %sub3A_5037 = arith.subi %sub3A_5036, %convert_element_type3A_4606 : vector<16x128xi32>
    %select_n3A_5038 = arith.select %and3A_5034, %sub3A_5037, %convert_element_type3A_4606 : vector<16x128xi1>, vector<16x128xi32>
    %shift_left3A_5039 = arith.constant 7 : i32
    %shift_left3A_5040 = vector.broadcast %shift_left3A_5039 : i32 to vector<16x128xi32>
    %shift_left3A_5041 = arith.shli %select_n3A_5038, %shift_left3A_5040 : vector<16x128xi32>
    %add3A_5042 = arith.addi %add3A_5030, %shift_left3A_5041 : vector<16x128xi32>
    %shift_right_arithmetic3A_5043 = arith.constant 1 : i32
    %shift_right_arithmetic3A_5044 = vector.broadcast %shift_right_arithmetic3A_5043 : i32 to vector<16x128xi32>
    %shift_right_arithmetic3A_5045 = arith.shrsi %add3A_5042, %shift_right_arithmetic3A_5044 : vector<16x128xi32>
    %add3A_5046 = arith.constant 112 : i32
    %add3A_5047 = vector.broadcast %add3A_5046 : i32 to vector<16x128xi32>
    %add3A_5048 = arith.addi %add3A_5047, %shift_right_arithmetic3A_5045 : vector<16x128xi32>
    %select_n3A_5049 = arith.select %ge3A_4854, %add3A_4944, %add3A_5048 : vector<16x128xi1>, vector<16x128xi32>
    %jit3A_5050 = arith.constant -1.000000e+00 : f32
    %jit3A_5051 = arith.constant 1.000000e+00 : f32
    %broadcast_in_dim3A_5052 = vector.broadcast %jit3A_5050 : f32 to vector<16x128xf32>
    %broadcast_in_dim3A_5053 = vector.broadcast %jit3A_5051 : f32 to vector<16x128xf32>
    %select_n3A_5054 = arith.select %lt3A_4577, %broadcast_in_dim3A_5052, %broadcast_in_dim3A_5053 : vector<16x128xi1>, vector<16x128xf32>
    %eq3A_5055 = arith.constant 0 : i32
    %eq3A_5056 = vector.broadcast %eq3A_5055 : i32 to vector<16x128xi32>
    %eq3A_5057 = arith.cmpi eq, %select_n3A_4643, %eq3A_5056 : vector<16x128xi32>
    %eq3A_5058 = arith.constant 0 : i32
    %eq3A_5059 = vector.broadcast %eq3A_5058 : i32 to vector<16x128xi32>
    %eq3A_5060 = arith.cmpi eq, %select_n3A_4735, %eq3A_5059 : vector<16x128xi32>
    %or3A_5061 = arith.ori %eq3A_5057, %eq3A_5060 : vector<16x128xi1>
    %jit3A_5062 = arith.constant 0.000000e+00 : f32
    %broadcast_in_dim3A_5063 = vector.broadcast %jit3A_5062 : f32 to vector<16x128xf32>
    %select_n3A_5064 = arith.select %or3A_5061, %select_n3A_5054, %broadcast_in_dim3A_5063 : vector<16x128xi1>, vector<16x128xf32>
    %eq3A_5065 = arith.constant 1 : i32
    %eq3A_5066 = vector.broadcast %eq3A_5065 : i32 to vector<16x128xi32>
    %eq3A_5067 = arith.cmpi eq, %select_n3A_4954, %eq3A_5066 : vector<16x128xi32>
    %jit3A_5068 = arith.constant -5.000000e-01 : f32
    %jit3A_5069 = arith.constant 5.000000e-01 : f32
    %broadcast_in_dim3A_5070 = vector.broadcast %jit3A_5068 : f32 to vector<16x128xf32>
    %broadcast_in_dim3A_5071 = vector.broadcast %jit3A_5069 : f32 to vector<16x128xf32>
    %select_n3A_5072 = arith.select %eq3A_5067, %broadcast_in_dim3A_5070, %broadcast_in_dim3A_5071 : vector<16x128xi1>, vector<16x128xf32>
    %select_n3A_5073 = arith.select %ge3A_4854, %select_n3A_5064, %select_n3A_5072 : vector<16x128xi1>, vector<16x128xf32>
    %jit3A_5074 = arith.constant -1.000000e+00 : f32
    %jit3A_5075 = arith.constant 1.000000e+00 : f32
    %broadcast_in_dim3A_5076 = vector.broadcast %jit3A_5074 : f32 to vector<16x128xf32>
    %broadcast_in_dim3A_5077 = vector.broadcast %jit3A_5075 : f32 to vector<16x128xf32>
    %select_n3A_5078 = arith.select %lt3A_4580, %broadcast_in_dim3A_5076, %broadcast_in_dim3A_5077 : vector<16x128xi1>, vector<16x128xf32>
    %eq3A_5079 = arith.constant 1 : i32
    %eq3A_5080 = vector.broadcast %eq3A_5079 : i32 to vector<16x128xi32>
    %eq3A_5081 = arith.cmpi eq, %select_n3A_4643, %eq3A_5080 : vector<16x128xi32>
    %eq3A_5082 = arith.constant 1 : i32
    %eq3A_5083 = vector.broadcast %eq3A_5082 : i32 to vector<16x128xi32>
    %eq3A_5084 = arith.cmpi eq, %select_n3A_4735, %eq3A_5083 : vector<16x128xi32>
    %or3A_5085 = arith.ori %eq3A_5081, %eq3A_5084 : vector<16x128xi1>
    %jit3A_5086 = arith.constant 0.000000e+00 : f32
    %broadcast_in_dim3A_5087 = vector.broadcast %jit3A_5086 : f32 to vector<16x128xf32>
    %select_n3A_5088 = arith.select %or3A_5085, %select_n3A_5078, %broadcast_in_dim3A_5087 : vector<16x128xi1>, vector<16x128xf32>
    %eq3A_5089 = arith.constant 1 : i32
    %eq3A_5090 = vector.broadcast %eq3A_5089 : i32 to vector<16x128xi32>
    %eq3A_5091 = arith.cmpi eq, %select_n3A_4966, %eq3A_5090 : vector<16x128xi32>
    %jit3A_5092 = arith.constant -5.000000e-01 : f32
    %jit3A_5093 = arith.constant 5.000000e-01 : f32
    %broadcast_in_dim3A_5094 = vector.broadcast %jit3A_5092 : f32 to vector<16x128xf32>
    %broadcast_in_dim3A_5095 = vector.broadcast %jit3A_5093 : f32 to vector<16x128xf32>
    %select_n3A_5096 = arith.select %eq3A_5091, %broadcast_in_dim3A_5094, %broadcast_in_dim3A_5095 : vector<16x128xi1>, vector<16x128xf32>
    %select_n3A_5097 = arith.select %ge3A_4854, %select_n3A_5088, %select_n3A_5096 : vector<16x128xi1>, vector<16x128xf32>
    %jit3A_5098 = arith.constant -1.000000e+00 : f32
    %jit3A_5099 = arith.constant 1.000000e+00 : f32
    %broadcast_in_dim3A_5100 = vector.broadcast %jit3A_5098 : f32 to vector<16x128xf32>
    %broadcast_in_dim3A_5101 = vector.broadcast %jit3A_5099 : f32 to vector<16x128xf32>
    %select_n3A_5102 = arith.select %lt3A_4583, %broadcast_in_dim3A_5100, %broadcast_in_dim3A_5101 : vector<16x128xi1>, vector<16x128xf32>
    %eq3A_5103 = arith.constant 2 : i32
    %eq3A_5104 = vector.broadcast %eq3A_5103 : i32 to vector<16x128xi32>
    %eq3A_5105 = arith.cmpi eq, %select_n3A_4643, %eq3A_5104 : vector<16x128xi32>
    %eq3A_5106 = arith.constant 2 : i32
    %eq3A_5107 = vector.broadcast %eq3A_5106 : i32 to vector<16x128xi32>
    %eq3A_5108 = arith.cmpi eq, %select_n3A_4735, %eq3A_5107 : vector<16x128xi32>
    %or3A_5109 = arith.ori %eq3A_5105, %eq3A_5108 : vector<16x128xi1>
    %jit3A_5110 = arith.constant 0.000000e+00 : f32
    %broadcast_in_dim3A_5111 = vector.broadcast %jit3A_5110 : f32 to vector<16x128xf32>
    %select_n3A_5112 = arith.select %or3A_5109, %select_n3A_5102, %broadcast_in_dim3A_5111 : vector<16x128xi1>, vector<16x128xf32>
    %eq3A_5113 = arith.constant 1 : i32
    %eq3A_5114 = vector.broadcast %eq3A_5113 : i32 to vector<16x128xi32>
    %eq3A_5115 = arith.cmpi eq, %select_n3A_4978, %eq3A_5114 : vector<16x128xi32>
    %jit3A_5116 = arith.constant -5.000000e-01 : f32
    %jit3A_5117 = arith.constant 5.000000e-01 : f32
    %broadcast_in_dim3A_5118 = vector.broadcast %jit3A_5116 : f32 to vector<16x128xf32>
    %broadcast_in_dim3A_5119 = vector.broadcast %jit3A_5117 : f32 to vector<16x128xf32>
    %select_n3A_5120 = arith.select %eq3A_5115, %broadcast_in_dim3A_5118, %broadcast_in_dim3A_5119 : vector<16x128xi1>, vector<16x128xf32>
    %select_n3A_5121 = arith.select %ge3A_4854, %select_n3A_5112, %select_n3A_5120 : vector<16x128xi1>, vector<16x128xf32>
    %jit3A_5122 = arith.constant -1.000000e+00 : f32
    %jit3A_5123 = arith.constant 1.000000e+00 : f32
    %broadcast_in_dim3A_5124 = vector.broadcast %jit3A_5122 : f32 to vector<16x128xf32>
    %broadcast_in_dim3A_5125 = vector.broadcast %jit3A_5123 : f32 to vector<16x128xf32>
    %select_n3A_5126 = arith.select %lt3A_4586, %broadcast_in_dim3A_5124, %broadcast_in_dim3A_5125 : vector<16x128xi1>, vector<16x128xf32>
    %eq3A_5127 = arith.constant 3 : i32
    %eq3A_5128 = vector.broadcast %eq3A_5127 : i32 to vector<16x128xi32>
    %eq3A_5129 = arith.cmpi eq, %select_n3A_4643, %eq3A_5128 : vector<16x128xi32>
    %eq3A_5130 = arith.constant 3 : i32
    %eq3A_5131 = vector.broadcast %eq3A_5130 : i32 to vector<16x128xi32>
    %eq3A_5132 = arith.cmpi eq, %select_n3A_4735, %eq3A_5131 : vector<16x128xi32>
    %or3A_5133 = arith.ori %eq3A_5129, %eq3A_5132 : vector<16x128xi1>
    %jit3A_5134 = arith.constant 0.000000e+00 : f32
    %broadcast_in_dim3A_5135 = vector.broadcast %jit3A_5134 : f32 to vector<16x128xf32>
    %select_n3A_5136 = arith.select %or3A_5133, %select_n3A_5126, %broadcast_in_dim3A_5135 : vector<16x128xi1>, vector<16x128xf32>
    %eq3A_5137 = arith.constant 1 : i32
    %eq3A_5138 = vector.broadcast %eq3A_5137 : i32 to vector<16x128xi32>
    %eq3A_5139 = arith.cmpi eq, %select_n3A_4990, %eq3A_5138 : vector<16x128xi32>
    %jit3A_5140 = arith.constant -5.000000e-01 : f32
    %jit3A_5141 = arith.constant 5.000000e-01 : f32
    %broadcast_in_dim3A_5142 = vector.broadcast %jit3A_5140 : f32 to vector<16x128xf32>
    %broadcast_in_dim3A_5143 = vector.broadcast %jit3A_5141 : f32 to vector<16x128xf32>
    %select_n3A_5144 = arith.select %eq3A_5139, %broadcast_in_dim3A_5142, %broadcast_in_dim3A_5143 : vector<16x128xi1>, vector<16x128xf32>
    %select_n3A_5145 = arith.select %ge3A_4854, %select_n3A_5136, %select_n3A_5144 : vector<16x128xi1>, vector<16x128xf32>
    %jit3A_5146 = arith.constant -1.000000e+00 : f32
    %jit3A_5147 = arith.constant 1.000000e+00 : f32
    %broadcast_in_dim3A_5148 = vector.broadcast %jit3A_5146 : f32 to vector<16x128xf32>
    %broadcast_in_dim3A_5149 = vector.broadcast %jit3A_5147 : f32 to vector<16x128xf32>
    %select_n3A_5150 = arith.select %lt3A_4589, %broadcast_in_dim3A_5148, %broadcast_in_dim3A_5149 : vector<16x128xi1>, vector<16x128xf32>
    %eq3A_5151 = arith.constant 4 : i32
    %eq3A_5152 = vector.broadcast %eq3A_5151 : i32 to vector<16x128xi32>
    %eq3A_5153 = arith.cmpi eq, %select_n3A_4643, %eq3A_5152 : vector<16x128xi32>
    %eq3A_5154 = arith.constant 4 : i32
    %eq3A_5155 = vector.broadcast %eq3A_5154 : i32 to vector<16x128xi32>
    %eq3A_5156 = arith.cmpi eq, %select_n3A_4735, %eq3A_5155 : vector<16x128xi32>
    %or3A_5157 = arith.ori %eq3A_5153, %eq3A_5156 : vector<16x128xi1>
    %jit3A_5158 = arith.constant 0.000000e+00 : f32
    %broadcast_in_dim3A_5159 = vector.broadcast %jit3A_5158 : f32 to vector<16x128xf32>
    %select_n3A_5160 = arith.select %or3A_5157, %select_n3A_5150, %broadcast_in_dim3A_5159 : vector<16x128xi1>, vector<16x128xf32>
    %eq3A_5161 = arith.constant 1 : i32
    %eq3A_5162 = vector.broadcast %eq3A_5161 : i32 to vector<16x128xi32>
    %eq3A_5163 = arith.cmpi eq, %select_n3A_5002, %eq3A_5162 : vector<16x128xi32>
    %jit3A_5164 = arith.constant -5.000000e-01 : f32
    %jit3A_5165 = arith.constant 5.000000e-01 : f32
    %broadcast_in_dim3A_5166 = vector.broadcast %jit3A_5164 : f32 to vector<16x128xf32>
    %broadcast_in_dim3A_5167 = vector.broadcast %jit3A_5165 : f32 to vector<16x128xf32>
    %select_n3A_5168 = arith.select %eq3A_5163, %broadcast_in_dim3A_5166, %broadcast_in_dim3A_5167 : vector<16x128xi1>, vector<16x128xf32>
    %select_n3A_5169 = arith.select %ge3A_4854, %select_n3A_5160, %select_n3A_5168 : vector<16x128xi1>, vector<16x128xf32>
    %jit3A_5170 = arith.constant -1.000000e+00 : f32
    %jit3A_5171 = arith.constant 1.000000e+00 : f32
    %broadcast_in_dim3A_5172 = vector.broadcast %jit3A_5170 : f32 to vector<16x128xf32>
    %broadcast_in_dim3A_5173 = vector.broadcast %jit3A_5171 : f32 to vector<16x128xf32>
    %select_n3A_5174 = arith.select %lt3A_4592, %broadcast_in_dim3A_5172, %broadcast_in_dim3A_5173 : vector<16x128xi1>, vector<16x128xf32>
    %eq3A_5175 = arith.constant 5 : i32
    %eq3A_5176 = vector.broadcast %eq3A_5175 : i32 to vector<16x128xi32>
    %eq3A_5177 = arith.cmpi eq, %select_n3A_4643, %eq3A_5176 : vector<16x128xi32>
    %eq3A_5178 = arith.constant 5 : i32
    %eq3A_5179 = vector.broadcast %eq3A_5178 : i32 to vector<16x128xi32>
    %eq3A_5180 = arith.cmpi eq, %select_n3A_4735, %eq3A_5179 : vector<16x128xi32>
    %or3A_5181 = arith.ori %eq3A_5177, %eq3A_5180 : vector<16x128xi1>
    %jit3A_5182 = arith.constant 0.000000e+00 : f32
    %broadcast_in_dim3A_5183 = vector.broadcast %jit3A_5182 : f32 to vector<16x128xf32>
    %select_n3A_5184 = arith.select %or3A_5181, %select_n3A_5174, %broadcast_in_dim3A_5183 : vector<16x128xi1>, vector<16x128xf32>
    %eq3A_5185 = arith.constant 1 : i32
    %eq3A_5186 = vector.broadcast %eq3A_5185 : i32 to vector<16x128xi32>
    %eq3A_5187 = arith.cmpi eq, %select_n3A_5014, %eq3A_5186 : vector<16x128xi32>
    %jit3A_5188 = arith.constant -5.000000e-01 : f32
    %jit3A_5189 = arith.constant 5.000000e-01 : f32
    %broadcast_in_dim3A_5190 = vector.broadcast %jit3A_5188 : f32 to vector<16x128xf32>
    %broadcast_in_dim3A_5191 = vector.broadcast %jit3A_5189 : f32 to vector<16x128xf32>
    %select_n3A_5192 = arith.select %eq3A_5187, %broadcast_in_dim3A_5190, %broadcast_in_dim3A_5191 : vector<16x128xi1>, vector<16x128xf32>
    %select_n3A_5193 = arith.select %ge3A_4854, %select_n3A_5184, %select_n3A_5192 : vector<16x128xi1>, vector<16x128xf32>
    %jit3A_5194 = arith.constant -1.000000e+00 : f32
    %jit3A_5195 = arith.constant 1.000000e+00 : f32
    %broadcast_in_dim3A_5196 = vector.broadcast %jit3A_5194 : f32 to vector<16x128xf32>
    %broadcast_in_dim3A_5197 = vector.broadcast %jit3A_5195 : f32 to vector<16x128xf32>
    %select_n3A_5198 = arith.select %lt3A_4595, %broadcast_in_dim3A_5196, %broadcast_in_dim3A_5197 : vector<16x128xi1>, vector<16x128xf32>
    %eq3A_5199 = arith.constant 6 : i32
    %eq3A_5200 = vector.broadcast %eq3A_5199 : i32 to vector<16x128xi32>
    %eq3A_5201 = arith.cmpi eq, %select_n3A_4643, %eq3A_5200 : vector<16x128xi32>
    %eq3A_5202 = arith.constant 6 : i32
    %eq3A_5203 = vector.broadcast %eq3A_5202 : i32 to vector<16x128xi32>
    %eq3A_5204 = arith.cmpi eq, %select_n3A_4735, %eq3A_5203 : vector<16x128xi32>
    %or3A_5205 = arith.ori %eq3A_5201, %eq3A_5204 : vector<16x128xi1>
    %jit3A_5206 = arith.constant 0.000000e+00 : f32
    %broadcast_in_dim3A_5207 = vector.broadcast %jit3A_5206 : f32 to vector<16x128xf32>
    %select_n3A_5208 = arith.select %or3A_5205, %select_n3A_5198, %broadcast_in_dim3A_5207 : vector<16x128xi1>, vector<16x128xf32>
    %eq3A_5209 = arith.constant 1 : i32
    %eq3A_5210 = vector.broadcast %eq3A_5209 : i32 to vector<16x128xi32>
    %eq3A_5211 = arith.cmpi eq, %select_n3A_5026, %eq3A_5210 : vector<16x128xi32>
    %jit3A_5212 = arith.constant -5.000000e-01 : f32
    %jit3A_5213 = arith.constant 5.000000e-01 : f32
    %broadcast_in_dim3A_5214 = vector.broadcast %jit3A_5212 : f32 to vector<16x128xf32>
    %broadcast_in_dim3A_5215 = vector.broadcast %jit3A_5213 : f32 to vector<16x128xf32>
    %select_n3A_5216 = arith.select %eq3A_5211, %broadcast_in_dim3A_5214, %broadcast_in_dim3A_5215 : vector<16x128xi1>, vector<16x128xf32>
    %select_n3A_5217 = arith.select %ge3A_4854, %select_n3A_5208, %select_n3A_5216 : vector<16x128xi1>, vector<16x128xf32>
    %jit3A_5218 = arith.constant -1.000000e+00 : f32
    %jit3A_5219 = arith.constant 1.000000e+00 : f32
    %broadcast_in_dim3A_5220 = vector.broadcast %jit3A_5218 : f32 to vector<16x128xf32>
    %broadcast_in_dim3A_5221 = vector.broadcast %jit3A_5219 : f32 to vector<16x128xf32>
    %select_n3A_5222 = arith.select %lt3A_4598, %broadcast_in_dim3A_5220, %broadcast_in_dim3A_5221 : vector<16x128xi1>, vector<16x128xf32>
    %eq3A_5223 = arith.constant 7 : i32
    %eq3A_5224 = vector.broadcast %eq3A_5223 : i32 to vector<16x128xi32>
    %eq3A_5225 = arith.cmpi eq, %select_n3A_4643, %eq3A_5224 : vector<16x128xi32>
    %eq3A_5226 = arith.constant 7 : i32
    %eq3A_5227 = vector.broadcast %eq3A_5226 : i32 to vector<16x128xi32>
    %eq3A_5228 = arith.cmpi eq, %select_n3A_4735, %eq3A_5227 : vector<16x128xi32>
    %or3A_5229 = arith.ori %eq3A_5225, %eq3A_5228 : vector<16x128xi1>
    %jit3A_5230 = arith.constant 0.000000e+00 : f32
    %broadcast_in_dim3A_5231 = vector.broadcast %jit3A_5230 : f32 to vector<16x128xf32>
    %select_n3A_5232 = arith.select %or3A_5229, %select_n3A_5222, %broadcast_in_dim3A_5231 : vector<16x128xi1>, vector<16x128xf32>
    %eq3A_5233 = arith.constant 1 : i32
    %eq3A_5234 = vector.broadcast %eq3A_5233 : i32 to vector<16x128xi32>
    %eq3A_5235 = arith.cmpi eq, %select_n3A_5038, %eq3A_5234 : vector<16x128xi32>
    %jit3A_5236 = arith.constant -5.000000e-01 : f32
    %jit3A_5237 = arith.constant 5.000000e-01 : f32
    %broadcast_in_dim3A_5238 = vector.broadcast %jit3A_5236 : f32 to vector<16x128xf32>
    %broadcast_in_dim3A_5239 = vector.broadcast %jit3A_5237 : f32 to vector<16x128xf32>
    %select_n3A_5240 = arith.select %eq3A_5235, %broadcast_in_dim3A_5238, %broadcast_in_dim3A_5239 : vector<16x128xi1>, vector<16x128xf32>
    %select_n3A_5241 = arith.select %ge3A_4854, %select_n3A_5232, %select_n3A_5240 : vector<16x128xi1>, vector<16x128xf32>
    %sub3A_5242 = arith.subf %get3A_4529, %select_n3A_5073 : vector<16x128xf32>
    %sub3A_5243 = arith.subf %get3A_4532, %select_n3A_5097 : vector<16x128xf32>
    %sub3A_5244 = arith.subf %get3A_4535, %select_n3A_5121 : vector<16x128xf32>
    %sub3A_5245 = arith.subf %get3A_4538, %select_n3A_5145 : vector<16x128xf32>
    %sub3A_5246 = arith.subf %get3A_4541, %select_n3A_5169 : vector<16x128xf32>
    %sub3A_5247 = arith.subf %get3A_4544, %select_n3A_5193 : vector<16x128xf32>
    %sub3A_5248 = arith.subf %get3A_4547, %select_n3A_5217 : vector<16x128xf32>
    %sub3A_5249 = arith.subf %get3A_4550, %select_n3A_5241 : vector<16x128xf32>
    %convert_element_type3A_5250 = arith.truncf %sub3A_5242 : vector<16x128xf32> to vector<16x128xbf16>
    %convert_element_type3A_5251 = arith.extf %convert_element_type3A_5250 : vector<16x128xbf16> to vector<16x128xf32>
    %convert_element_type3A_5252 = arith.truncf %sub3A_5243 : vector<16x128xf32> to vector<16x128xbf16>
    %convert_element_type3A_5253 = arith.extf %convert_element_type3A_5252 : vector<16x128xbf16> to vector<16x128xf32>
    %convert_element_type3A_5254 = arith.truncf %sub3A_5244 : vector<16x128xf32> to vector<16x128xbf16>
    %convert_element_type3A_5255 = arith.extf %convert_element_type3A_5254 : vector<16x128xbf16> to vector<16x128xf32>
    %convert_element_type3A_5256 = arith.truncf %sub3A_5245 : vector<16x128xf32> to vector<16x128xbf16>
    %convert_element_type3A_5257 = arith.extf %convert_element_type3A_5256 : vector<16x128xbf16> to vector<16x128xf32>
    %convert_element_type3A_5258 = arith.truncf %sub3A_5246 : vector<16x128xf32> to vector<16x128xbf16>
    %convert_element_type3A_5259 = arith.extf %convert_element_type3A_5258 : vector<16x128xbf16> to vector<16x128xf32>
    %convert_element_type3A_5260 = arith.truncf %sub3A_5247 : vector<16x128xf32> to vector<16x128xbf16>
    %convert_element_type3A_5261 = arith.extf %convert_element_type3A_5260 : vector<16x128xbf16> to vector<16x128xf32>
    %convert_element_type3A_5262 = arith.truncf %sub3A_5248 : vector<16x128xf32> to vector<16x128xbf16>
    %convert_element_type3A_5263 = arith.extf %convert_element_type3A_5262 : vector<16x128xbf16> to vector<16x128xf32>
    %convert_element_type3A_5264 = arith.truncf %sub3A_5249 : vector<16x128xf32> to vector<16x128xbf16>
    %convert_element_type3A_5265 = arith.extf %convert_element_type3A_5264 : vector<16x128xbf16> to vector<16x128xf32>
    %abs3A_5266 = math.absf %convert_element_type3A_5251 : vector<16x128xf32>
    %abs3A_5267 = math.absf %convert_element_type3A_5253 : vector<16x128xf32>
    %abs3A_5268 = math.absf %convert_element_type3A_5255 : vector<16x128xf32>
    %abs3A_5269 = math.absf %convert_element_type3A_5257 : vector<16x128xf32>
    %abs3A_5270 = math.absf %convert_element_type3A_5259 : vector<16x128xf32>
    %abs3A_5271 = math.absf %convert_element_type3A_5261 : vector<16x128xf32>
    %abs3A_5272 = math.absf %convert_element_type3A_5263 : vector<16x128xf32>
    %abs3A_5273 = math.absf %convert_element_type3A_5265 : vector<16x128xf32>
    %lt3A_5274 = arith.constant 0.000000e+00 : f32
    %lt3A_5275 = vector.broadcast %lt3A_5274 : f32 to vector<16x128xf32>
    %lt3A_5276 = arith.cmpf olt, %convert_element_type3A_5251, %lt3A_5275 : vector<16x128xf32>
    %lt3A_5277 = arith.constant 0.000000e+00 : f32
    %lt3A_5278 = vector.broadcast %lt3A_5277 : f32 to vector<16x128xf32>
    %lt3A_5279 = arith.cmpf olt, %convert_element_type3A_5253, %lt3A_5278 : vector<16x128xf32>
    %lt3A_5280 = arith.constant 0.000000e+00 : f32
    %lt3A_5281 = vector.broadcast %lt3A_5280 : f32 to vector<16x128xf32>
    %lt3A_5282 = arith.cmpf olt, %convert_element_type3A_5255, %lt3A_5281 : vector<16x128xf32>
    %lt3A_5283 = arith.constant 0.000000e+00 : f32
    %lt3A_5284 = vector.broadcast %lt3A_5283 : f32 to vector<16x128xf32>
    %lt3A_5285 = arith.cmpf olt, %convert_element_type3A_5257, %lt3A_5284 : vector<16x128xf32>
    %lt3A_5286 = arith.constant 0.000000e+00 : f32
    %lt3A_5287 = vector.broadcast %lt3A_5286 : f32 to vector<16x128xf32>
    %lt3A_5288 = arith.cmpf olt, %convert_element_type3A_5259, %lt3A_5287 : vector<16x128xf32>
    %lt3A_5289 = arith.constant 0.000000e+00 : f32
    %lt3A_5290 = vector.broadcast %lt3A_5289 : f32 to vector<16x128xf32>
    %lt3A_5291 = arith.cmpf olt, %convert_element_type3A_5261, %lt3A_5290 : vector<16x128xf32>
    %lt3A_5292 = arith.constant 0.000000e+00 : f32
    %lt3A_5293 = vector.broadcast %lt3A_5292 : f32 to vector<16x128xf32>
    %lt3A_5294 = arith.cmpf olt, %convert_element_type3A_5263, %lt3A_5293 : vector<16x128xf32>
    %lt3A_5295 = arith.constant 0.000000e+00 : f32
    %lt3A_5296 = vector.broadcast %lt3A_5295 : f32 to vector<16x128xf32>
    %lt3A_5297 = arith.cmpf olt, %convert_element_type3A_5265, %lt3A_5296 : vector<16x128xf32>
    %convert_element_type3A_5298 = arith.extui %lt3A_5276 : vector<16x128xi1> to vector<16x128xi32>
    %convert_element_type3A_5299 = arith.extui %lt3A_5279 : vector<16x128xi1> to vector<16x128xi32>
    %convert_element_type3A_5300 = arith.extui %lt3A_5282 : vector<16x128xi1> to vector<16x128xi32>
    %convert_element_type3A_5301 = arith.extui %lt3A_5285 : vector<16x128xi1> to vector<16x128xi32>
    %convert_element_type3A_5302 = arith.extui %lt3A_5288 : vector<16x128xi1> to vector<16x128xi32>
    %convert_element_type3A_5303 = arith.extui %lt3A_5291 : vector<16x128xi1> to vector<16x128xi32>
    %convert_element_type3A_5304 = arith.extui %lt3A_5294 : vector<16x128xi1> to vector<16x128xi32>
    %convert_element_type3A_5305 = arith.extui %lt3A_5297 : vector<16x128xi1> to vector<16x128xi32>
    %broadcast_in_dim3A_5306 = arith.constant 0 : i32
    %broadcast_in_dim3A_5307 = vector.broadcast %broadcast_in_dim3A_5306 : i32 to vector<16x128xi32>
    %gt3A_5308 = arith.cmpf ogt, %abs3A_5267, %abs3A_5266 : vector<16x128xf32>
    %select_n3A_5309 = arith.select %gt3A_5308, %abs3A_5267, %abs3A_5266 : vector<16x128xi1>, vector<16x128xf32>
    %jit3A_5310 = arith.constant 1 : i32
    %broadcast_in_dim3A_5311 = vector.broadcast %jit3A_5310 : i32 to vector<16x128xi32>
    %select_n3A_5312 = arith.select %gt3A_5308, %broadcast_in_dim3A_5311, %broadcast_in_dim3A_5307 : vector<16x128xi1>, vector<16x128xi32>
    %gt3A_5313 = arith.cmpf ogt, %abs3A_5268, %select_n3A_5309 : vector<16x128xf32>
    %select_n3A_5314 = arith.select %gt3A_5313, %abs3A_5268, %select_n3A_5309 : vector<16x128xi1>, vector<16x128xf32>
    %jit3A_5315 = arith.constant 2 : i32
    %broadcast_in_dim3A_5316 = vector.broadcast %jit3A_5315 : i32 to vector<16x128xi32>
    %select_n3A_5317 = arith.select %gt3A_5313, %broadcast_in_dim3A_5316, %select_n3A_5312 : vector<16x128xi1>, vector<16x128xi32>
    %gt3A_5318 = arith.cmpf ogt, %abs3A_5269, %select_n3A_5314 : vector<16x128xf32>
    %select_n3A_5319 = arith.select %gt3A_5318, %abs3A_5269, %select_n3A_5314 : vector<16x128xi1>, vector<16x128xf32>
    %jit3A_5320 = arith.constant 3 : i32
    %broadcast_in_dim3A_5321 = vector.broadcast %jit3A_5320 : i32 to vector<16x128xi32>
    %select_n3A_5322 = arith.select %gt3A_5318, %broadcast_in_dim3A_5321, %select_n3A_5317 : vector<16x128xi1>, vector<16x128xi32>
    %gt3A_5323 = arith.cmpf ogt, %abs3A_5270, %select_n3A_5319 : vector<16x128xf32>
    %select_n3A_5324 = arith.select %gt3A_5323, %abs3A_5270, %select_n3A_5319 : vector<16x128xi1>, vector<16x128xf32>
    %jit3A_5325 = arith.constant 4 : i32
    %broadcast_in_dim3A_5326 = vector.broadcast %jit3A_5325 : i32 to vector<16x128xi32>
    %select_n3A_5327 = arith.select %gt3A_5323, %broadcast_in_dim3A_5326, %select_n3A_5322 : vector<16x128xi1>, vector<16x128xi32>
    %gt3A_5328 = arith.cmpf ogt, %abs3A_5271, %select_n3A_5324 : vector<16x128xf32>
    %select_n3A_5329 = arith.select %gt3A_5328, %abs3A_5271, %select_n3A_5324 : vector<16x128xi1>, vector<16x128xf32>
    %jit3A_5330 = arith.constant 5 : i32
    %broadcast_in_dim3A_5331 = vector.broadcast %jit3A_5330 : i32 to vector<16x128xi32>
    %select_n3A_5332 = arith.select %gt3A_5328, %broadcast_in_dim3A_5331, %select_n3A_5327 : vector<16x128xi1>, vector<16x128xi32>
    %gt3A_5333 = arith.cmpf ogt, %abs3A_5272, %select_n3A_5329 : vector<16x128xf32>
    %select_n3A_5334 = arith.select %gt3A_5333, %abs3A_5272, %select_n3A_5329 : vector<16x128xi1>, vector<16x128xf32>
    %jit3A_5335 = arith.constant 6 : i32
    %broadcast_in_dim3A_5336 = vector.broadcast %jit3A_5335 : i32 to vector<16x128xi32>
    %select_n3A_5337 = arith.select %gt3A_5333, %broadcast_in_dim3A_5336, %select_n3A_5332 : vector<16x128xi1>, vector<16x128xi32>
    %gt3A_5338 = arith.cmpf ogt, %abs3A_5273, %select_n3A_5334 : vector<16x128xf32>
    %select_n3A_5339 = arith.select %gt3A_5338, %abs3A_5273, %select_n3A_5334 : vector<16x128xi1>, vector<16x128xf32>
    %jit3A_5340 = arith.constant 7 : i32
    %broadcast_in_dim3A_5341 = vector.broadcast %jit3A_5340 : i32 to vector<16x128xi32>
    %select_n3A_5342 = arith.select %gt3A_5338, %broadcast_in_dim3A_5341, %select_n3A_5337 : vector<16x128xi1>, vector<16x128xi32>
    %broadcast_in_dim3A_5343 = arith.constant -1.000000e+00 : f32
    %broadcast_in_dim3A_5344 = vector.broadcast %broadcast_in_dim3A_5343 : f32 to vector<16x128xf32>
    %broadcast_in_dim3A_5345 = arith.constant 0 : i32
    %broadcast_in_dim3A_5346 = vector.broadcast %broadcast_in_dim3A_5345 : i32 to vector<16x128xi32>
    %eq3A_5347 = arith.constant 0 : i32
    %eq3A_5348 = vector.broadcast %eq3A_5347 : i32 to vector<16x128xi32>
    %eq3A_5349 = arith.cmpi eq, %select_n3A_5342, %eq3A_5348 : vector<16x128xi32>
    %jit3A_5350 = arith.constant -1.000000e+00 : f32
    %broadcast_in_dim3A_5351 = vector.broadcast %jit3A_5350 : f32 to vector<16x128xf32>
    %select_n3A_5352 = arith.select %eq3A_5349, %broadcast_in_dim3A_5351, %abs3A_5266 : vector<16x128xi1>, vector<16x128xf32>
    %gt3A_5353 = arith.cmpf ogt, %select_n3A_5352, %broadcast_in_dim3A_5344 : vector<16x128xf32>
    %select_n3A_5354 = arith.select %gt3A_5353, %select_n3A_5352, %broadcast_in_dim3A_5344 : vector<16x128xi1>, vector<16x128xf32>
    %jit3A_5355 = arith.constant 0 : i32
    %broadcast_in_dim3A_5356 = vector.broadcast %jit3A_5355 : i32 to vector<16x128xi32>
    %select_n3A_5357 = arith.select %gt3A_5353, %broadcast_in_dim3A_5356, %broadcast_in_dim3A_5346 : vector<16x128xi1>, vector<16x128xi32>
    %eq3A_5358 = arith.constant 1 : i32
    %eq3A_5359 = vector.broadcast %eq3A_5358 : i32 to vector<16x128xi32>
    %eq3A_5360 = arith.cmpi eq, %select_n3A_5342, %eq3A_5359 : vector<16x128xi32>
    %jit3A_5361 = arith.constant -1.000000e+00 : f32
    %broadcast_in_dim3A_5362 = vector.broadcast %jit3A_5361 : f32 to vector<16x128xf32>
    %select_n3A_5363 = arith.select %eq3A_5360, %broadcast_in_dim3A_5362, %abs3A_5267 : vector<16x128xi1>, vector<16x128xf32>
    %gt3A_5364 = arith.cmpf ogt, %select_n3A_5363, %select_n3A_5354 : vector<16x128xf32>
    %select_n3A_5365 = arith.select %gt3A_5364, %select_n3A_5363, %select_n3A_5354 : vector<16x128xi1>, vector<16x128xf32>
    %jit3A_5366 = arith.constant 1 : i32
    %broadcast_in_dim3A_5367 = vector.broadcast %jit3A_5366 : i32 to vector<16x128xi32>
    %select_n3A_5368 = arith.select %gt3A_5364, %broadcast_in_dim3A_5367, %select_n3A_5357 : vector<16x128xi1>, vector<16x128xi32>
    %eq3A_5369 = arith.constant 2 : i32
    %eq3A_5370 = vector.broadcast %eq3A_5369 : i32 to vector<16x128xi32>
    %eq3A_5371 = arith.cmpi eq, %select_n3A_5342, %eq3A_5370 : vector<16x128xi32>
    %jit3A_5372 = arith.constant -1.000000e+00 : f32
    %broadcast_in_dim3A_5373 = vector.broadcast %jit3A_5372 : f32 to vector<16x128xf32>
    %select_n3A_5374 = arith.select %eq3A_5371, %broadcast_in_dim3A_5373, %abs3A_5268 : vector<16x128xi1>, vector<16x128xf32>
    %gt3A_5375 = arith.cmpf ogt, %select_n3A_5374, %select_n3A_5365 : vector<16x128xf32>
    %select_n3A_5376 = arith.select %gt3A_5375, %select_n3A_5374, %select_n3A_5365 : vector<16x128xi1>, vector<16x128xf32>
    %jit3A_5377 = arith.constant 2 : i32
    %broadcast_in_dim3A_5378 = vector.broadcast %jit3A_5377 : i32 to vector<16x128xi32>
    %select_n3A_5379 = arith.select %gt3A_5375, %broadcast_in_dim3A_5378, %select_n3A_5368 : vector<16x128xi1>, vector<16x128xi32>
    %eq3A_5380 = arith.constant 3 : i32
    %eq3A_5381 = vector.broadcast %eq3A_5380 : i32 to vector<16x128xi32>
    %eq3A_5382 = arith.cmpi eq, %select_n3A_5342, %eq3A_5381 : vector<16x128xi32>
    %jit3A_5383 = arith.constant -1.000000e+00 : f32
    %broadcast_in_dim3A_5384 = vector.broadcast %jit3A_5383 : f32 to vector<16x128xf32>
    %select_n3A_5385 = arith.select %eq3A_5382, %broadcast_in_dim3A_5384, %abs3A_5269 : vector<16x128xi1>, vector<16x128xf32>
    %gt3A_5386 = arith.cmpf ogt, %select_n3A_5385, %select_n3A_5376 : vector<16x128xf32>
    %select_n3A_5387 = arith.select %gt3A_5386, %select_n3A_5385, %select_n3A_5376 : vector<16x128xi1>, vector<16x128xf32>
    %jit3A_5388 = arith.constant 3 : i32
    %broadcast_in_dim3A_5389 = vector.broadcast %jit3A_5388 : i32 to vector<16x128xi32>
    %select_n3A_5390 = arith.select %gt3A_5386, %broadcast_in_dim3A_5389, %select_n3A_5379 : vector<16x128xi1>, vector<16x128xi32>
    %eq3A_5391 = arith.constant 4 : i32
    %eq3A_5392 = vector.broadcast %eq3A_5391 : i32 to vector<16x128xi32>
    %eq3A_5393 = arith.cmpi eq, %select_n3A_5342, %eq3A_5392 : vector<16x128xi32>
    %jit3A_5394 = arith.constant -1.000000e+00 : f32
    %broadcast_in_dim3A_5395 = vector.broadcast %jit3A_5394 : f32 to vector<16x128xf32>
    %select_n3A_5396 = arith.select %eq3A_5393, %broadcast_in_dim3A_5395, %abs3A_5270 : vector<16x128xi1>, vector<16x128xf32>
    %gt3A_5397 = arith.cmpf ogt, %select_n3A_5396, %select_n3A_5387 : vector<16x128xf32>
    %select_n3A_5398 = arith.select %gt3A_5397, %select_n3A_5396, %select_n3A_5387 : vector<16x128xi1>, vector<16x128xf32>
    %jit3A_5399 = arith.constant 4 : i32
    %broadcast_in_dim3A_5400 = vector.broadcast %jit3A_5399 : i32 to vector<16x128xi32>
    %select_n3A_5401 = arith.select %gt3A_5397, %broadcast_in_dim3A_5400, %select_n3A_5390 : vector<16x128xi1>, vector<16x128xi32>
    %eq3A_5402 = arith.constant 5 : i32
    %eq3A_5403 = vector.broadcast %eq3A_5402 : i32 to vector<16x128xi32>
    %eq3A_5404 = arith.cmpi eq, %select_n3A_5342, %eq3A_5403 : vector<16x128xi32>
    %jit3A_5405 = arith.constant -1.000000e+00 : f32
    %broadcast_in_dim3A_5406 = vector.broadcast %jit3A_5405 : f32 to vector<16x128xf32>
    %select_n3A_5407 = arith.select %eq3A_5404, %broadcast_in_dim3A_5406, %abs3A_5271 : vector<16x128xi1>, vector<16x128xf32>
    %gt3A_5408 = arith.cmpf ogt, %select_n3A_5407, %select_n3A_5398 : vector<16x128xf32>
    %select_n3A_5409 = arith.select %gt3A_5408, %select_n3A_5407, %select_n3A_5398 : vector<16x128xi1>, vector<16x128xf32>
    %jit3A_5410 = arith.constant 5 : i32
    %broadcast_in_dim3A_5411 = vector.broadcast %jit3A_5410 : i32 to vector<16x128xi32>
    %select_n3A_5412 = arith.select %gt3A_5408, %broadcast_in_dim3A_5411, %select_n3A_5401 : vector<16x128xi1>, vector<16x128xi32>
    %eq3A_5413 = arith.constant 6 : i32
    %eq3A_5414 = vector.broadcast %eq3A_5413 : i32 to vector<16x128xi32>
    %eq3A_5415 = arith.cmpi eq, %select_n3A_5342, %eq3A_5414 : vector<16x128xi32>
    %jit3A_5416 = arith.constant -1.000000e+00 : f32
    %broadcast_in_dim3A_5417 = vector.broadcast %jit3A_5416 : f32 to vector<16x128xf32>
    %select_n3A_5418 = arith.select %eq3A_5415, %broadcast_in_dim3A_5417, %abs3A_5272 : vector<16x128xi1>, vector<16x128xf32>
    %gt3A_5419 = arith.cmpf ogt, %select_n3A_5418, %select_n3A_5409 : vector<16x128xf32>
    %select_n3A_5420 = arith.select %gt3A_5419, %select_n3A_5418, %select_n3A_5409 : vector<16x128xi1>, vector<16x128xf32>
    %jit3A_5421 = arith.constant 6 : i32
    %broadcast_in_dim3A_5422 = vector.broadcast %jit3A_5421 : i32 to vector<16x128xi32>
    %select_n3A_5423 = arith.select %gt3A_5419, %broadcast_in_dim3A_5422, %select_n3A_5412 : vector<16x128xi1>, vector<16x128xi32>
    %eq3A_5424 = arith.constant 7 : i32
    %eq3A_5425 = vector.broadcast %eq3A_5424 : i32 to vector<16x128xi32>
    %eq3A_5426 = arith.cmpi eq, %select_n3A_5342, %eq3A_5425 : vector<16x128xi32>
    %jit3A_5427 = arith.constant -1.000000e+00 : f32
    %broadcast_in_dim3A_5428 = vector.broadcast %jit3A_5427 : f32 to vector<16x128xf32>
    %select_n3A_5429 = arith.select %eq3A_5426, %broadcast_in_dim3A_5428, %abs3A_5273 : vector<16x128xi1>, vector<16x128xf32>
    %gt3A_5430 = arith.cmpf ogt, %select_n3A_5429, %select_n3A_5420 : vector<16x128xf32>
    %select_n3A_5431 = arith.select %gt3A_5430, %select_n3A_5429, %select_n3A_5420 : vector<16x128xi1>, vector<16x128xf32>
    %jit3A_5432 = arith.constant 7 : i32
    %broadcast_in_dim3A_5433 = vector.broadcast %jit3A_5432 : i32 to vector<16x128xi32>
    %select_n3A_5434 = arith.select %gt3A_5430, %broadcast_in_dim3A_5433, %select_n3A_5423 : vector<16x128xi1>, vector<16x128xi32>
    %add3A_5435 = arith.addf %select_n3A_5339, %select_n3A_5431 : vector<16x128xf32>
    %add3A_5436 = arith.addf %abs3A_5266, %abs3A_5267 : vector<16x128xf32>
    %min3A_5437 = arith.minimumf %abs3A_5266, %abs3A_5267 : vector<16x128xf32>
    %add3A_5438 = arith.addf %add3A_5436, %abs3A_5268 : vector<16x128xf32>
    %min3A_5439 = arith.minimumf %min3A_5437, %abs3A_5268 : vector<16x128xf32>
    %add3A_5440 = arith.addf %add3A_5438, %abs3A_5269 : vector<16x128xf32>
    %min3A_5441 = arith.minimumf %min3A_5439, %abs3A_5269 : vector<16x128xf32>
    %add3A_5442 = arith.addf %add3A_5440, %abs3A_5270 : vector<16x128xf32>
    %min3A_5443 = arith.minimumf %min3A_5441, %abs3A_5270 : vector<16x128xf32>
    %add3A_5444 = arith.addf %add3A_5442, %abs3A_5271 : vector<16x128xf32>
    %min3A_5445 = arith.minimumf %min3A_5443, %abs3A_5271 : vector<16x128xf32>
    %add3A_5446 = arith.addf %add3A_5444, %abs3A_5272 : vector<16x128xf32>
    %min3A_5447 = arith.minimumf %min3A_5445, %abs3A_5272 : vector<16x128xf32>
    %add3A_5448 = arith.addf %add3A_5446, %abs3A_5273 : vector<16x128xf32>
    %min3A_5449 = arith.minimumf %min3A_5447, %abs3A_5273 : vector<16x128xf32>
    %eq3A_5450 = arith.cmpf oeq, %abs3A_5266, %min3A_5449 : vector<16x128xf32>
    %and3A_5451 = arith.andi %eq3A_5450, %lt3A_5276 : vector<16x128xi1>
    %broadcast_in_dim3A_5452 = arith.constant 0 : i32
    %broadcast_in_dim3A_5453 = vector.broadcast %broadcast_in_dim3A_5452 : i32 to vector<16x128xi32>
    %eq3A_5454 = arith.cmpf oeq, %abs3A_5266, %min3A_5449 : vector<16x128xf32>
    %and3A_5455 = arith.andi %eq3A_5454, %lt3A_5276 : vector<16x128xi1>
    %jit3A_5456 = arith.constant 0 : i32
    %broadcast_in_dim3A_5457 = vector.broadcast %jit3A_5456 : i32 to vector<16x128xi32>
    %select_n3A_5458 = arith.select %and3A_5455, %broadcast_in_dim3A_5457, %broadcast_in_dim3A_5453 : vector<16x128xi1>, vector<16x128xi32>
    %eq3A_5459 = arith.cmpf oeq, %abs3A_5267, %min3A_5449 : vector<16x128xf32>
    %and3A_5460 = arith.andi %eq3A_5459, %lt3A_5279 : vector<16x128xi1>
    %jit3A_5461 = arith.constant 1 : i32
    %broadcast_in_dim3A_5462 = vector.broadcast %jit3A_5461 : i32 to vector<16x128xi32>
    %select_n3A_5463 = arith.select %and3A_5460, %broadcast_in_dim3A_5462, %select_n3A_5458 : vector<16x128xi1>, vector<16x128xi32>
    %or3A_5464 = arith.ori %and3A_5451, %and3A_5460 : vector<16x128xi1>
    %eq3A_5465 = arith.cmpf oeq, %abs3A_5268, %min3A_5449 : vector<16x128xf32>
    %and3A_5466 = arith.andi %eq3A_5465, %lt3A_5282 : vector<16x128xi1>
    %jit3A_5467 = arith.constant 2 : i32
    %broadcast_in_dim3A_5468 = vector.broadcast %jit3A_5467 : i32 to vector<16x128xi32>
    %select_n3A_5469 = arith.select %and3A_5466, %broadcast_in_dim3A_5468, %select_n3A_5463 : vector<16x128xi1>, vector<16x128xi32>
    %or3A_5470 = arith.ori %or3A_5464, %and3A_5466 : vector<16x128xi1>
    %eq3A_5471 = arith.cmpf oeq, %abs3A_5269, %min3A_5449 : vector<16x128xf32>
    %and3A_5472 = arith.andi %eq3A_5471, %lt3A_5285 : vector<16x128xi1>
    %jit3A_5473 = arith.constant 3 : i32
    %broadcast_in_dim3A_5474 = vector.broadcast %jit3A_5473 : i32 to vector<16x128xi32>
    %select_n3A_5475 = arith.select %and3A_5472, %broadcast_in_dim3A_5474, %select_n3A_5469 : vector<16x128xi1>, vector<16x128xi32>
    %or3A_5476 = arith.ori %or3A_5470, %and3A_5472 : vector<16x128xi1>
    %eq3A_5477 = arith.cmpf oeq, %abs3A_5270, %min3A_5449 : vector<16x128xf32>
    %and3A_5478 = arith.andi %eq3A_5477, %lt3A_5288 : vector<16x128xi1>
    %jit3A_5479 = arith.constant 4 : i32
    %broadcast_in_dim3A_5480 = vector.broadcast %jit3A_5479 : i32 to vector<16x128xi32>
    %select_n3A_5481 = arith.select %and3A_5478, %broadcast_in_dim3A_5480, %select_n3A_5475 : vector<16x128xi1>, vector<16x128xi32>
    %or3A_5482 = arith.ori %or3A_5476, %and3A_5478 : vector<16x128xi1>
    %eq3A_5483 = arith.cmpf oeq, %abs3A_5271, %min3A_5449 : vector<16x128xf32>
    %and3A_5484 = arith.andi %eq3A_5483, %lt3A_5291 : vector<16x128xi1>
    %jit3A_5485 = arith.constant 5 : i32
    %broadcast_in_dim3A_5486 = vector.broadcast %jit3A_5485 : i32 to vector<16x128xi32>
    %select_n3A_5487 = arith.select %and3A_5484, %broadcast_in_dim3A_5486, %select_n3A_5481 : vector<16x128xi1>, vector<16x128xi32>
    %or3A_5488 = arith.ori %or3A_5482, %and3A_5484 : vector<16x128xi1>
    %eq3A_5489 = arith.cmpf oeq, %abs3A_5272, %min3A_5449 : vector<16x128xf32>
    %and3A_5490 = arith.andi %eq3A_5489, %lt3A_5294 : vector<16x128xi1>
    %jit3A_5491 = arith.constant 6 : i32
    %broadcast_in_dim3A_5492 = vector.broadcast %jit3A_5491 : i32 to vector<16x128xi32>
    %select_n3A_5493 = arith.select %and3A_5490, %broadcast_in_dim3A_5492, %select_n3A_5487 : vector<16x128xi1>, vector<16x128xi32>
    %or3A_5494 = arith.ori %or3A_5488, %and3A_5490 : vector<16x128xi1>
    %eq3A_5495 = arith.cmpf oeq, %abs3A_5273, %min3A_5449 : vector<16x128xf32>
    %and3A_5496 = arith.andi %eq3A_5495, %lt3A_5297 : vector<16x128xi1>
    %jit3A_5497 = arith.constant 7 : i32
    %broadcast_in_dim3A_5498 = vector.broadcast %jit3A_5497 : i32 to vector<16x128xi32>
    %select_n3A_5499 = arith.select %and3A_5496, %broadcast_in_dim3A_5498, %select_n3A_5493 : vector<16x128xi1>, vector<16x128xi32>
    %or3A_5500 = arith.ori %or3A_5494, %and3A_5496 : vector<16x128xi1>
    %broadcast_in_dim3A_5501 = arith.constant 0 : i32
    %broadcast_in_dim3A_5502 = vector.broadcast %broadcast_in_dim3A_5501 : i32 to vector<16x128xi32>
    %eq3A_5503 = arith.cmpf oeq, %abs3A_5273, %min3A_5449 : vector<16x128xf32>
    %jit3A_5504 = arith.constant 7 : i32
    %broadcast_in_dim3A_5505 = vector.broadcast %jit3A_5504 : i32 to vector<16x128xi32>
    %select_n3A_5506 = arith.select %eq3A_5503, %broadcast_in_dim3A_5505, %broadcast_in_dim3A_5502 : vector<16x128xi1>, vector<16x128xi32>
    %eq3A_5507 = arith.cmpf oeq, %abs3A_5272, %min3A_5449 : vector<16x128xf32>
    %jit3A_5508 = arith.constant 6 : i32
    %broadcast_in_dim3A_5509 = vector.broadcast %jit3A_5508 : i32 to vector<16x128xi32>
    %select_n3A_5510 = arith.select %eq3A_5507, %broadcast_in_dim3A_5509, %select_n3A_5506 : vector<16x128xi1>, vector<16x128xi32>
    %eq3A_5511 = arith.cmpf oeq, %abs3A_5271, %min3A_5449 : vector<16x128xf32>
    %jit3A_5512 = arith.constant 5 : i32
    %broadcast_in_dim3A_5513 = vector.broadcast %jit3A_5512 : i32 to vector<16x128xi32>
    %select_n3A_5514 = arith.select %eq3A_5511, %broadcast_in_dim3A_5513, %select_n3A_5510 : vector<16x128xi1>, vector<16x128xi32>
    %eq3A_5515 = arith.cmpf oeq, %abs3A_5270, %min3A_5449 : vector<16x128xf32>
    %jit3A_5516 = arith.constant 4 : i32
    %broadcast_in_dim3A_5517 = vector.broadcast %jit3A_5516 : i32 to vector<16x128xi32>
    %select_n3A_5518 = arith.select %eq3A_5515, %broadcast_in_dim3A_5517, %select_n3A_5514 : vector<16x128xi1>, vector<16x128xi32>
    %eq3A_5519 = arith.cmpf oeq, %abs3A_5269, %min3A_5449 : vector<16x128xf32>
    %jit3A_5520 = arith.constant 3 : i32
    %broadcast_in_dim3A_5521 = vector.broadcast %jit3A_5520 : i32 to vector<16x128xi32>
    %select_n3A_5522 = arith.select %eq3A_5519, %broadcast_in_dim3A_5521, %select_n3A_5518 : vector<16x128xi1>, vector<16x128xi32>
    %eq3A_5523 = arith.cmpf oeq, %abs3A_5268, %min3A_5449 : vector<16x128xf32>
    %jit3A_5524 = arith.constant 2 : i32
    %broadcast_in_dim3A_5525 = vector.broadcast %jit3A_5524 : i32 to vector<16x128xi32>
    %select_n3A_5526 = arith.select %eq3A_5523, %broadcast_in_dim3A_5525, %select_n3A_5522 : vector<16x128xi1>, vector<16x128xi32>
    %eq3A_5527 = arith.cmpf oeq, %abs3A_5267, %min3A_5449 : vector<16x128xf32>
    %jit3A_5528 = arith.constant 1 : i32
    %broadcast_in_dim3A_5529 = vector.broadcast %jit3A_5528 : i32 to vector<16x128xi32>
    %select_n3A_5530 = arith.select %eq3A_5527, %broadcast_in_dim3A_5529, %select_n3A_5526 : vector<16x128xi1>, vector<16x128xi32>
    %eq3A_5531 = arith.cmpf oeq, %abs3A_5266, %min3A_5449 : vector<16x128xf32>
    %jit3A_5532 = arith.constant 0 : i32
    %broadcast_in_dim3A_5533 = vector.broadcast %jit3A_5532 : i32 to vector<16x128xi32>
    %select_n3A_5534 = arith.select %eq3A_5531, %broadcast_in_dim3A_5533, %select_n3A_5530 : vector<16x128xi1>, vector<16x128xi32>
    %select_n3A_5535 = arith.select %or3A_5500, %select_n3A_5499, %select_n3A_5534 : vector<16x128xi1>, vector<16x128xi32>
    %xor3A_5536 = arith.xori %convert_element_type3A_5298, %convert_element_type3A_5299 : vector<16x128xi32>
    %xor3A_5537 = arith.xori %xor3A_5536, %convert_element_type3A_5300 : vector<16x128xi32>
    %xor3A_5538 = arith.xori %xor3A_5537, %convert_element_type3A_5301 : vector<16x128xi32>
    %xor3A_5539 = arith.xori %xor3A_5538, %convert_element_type3A_5302 : vector<16x128xi32>
    %xor3A_5540 = arith.xori %xor3A_5539, %convert_element_type3A_5303 : vector<16x128xi32>
    %xor3A_5541 = arith.xori %xor3A_5540, %convert_element_type3A_5304 : vector<16x128xi32>
    %xor3A_5542 = arith.xori %xor3A_5541, %convert_element_type3A_5305 : vector<16x128xi32>
    %eq3A_5543 = arith.constant 1 : i32
    %eq3A_5544 = vector.broadcast %eq3A_5543 : i32 to vector<16x128xi32>
    %eq3A_5545 = arith.cmpi eq, %xor3A_5542, %eq3A_5544 : vector<16x128xi32>
    %mul3A_5546 = arith.constant 5.000000e-01 : f32
    %mul3A_5547 = vector.broadcast %mul3A_5546 : f32 to vector<16x128xf32>
    %mul3A_5548 = arith.mulf %mul3A_5547, %add3A_5448 : vector<16x128xf32>
    %jit3A_5549 = arith.constant 0.000000e+00 : f32
    %broadcast_in_dim3A_5550 = vector.broadcast %jit3A_5549 : f32 to vector<16x128xf32>
    %select_n3A_5551 = arith.select %eq3A_5545, %min3A_5449, %broadcast_in_dim3A_5550 : vector<16x128xi1>, vector<16x128xf32>
    %sub3A_5552 = arith.subf %mul3A_5548, %select_n3A_5551 : vector<16x128xf32>
    %ge3A_5553 = arith.cmpf oge, %add3A_5435, %sub3A_5552 : vector<16x128xf32>
    %min3A_5554 = arith.minsi %select_n3A_5342, %select_n3A_5434 : vector<16x128xi32>
    %max3A_5555 = arith.maxsi %select_n3A_5342, %select_n3A_5434 : vector<16x128xi32>
    %sub3A_5556 = arith.constant 15 : i32
    %sub3A_5557 = vector.broadcast %sub3A_5556 : i32 to vector<16x128xi32>
    %sub3A_5558 = arith.subi %sub3A_5557, %min3A_5554 : vector<16x128xi32>
    %mul3A_5559 = arith.muli %min3A_5554, %sub3A_5558 : vector<16x128xi32>
    %shift_right_arithmetic3A_5560 = arith.constant 1 : i32
    %shift_right_arithmetic3A_5561 = vector.broadcast %shift_right_arithmetic3A_5560 : i32 to vector<16x128xi32>
    %shift_right_arithmetic3A_5562 = arith.shrsi %mul3A_5559, %shift_right_arithmetic3A_5561 : vector<16x128xi32>
    %sub3A_5563 = arith.subi %max3A_5555, %min3A_5554 : vector<16x128xi32>
    %sub3A_5564 = arith.constant 1 : i32
    %sub3A_5565 = vector.broadcast %sub3A_5564 : i32 to vector<16x128xi32>
    %sub3A_5566 = arith.subi %sub3A_5563, %sub3A_5565 : vector<16x128xi32>
    %add3A_5567 = arith.addi %shift_right_arithmetic3A_5562, %sub3A_5566 : vector<16x128xi32>
    %broadcast_in_dim3A_5568 = arith.constant 0 : i32
    %broadcast_in_dim3A_5569 = vector.broadcast %broadcast_in_dim3A_5568 : i32 to vector<16x128xi32>
    %broadcast_in_dim3A_5570 = arith.constant 0 : i32
    %broadcast_in_dim3A_5571 = vector.broadcast %broadcast_in_dim3A_5570 : i32 to vector<16x128xi32>
    %eq3A_5572 = arith.constant 0 : i32
    %eq3A_5573 = vector.broadcast %eq3A_5572 : i32 to vector<16x128xi32>
    %eq3A_5574 = arith.cmpi eq, %min3A_5554, %eq3A_5573 : vector<16x128xi32>
    %select_n3A_5575 = arith.select %eq3A_5574, %convert_element_type3A_5298, %broadcast_in_dim3A_5569 : vector<16x128xi1>, vector<16x128xi32>
    %eq3A_5576 = arith.constant 0 : i32
    %eq3A_5577 = vector.broadcast %eq3A_5576 : i32 to vector<16x128xi32>
    %eq3A_5578 = arith.cmpi eq, %max3A_5555, %eq3A_5577 : vector<16x128xi32>
    %select_n3A_5579 = arith.select %eq3A_5578, %convert_element_type3A_5298, %broadcast_in_dim3A_5571 : vector<16x128xi1>, vector<16x128xi32>
    %eq3A_5580 = arith.constant 1 : i32
    %eq3A_5581 = vector.broadcast %eq3A_5580 : i32 to vector<16x128xi32>
    %eq3A_5582 = arith.cmpi eq, %min3A_5554, %eq3A_5581 : vector<16x128xi32>
    %select_n3A_5583 = arith.select %eq3A_5582, %convert_element_type3A_5299, %select_n3A_5575 : vector<16x128xi1>, vector<16x128xi32>
    %eq3A_5584 = arith.constant 1 : i32
    %eq3A_5585 = vector.broadcast %eq3A_5584 : i32 to vector<16x128xi32>
    %eq3A_5586 = arith.cmpi eq, %max3A_5555, %eq3A_5585 : vector<16x128xi32>
    %select_n3A_5587 = arith.select %eq3A_5586, %convert_element_type3A_5299, %select_n3A_5579 : vector<16x128xi1>, vector<16x128xi32>
    %eq3A_5588 = arith.constant 2 : i32
    %eq3A_5589 = vector.broadcast %eq3A_5588 : i32 to vector<16x128xi32>
    %eq3A_5590 = arith.cmpi eq, %min3A_5554, %eq3A_5589 : vector<16x128xi32>
    %select_n3A_5591 = arith.select %eq3A_5590, %convert_element_type3A_5300, %select_n3A_5583 : vector<16x128xi1>, vector<16x128xi32>
    %eq3A_5592 = arith.constant 2 : i32
    %eq3A_5593 = vector.broadcast %eq3A_5592 : i32 to vector<16x128xi32>
    %eq3A_5594 = arith.cmpi eq, %max3A_5555, %eq3A_5593 : vector<16x128xi32>
    %select_n3A_5595 = arith.select %eq3A_5594, %convert_element_type3A_5300, %select_n3A_5587 : vector<16x128xi1>, vector<16x128xi32>
    %eq3A_5596 = arith.constant 3 : i32
    %eq3A_5597 = vector.broadcast %eq3A_5596 : i32 to vector<16x128xi32>
    %eq3A_5598 = arith.cmpi eq, %min3A_5554, %eq3A_5597 : vector<16x128xi32>
    %select_n3A_5599 = arith.select %eq3A_5598, %convert_element_type3A_5301, %select_n3A_5591 : vector<16x128xi1>, vector<16x128xi32>
    %eq3A_5600 = arith.constant 3 : i32
    %eq3A_5601 = vector.broadcast %eq3A_5600 : i32 to vector<16x128xi32>
    %eq3A_5602 = arith.cmpi eq, %max3A_5555, %eq3A_5601 : vector<16x128xi32>
    %select_n3A_5603 = arith.select %eq3A_5602, %convert_element_type3A_5301, %select_n3A_5595 : vector<16x128xi1>, vector<16x128xi32>
    %eq3A_5604 = arith.constant 4 : i32
    %eq3A_5605 = vector.broadcast %eq3A_5604 : i32 to vector<16x128xi32>
    %eq3A_5606 = arith.cmpi eq, %min3A_5554, %eq3A_5605 : vector<16x128xi32>
    %select_n3A_5607 = arith.select %eq3A_5606, %convert_element_type3A_5302, %select_n3A_5599 : vector<16x128xi1>, vector<16x128xi32>
    %eq3A_5608 = arith.constant 4 : i32
    %eq3A_5609 = vector.broadcast %eq3A_5608 : i32 to vector<16x128xi32>
    %eq3A_5610 = arith.cmpi eq, %max3A_5555, %eq3A_5609 : vector<16x128xi32>
    %select_n3A_5611 = arith.select %eq3A_5610, %convert_element_type3A_5302, %select_n3A_5603 : vector<16x128xi1>, vector<16x128xi32>
    %eq3A_5612 = arith.constant 5 : i32
    %eq3A_5613 = vector.broadcast %eq3A_5612 : i32 to vector<16x128xi32>
    %eq3A_5614 = arith.cmpi eq, %min3A_5554, %eq3A_5613 : vector<16x128xi32>
    %select_n3A_5615 = arith.select %eq3A_5614, %convert_element_type3A_5303, %select_n3A_5607 : vector<16x128xi1>, vector<16x128xi32>
    %eq3A_5616 = arith.constant 5 : i32
    %eq3A_5617 = vector.broadcast %eq3A_5616 : i32 to vector<16x128xi32>
    %eq3A_5618 = arith.cmpi eq, %max3A_5555, %eq3A_5617 : vector<16x128xi32>
    %select_n3A_5619 = arith.select %eq3A_5618, %convert_element_type3A_5303, %select_n3A_5611 : vector<16x128xi1>, vector<16x128xi32>
    %eq3A_5620 = arith.constant 6 : i32
    %eq3A_5621 = vector.broadcast %eq3A_5620 : i32 to vector<16x128xi32>
    %eq3A_5622 = arith.cmpi eq, %min3A_5554, %eq3A_5621 : vector<16x128xi32>
    %select_n3A_5623 = arith.select %eq3A_5622, %convert_element_type3A_5304, %select_n3A_5615 : vector<16x128xi1>, vector<16x128xi32>
    %eq3A_5624 = arith.constant 6 : i32
    %eq3A_5625 = vector.broadcast %eq3A_5624 : i32 to vector<16x128xi32>
    %eq3A_5626 = arith.cmpi eq, %max3A_5555, %eq3A_5625 : vector<16x128xi32>
    %select_n3A_5627 = arith.select %eq3A_5626, %convert_element_type3A_5304, %select_n3A_5619 : vector<16x128xi1>, vector<16x128xi32>
    %eq3A_5628 = arith.constant 7 : i32
    %eq3A_5629 = vector.broadcast %eq3A_5628 : i32 to vector<16x128xi32>
    %eq3A_5630 = arith.cmpi eq, %min3A_5554, %eq3A_5629 : vector<16x128xi32>
    %select_n3A_5631 = arith.select %eq3A_5630, %convert_element_type3A_5305, %select_n3A_5623 : vector<16x128xi1>, vector<16x128xi32>
    %eq3A_5632 = arith.constant 7 : i32
    %eq3A_5633 = vector.broadcast %eq3A_5632 : i32 to vector<16x128xi32>
    %eq3A_5634 = arith.cmpi eq, %max3A_5555, %eq3A_5633 : vector<16x128xi32>
    %select_n3A_5635 = arith.select %eq3A_5634, %convert_element_type3A_5305, %select_n3A_5627 : vector<16x128xi1>, vector<16x128xi32>
    %mul3A_5636 = arith.constant 4 : i32
    %mul3A_5637 = vector.broadcast %mul3A_5636 : i32 to vector<16x128xi32>
    %mul3A_5638 = arith.muli %mul3A_5637, %add3A_5567 : vector<16x128xi32>
    %mul3A_5639 = arith.constant 2 : i32
    %mul3A_5640 = vector.broadcast %mul3A_5639 : i32 to vector<16x128xi32>
    %mul3A_5641 = arith.muli %mul3A_5640, %select_n3A_5631 : vector<16x128xi32>
    %add3A_5642 = arith.addi %mul3A_5638, %mul3A_5641 : vector<16x128xi32>
    %add3A_5643 = arith.addi %add3A_5642, %select_n3A_5635 : vector<16x128xi32>
    %broadcast_in_dim3A_5644 = arith.constant 0 : i32
    %broadcast_in_dim3A_5645 = vector.broadcast %broadcast_in_dim3A_5644 : i32 to vector<16x128xi32>
    %eq3A_5646 = arith.constant 0 : i32
    %eq3A_5647 = vector.broadcast %eq3A_5646 : i32 to vector<16x128xi32>
    %eq3A_5648 = arith.cmpi eq, %select_n3A_5535, %eq3A_5647 : vector<16x128xi32>
    %and3A_5649 = arith.andi %eq3A_5545, %eq3A_5648 : vector<16x128xi1>
    %sub3A_5650 = arith.constant 1 : i32
    %sub3A_5651 = vector.broadcast %sub3A_5650 : i32 to vector<16x128xi32>
    %sub3A_5652 = arith.subi %sub3A_5651, %convert_element_type3A_5298 : vector<16x128xi32>
    %select_n3A_5653 = arith.select %and3A_5649, %sub3A_5652, %convert_element_type3A_5298 : vector<16x128xi1>, vector<16x128xi32>
    %shift_left3A_5654 = arith.constant 0 : i32
    %shift_left3A_5655 = vector.broadcast %shift_left3A_5654 : i32 to vector<16x128xi32>
    %shift_left3A_5656 = arith.shli %select_n3A_5653, %shift_left3A_5655 : vector<16x128xi32>
    %add3A_5657 = arith.addi %broadcast_in_dim3A_5645, %shift_left3A_5656 : vector<16x128xi32>
    %eq3A_5658 = arith.constant 1 : i32
    %eq3A_5659 = vector.broadcast %eq3A_5658 : i32 to vector<16x128xi32>
    %eq3A_5660 = arith.cmpi eq, %select_n3A_5535, %eq3A_5659 : vector<16x128xi32>
    %and3A_5661 = arith.andi %eq3A_5545, %eq3A_5660 : vector<16x128xi1>
    %sub3A_5662 = arith.constant 1 : i32
    %sub3A_5663 = vector.broadcast %sub3A_5662 : i32 to vector<16x128xi32>
    %sub3A_5664 = arith.subi %sub3A_5663, %convert_element_type3A_5299 : vector<16x128xi32>
    %select_n3A_5665 = arith.select %and3A_5661, %sub3A_5664, %convert_element_type3A_5299 : vector<16x128xi1>, vector<16x128xi32>
    %shift_left3A_5666 = arith.constant 1 : i32
    %shift_left3A_5667 = vector.broadcast %shift_left3A_5666 : i32 to vector<16x128xi32>
    %shift_left3A_5668 = arith.shli %select_n3A_5665, %shift_left3A_5667 : vector<16x128xi32>
    %add3A_5669 = arith.addi %add3A_5657, %shift_left3A_5668 : vector<16x128xi32>
    %eq3A_5670 = arith.constant 2 : i32
    %eq3A_5671 = vector.broadcast %eq3A_5670 : i32 to vector<16x128xi32>
    %eq3A_5672 = arith.cmpi eq, %select_n3A_5535, %eq3A_5671 : vector<16x128xi32>
    %and3A_5673 = arith.andi %eq3A_5545, %eq3A_5672 : vector<16x128xi1>
    %sub3A_5674 = arith.constant 1 : i32
    %sub3A_5675 = vector.broadcast %sub3A_5674 : i32 to vector<16x128xi32>
    %sub3A_5676 = arith.subi %sub3A_5675, %convert_element_type3A_5300 : vector<16x128xi32>
    %select_n3A_5677 = arith.select %and3A_5673, %sub3A_5676, %convert_element_type3A_5300 : vector<16x128xi1>, vector<16x128xi32>
    %shift_left3A_5678 = arith.constant 2 : i32
    %shift_left3A_5679 = vector.broadcast %shift_left3A_5678 : i32 to vector<16x128xi32>
    %shift_left3A_5680 = arith.shli %select_n3A_5677, %shift_left3A_5679 : vector<16x128xi32>
    %add3A_5681 = arith.addi %add3A_5669, %shift_left3A_5680 : vector<16x128xi32>
    %eq3A_5682 = arith.constant 3 : i32
    %eq3A_5683 = vector.broadcast %eq3A_5682 : i32 to vector<16x128xi32>
    %eq3A_5684 = arith.cmpi eq, %select_n3A_5535, %eq3A_5683 : vector<16x128xi32>
    %and3A_5685 = arith.andi %eq3A_5545, %eq3A_5684 : vector<16x128xi1>
    %sub3A_5686 = arith.constant 1 : i32
    %sub3A_5687 = vector.broadcast %sub3A_5686 : i32 to vector<16x128xi32>
    %sub3A_5688 = arith.subi %sub3A_5687, %convert_element_type3A_5301 : vector<16x128xi32>
    %select_n3A_5689 = arith.select %and3A_5685, %sub3A_5688, %convert_element_type3A_5301 : vector<16x128xi1>, vector<16x128xi32>
    %shift_left3A_5690 = arith.constant 3 : i32
    %shift_left3A_5691 = vector.broadcast %shift_left3A_5690 : i32 to vector<16x128xi32>
    %shift_left3A_5692 = arith.shli %select_n3A_5689, %shift_left3A_5691 : vector<16x128xi32>
    %add3A_5693 = arith.addi %add3A_5681, %shift_left3A_5692 : vector<16x128xi32>
    %eq3A_5694 = arith.constant 4 : i32
    %eq3A_5695 = vector.broadcast %eq3A_5694 : i32 to vector<16x128xi32>
    %eq3A_5696 = arith.cmpi eq, %select_n3A_5535, %eq3A_5695 : vector<16x128xi32>
    %and3A_5697 = arith.andi %eq3A_5545, %eq3A_5696 : vector<16x128xi1>
    %sub3A_5698 = arith.constant 1 : i32
    %sub3A_5699 = vector.broadcast %sub3A_5698 : i32 to vector<16x128xi32>
    %sub3A_5700 = arith.subi %sub3A_5699, %convert_element_type3A_5302 : vector<16x128xi32>
    %select_n3A_5701 = arith.select %and3A_5697, %sub3A_5700, %convert_element_type3A_5302 : vector<16x128xi1>, vector<16x128xi32>
    %shift_left3A_5702 = arith.constant 4 : i32
    %shift_left3A_5703 = vector.broadcast %shift_left3A_5702 : i32 to vector<16x128xi32>
    %shift_left3A_5704 = arith.shli %select_n3A_5701, %shift_left3A_5703 : vector<16x128xi32>
    %add3A_5705 = arith.addi %add3A_5693, %shift_left3A_5704 : vector<16x128xi32>
    %eq3A_5706 = arith.constant 5 : i32
    %eq3A_5707 = vector.broadcast %eq3A_5706 : i32 to vector<16x128xi32>
    %eq3A_5708 = arith.cmpi eq, %select_n3A_5535, %eq3A_5707 : vector<16x128xi32>
    %and3A_5709 = arith.andi %eq3A_5545, %eq3A_5708 : vector<16x128xi1>
    %sub3A_5710 = arith.constant 1 : i32
    %sub3A_5711 = vector.broadcast %sub3A_5710 : i32 to vector<16x128xi32>
    %sub3A_5712 = arith.subi %sub3A_5711, %convert_element_type3A_5303 : vector<16x128xi32>
    %select_n3A_5713 = arith.select %and3A_5709, %sub3A_5712, %convert_element_type3A_5303 : vector<16x128xi1>, vector<16x128xi32>
    %shift_left3A_5714 = arith.constant 5 : i32
    %shift_left3A_5715 = vector.broadcast %shift_left3A_5714 : i32 to vector<16x128xi32>
    %shift_left3A_5716 = arith.shli %select_n3A_5713, %shift_left3A_5715 : vector<16x128xi32>
    %add3A_5717 = arith.addi %add3A_5705, %shift_left3A_5716 : vector<16x128xi32>
    %eq3A_5718 = arith.constant 6 : i32
    %eq3A_5719 = vector.broadcast %eq3A_5718 : i32 to vector<16x128xi32>
    %eq3A_5720 = arith.cmpi eq, %select_n3A_5535, %eq3A_5719 : vector<16x128xi32>
    %and3A_5721 = arith.andi %eq3A_5545, %eq3A_5720 : vector<16x128xi1>
    %sub3A_5722 = arith.constant 1 : i32
    %sub3A_5723 = vector.broadcast %sub3A_5722 : i32 to vector<16x128xi32>
    %sub3A_5724 = arith.subi %sub3A_5723, %convert_element_type3A_5304 : vector<16x128xi32>
    %select_n3A_5725 = arith.select %and3A_5721, %sub3A_5724, %convert_element_type3A_5304 : vector<16x128xi1>, vector<16x128xi32>
    %shift_left3A_5726 = arith.constant 6 : i32
    %shift_left3A_5727 = vector.broadcast %shift_left3A_5726 : i32 to vector<16x128xi32>
    %shift_left3A_5728 = arith.shli %select_n3A_5725, %shift_left3A_5727 : vector<16x128xi32>
    %add3A_5729 = arith.addi %add3A_5717, %shift_left3A_5728 : vector<16x128xi32>
    %eq3A_5730 = arith.constant 7 : i32
    %eq3A_5731 = vector.broadcast %eq3A_5730 : i32 to vector<16x128xi32>
    %eq3A_5732 = arith.cmpi eq, %select_n3A_5535, %eq3A_5731 : vector<16x128xi32>
    %and3A_5733 = arith.andi %eq3A_5545, %eq3A_5732 : vector<16x128xi1>
    %sub3A_5734 = arith.constant 1 : i32
    %sub3A_5735 = vector.broadcast %sub3A_5734 : i32 to vector<16x128xi32>
    %sub3A_5736 = arith.subi %sub3A_5735, %convert_element_type3A_5305 : vector<16x128xi32>
    %select_n3A_5737 = arith.select %and3A_5733, %sub3A_5736, %convert_element_type3A_5305 : vector<16x128xi1>, vector<16x128xi32>
    %shift_left3A_5738 = arith.constant 7 : i32
    %shift_left3A_5739 = vector.broadcast %shift_left3A_5738 : i32 to vector<16x128xi32>
    %shift_left3A_5740 = arith.shli %select_n3A_5737, %shift_left3A_5739 : vector<16x128xi32>
    %add3A_5741 = arith.addi %add3A_5729, %shift_left3A_5740 : vector<16x128xi32>
    %shift_right_arithmetic3A_5742 = arith.constant 1 : i32
    %shift_right_arithmetic3A_5743 = vector.broadcast %shift_right_arithmetic3A_5742 : i32 to vector<16x128xi32>
    %shift_right_arithmetic3A_5744 = arith.shrsi %add3A_5741, %shift_right_arithmetic3A_5743 : vector<16x128xi32>
    %add3A_5745 = arith.constant 112 : i32
    %add3A_5746 = vector.broadcast %add3A_5745 : i32 to vector<16x128xi32>
    %add3A_5747 = arith.addi %add3A_5746, %shift_right_arithmetic3A_5744 : vector<16x128xi32>
    %select_n3A_5748 = arith.select %ge3A_5553, %add3A_5643, %add3A_5747 : vector<16x128xi1>, vector<16x128xi32>
    %jit3A_5749 = arith.constant -1.000000e+00 : f32
    %jit3A_5750 = arith.constant 1.000000e+00 : f32
    %broadcast_in_dim3A_5751 = vector.broadcast %jit3A_5749 : f32 to vector<16x128xf32>
    %broadcast_in_dim3A_5752 = vector.broadcast %jit3A_5750 : f32 to vector<16x128xf32>
    %select_n3A_5753 = arith.select %lt3A_5276, %broadcast_in_dim3A_5751, %broadcast_in_dim3A_5752 : vector<16x128xi1>, vector<16x128xf32>
    %eq3A_5754 = arith.constant 0 : i32
    %eq3A_5755 = vector.broadcast %eq3A_5754 : i32 to vector<16x128xi32>
    %eq3A_5756 = arith.cmpi eq, %select_n3A_5342, %eq3A_5755 : vector<16x128xi32>
    %eq3A_5757 = arith.constant 0 : i32
    %eq3A_5758 = vector.broadcast %eq3A_5757 : i32 to vector<16x128xi32>
    %eq3A_5759 = arith.cmpi eq, %select_n3A_5434, %eq3A_5758 : vector<16x128xi32>
    %or3A_5760 = arith.ori %eq3A_5756, %eq3A_5759 : vector<16x128xi1>
    %jit3A_5761 = arith.constant 0.000000e+00 : f32
    %broadcast_in_dim3A_5762 = vector.broadcast %jit3A_5761 : f32 to vector<16x128xf32>
    %select_n3A_5763 = arith.select %or3A_5760, %select_n3A_5753, %broadcast_in_dim3A_5762 : vector<16x128xi1>, vector<16x128xf32>
    %eq3A_5764 = arith.constant 1 : i32
    %eq3A_5765 = vector.broadcast %eq3A_5764 : i32 to vector<16x128xi32>
    %eq3A_5766 = arith.cmpi eq, %select_n3A_5653, %eq3A_5765 : vector<16x128xi32>
    %jit3A_5767 = arith.constant -5.000000e-01 : f32
    %jit3A_5768 = arith.constant 5.000000e-01 : f32
    %broadcast_in_dim3A_5769 = vector.broadcast %jit3A_5767 : f32 to vector<16x128xf32>
    %broadcast_in_dim3A_5770 = vector.broadcast %jit3A_5768 : f32 to vector<16x128xf32>
    %select_n3A_5771 = arith.select %eq3A_5766, %broadcast_in_dim3A_5769, %broadcast_in_dim3A_5770 : vector<16x128xi1>, vector<16x128xf32>
    %select_n3A_5772 = arith.select %ge3A_5553, %select_n3A_5763, %select_n3A_5771 : vector<16x128xi1>, vector<16x128xf32>
    %jit3A_5773 = arith.constant -1.000000e+00 : f32
    %jit3A_5774 = arith.constant 1.000000e+00 : f32
    %broadcast_in_dim3A_5775 = vector.broadcast %jit3A_5773 : f32 to vector<16x128xf32>
    %broadcast_in_dim3A_5776 = vector.broadcast %jit3A_5774 : f32 to vector<16x128xf32>
    %select_n3A_5777 = arith.select %lt3A_5279, %broadcast_in_dim3A_5775, %broadcast_in_dim3A_5776 : vector<16x128xi1>, vector<16x128xf32>
    %eq3A_5778 = arith.constant 1 : i32
    %eq3A_5779 = vector.broadcast %eq3A_5778 : i32 to vector<16x128xi32>
    %eq3A_5780 = arith.cmpi eq, %select_n3A_5342, %eq3A_5779 : vector<16x128xi32>
    %eq3A_5781 = arith.constant 1 : i32
    %eq3A_5782 = vector.broadcast %eq3A_5781 : i32 to vector<16x128xi32>
    %eq3A_5783 = arith.cmpi eq, %select_n3A_5434, %eq3A_5782 : vector<16x128xi32>
    %or3A_5784 = arith.ori %eq3A_5780, %eq3A_5783 : vector<16x128xi1>
    %jit3A_5785 = arith.constant 0.000000e+00 : f32
    %broadcast_in_dim3A_5786 = vector.broadcast %jit3A_5785 : f32 to vector<16x128xf32>
    %select_n3A_5787 = arith.select %or3A_5784, %select_n3A_5777, %broadcast_in_dim3A_5786 : vector<16x128xi1>, vector<16x128xf32>
    %eq3A_5788 = arith.constant 1 : i32
    %eq3A_5789 = vector.broadcast %eq3A_5788 : i32 to vector<16x128xi32>
    %eq3A_5790 = arith.cmpi eq, %select_n3A_5665, %eq3A_5789 : vector<16x128xi32>
    %jit3A_5791 = arith.constant -5.000000e-01 : f32
    %jit3A_5792 = arith.constant 5.000000e-01 : f32
    %broadcast_in_dim3A_5793 = vector.broadcast %jit3A_5791 : f32 to vector<16x128xf32>
    %broadcast_in_dim3A_5794 = vector.broadcast %jit3A_5792 : f32 to vector<16x128xf32>
    %select_n3A_5795 = arith.select %eq3A_5790, %broadcast_in_dim3A_5793, %broadcast_in_dim3A_5794 : vector<16x128xi1>, vector<16x128xf32>
    %select_n3A_5796 = arith.select %ge3A_5553, %select_n3A_5787, %select_n3A_5795 : vector<16x128xi1>, vector<16x128xf32>
    %jit3A_5797 = arith.constant -1.000000e+00 : f32
    %jit3A_5798 = arith.constant 1.000000e+00 : f32
    %broadcast_in_dim3A_5799 = vector.broadcast %jit3A_5797 : f32 to vector<16x128xf32>
    %broadcast_in_dim3A_5800 = vector.broadcast %jit3A_5798 : f32 to vector<16x128xf32>
    %select_n3A_5801 = arith.select %lt3A_5282, %broadcast_in_dim3A_5799, %broadcast_in_dim3A_5800 : vector<16x128xi1>, vector<16x128xf32>
    %eq3A_5802 = arith.constant 2 : i32
    %eq3A_5803 = vector.broadcast %eq3A_5802 : i32 to vector<16x128xi32>
    %eq3A_5804 = arith.cmpi eq, %select_n3A_5342, %eq3A_5803 : vector<16x128xi32>
    %eq3A_5805 = arith.constant 2 : i32
    %eq3A_5806 = vector.broadcast %eq3A_5805 : i32 to vector<16x128xi32>
    %eq3A_5807 = arith.cmpi eq, %select_n3A_5434, %eq3A_5806 : vector<16x128xi32>
    %or3A_5808 = arith.ori %eq3A_5804, %eq3A_5807 : vector<16x128xi1>
    %jit3A_5809 = arith.constant 0.000000e+00 : f32
    %broadcast_in_dim3A_5810 = vector.broadcast %jit3A_5809 : f32 to vector<16x128xf32>
    %select_n3A_5811 = arith.select %or3A_5808, %select_n3A_5801, %broadcast_in_dim3A_5810 : vector<16x128xi1>, vector<16x128xf32>
    %eq3A_5812 = arith.constant 1 : i32
    %eq3A_5813 = vector.broadcast %eq3A_5812 : i32 to vector<16x128xi32>
    %eq3A_5814 = arith.cmpi eq, %select_n3A_5677, %eq3A_5813 : vector<16x128xi32>
    %jit3A_5815 = arith.constant -5.000000e-01 : f32
    %jit3A_5816 = arith.constant 5.000000e-01 : f32
    %broadcast_in_dim3A_5817 = vector.broadcast %jit3A_5815 : f32 to vector<16x128xf32>
    %broadcast_in_dim3A_5818 = vector.broadcast %jit3A_5816 : f32 to vector<16x128xf32>
    %select_n3A_5819 = arith.select %eq3A_5814, %broadcast_in_dim3A_5817, %broadcast_in_dim3A_5818 : vector<16x128xi1>, vector<16x128xf32>
    %select_n3A_5820 = arith.select %ge3A_5553, %select_n3A_5811, %select_n3A_5819 : vector<16x128xi1>, vector<16x128xf32>
    %jit3A_5821 = arith.constant -1.000000e+00 : f32
    %jit3A_5822 = arith.constant 1.000000e+00 : f32
    %broadcast_in_dim3A_5823 = vector.broadcast %jit3A_5821 : f32 to vector<16x128xf32>
    %broadcast_in_dim3A_5824 = vector.broadcast %jit3A_5822 : f32 to vector<16x128xf32>
    %select_n3A_5825 = arith.select %lt3A_5285, %broadcast_in_dim3A_5823, %broadcast_in_dim3A_5824 : vector<16x128xi1>, vector<16x128xf32>
    %eq3A_5826 = arith.constant 3 : i32
    %eq3A_5827 = vector.broadcast %eq3A_5826 : i32 to vector<16x128xi32>
    %eq3A_5828 = arith.cmpi eq, %select_n3A_5342, %eq3A_5827 : vector<16x128xi32>
    %eq3A_5829 = arith.constant 3 : i32
    %eq3A_5830 = vector.broadcast %eq3A_5829 : i32 to vector<16x128xi32>
    %eq3A_5831 = arith.cmpi eq, %select_n3A_5434, %eq3A_5830 : vector<16x128xi32>
    %or3A_5832 = arith.ori %eq3A_5828, %eq3A_5831 : vector<16x128xi1>
    %jit3A_5833 = arith.constant 0.000000e+00 : f32
    %broadcast_in_dim3A_5834 = vector.broadcast %jit3A_5833 : f32 to vector<16x128xf32>
    %select_n3A_5835 = arith.select %or3A_5832, %select_n3A_5825, %broadcast_in_dim3A_5834 : vector<16x128xi1>, vector<16x128xf32>
    %eq3A_5836 = arith.constant 1 : i32
    %eq3A_5837 = vector.broadcast %eq3A_5836 : i32 to vector<16x128xi32>
    %eq3A_5838 = arith.cmpi eq, %select_n3A_5689, %eq3A_5837 : vector<16x128xi32>
    %jit3A_5839 = arith.constant -5.000000e-01 : f32
    %jit3A_5840 = arith.constant 5.000000e-01 : f32
    %broadcast_in_dim3A_5841 = vector.broadcast %jit3A_5839 : f32 to vector<16x128xf32>
    %broadcast_in_dim3A_5842 = vector.broadcast %jit3A_5840 : f32 to vector<16x128xf32>
    %select_n3A_5843 = arith.select %eq3A_5838, %broadcast_in_dim3A_5841, %broadcast_in_dim3A_5842 : vector<16x128xi1>, vector<16x128xf32>
    %select_n3A_5844 = arith.select %ge3A_5553, %select_n3A_5835, %select_n3A_5843 : vector<16x128xi1>, vector<16x128xf32>
    %jit3A_5845 = arith.constant -1.000000e+00 : f32
    %jit3A_5846 = arith.constant 1.000000e+00 : f32
    %broadcast_in_dim3A_5847 = vector.broadcast %jit3A_5845 : f32 to vector<16x128xf32>
    %broadcast_in_dim3A_5848 = vector.broadcast %jit3A_5846 : f32 to vector<16x128xf32>
    %select_n3A_5849 = arith.select %lt3A_5288, %broadcast_in_dim3A_5847, %broadcast_in_dim3A_5848 : vector<16x128xi1>, vector<16x128xf32>
    %eq3A_5850 = arith.constant 4 : i32
    %eq3A_5851 = vector.broadcast %eq3A_5850 : i32 to vector<16x128xi32>
    %eq3A_5852 = arith.cmpi eq, %select_n3A_5342, %eq3A_5851 : vector<16x128xi32>
    %eq3A_5853 = arith.constant 4 : i32
    %eq3A_5854 = vector.broadcast %eq3A_5853 : i32 to vector<16x128xi32>
    %eq3A_5855 = arith.cmpi eq, %select_n3A_5434, %eq3A_5854 : vector<16x128xi32>
    %or3A_5856 = arith.ori %eq3A_5852, %eq3A_5855 : vector<16x128xi1>
    %jit3A_5857 = arith.constant 0.000000e+00 : f32
    %broadcast_in_dim3A_5858 = vector.broadcast %jit3A_5857 : f32 to vector<16x128xf32>
    %select_n3A_5859 = arith.select %or3A_5856, %select_n3A_5849, %broadcast_in_dim3A_5858 : vector<16x128xi1>, vector<16x128xf32>
    %eq3A_5860 = arith.constant 1 : i32
    %eq3A_5861 = vector.broadcast %eq3A_5860 : i32 to vector<16x128xi32>
    %eq3A_5862 = arith.cmpi eq, %select_n3A_5701, %eq3A_5861 : vector<16x128xi32>
    %jit3A_5863 = arith.constant -5.000000e-01 : f32
    %jit3A_5864 = arith.constant 5.000000e-01 : f32
    %broadcast_in_dim3A_5865 = vector.broadcast %jit3A_5863 : f32 to vector<16x128xf32>
    %broadcast_in_dim3A_5866 = vector.broadcast %jit3A_5864 : f32 to vector<16x128xf32>
    %select_n3A_5867 = arith.select %eq3A_5862, %broadcast_in_dim3A_5865, %broadcast_in_dim3A_5866 : vector<16x128xi1>, vector<16x128xf32>
    %select_n3A_5868 = arith.select %ge3A_5553, %select_n3A_5859, %select_n3A_5867 : vector<16x128xi1>, vector<16x128xf32>
    %jit3A_5869 = arith.constant -1.000000e+00 : f32
    %jit3A_5870 = arith.constant 1.000000e+00 : f32
    %broadcast_in_dim3A_5871 = vector.broadcast %jit3A_5869 : f32 to vector<16x128xf32>
    %broadcast_in_dim3A_5872 = vector.broadcast %jit3A_5870 : f32 to vector<16x128xf32>
    %select_n3A_5873 = arith.select %lt3A_5291, %broadcast_in_dim3A_5871, %broadcast_in_dim3A_5872 : vector<16x128xi1>, vector<16x128xf32>
    %eq3A_5874 = arith.constant 5 : i32
    %eq3A_5875 = vector.broadcast %eq3A_5874 : i32 to vector<16x128xi32>
    %eq3A_5876 = arith.cmpi eq, %select_n3A_5342, %eq3A_5875 : vector<16x128xi32>
    %eq3A_5877 = arith.constant 5 : i32
    %eq3A_5878 = vector.broadcast %eq3A_5877 : i32 to vector<16x128xi32>
    %eq3A_5879 = arith.cmpi eq, %select_n3A_5434, %eq3A_5878 : vector<16x128xi32>
    %or3A_5880 = arith.ori %eq3A_5876, %eq3A_5879 : vector<16x128xi1>
    %jit3A_5881 = arith.constant 0.000000e+00 : f32
    %broadcast_in_dim3A_5882 = vector.broadcast %jit3A_5881 : f32 to vector<16x128xf32>
    %select_n3A_5883 = arith.select %or3A_5880, %select_n3A_5873, %broadcast_in_dim3A_5882 : vector<16x128xi1>, vector<16x128xf32>
    %eq3A_5884 = arith.constant 1 : i32
    %eq3A_5885 = vector.broadcast %eq3A_5884 : i32 to vector<16x128xi32>
    %eq3A_5886 = arith.cmpi eq, %select_n3A_5713, %eq3A_5885 : vector<16x128xi32>
    %jit3A_5887 = arith.constant -5.000000e-01 : f32
    %jit3A_5888 = arith.constant 5.000000e-01 : f32
    %broadcast_in_dim3A_5889 = vector.broadcast %jit3A_5887 : f32 to vector<16x128xf32>
    %broadcast_in_dim3A_5890 = vector.broadcast %jit3A_5888 : f32 to vector<16x128xf32>
    %select_n3A_5891 = arith.select %eq3A_5886, %broadcast_in_dim3A_5889, %broadcast_in_dim3A_5890 : vector<16x128xi1>, vector<16x128xf32>
    %select_n3A_5892 = arith.select %ge3A_5553, %select_n3A_5883, %select_n3A_5891 : vector<16x128xi1>, vector<16x128xf32>
    %jit3A_5893 = arith.constant -1.000000e+00 : f32
    %jit3A_5894 = arith.constant 1.000000e+00 : f32
    %broadcast_in_dim3A_5895 = vector.broadcast %jit3A_5893 : f32 to vector<16x128xf32>
    %broadcast_in_dim3A_5896 = vector.broadcast %jit3A_5894 : f32 to vector<16x128xf32>
    %select_n3A_5897 = arith.select %lt3A_5294, %broadcast_in_dim3A_5895, %broadcast_in_dim3A_5896 : vector<16x128xi1>, vector<16x128xf32>
    %eq3A_5898 = arith.constant 6 : i32
    %eq3A_5899 = vector.broadcast %eq3A_5898 : i32 to vector<16x128xi32>
    %eq3A_5900 = arith.cmpi eq, %select_n3A_5342, %eq3A_5899 : vector<16x128xi32>
    %eq3A_5901 = arith.constant 6 : i32
    %eq3A_5902 = vector.broadcast %eq3A_5901 : i32 to vector<16x128xi32>
    %eq3A_5903 = arith.cmpi eq, %select_n3A_5434, %eq3A_5902 : vector<16x128xi32>
    %or3A_5904 = arith.ori %eq3A_5900, %eq3A_5903 : vector<16x128xi1>
    %jit3A_5905 = arith.constant 0.000000e+00 : f32
    %broadcast_in_dim3A_5906 = vector.broadcast %jit3A_5905 : f32 to vector<16x128xf32>
    %select_n3A_5907 = arith.select %or3A_5904, %select_n3A_5897, %broadcast_in_dim3A_5906 : vector<16x128xi1>, vector<16x128xf32>
    %eq3A_5908 = arith.constant 1 : i32
    %eq3A_5909 = vector.broadcast %eq3A_5908 : i32 to vector<16x128xi32>
    %eq3A_5910 = arith.cmpi eq, %select_n3A_5725, %eq3A_5909 : vector<16x128xi32>
    %jit3A_5911 = arith.constant -5.000000e-01 : f32
    %jit3A_5912 = arith.constant 5.000000e-01 : f32
    %broadcast_in_dim3A_5913 = vector.broadcast %jit3A_5911 : f32 to vector<16x128xf32>
    %broadcast_in_dim3A_5914 = vector.broadcast %jit3A_5912 : f32 to vector<16x128xf32>
    %select_n3A_5915 = arith.select %eq3A_5910, %broadcast_in_dim3A_5913, %broadcast_in_dim3A_5914 : vector<16x128xi1>, vector<16x128xf32>
    %select_n3A_5916 = arith.select %ge3A_5553, %select_n3A_5907, %select_n3A_5915 : vector<16x128xi1>, vector<16x128xf32>
    %jit3A_5917 = arith.constant -1.000000e+00 : f32
    %jit3A_5918 = arith.constant 1.000000e+00 : f32
    %broadcast_in_dim3A_5919 = vector.broadcast %jit3A_5917 : f32 to vector<16x128xf32>
    %broadcast_in_dim3A_5920 = vector.broadcast %jit3A_5918 : f32 to vector<16x128xf32>
    %select_n3A_5921 = arith.select %lt3A_5297, %broadcast_in_dim3A_5919, %broadcast_in_dim3A_5920 : vector<16x128xi1>, vector<16x128xf32>
    %eq3A_5922 = arith.constant 7 : i32
    %eq3A_5923 = vector.broadcast %eq3A_5922 : i32 to vector<16x128xi32>
    %eq3A_5924 = arith.cmpi eq, %select_n3A_5342, %eq3A_5923 : vector<16x128xi32>
    %eq3A_5925 = arith.constant 7 : i32
    %eq3A_5926 = vector.broadcast %eq3A_5925 : i32 to vector<16x128xi32>
    %eq3A_5927 = arith.cmpi eq, %select_n3A_5434, %eq3A_5926 : vector<16x128xi32>
    %or3A_5928 = arith.ori %eq3A_5924, %eq3A_5927 : vector<16x128xi1>
    %jit3A_5929 = arith.constant 0.000000e+00 : f32
    %broadcast_in_dim3A_5930 = vector.broadcast %jit3A_5929 : f32 to vector<16x128xf32>
    %select_n3A_5931 = arith.select %or3A_5928, %select_n3A_5921, %broadcast_in_dim3A_5930 : vector<16x128xi1>, vector<16x128xf32>
    %eq3A_5932 = arith.constant 1 : i32
    %eq3A_5933 = vector.broadcast %eq3A_5932 : i32 to vector<16x128xi32>
    %eq3A_5934 = arith.cmpi eq, %select_n3A_5737, %eq3A_5933 : vector<16x128xi32>
    %jit3A_5935 = arith.constant -5.000000e-01 : f32
    %jit3A_5936 = arith.constant 5.000000e-01 : f32
    %broadcast_in_dim3A_5937 = vector.broadcast %jit3A_5935 : f32 to vector<16x128xf32>
    %broadcast_in_dim3A_5938 = vector.broadcast %jit3A_5936 : f32 to vector<16x128xf32>
    %select_n3A_5939 = arith.select %eq3A_5934, %broadcast_in_dim3A_5937, %broadcast_in_dim3A_5938 : vector<16x128xi1>, vector<16x128xf32>
    %select_n3A_5940 = arith.select %ge3A_5553, %select_n3A_5931, %select_n3A_5939 : vector<16x128xi1>, vector<16x128xf32>
    %add3A_5941 = arith.addf %select_n3A_5073, %select_n3A_5772 : vector<16x128xf32>
    %add3A_5942 = arith.addf %select_n3A_5097, %select_n3A_5796 : vector<16x128xf32>
    %add3A_5943 = arith.addf %select_n3A_5121, %select_n3A_5820 : vector<16x128xf32>
    %add3A_5944 = arith.addf %select_n3A_5145, %select_n3A_5844 : vector<16x128xf32>
    %add3A_5945 = arith.addf %select_n3A_5169, %select_n3A_5868 : vector<16x128xf32>
    %add3A_5946 = arith.addf %select_n3A_5193, %select_n3A_5892 : vector<16x128xf32>
    %add3A_5947 = arith.addf %select_n3A_5217, %select_n3A_5916 : vector<16x128xf32>
    %add3A_5948 = arith.addf %select_n3A_5241, %select_n3A_5940 : vector<16x128xf32>
    %concatenate3A_5949 = tpu.concatenate %add3A_5941, %add3A_5942, %add3A_5943, %add3A_5944, %add3A_5945, %add3A_5946, %add3A_5947, %add3A_5948 in 1 : vector<16x128xf32>, vector<16x128xf32>, vector<16x128xf32>, vector<16x128xf32>, vector<16x128xf32>, vector<16x128xf32>, vector<16x128xf32>, vector<16x128xf32> -> vector<16x1024xf32>
    %swap3A_5950 = arith.constant 48 : index
    %swap3A_5951 = arith.constant 0 : index
    %swap3A_5952 = vector.load %arg9[%swap3A_5950, %swap3A_5951] : memref<64x1024xf32, #tpu.memory_space<vmem>>, vector<16x1024xf32>
    tpu.vector_store %arg9[%swap3A_5950, %swap3A_5951], %concatenate3A_5949 {strides = array<i32>} : memref<64x1024xf32, #tpu.memory_space<vmem>>, vector<16x1024xf32>,
    %swap3A_5953 = arith.constant 0 : index
    %swap3A_5954 = arith.constant 48 : index
    %swap3A_5955 = arith.constant 0 : index
    %swap3A_5956 = vector.load %arg5[%swap3A_5953, %swap3A_5954, %swap3A_5955] : memref<1x64x128xi32, #tpu.memory_space<vmem>>, vector<1x16x128xi32>
    %swap3A_5957 = vector.shape_cast %swap3A_5956 : vector<1x16x128xi32> to vector<16x128xi32>
    %swap3A_5958 = vector.shape_cast %select_n3A_5049 : vector<16x128xi32> to vector<1x16x128xi32>
    tpu.vector_store %arg5[%swap3A_5953, %swap3A_5954, %swap3A_5955], %swap3A_5958 {strides = array<i32>} : memref<1x64x128xi32, #tpu.memory_space<vmem>>, vector<1x16x128xi32>,
    %swap3A_5959 = arith.constant 0 : index
    %swap3A_5960 = arith.constant 48 : index
    %swap3A_5961 = arith.constant 0 : index
    %swap3A_5962 = vector.load %arg6[%swap3A_5959, %swap3A_5960, %swap3A_5961] : memref<1x64x128xi32, #tpu.memory_space<vmem>>, vector<1x16x128xi32>
    %swap3A_5963 = vector.shape_cast %swap3A_5962 : vector<1x16x128xi32> to vector<16x128xi32>
    %swap3A_5964 = vector.shape_cast %select_n3A_5748 : vector<16x128xi32> to vector<1x16x128xi32>
    tpu.vector_store %arg6[%swap3A_5959, %swap3A_5960, %swap3A_5961], %swap3A_5964 {strides = array<i32>} : memref<1x64x128xi32, #tpu.memory_space<vmem>>, vector<1x16x128xi32>,
    %broadcast_in_dim3A_5965 = arith.constant 0.000000e+00 : f32
    %broadcast_in_dim3A_5966 = vector.broadcast %broadcast_in_dim3A_5965 : f32 to vector<1x1xf32>
    %sub3A_5967 = arith.subf %sub3A_5242, %select_n3A_5772 : vector<16x128xf32>
    %mul3A_5968 = arith.mulf %sub3A_5967, %sub3A_5967 : vector<16x128xf32>
    %reduce_sum3A_5969 = vector.shape_cast %mul3A_5968 : vector<16x128xf32> to vector<1x16x128xf32>
    %reduce_sum3A_5970 = arith.constant dense<0.000000e+00> : vector<1xf32>
    %reduce_sum3A_5971 = vector.multi_reduction <add>, %reduce_sum3A_5969, %reduce_sum3A_5970 [1, 2] : vector<1x16x128xf32> to vector<1xf32>
    %reduce_sum3A_5972 = vector.shape_cast %reduce_sum3A_5971 : vector<1xf32> to vector<1x1x1xf32>
    %reduce_sum3A_5973 = vector.extract %reduce_sum3A_5972[0, 0, 0] : f32 from vector<1x1x1xf32>
    %reshape3A_5974 = vector.broadcast %reduce_sum3A_5973 : f32 to vector<1x1xf32>
    %add3A_5975 = arith.addf %broadcast_in_dim3A_5966, %reshape3A_5974 : vector<1x1xf32>
    %sub3A_5976 = arith.subf %sub3A_5243, %select_n3A_5796 : vector<16x128xf32>
    %mul3A_5977 = arith.mulf %sub3A_5976, %sub3A_5976 : vector<16x128xf32>
    %reduce_sum3A_5978 = vector.shape_cast %mul3A_5977 : vector<16x128xf32> to vector<1x16x128xf32>
    %reduce_sum3A_5979 = arith.constant dense<0.000000e+00> : vector<1xf32>
    %reduce_sum3A_5980 = vector.multi_reduction <add>, %reduce_sum3A_5978, %reduce_sum3A_5979 [1, 2] : vector<1x16x128xf32> to vector<1xf32>
    %reduce_sum3A_5981 = vector.shape_cast %reduce_sum3A_5980 : vector<1xf32> to vector<1x1x1xf32>
    %reduce_sum3A_5982 = vector.extract %reduce_sum3A_5981[0, 0, 0] : f32 from vector<1x1x1xf32>
    %reshape3A_5983 = vector.broadcast %reduce_sum3A_5982 : f32 to vector<1x1xf32>
    %add3A_5984 = arith.addf %add3A_5975, %reshape3A_5983 : vector<1x1xf32>
    %sub3A_5985 = arith.subf %sub3A_5244, %select_n3A_5820 : vector<16x128xf32>
    %mul3A_5986 = arith.mulf %sub3A_5985, %sub3A_5985 : vector<16x128xf32>
    %reduce_sum3A_5987 = vector.shape_cast %mul3A_5986 : vector<16x128xf32> to vector<1x16x128xf32>
    %reduce_sum3A_5988 = arith.constant dense<0.000000e+00> : vector<1xf32>
    %reduce_sum3A_5989 = vector.multi_reduction <add>, %reduce_sum3A_5987, %reduce_sum3A_5988 [1, 2] : vector<1x16x128xf32> to vector<1xf32>
    %reduce_sum3A_5990 = vector.shape_cast %reduce_sum3A_5989 : vector<1xf32> to vector<1x1x1xf32>
    %reduce_sum3A_5991 = vector.extract %reduce_sum3A_5990[0, 0, 0] : f32 from vector<1x1x1xf32>
    %reshape3A_5992 = vector.broadcast %reduce_sum3A_5991 : f32 to vector<1x1xf32>
    %add3A_5993 = arith.addf %add3A_5984, %reshape3A_5992 : vector<1x1xf32>
    %sub3A_5994 = arith.subf %sub3A_5245, %select_n3A_5844 : vector<16x128xf32>
    %mul3A_5995 = arith.mulf %sub3A_5994, %sub3A_5994 : vector<16x128xf32>
    %reduce_sum3A_5996 = vector.shape_cast %mul3A_5995 : vector<16x128xf32> to vector<1x16x128xf32>
    %reduce_sum3A_5997 = arith.constant dense<0.000000e+00> : vector<1xf32>
    %reduce_sum3A_5998 = vector.multi_reduction <add>, %reduce_sum3A_5996, %reduce_sum3A_5997 [1, 2] : vector<1x16x128xf32> to vector<1xf32>
    %reduce_sum3A_5999 = vector.shape_cast %reduce_sum3A_5998 : vector<1xf32> to vector<1x1x1xf32>
    %reduce_sum3A_6000 = vector.extract %reduce_sum3A_5999[0, 0, 0] : f32 from vector<1x1x1xf32>
    %reshape3A_6001 = vector.broadcast %reduce_sum3A_6000 : f32 to vector<1x1xf32>
    %add3A_6002 = arith.addf %add3A_5993, %reshape3A_6001 : vector<1x1xf32>
    %sub3A_6003 = arith.subf %sub3A_5246, %select_n3A_5868 : vector<16x128xf32>
    %mul3A_6004 = arith.mulf %sub3A_6003, %sub3A_6003 : vector<16x128xf32>
    %reduce_sum3A_6005 = vector.shape_cast %mul3A_6004 : vector<16x128xf32> to vector<1x16x128xf32>
    %reduce_sum3A_6006 = arith.constant dense<0.000000e+00> : vector<1xf32>
    %reduce_sum3A_6007 = vector.multi_reduction <add>, %reduce_sum3A_6005, %reduce_sum3A_6006 [1, 2] : vector<1x16x128xf32> to vector<1xf32>
    %reduce_sum3A_6008 = vector.shape_cast %reduce_sum3A_6007 : vector<1xf32> to vector<1x1x1xf32>
    %reduce_sum3A_6009 = vector.extract %reduce_sum3A_6008[0, 0, 0] : f32 from vector<1x1x1xf32>
    %reshape3A_6010 = vector.broadcast %reduce_sum3A_6009 : f32 to vector<1x1xf32>
    %add3A_6011 = arith.addf %add3A_6002, %reshape3A_6010 : vector<1x1xf32>
    %sub3A_6012 = arith.subf %sub3A_5247, %select_n3A_5892 : vector<16x128xf32>
    %mul3A_6013 = arith.mulf %sub3A_6012, %sub3A_6012 : vector<16x128xf32>
    %reduce_sum3A_6014 = vector.shape_cast %mul3A_6013 : vector<16x128xf32> to vector<1x16x128xf32>
    %reduce_sum3A_6015 = arith.constant dense<0.000000e+00> : vector<1xf32>
    %reduce_sum3A_6016 = vector.multi_reduction <add>, %reduce_sum3A_6014, %reduce_sum3A_6015 [1, 2] : vector<1x16x128xf32> to vector<1xf32>
    %reduce_sum3A_6017 = vector.shape_cast %reduce_sum3A_6016 : vector<1xf32> to vector<1x1x1xf32>
    %reduce_sum3A_6018 = vector.extract %reduce_sum3A_6017[0, 0, 0] : f32 from vector<1x1x1xf32>
    %reshape3A_6019 = vector.broadcast %reduce_sum3A_6018 : f32 to vector<1x1xf32>
    %add3A_6020 = arith.addf %add3A_6011, %reshape3A_6019 : vector<1x1xf32>
    %sub3A_6021 = arith.subf %sub3A_5248, %select_n3A_5916 : vector<16x128xf32>
    %mul3A_6022 = arith.mulf %sub3A_6021, %sub3A_6021 : vector<16x128xf32>
    %reduce_sum3A_6023 = vector.shape_cast %mul3A_6022 : vector<16x128xf32> to vector<1x16x128xf32>
    %reduce_sum3A_6024 = arith.constant dense<0.000000e+00> : vector<1xf32>
    %reduce_sum3A_6025 = vector.multi_reduction <add>, %reduce_sum3A_6023, %reduce_sum3A_6024 [1, 2] : vector<1x16x128xf32> to vector<1xf32>
    %reduce_sum3A_6026 = vector.shape_cast %reduce_sum3A_6025 : vector<1xf32> to vector<1x1x1xf32>
    %reduce_sum3A_6027 = vector.extract %reduce_sum3A_6026[0, 0, 0] : f32 from vector<1x1x1xf32>
    %reshape3A_6028 = vector.broadcast %reduce_sum3A_6027 : f32 to vector<1x1xf32>
    %add3A_6029 = arith.addf %add3A_6020, %reshape3A_6028 : vector<1x1xf32>
    %sub3A_6030 = arith.subf %sub3A_5249, %select_n3A_5940 : vector<16x128xf32>
    %mul3A_6031 = arith.mulf %sub3A_6030, %sub3A_6030 : vector<16x128xf32>
    %reduce_sum3A_6032 = vector.shape_cast %mul3A_6031 : vector<16x128xf32> to vector<1x16x128xf32>
    %reduce_sum3A_6033 = arith.constant dense<0.000000e+00> : vector<1xf32>
    %reduce_sum3A_6034 = vector.multi_reduction <add>, %reduce_sum3A_6032, %reduce_sum3A_6033 [1, 2] : vector<1x16x128xf32> to vector<1xf32>
    %reduce_sum3A_6035 = vector.shape_cast %reduce_sum3A_6034 : vector<1xf32> to vector<1x1x1xf32>
    %reduce_sum3A_6036 = vector.extract %reduce_sum3A_6035[0, 0, 0] : f32 from vector<1x1x1xf32>
    %reshape3A_6037 = vector.broadcast %reduce_sum3A_6036 : f32 to vector<1x1xf32>
    %add3A_6038 = arith.addf %add3A_6029, %reshape3A_6037 : vector<1x1xf32>
    %add3A_6039 = arith.addf %add3A_4526, %add3A_6038 : vector<1x1xf32>
    %get3A_6040 = arith.constant 0 : index
    %get3A_6041 = arith.constant 0 : index
    %get3A_6042 = vector.load %arg9[%get3A_6040, %get3A_6041] : memref<64x1024xf32, #tpu.memory_space<vmem>>, vector<64x1024xf32>
    %get3A_6043 = arith.constant 0 : index
    %get3A_6044 = arith.constant 0 : index
    %get3A_6045 = vector.load %arg3[%get3A_6043, %get3A_6044] : memref<1024x1024xf32, #tpu.memory_space<vmem>>, vector<1024x1024xf32>
    %dot_general3A_6046 = arith.constant dense<0.000000e+00> : vector<64x1024xf32>
    %dot_general3A_6047 = tpu.matmul %get3A_6042, %get3A_6045, %dot_general3A_6046 {dimension_numbers = #tpu.dot_dimension_numbers<[1], [0], [0], [1], [0, 0, 1, 1], [], []>, transpose_lhs_hint = false} : vector<64x1024xf32>, vector<1024x1024xf32>, vector<64x1024xf32> -> vector<64x1024xf32>
    %swap3A_6048 = arith.constant 0 : index
    %swap3A_6049 = arith.constant 0 : index
    %swap3A_6050 = vector.load %arg4[%swap3A_6048, %swap3A_6049] : memref<64x1024xf32, #tpu.memory_space<vmem>>, vector<64x1024xf32>
    tpu.vector_store %arg4[%swap3A_6048, %swap3A_6049], %dot_general3A_6047 {strides = array<i32>} : memref<64x1024xf32, #tpu.memory_space<vmem>>, vector<64x1024xf32>,
    %eq3A_6051 = arith.constant 0 : i32
    %eq3A_6052 = arith.cmpi eq, %arg0, %eq3A_6051 : i32
    %convert_element_type3A_6053 = arith.extui %eq3A_6052 : i1 to i32
    %cond3A = arith.constant 0 : i32
    %cond3A_6054 = arith.cmpi ne, %convert_element_type3A_6053, %cond3A : i32
    scf.if %cond3A_6054 {
      %swap3A_6059 = arith.constant 0 : index
      %swap3A_6060 = arith.constant 0 : index
      %swap3A_6061 = vector.load %arg7[%swap3A_6059, %swap3A_6060] : memref<1x1xf32, #tpu.memory_space<vmem>>, vector<1x1xf32>
      tpu.vector_store %arg7[%swap3A_6059, %swap3A_6060], %add3A_6039 {strides = array<i32>} : memref<1x1xf32, #tpu.memory_space<vmem>>, vector<1x1xf32>,
    } else {
    }
    %ne3A = arith.constant 0 : i32
    %ne3A_6055 = arith.cmpi ne, %arg0, %ne3A : i32
    %convert_element_type3A_6056 = arith.extui %ne3A_6055 : i1 to i32
    %cond3A_6057 = arith.constant 0 : i32
    %cond3A_6058 = arith.cmpi ne, %convert_element_type3A_6056, %cond3A_6057 : i32
    scf.if %cond3A_6058 {
      %get3A_6059 = arith.constant 0 : index
      %get3A_6060 = arith.constant 0 : index
      %get3A_6061 = vector.load %arg7[%get3A_6059, %get3A_6060] : memref<1x1xf32, #tpu.memory_space<vmem>>, vector<1x1xf32>
      %add3A_6062 = arith.addf %get3A_6061, %add3A_6039 : vector<1x1xf32>
      %swap3A_6063 = arith.constant 0 : index
      %swap3A_6064 = arith.constant 0 : index
      %swap3A_6065 = vector.load %arg7[%swap3A_6063, %swap3A_6064] : memref<1x1xf32, #tpu.memory_space<vmem>>, vector<1x1xf32>
      tpu.vector_store %arg7[%swap3A_6063, %swap3A_6064], %add3A_6062 {strides = array<i32>} : memref<1x1xf32, #tpu.memory_space<vmem>>, vector<1x1xf32>,
    } else {
    }
    return
  }
  func.func @transform_0(%arg0: i32) -> (i32, i32) {
    %c0_i32 = arith.constant 0 : i32
    %c0_i32_0 = arith.constant 0 : i32
    return %arg0, %c0_i32 : i32, i32
  }
  func.func @transform_1(%arg0: i32) -> (i32, i32) {
    %c0_i32 = arith.constant 0 : i32
    %c0_i32_0 = arith.constant 0 : i32
    %c0_i32_1 = arith.constant 0 : i32
    return %c0_i32, %c0_i32_0 : i32, i32
  }
  func.func @transform_2(%arg0: i32) -> (i32, i32) {
    %c0_i32 = arith.constant 0 : i32
    %c0_i32_0 = arith.constant 0 : i32
    %c0_i32_1 = arith.constant 0 : i32
    return %c0_i32, %c0_i32_0 : i32, i32
  }
  func.func @transform_3(%arg0: i32) -> (i32, i32) {
    %c0_i32 = arith.constant 0 : i32
    %c0_i32_0 = arith.constant 0 : i32
    return %arg0, %c0_i32 : i32, i32
  }
  func.func @transform_4(%arg0: i32) -> (i32, i32, i32) {
    %c0_i32 = arith.constant 0 : i32
    %c0_i32_0 = arith.constant 0 : i32
    %c0_i32_1 = arith.constant 0 : i32
    return %arg0, %c0_i32, %c0_i32_0 : i32, i32, i32
  }
  func.func @transform_5(%arg0: i32) -> (i32, i32, i32) {
    %c0_i32 = arith.constant 0 : i32
    %c0_i32_0 = arith.constant 0 : i32
    %c0_i32_1 = arith.constant 0 : i32
    return %arg0, %c0_i32, %c0_i32_0 : i32, i32, i32
  }
  func.func @transform_6(%arg0: i32) -> (i32, i32) {
    %c0_i32 = arith.constant 0 : i32
    %c0_i32_0 = arith.constant 0 : i32
    %c0_i32_1 = arith.constant 0 : i32
    return %c0_i32, %c0_i32_0 : i32, i32
  }
}

</mosaic_0001>

<sc_bundles>
// kernel: sparse-core-data-format-call.cloned.1.call-start
scs
called_computation_lowered:
.L_overlay_start_0:
0x0: {  	s2 =	sld [smem:$0x3FD9]  }
0x1: {  	s3 =	sld [smem:$0x3FFE];
	_ =	sdelay $0x1  }
0x2: {  	s1 =	srdreg.scid  }
0x3: {  	s0 =	sand.u32 $0x1, s1  }
0x4: {  	s15 =	sshll.u32 s0, $0xA;
	s2 =	sadd.s32 s3, s2  }
0x5: {  	s2 =	sadd.s32 s2, s15  }
0x6: {  	[smem:$0x3FC7] =	sst s2  }
0x7: {  	_ = 	snop  }
0x8: {  	s2 =	sld [smem:$0x3FD0];
	_ =	sdelay $0x2  }
0x9: {  	s16 =	simm.s32 $0xA;
	s4 =	simm.s32 $0x10  }
0xa: {  	[smem:s4], [sflag:s16] =	dma.local [hbm:s2], $0x1  }
0xb: {  	_ =	swait.eq [sflag:s16], $0x1  }
0xc: {  	[sflag:s16] =	ssyncset.done $0x0  }
0xd: {  	[sflag:s16] =	ssyncadd.s32 $0xFFFFFFFF  }
0xe: {  	s17 =	sld [smem:$0x10];
	(tm) =	ssettm $0x1  }
0xf: {  	s18 =	sld [smem:$0x3FFB];
	_ =	sdelay $0x3  }
0x10: {  	_ =	strace s18  }
0x11: {  	s3 =	sld [smem:$0x3FFC];
	_ =	sdelay $0x3  }
0x12: {  	_ =	strace s3  }
0x13: {  	s3 =	sld [smem:$0x3FFD];
	_ =	sdelay $0x3  }
0x14: {  	_ =	strace s3  }
0x15: {  	_ =	strace $0x8FFFFFFF  }
0x16: {  	s19 =	sld [smem:$0x3FDB];
	_ =	sdelay $0x1  }
0x17: {  	s20 =	simm.s32 $_scs_section_size  }
0x18: {  	s5 =	simm.s32 $_size__tile_overlayer_lowered;
	s6 =	simm.s32 $_tile_overlayer_lowered  }
0x19: {  	s23 =	simm.s32 $0x1BFF;
	s22 =	sshll.u32 s6, $0x1;
	s3 =	sadd.s32 s20, s19  }
0x1a: {  	s7 =	simm.s32 $0x0;
	s21 =	sshll.u32 s5, $0x1;
	s5 =	sadd.s32 s22, s3  }
0x1b: {  	[timem:s7], [sflag:s23] =	dma.local [hbm:s5], s21  }
0x1c: {  	_ =	swait.ge [sflag:s23], s21  }
0x1d: {  	s4 =	ssub.s32 $0x0, s21;
	[sflag:s23] =	ssyncset.done $0x0  }
0x1e: {  	[sflag:s23] =	ssyncadd.s32 s4;
	_ =	sdelay $0x1  }
0x1f: {  	s24 =	simm.s32 $0x1B8B  }
0x20: {  	_ =	swait.ge [sflag:s24], $0x1  }
0x21: {  	[sflag:s24] =	ssyncset.done $0x0  }
0x22: {  	s26 =	simm.s32 $0x1B8E;
	s25 =	sld [smem:$0x3FFE];
	[sflag:s24] =	ssyncadd.s32 $0xFFFFFFFF  }
0x23: {  	s27 =	simm.s32 $execute0_lowered;
	[smem:$0x3FD2] =	sst s26  }
0x24: {  	s5 =	sshll.u32 s27, $0x1;
	_ =	strace $0x80000046;
	[dreg:$0x1] =	wrdreg $0xFFFFFFFF  }
0x25: {  	s28 =	simm.s32 $_size_execute0_lowered;
	s3 =	sadd.s32 s3, s5;
	[dreg:$0x0] =	wrdreg $0x0  }
0x26: {  	s5 =	sshll.u32 s28, $0x1;
	[dreg:$0x2] =	wrdreg s3  }
0x27: {  	[dreg:$0x3] =	wrdreg s5  }
0x28: {  	[dreg:$0x4] =	wrdreg $0xC0  }
0x29: {  	_ =	task [dreg:s7], $0x5FFFF  }
0x2a: {  	[dreg:$0x1] =	wrdreg $0xFFFFFFFF  }
0x2b: {  	[dreg:$0x0] =	wrdreg $0x60  }
0x2c: {  	[dreg:$0x2] =	wrdreg s25  }
0x2d: {  	[dreg:$0x3] =	wrdreg s17  }
0x2e: {  	[dreg:$0x4] =	wrdreg $0x9  }
0x2f: {  	_ =	task.clear_ibuf [dreg:s7], $0x5FFFF;
	_ =	strace $0x90000046  }
0x30: {  	s29 =	simm.s32 $0x9;
	_ =	strace $0x80000048  }
0x31: {  	_ =	swait.ge [sflag:s29], $0x1  }
0x32: {  	[sflag:s29] =	ssyncadd.s32 $0xFFFFFFFF  }
0x33: {  	_ =	strace $0x90000048  }
0x34: {  	_ =	sfence  }
0x35: {  	s30 =	sld [smem:$0x0];
	_ =	sdelay $0x2  }
0x36: {  	s31 =	sshll.u32 s1, $0xD;
	s1 =	sshrl.u32 s1, $0x2  }
0x37: {  	s3 =	sand.u32 $0x4000, s31;
	s1 =	sadd.s32 s1, s30  }
0x38: {  	s0 =	sor.u32 s3, s0;
	s1 =	sshll.u32 s1, $0x11  }
0x39: {  	s0 =	sor.u32 s1, s0  }
0x3a: {  	s0 =	sadd.s32 $0x8F2B, s0  }
0x3b: {  	[sflag:s0] =	ssyncadd.remote.s32 $0x1  }
0x3c: {  	_ =	sfence.sel $0xFFFF  }
0x3d: {  	[dreg:$0x0] =	wrdreg $0xFFFFFFFF;
	(pc) =	sbr.abs _section_cstart, $3  }
0x3e: {  	[dreg:$0x1] =	wrdreg $0xFFFFFFFF  }
0x3f: {  	_ =	task.clear_ibuf [dreg:s7], $0x2FFFF;
	_ =	strace $0x9FFFFFFF  }
0x40: {  	(tm) =	ssettm $0x7FFFFFFF  }
0x41: {  	_ =	shalt  }
tec
execute0_lowered:
.L_overlay_start_1:
0x0: {  	(tag) =	ssettag $0x1  }
0x1: {  	s0 =	srdreg.scid  }
0x2: {  	s1 =	sshll.u32 s0, $0x4  }
0x3: {  	s5 =	rddreg [dreg:$0x0];
	s0 =	stileid.u32;
	s1 =	sand.u32 $0x10, s1  }
0x4: {  	s3 =	rddreg [dreg:$0x1];
	s1 =	sor.u32 s0, s1  }
0x5: {  	s7 =	simm.s32 $0x1;
	s8 =	simm.s32 $0x2;
	s2 =	sshll.u32 s1, $0x7  }
0x6: {  	s12 =	simm.s32 $0x0;
	s11 =	simm.s32 $0x0;
	s6 =	ssub.s32 $0x4000, s2  }
0x7: {  	s10 =	simm.s32 $0x0;
	s5 =	sadd.s32 $0x121200, s5;
	s4 =	sand.u32 $0xF80, s6  }
.Ltmp0:
0x8: {  	s1 =	rddreg [dreg:$0x2];
	p0 =	sne.s32 s4, $0x0;
	(pc) =	sbr.rel .LBB1_1-.Ltmp0, $4  }
0x9: {  	_ =	strace $0x80000047;
	s6 =	sshrl.u32 s6, $0xC;
	s7 =	simm.s32 @!p0 $0x0  }
0xa: {  	s9 =	smov.u32 s2;
	s4 =	simm.s32 $0x1;
	s6 =	sadd.s32 s7, s6  }
0xb: {  	[sflag:s4] =	ssyncpa.u1 $0x0;
	p0 =	por $0x0, $0x0;
	s6 =	sshll.u32 s6, $0x6  }
0xc: {  	[sflag:s8] =	ssyncpa.u1 $0x0;
	s8 =	simm.s32 $0x0;
	s7 =	sor.u32 $0x1, s6  }
.LBB1_4:
0xd: {  	s15 =	sshll.u32 s11, $0x3  }
0xe: {  	s16 =	sand.u32 $0x78, s11;
	s17 =	sand.u32 $0x3800, s11;
	s15 =	sand.u32 $0x3C00, s15  }
0xf: {  	s12 =	sshll.u32 s12, $0xE;
	s30 =	sadd.s32 s3, s17;
	s15 =	sor.u32 s16, s15  }
0x10: {  	s12 =	sadd.s32 s12, s30;
	s15 =	sshrl.u32 s15, $0x3  }
0x11: {  	[tilespmem:s14+$0x0 ss:$0x81] =	vst.msk $0xff, v1;
	s31 =	sand.u32 $0x7, s11;
	s12 =	sadd.s32 s15, s12  }
0x12: {  	[hbm4b:s12+s31] =	stream.linear.scatter [tilespmem:s13], [sflag:$0x2], $0x400, $0x20;
	[tilespmem:$0x1010] =	vst v63  }
.LBB1_5:
0x13: {  	s13 =	sadd.s32 $0x1, s8  }
0x14: {  	s11 =	sadd.s32 $0x1000, s9;
	s15 =	smov.u32 s9;
	p2 =	sgt.s32 s13, $0x3F  }
0x15: {  	s15 =	smov.u32 @p2 s11  }
0x16: {  	s13 =	simm.s32 @p2 $0x0;
	p2 =	sgt.s32 s15, $0x3FFF  }
0x17: {  	s15 =	smov.u32 @p2 s2;
	p2 =	sne.s32 s10, s7  }
.Ltmp1:
0x18: {  	p1 =	slt.u32 s10, $0x2;
	(pc) =	sbr.rel @!p2 .LBB1_6-.Ltmp1, $4  }
0x19: {  	s14 =	simm.s32 @!p1 $0x2  }
0x1a: {  	s12 =	smov.u32 s8;
	p0 =	por !p0, !p0;
	_ =	swait.ge @!p1 [sflag:s14], $0x400  }
0x1b: {  	s11 =	smov.u32 s9;
	[sflag:s14] =	ssyncset.done @!p1 $0x0;
	s8 =	smov.u32 s13  }
0x1c: {  	s10 =	sadd.s32 $0x1, s10;
	[sflag:s14] =	ssyncadd.s32 @!p1 $0xFFFFFC00;
	s9 =	smov.u32 s15  }
.LBB1_1:
0x1d: {  	p1 =	sge.u32 s10, s6  }
0x1e: {  	s31 =	sadd.s32 $0xFFFFFFFF, s10;
	s13 =	sxor.u32 @!p1 $0xFFFFFFFF, s10  }
0x1f: {  	s14 =	sshll.u32 @!p1 s9, $0xA;
	s15 =	sshll.u32 @!p1 s8, $0x4;
	s16 =	simm.s32 @!p1 $0x2000  }
0x20: {  	s13 =	sshll.u32 @!p1 s13, $0xA;
	s15 =	sand.u32 @!p1 $0x3F0, s15;
	s14 =	sadd.s32 @!p1 s5, s14  }
0x21: {  	s13 =	sand.u32 @!p1 $0x400, s13;
	s14 =	sadd.s32 @!p1 s15, s14;
	s15 =	simm.s32 @!p1 $0x8  }
0x22: {  	[tilespmem:s13], [sflag:$0x1] =	stream.strided.gather @!p1 [hbm4b:s14+s15], $0x400, s16, s15, $0x38;
	[tilespmem:$0x1010] =	vst v63  }
0x23: {  	p1 =	sge.u32 s31, s6  }
.Ltmp2:
0x24: {  	_ = 	snop;
	(pc) =	sbr.rel @p1 .LBB1_5-.Ltmp2, $1  }
0x25: {  	_ =	sdelay $0x3  }
0x26: {  	s13 =	simm.s32 $0x1  }
0x27: {  	s13 =	simm.s32 @!p0 $0x0  }
0x28: {  	s14 =	sshll.u32 s13, $0xA  }
0x29: {  	v0 =	vmov s14;
	_ =	sdelay $0x1  }
0x2a: {  	_ =	swait.ge [sflag:s4], $0x400  }
0x2b: {  	s31 =	sand.u32 $0x1, s10;
	[sflag:s4] =	ssyncset.done $0x0  }
0x2c: {  	s16 =	simm.s32 $0x0;
	s13 =	smul.u32 $0x1020, s13;
	[sflag:s4] =	ssyncadd.s32 $0xFFFFFC00  }
0x2d: {  	s14 =	smul.u32 $0x1020, s31;
	v1 =	vld.idx.msk [tilespmem:v0+s16+$0x0 ss:$0x1], $0xff;
	_ =	sdelay $0x1  }
0x2e: {  	s13 =	sshrl.u32 s13, $0x2;
	s15 =	sshrl.u32 s14, $0x2  }
0x2f: {  	s14 =	sor.u32 $0x800, s13;
	s13 =	sor.u32 $0x800, s15;
	s15 =	simm.s32 $0x20  }
.LBB1_3:
0x30: {  	s16 =	sshra.s32 s15, $0x2;
	p1 =	sne.s32 s15, $0xFE0;
	s15 =	sadd.s32 $0x20, s15  }
.Ltmp3:
0x31: {  	[tilespmem:s14+$0x0 ss:$0x81] =	vst.msk $0xff, v1;
	v1 =	vld.idx.msk [tilespmem:v0+s16+$0x0 ss:$0x1], $0xff;
	(pc) =	sbr.rel @p1 .LBB1_3-.Ltmp3, $2  }
0x32: {  	_ =	sdelay $0x2  }
0x33: {  	s14 =	sadd.s32 $0x1, s14  }
.Ltmp4:
0x34: {  	_ = 	snop;
	(pc) =	sbr.rel .LBB1_4-.Ltmp4, $1  }
0x35: {  	_ =	sdelay $0x3  }
.LBB1_6:
0x36: {  	_ =	sfence.sel $0x180000  }
0x37: {  	s2 =	simm.s32 $0x1;
	[bflag:$0x0] =	sbarrier.arrive $0xFFFF  }
0x38: {  	s31 =	simm.s32 $0x2;
	[sflag:s2] =	ssyncpa.u1 $0x1  }
0x39: {  	[sflag:s31] =	ssyncpa.u1 $0x1  }
0x3a: {  	p0 =	sne.s32 s0, $0x0;
	_ =	strace $0x90000047  }
0x3b: {  	s0 =	sadd.s32 @!p0 $0x100000, s1;
	[bflag:$0x2] =	sbarrier.arrive $0xFFFF  }
0x3c: {  	[sflag:s0] =	ssyncadd.tile.s32 @!p0 $0x1;
	_ =	shalt  }
.Lfunc_end1:
_tile_overlayer_lowered:
.L_overlay_start_2:
0x3d: {  	(tag) =	ssettag $0x2  }
0x3e: {  	s0 =	rddreg [dreg:$0x0];
	s2 =	stileid.u32  }
0x3f: {  	s1 =	rddreg [dreg:$0x1];
	p0 =	sne.s32 s2, $0x0  }
0x40: {  	s3 =	rddreg [dreg:$0x2];
	[bflag:$0x3] =	sbarrier.arrive $0xFFFF;
	s2 =	simm.s32 @!p0 $0x1C01  }
0x41: {  	[timem:s3], [sflag:s2] =	dma.local @!p0 [hbm:s0], s1  }
0x42: {  	s0 =	simm.s32 @!p0 $0x1  }
0x43: {  	_ =	swait.ge @!p0 [sflag:s0], s1  }
0x44: {  	s1 =	ssub.s32 @!p0 $0x0, s1;
	[sflag:s0] =	ssyncset.done @!p0 $0x0  }
0x45: {  	[sflag:s0] =	ssyncadd.s32 @!p0 s1  }
0x46: {  	[bflag:$0x3] =	sbarrier.arrive $0xFFFF  }
0x47: {  	_ =	shalt  }

</sc_bundles>
